<compile_context>
chip_gen: v7x
topology: tpu7x:2x2x1
jax: 0.10.2.dev20260603
libtpu: 0.0.44.dev20260713+nightly
codegen_flags: <defaults>
</compile_context>

<pallas_src>
import functools

import jax
import jax.numpy as jnp
from jax import lax
from jax.experimental import pallas as pl
from jax.experimental.pallas import tpu as pltpu
from jax.experimental.pallas import tpu_sc as plsc

B, T, N, C = 4, 4, 1024, 64
K = 16
NP = 512
F32 = jnp.float32


L = 16


def _fps_sc_body(x_hbm, y_hbm, z_hbm, aidx_hbm, ax_hbm, ay_hbm, az_hbm,
                 x_v, y_v, z_v, dmin_v, aidx_v, ax_v, ay_v, az_v):
    nc = 2
    wid = lax.axis_index("s") * nc + lax.axis_index("c")

    @pl.when(wid < B * T)
    def _():
        pltpu.sync_copy(x_hbm.at[pl.ds(wid * N, N)], x_v)
        pltpu.sync_copy(y_hbm.at[pl.ds(wid * N, N)], y_v)
        pltpu.sync_copy(z_hbm.at[pl.ds(wid * N, N)], z_v)
        lane_i = lax.iota(jnp.int32, L)
        lane_f = lane_i.astype(F32)
        big = F32(1e30)

        def fold(v, op):
            for sh in (8, 4, 2, 1):
                v = op(v, v.at[lane_i ^ sh].get(mode="promise_in_bounds"))
            return v

        for c in range(N // L):
            dmin_v[pl.ds(c * L, L)] = jnp.full((L,), 1e10, F32)

        cx0 = fold(jnp.where(lane_i == 0, x_v[pl.ds(0, L)], big), jnp.minimum)
        cy0 = fold(jnp.where(lane_i == 0, y_v[pl.ds(0, L)], big), jnp.minimum)
        cz0 = fold(jnp.where(lane_i == 0, z_v[pl.ds(0, L)], big), jnp.minimum)

        def step(i, carry):
            cx, cy, cz, farf, bA, bX, bY, bZ = carry
            sel = lane_i == (i % L)
            bA = jnp.where(sel, farf, bA)
            bX = jnp.where(sel, cx, bX)
            bY = jnp.where(sel, cy, bY)
            bZ = jnp.where(sel, cz, bZ)

            @pl.when(i % L == L - 1)
            def _flush():
                base = i - (L - 1)
                aidx_v[pl.ds(base, L)] = bA
                ax_v[pl.ds(base, L)] = bX
                ay_v[pl.ds(base, L)] = bY
                az_v[pl.ds(base, L)] = bZ

            bestv = jnp.full((L,), -1.0, F32)
            besti = jnp.full((L,), 0.0, F32)
            bestx = jnp.zeros((L,), F32)
            besty = jnp.zeros((L,), F32)
            bestz = jnp.zeros((L,), F32)
            for c in range(N // L):
                sl = pl.ds(c * L, L)
                xc = x_v[sl]
                yc = y_v[sl]
                zc = z_v[sl]
                dx = xc - cx
                dy = yc - cy
                dz = zc - cz
                d = (dx * dx + dy * dy) + dz * dz
                nm = jnp.minimum(dmin_v[sl], d)
                dmin_v[sl] = nm
                upd = nm > bestv
                bestv = jnp.where(upd, nm, bestv)
                besti = jnp.where(upd, lane_f + F32(c * L), besti)
                bestx = jnp.where(upd, xc, bestx)
                besty = jnp.where(upd, yc, besty)
                bestz = jnp.where(upd, zc, bestz)
            m = fold(bestv, jnp.maximum)
            far2 = fold(jnp.where(bestv == m, besti, F32(1e9)), jnp.minimum)
            win = besti == far2
            ncx = fold(jnp.where(win, bestx, big), jnp.minimum)
            ncy = fold(jnp.where(win, besty, big), jnp.minimum)
            ncz = fold(jnp.where(win, bestz, big), jnp.minimum)
            return (ncx, ncy, ncz, far2, bA, bX, bY, bZ)

        zz = jnp.zeros((L,), F32)
        init = (cx0, cy0, cz0, zz, zz, zz, zz, zz)
        lax.fori_loop(0, NP, step, init)

        pltpu.sync_copy(aidx_v, aidx_hbm.at[pl.ds(wid * NP, NP)])
        pltpu.sync_copy(ax_v, ax_hbm.at[pl.ds(wid * NP, NP)])
        pltpu.sync_copy(ay_v, ay_hbm.at[pl.ds(wid * NP, NP)])
        pltpu.sync_copy(az_v, az_hbm.at[pl.ds(wid * NP, NP)])


def _run_fps_sc(xyzs):
    xt = jnp.transpose(xyzs.reshape(B * T, N, 3), (2, 0, 1))
    xf = xt[0].reshape(B * T * N)
    yf = xt[1].reshape(B * T * N)
    zf = xt[2].reshape(B * T * N)
    shp = jax.ShapeDtypeStruct((B * T * NP,), F32)
    fn = pl.kernel(
        _fps_sc_body,
        out_type=(shp, shp, shp, shp),
        mesh=plsc.VectorSubcoreMesh(core_axis_name="c", subcore_axis_name="s"),
        scratch_types=[
            pltpu.VMEM((N,), F32),
            pltpu.VMEM((N,), F32),
            pltpu.VMEM((N,), F32),
            pltpu.VMEM((N,), F32),
            pltpu.VMEM((NP,), F32),
            pltpu.VMEM((NP,), F32),
            pltpu.VMEM((NP,), F32),
            pltpu.VMEM((NP,), F32),
        ],
    )
    aidx, ax, ay, az = fn(xf, yf, zf)
    rs = lambda a: a.reshape(B * T, NP)
    return rs(aidx), rs(ax), rs(ay), rs(az)


def _main_body(xta_ref, xtn_ref, fa_ref, fn_ref, aidx_ref,
               ax_ref, ay_ref, az_ref,
               w1x_ref, w1f_ref, w1a_ref, b1_ref, w2_ref, b2_ref,
               nxyz_ref, nfeat_ref):
    xa = xta_ref[0, 0]
    xn = xtn_ref[0, 0]
    f1 = fa_ref[0, 0]
    f2 = fn_ref[0, 0]
    aidx = aidx_ref[0]
    ax = ax_ref[0]
    ay = ay_ref[0]
    az = az_ref[0]
    w1x = w1x_ref[...]
    w1f = w1f_ref[...]
    w1a = w1a_ref[...]
    b1 = b1_ref[...]
    w2 = w2_ref[...]
    b2 = b2_ref[...]

    iota = lax.broadcasted_iota(jnp.int32, (NP, N), 1).astype(F32)
    oh_a = (iota == aidx).astype(F32)
    nxyz_ref[0, 0] = jnp.concatenate([ax, ay, az], axis=1)

    xyz1 = jnp.transpose(xa)
    xyz2 = jnp.transpose(xn)
    dot = functools.partial(jnp.dot, preferred_element_type=F32)
    q1 = dot(f1, w1a) - dot(xyz1, w1x)
    a_mat = dot(oh_a, q1) + b1
    p_mat = dot(f2, w1f) + dot(xyz2, w1x)

    dx = ax - xn[0:1, :]
    dy = ay - xn[1:2, :]
    dz = az - xn[2:3, :]
    s = (dx * dx + dy * dy) + dz * dz

    ones_col = jnp.ones((N, 1), F32)
    p16 = p_mat.astype(jnp.bfloat16)
    w216 = w2.astype(jnp.bfloat16)
    acc = None
    for _ in range(K):
        mval = jnp.min(s, axis=1, keepdims=True)
        eq = s == mval
        oh = jnp.where(eq, F32(1.0), F32(0.0))
        cnt = dot(oh, ones_col)
        oh16 = oh.astype(jnp.bfloat16)
        g = dot(oh16, p16) * (1.0 / cnt)
        h = jnp.maximum(g + a_mat, 0.0)
        o = jnp.maximum(dot(h.astype(jnp.bfloat16), w216) + b2, 0.0)
        acc = o if acc is None else jnp.maximum(acc, o)
        s = jnp.where(eq, F32(3e38), s)

    nfeat_ref[0, 0] = acc


def kernel(xyzs, features, W1, b1, W2, b2):
    aidx, axc, ayc, azc = _run_fps_sc(xyzs)
    aidx3 = aidx.reshape(B * T, NP, 1)
    ax3 = axc.reshape(B * T, NP, 1)
    ay3 = ayc.reshape(B * T, NP, 1)
    az3 = azc.reshape(B * T, NP, 1)

    xt = jnp.transpose(xyzs, (0, 1, 3, 2))
    w1x = W1[0:3]
    w1f = W1[3:3 + C]
    w1a = W1[3 + C:3 + 2 * C]
    b1r = b1.reshape(1, C)
    b2r = b2.reshape(1, 2 * C)

    t_last = T - 1
    nb = lambda b, t: (b, jnp.minimum(t + 1, t_last), 0, 0)

    out_shapes = (
        jax.ShapeDtypeStruct((B, T, NP, 3), F32),
        jax.ShapeDtypeStruct((B, T, NP, 2 * C), F32),
    )
    grid = (B, T)
    new_xyzs, new_feats = pl.pallas_call(
        _main_body,
        grid=grid,
        out_shape=out_shapes,
        in_specs=[
            pl.BlockSpec((1, 1, 3, N), lambda b, t: (b, t, 0, 0)),
            pl.BlockSpec((1, 1, 3, N), nb),
            pl.BlockSpec((1, 1, N, C), lambda b, t: (b, t, 0, 0)),
            pl.BlockSpec((1, 1, N, C), nb),
            pl.BlockSpec((1, NP, 1), lambda b, t: (b * T + t, 0, 0)),
            pl.BlockSpec((1, NP, 1), lambda b, t: (b * T + t, 0, 0)),
            pl.BlockSpec((1, NP, 1), lambda b, t: (b * T + t, 0, 0)),
            pl.BlockSpec((1, NP, 1), lambda b, t: (b * T + t, 0, 0)),
            pl.BlockSpec((3, C), lambda b, t: (0, 0)),
            pl.BlockSpec((C, C), lambda b, t: (0, 0)),
            pl.BlockSpec((C, C), lambda b, t: (0, 0)),
            pl.BlockSpec((1, C), lambda b, t: (0, 0)),
            pl.BlockSpec((C, 2 * C), lambda b, t: (0, 0)),
            pl.BlockSpec((1, 2 * C), lambda b, t: (0, 0)),
        ],
        out_specs=(
            pl.BlockSpec((1, 1, NP, 3), lambda b, t: (b, t, 0, 0)),
            pl.BlockSpec((1, 1, NP, 2 * C), lambda b, t: (b, t, 0, 0)),
        ),
    )(xt, xt, features, features, aidx3, ax3, ay3, az3,
      w1x, w1f, w1a, b1r, W2, b2r)
    return new_xyzs, new_feats

# --- scband reference (transcript-rebuilt; emitter-appended) ---
"""Pipeline reference for scband-ifm-34076270526821 (READ-ONLY COPY).

The authoritative reference and input builder live on the scoring server;
editing this copy changes nothing except your own understanding.
"""

import jax, jax.numpy as jnp
import numpy as np

B, T, N, C = 4, 4, 1024, 64
SPATIAL_STRIDE = 2
TEMPORAL_STRIDE = 1
TEMPORAL_PADDING = [1, 1]
K = 16
MLP = [64, 128]


def setup_inputs(seed: int = 0):
    key = jax.random.key(seed)
    k1, k2, k3, k4 = jax.random.split(key, 4)
    xyzs = jax.random.uniform(k1, (B, T, N, 3), dtype=jnp.float32)
    features = jax.random.normal(k2, (B, T, N, C), dtype=jnp.float32)
    in_dim = 3 + 2 * C
    W1 = jax.random.normal(k3, (in_dim, MLP[0]), dtype=jnp.float32) * (1.0 / np.sqrt(in_dim))
    b1 = jnp.zeros((MLP[0],), dtype=jnp.float32)
    W2 = jax.random.normal(k4, (MLP[0], MLP[1]), dtype=jnp.float32) * (1.0 / np.sqrt(MLP[0]))
    b2 = jnp.zeros((MLP[1],), dtype=jnp.float32)
    return {"xyzs": xyzs, "features": features, "W1": W1, "b1": b1, "W2": W2, "b2": b2}


def fps(xyz, npoint):
    # furthest point sampling (pointnet2_utils.furthest_point_sample)
    xyz = jax.lax.stop_gradient(xyz)
    b, n, _ = xyz.shape

    def body(i, state):
        idx, dists, farthest = state
        idx = idx.at[:, i].set(farthest)
        centroid = jnp.take_along_axis(xyz, jnp.broadcast_to(farthest[:, None, None], (b, 1, 3)), axis=1)
        d = jnp.sum((xyz - centroid) ** 2, axis=-1)
        dists = jnp.minimum(dists, d)
        farthest = jnp.argmax(dists, axis=-1).astype(jnp.int32)
        return idx, dists, farthest

    idx0 = jnp.zeros((b, npoint), dtype=jnp.int32)
    d0 = jnp.full((b, n), 1e10, dtype=jnp.float32)
    f0 = jnp.zeros((b,), dtype=jnp.int32)
    idx, _, _ = jax.lax.fori_loop(0, npoint, body, (idx0, d0, f0))
    return idx


def knn_idx(query, ref, k):
    # k nearest neighbors of each query point in the reference point cloud
    d = jnp.sum((query[:, :, None, :] - ref[:, None, :, :]) ** 2, axis=-1)
    _, idx = jax.lax.top_k(-d, k)
    return idx


def gather_nb(data, idx):
    # data: [B, N, D], idx: [B, M, K] -> [B, M, K, D]
    return jax.vmap(lambda dd, ii: dd[ii])(data, idx)


def flow_embedding(anchor_xyz, anchor_feat, xyz2, feat2, W1, b1, W2, b2):
    nidx = knn_idx(jax.lax.stop_gradient(anchor_xyz), jax.lax.stop_gradient(xyz2), K)
    nxyz = gather_nb(xyz2, nidx)
    nfeat = gather_nb(feat2, nidx)
    disp = nxyz - anchor_xyz[:, :, None, :]
    afeat = jnp.broadcast_to(anchor_feat[:, :, None, :], nfeat.shape)
    grouped = jnp.concatenate([disp, nfeat, afeat], axis=-1)
    h = jax.nn.relu(grouped @ W1 + b1)
    h = jax.nn.relu(h @ W2 + b2)
    return jnp.max(h, axis=2)


def reference(xyzs, features, W1, b1, W2, b2):
    npoint = N // SPATIAL_STRIDE
    fx = [xyzs[:, t] for t in range(T)]
    ff = [features[:, t] for t in range(T)]
    for _ in range(TEMPORAL_PADDING[0]):
        fx = [fx[0]] + fx
        ff = [ff[0]] + ff
    for _ in range(TEMPORAL_PADDING[1]):
        fx = fx + [fx[-1]]
        ff = ff + [ff[-1]]
    new_xyz = []
    new_feat = []
    for i in range(1, len(fx) - 1, TEMPORAL_STRIDE):
        aidx = fps(fx[i], npoint)
        anchor = jnp.take_along_axis(fx[i], jnp.broadcast_to(aidx[:, :, None], (B, npoint, 3)), axis=1)
        afeat = jnp.take_along_axis(ff[i], jnp.broadcast_to(aidx[:, :, None], (B, npoint, C)), axis=1)
        nf = flow_embedding(anchor, afeat, fx[i + 1], ff[i + 1], W1, b1, W2, b2)
        new_xyz.append(anchor)
        new_feat.append(nf)
    new_xyzs = jnp.stack(new_xyz, axis=1)
    new_features = jnp.stack(new_feat, axis=1)
    return new_xyzs, new_features

if __name__ == "__main__":
    import jax
    _d = setup_inputs()
    print(jax.jit(kernel)(*tuple(_d.values())))

</pallas_src>

<mosaic_0001>
#map = affine_map<(d0, d1) -> (0)>
module attributes {stable_mosaic.version = 14 : i64} {
  func.func @_fps_sc_body(%arg0: i32, %arg1: i32, %arg2: memref<16384xf32, #tpu.memory_space<hbm>>, %arg3: memref<16384xf32, #tpu.memory_space<hbm>>, %arg4: memref<16384xf32, #tpu.memory_space<hbm>>, %arg5: memref<8192xf32, #tpu.memory_space<hbm>>, %arg6: memref<8192xf32, #tpu.memory_space<hbm>>, %arg7: memref<8192xf32, #tpu.memory_space<hbm>>, %arg8: memref<8192xf32, #tpu.memory_space<hbm>>, %arg9: memref<1024xf32, #tpu.memory_space<vmem>>, %arg10: memref<1024xf32, #tpu.memory_space<vmem>>, %arg11: memref<1024xf32, #tpu.memory_space<vmem>>, %arg12: memref<1024xf32, #tpu.memory_space<vmem>>, %arg13: memref<512xf32, #tpu.memory_space<vmem>>, %arg14: memref<512xf32, #tpu.memory_space<vmem>>, %arg15: memref<512xf32, #tpu.memory_space<vmem>>, %arg16: memref<512xf32, #tpu.memory_space<vmem>>) attributes {dimension_semantics = [#tpu.dimension_semantics<core_parallel>, #tpu.dimension_semantics<subcore_parallel>], iteration_bounds = array<i64: 2, 16>, scalar_prefetch = 0 : i64, scratch_operands = 8 : i64, tpu.core_type = #tpu.core_type<sc_vector_subcore>, window_params = [{transform_indices = #map}, {transform_indices = #map}, {transform_indices = #map}, {transform_indices = #map}, {transform_indices = #map}, {transform_indices = #map}, {transform_indices = #map}]} {
    %mul3A = arith.constant 2 : i32
    %mul3A_0 = arith.muli %arg1, %mul3A : i32
    %add3A = arith.addi %mul3A_0, %arg0 : i32
    %lt3A = arith.constant 16 : i32
    %lt3A_1 = arith.cmpi slt, %add3A, %lt3A : i32
    %convert_element_type3A = arith.extui %lt3A_1 : i1 to i32
    %cond3A = arith.constant 0 : i32
    %cond3A_2 = arith.cmpi ne, %convert_element_type3A, %cond3A : i32
    scf.if %cond3A_2 {
      %mul3A_3 = arith.constant 1024 : i32
      %mul3A_4 = arith.muli %add3A, %mul3A_3 : i32
      "tpu.region"() ({
        %run_scoped3A = tpu.sem_alloc : memref<!tpu.dma_semaphore, #tpu.memory_space<semaphore_mem>>
        %dma_start3A = tpu.memref_slice %arg2[%mul3A_4] : memref<16384xf32, #tpu.memory_space<hbm>> -> memref<1024xf32, #tpu.memory_space<hbm>>
        %dma_start3A_596 = tpu.memref_slice %arg2[%mul3A_4] : memref<16384xf32, #tpu.memory_space<hbm>> -> memref<1024xf32, #tpu.memory_space<hbm>>
        tpu.enqueue_dma source(%dma_start3A_596 : memref<1024xf32, #tpu.memory_space<hbm>>) target(%arg9 : memref<1024xf32, #tpu.memory_space<vmem>>) target_semaphore(%run_scoped3A : memref<!tpu.dma_semaphore, #tpu.memory_space<semaphore_mem>>)
        %dma_wait3A = tpu.memref_slice %arg2[%mul3A_4] : memref<16384xf32, #tpu.memory_space<hbm>> -> memref<1024xf32, #tpu.memory_space<hbm>>
        %dma_wait3A_597 = tpu.memref_slice %arg2[%mul3A_4] : memref<16384xf32, #tpu.memory_space<hbm>> -> memref<1024xf32, #tpu.memory_space<hbm>>
        tpu.wait_dma2 semaphore(%run_scoped3A : memref<!tpu.dma_semaphore, #tpu.memory_space<semaphore_mem>>) src(%dma_wait3A_597 : memref<1024xf32, #tpu.memory_space<hbm>>) dst(%arg9 : memref<1024xf32, #tpu.memory_space<vmem>>)
        tpu.yield
      }) : () -> ()
      %mul3A_5 = arith.constant 1024 : i32
      %mul3A_6 = arith.muli %add3A, %mul3A_5 : i32
      "tpu.region"() ({
        %run_scoped3A = tpu.sem_alloc : memref<!tpu.dma_semaphore, #tpu.memory_space<semaphore_mem>>
        %dma_start3A = tpu.memref_slice %arg3[%mul3A_6] : memref<16384xf32, #tpu.memory_space<hbm>> -> memref<1024xf32, #tpu.memory_space<hbm>>
        %dma_start3A_596 = tpu.memref_slice %arg3[%mul3A_6] : memref<16384xf32, #tpu.memory_space<hbm>> -> memref<1024xf32, #tpu.memory_space<hbm>>
        tpu.enqueue_dma source(%dma_start3A_596 : memref<1024xf32, #tpu.memory_space<hbm>>) target(%arg10 : memref<1024xf32, #tpu.memory_space<vmem>>) target_semaphore(%run_scoped3A : memref<!tpu.dma_semaphore, #tpu.memory_space<semaphore_mem>>)
        %dma_wait3A = tpu.memref_slice %arg3[%mul3A_6] : memref<16384xf32, #tpu.memory_space<hbm>> -> memref<1024xf32, #tpu.memory_space<hbm>>
        %dma_wait3A_597 = tpu.memref_slice %arg3[%mul3A_6] : memref<16384xf32, #tpu.memory_space<hbm>> -> memref<1024xf32, #tpu.memory_space<hbm>>
        tpu.wait_dma2 semaphore(%run_scoped3A : memref<!tpu.dma_semaphore, #tpu.memory_space<semaphore_mem>>) src(%dma_wait3A_597 : memref<1024xf32, #tpu.memory_space<hbm>>) dst(%arg10 : memref<1024xf32, #tpu.memory_space<vmem>>)
        tpu.yield
      }) : () -> ()
      %mul3A_7 = arith.constant 1024 : i32
      %mul3A_8 = arith.muli %add3A, %mul3A_7 : i32
      "tpu.region"() ({
        %run_scoped3A = tpu.sem_alloc : memref<!tpu.dma_semaphore, #tpu.memory_space<semaphore_mem>>
        %dma_start3A = tpu.memref_slice %arg4[%mul3A_8] : memref<16384xf32, #tpu.memory_space<hbm>> -> memref<1024xf32, #tpu.memory_space<hbm>>
        %dma_start3A_596 = tpu.memref_slice %arg4[%mul3A_8] : memref<16384xf32, #tpu.memory_space<hbm>> -> memref<1024xf32, #tpu.memory_space<hbm>>
        tpu.enqueue_dma source(%dma_start3A_596 : memref<1024xf32, #tpu.memory_space<hbm>>) target(%arg11 : memref<1024xf32, #tpu.memory_space<vmem>>) target_semaphore(%run_scoped3A : memref<!tpu.dma_semaphore, #tpu.memory_space<semaphore_mem>>)
        %dma_wait3A = tpu.memref_slice %arg4[%mul3A_8] : memref<16384xf32, #tpu.memory_space<hbm>> -> memref<1024xf32, #tpu.memory_space<hbm>>
        %dma_wait3A_597 = tpu.memref_slice %arg4[%mul3A_8] : memref<16384xf32, #tpu.memory_space<hbm>> -> memref<1024xf32, #tpu.memory_space<hbm>>
        tpu.wait_dma2 semaphore(%run_scoped3A : memref<!tpu.dma_semaphore, #tpu.memory_space<semaphore_mem>>) src(%dma_wait3A_597 : memref<1024xf32, #tpu.memory_space<hbm>>) dst(%arg11 : memref<1024xf32, #tpu.memory_space<vmem>>)
        tpu.yield
      }) : () -> ()
      %iota3A = tpu.iota {dimensions = array<i32: 0>} : vector<16xi32>
      %convert_element_type3A_9 = arith.sitofp %iota3A : vector<16xi32> to vector<16xf32>
      %broadcast_in_dim3A = arith.constant 1.000000e+10 : f32
      %broadcast_in_dim3A_10 = vector.broadcast %broadcast_in_dim3A : f32 to vector<16xf32>
      %swap3A = arith.constant 0 : index
      %swap3A_11 = tpu.vector_load %arg12[%swap3A] {strides = array<i32>} : memref<1024xf32, #tpu.memory_space<vmem>>, vector<16xf32>,
      %swap3A_12 = vector.shape_cast %swap3A_11 : vector<16xf32> to vector<16xf32>
      %swap3A_13 = vector.shape_cast %broadcast_in_dim3A_10 : vector<16xf32> to vector<16xf32>
      tpu.vector_store %arg12[%swap3A], %swap3A_13 {strides = array<i32>} : memref<1024xf32, #tpu.memory_space<vmem>>, vector<16xf32>,
      %broadcast_in_dim3A_14 = arith.constant 1.000000e+10 : f32
      %broadcast_in_dim3A_15 = vector.broadcast %broadcast_in_dim3A_14 : f32 to vector<16xf32>
      %swap3A_16 = arith.constant 16 : index
      %swap3A_17 = tpu.vector_load %arg12[%swap3A_16] {strides = array<i32>} : memref<1024xf32, #tpu.memory_space<vmem>>, vector<16xf32>,
      %swap3A_18 = vector.shape_cast %swap3A_17 : vector<16xf32> to vector<16xf32>
      %swap3A_19 = vector.shape_cast %broadcast_in_dim3A_15 : vector<16xf32> to vector<16xf32>
      tpu.vector_store %arg12[%swap3A_16], %swap3A_19 {strides = array<i32>} : memref<1024xf32, #tpu.memory_space<vmem>>, vector<16xf32>,
      %broadcast_in_dim3A_20 = arith.constant 1.000000e+10 : f32
      %broadcast_in_dim3A_21 = vector.broadcast %broadcast_in_dim3A_20 : f32 to vector<16xf32>
      %swap3A_22 = arith.constant 32 : index
      %swap3A_23 = tpu.vector_load %arg12[%swap3A_22] {strides = array<i32>} : memref<1024xf32, #tpu.memory_space<vmem>>, vector<16xf32>,
      %swap3A_24 = vector.shape_cast %swap3A_23 : vector<16xf32> to vector<16xf32>
      %swap3A_25 = vector.shape_cast %broadcast_in_dim3A_21 : vector<16xf32> to vector<16xf32>
      tpu.vector_store %arg12[%swap3A_22], %swap3A_25 {strides = array<i32>} : memref<1024xf32, #tpu.memory_space<vmem>>, vector<16xf32>,
      %broadcast_in_dim3A_26 = arith.constant 1.000000e+10 : f32
      %broadcast_in_dim3A_27 = vector.broadcast %broadcast_in_dim3A_26 : f32 to vector<16xf32>
      %swap3A_28 = arith.constant 48 : index
      %swap3A_29 = tpu.vector_load %arg12[%swap3A_28] {strides = array<i32>} : memref<1024xf32, #tpu.memory_space<vmem>>, vector<16xf32>,
      %swap3A_30 = vector.shape_cast %swap3A_29 : vector<16xf32> to vector<16xf32>
      %swap3A_31 = vector.shape_cast %broadcast_in_dim3A_27 : vector<16xf32> to vector<16xf32>
      tpu.vector_store %arg12[%swap3A_28], %swap3A_31 {strides = array<i32>} : memref<1024xf32, #tpu.memory_space<vmem>>, vector<16xf32>,
      %broadcast_in_dim3A_32 = arith.constant 1.000000e+10 : f32
      %broadcast_in_dim3A_33 = vector.broadcast %broadcast_in_dim3A_32 : f32 to vector<16xf32>
      %swap3A_34 = arith.constant 64 : index
      %swap3A_35 = tpu.vector_load %arg12[%swap3A_34] {strides = array<i32>} : memref<1024xf32, #tpu.memory_space<vmem>>, vector<16xf32>,
      %swap3A_36 = vector.shape_cast %swap3A_35 : vector<16xf32> to vector<16xf32>
      %swap3A_37 = vector.shape_cast %broadcast_in_dim3A_33 : vector<16xf32> to vector<16xf32>
      tpu.vector_store %arg12[%swap3A_34], %swap3A_37 {strides = array<i32>} : memref<1024xf32, #tpu.memory_space<vmem>>, vector<16xf32>,
      %broadcast_in_dim3A_38 = arith.constant 1.000000e+10 : f32
      %broadcast_in_dim3A_39 = vector.broadcast %broadcast_in_dim3A_38 : f32 to vector<16xf32>
      %swap3A_40 = arith.constant 80 : index
      %swap3A_41 = tpu.vector_load %arg12[%swap3A_40] {strides = array<i32>} : memref<1024xf32, #tpu.memory_space<vmem>>, vector<16xf32>,
      %swap3A_42 = vector.shape_cast %swap3A_41 : vector<16xf32> to vector<16xf32>
      %swap3A_43 = vector.shape_cast %broadcast_in_dim3A_39 : vector<16xf32> to vector<16xf32>
      tpu.vector_store %arg12[%swap3A_40], %swap3A_43 {strides = array<i32>} : memref<1024xf32, #tpu.memory_space<vmem>>, vector<16xf32>,
      %broadcast_in_dim3A_44 = arith.constant 1.000000e+10 : f32
      %broadcast_in_dim3A_45 = vector.broadcast %broadcast_in_dim3A_44 : f32 to vector<16xf32>
      %swap3A_46 = arith.constant 96 : index
      %swap3A_47 = tpu.vector_load %arg12[%swap3A_46] {strides = array<i32>} : memref<1024xf32, #tpu.memory_space<vmem>>, vector<16xf32>,
      %swap3A_48 = vector.shape_cast %swap3A_47 : vector<16xf32> to vector<16xf32>
      %swap3A_49 = vector.shape_cast %broadcast_in_dim3A_45 : vector<16xf32> to vector<16xf32>
      tpu.vector_store %arg12[%swap3A_46], %swap3A_49 {strides = array<i32>} : memref<1024xf32, #tpu.memory_space<vmem>>, vector<16xf32>,
      %broadcast_in_dim3A_50 = arith.constant 1.000000e+10 : f32
      %broadcast_in_dim3A_51 = vector.broadcast %broadcast_in_dim3A_50 : f32 to vector<16xf32>
      %swap3A_52 = arith.constant 112 : index
      %swap3A_53 = tpu.vector_load %arg12[%swap3A_52] {strides = array<i32>} : memref<1024xf32, #tpu.memory_space<vmem>>, vector<16xf32>,
      %swap3A_54 = vector.shape_cast %swap3A_53 : vector<16xf32> to vector<16xf32>
      %swap3A_55 = vector.shape_cast %broadcast_in_dim3A_51 : vector<16xf32> to vector<16xf32>
      tpu.vector_store %arg12[%swap3A_52], %swap3A_55 {strides = array<i32>} : memref<1024xf32, #tpu.memory_space<vmem>>, vector<16xf32>,
      %broadcast_in_dim3A_56 = arith.constant 1.000000e+10 : f32
      %broadcast_in_dim3A_57 = vector.broadcast %broadcast_in_dim3A_56 : f32 to vector<16xf32>
      %swap3A_58 = arith.constant 128 : index
      %swap3A_59 = tpu.vector_load %arg12[%swap3A_58] {strides = array<i32>} : memref<1024xf32, #tpu.memory_space<vmem>>, vector<16xf32>,
      %swap3A_60 = vector.shape_cast %swap3A_59 : vector<16xf32> to vector<16xf32>
      %swap3A_61 = vector.shape_cast %broadcast_in_dim3A_57 : vector<16xf32> to vector<16xf32>
      tpu.vector_store %arg12[%swap3A_58], %swap3A_61 {strides = array<i32>} : memref<1024xf32, #tpu.memory_space<vmem>>, vector<16xf32>,
      %broadcast_in_dim3A_62 = arith.constant 1.000000e+10 : f32
      %broadcast_in_dim3A_63 = vector.broadcast %broadcast_in_dim3A_62 : f32 to vector<16xf32>
      %swap3A_64 = arith.constant 144 : index
      %swap3A_65 = tpu.vector_load %arg12[%swap3A_64] {strides = array<i32>} : memref<1024xf32, #tpu.memory_space<vmem>>, vector<16xf32>,
      %swap3A_66 = vector.shape_cast %swap3A_65 : vector<16xf32> to vector<16xf32>
      %swap3A_67 = vector.shape_cast %broadcast_in_dim3A_63 : vector<16xf32> to vector<16xf32>
      tpu.vector_store %arg12[%swap3A_64], %swap3A_67 {strides = array<i32>} : memref<1024xf32, #tpu.memory_space<vmem>>, vector<16xf32>,
      %broadcast_in_dim3A_68 = arith.constant 1.000000e+10 : f32
      %broadcast_in_dim3A_69 = vector.broadcast %broadcast_in_dim3A_68 : f32 to vector<16xf32>
      %swap3A_70 = arith.constant 160 : index
      %swap3A_71 = tpu.vector_load %arg12[%swap3A_70] {strides = array<i32>} : memref<1024xf32, #tpu.memory_space<vmem>>, vector<16xf32>,
      %swap3A_72 = vector.shape_cast %swap3A_71 : vector<16xf32> to vector<16xf32>
      %swap3A_73 = vector.shape_cast %broadcast_in_dim3A_69 : vector<16xf32> to vector<16xf32>
      tpu.vector_store %arg12[%swap3A_70], %swap3A_73 {strides = array<i32>} : memref<1024xf32, #tpu.memory_space<vmem>>, vector<16xf32>,
      %broadcast_in_dim3A_74 = arith.constant 1.000000e+10 : f32
      %broadcast_in_dim3A_75 = vector.broadcast %broadcast_in_dim3A_74 : f32 to vector<16xf32>
      %swap3A_76 = arith.constant 176 : index
      %swap3A_77 = tpu.vector_load %arg12[%swap3A_76] {strides = array<i32>} : memref<1024xf32, #tpu.memory_space<vmem>>, vector<16xf32>,
      %swap3A_78 = vector.shape_cast %swap3A_77 : vector<16xf32> to vector<16xf32>
      %swap3A_79 = vector.shape_cast %broadcast_in_dim3A_75 : vector<16xf32> to vector<16xf32>
      tpu.vector_store %arg12[%swap3A_76], %swap3A_79 {strides = array<i32>} : memref<1024xf32, #tpu.memory_space<vmem>>, vector<16xf32>,
      %broadcast_in_dim3A_80 = arith.constant 1.000000e+10 : f32
      %broadcast_in_dim3A_81 = vector.broadcast %broadcast_in_dim3A_80 : f32 to vector<16xf32>
      %swap3A_82 = arith.constant 192 : index
      %swap3A_83 = tpu.vector_load %arg12[%swap3A_82] {strides = array<i32>} : memref<1024xf32, #tpu.memory_space<vmem>>, vector<16xf32>,
      %swap3A_84 = vector.shape_cast %swap3A_83 : vector<16xf32> to vector<16xf32>
      %swap3A_85 = vector.shape_cast %broadcast_in_dim3A_81 : vector<16xf32> to vector<16xf32>
      tpu.vector_store %arg12[%swap3A_82], %swap3A_85 {strides = array<i32>} : memref<1024xf32, #tpu.memory_space<vmem>>, vector<16xf32>,
      %broadcast_in_dim3A_86 = arith.constant 1.000000e+10 : f32
      %broadcast_in_dim3A_87 = vector.broadcast %broadcast_in_dim3A_86 : f32 to vector<16xf32>
      %swap3A_88 = arith.constant 208 : index
      %swap3A_89 = tpu.vector_load %arg12[%swap3A_88] {strides = array<i32>} : memref<1024xf32, #tpu.memory_space<vmem>>, vector<16xf32>,
      %swap3A_90 = vector.shape_cast %swap3A_89 : vector<16xf32> to vector<16xf32>
      %swap3A_91 = vector.shape_cast %broadcast_in_dim3A_87 : vector<16xf32> to vector<16xf32>
      tpu.vector_store %arg12[%swap3A_88], %swap3A_91 {strides = array<i32>} : memref<1024xf32, #tpu.memory_space<vmem>>, vector<16xf32>,
      %broadcast_in_dim3A_92 = arith.constant 1.000000e+10 : f32
      %broadcast_in_dim3A_93 = vector.broadcast %broadcast_in_dim3A_92 : f32 to vector<16xf32>
      %swap3A_94 = arith.constant 224 : index
      %swap3A_95 = tpu.vector_load %arg12[%swap3A_94] {strides = array<i32>} : memref<1024xf32, #tpu.memory_space<vmem>>, vector<16xf32>,
      %swap3A_96 = vector.shape_cast %swap3A_95 : vector<16xf32> to vector<16xf32>
      %swap3A_97 = vector.shape_cast %broadcast_in_dim3A_93 : vector<16xf32> to vector<16xf32>
      tpu.vector_store %arg12[%swap3A_94], %swap3A_97 {strides = array<i32>} : memref<1024xf32, #tpu.memory_space<vmem>>, vector<16xf32>,
      %broadcast_in_dim3A_98 = arith.constant 1.000000e+10 : f32
      %broadcast_in_dim3A_99 = vector.broadcast %broadcast_in_dim3A_98 : f32 to vector<16xf32>
      %swap3A_100 = arith.constant 240 : index
      %swap3A_101 = tpu.vector_load %arg12[%swap3A_100] {strides = array<i32>} : memref<1024xf32, #tpu.memory_space<vmem>>, vector<16xf32>,
      %swap3A_102 = vector.shape_cast %swap3A_101 : vector<16xf32> to vector<16xf32>
      %swap3A_103 = vector.shape_cast %broadcast_in_dim3A_99 : vector<16xf32> to vector<16xf32>
      tpu.vector_store %arg12[%swap3A_100], %swap3A_103 {strides = array<i32>} : memref<1024xf32, #tpu.memory_space<vmem>>, vector<16xf32>,
      %broadcast_in_dim3A_104 = arith.constant 1.000000e+10 : f32
      %broadcast_in_dim3A_105 = vector.broadcast %broadcast_in_dim3A_104 : f32 to vector<16xf32>
      %swap3A_106 = arith.constant 256 : index
      %swap3A_107 = tpu.vector_load %arg12[%swap3A_106] {strides = array<i32>} : memref<1024xf32, #tpu.memory_space<vmem>>, vector<16xf32>,
      %swap3A_108 = vector.shape_cast %swap3A_107 : vector<16xf32> to vector<16xf32>
      %swap3A_109 = vector.shape_cast %broadcast_in_dim3A_105 : vector<16xf32> to vector<16xf32>
      tpu.vector_store %arg12[%swap3A_106], %swap3A_109 {strides = array<i32>} : memref<1024xf32, #tpu.memory_space<vmem>>, vector<16xf32>,
      %broadcast_in_dim3A_110 = arith.constant 1.000000e+10 : f32
      %broadcast_in_dim3A_111 = vector.broadcast %broadcast_in_dim3A_110 : f32 to vector<16xf32>
      %swap3A_112 = arith.constant 272 : index
      %swap3A_113 = tpu.vector_load %arg12[%swap3A_112] {strides = array<i32>} : memref<1024xf32, #tpu.memory_space<vmem>>, vector<16xf32>,
      %swap3A_114 = vector.shape_cast %swap3A_113 : vector<16xf32> to vector<16xf32>
      %swap3A_115 = vector.shape_cast %broadcast_in_dim3A_111 : vector<16xf32> to vector<16xf32>
      tpu.vector_store %arg12[%swap3A_112], %swap3A_115 {strides = array<i32>} : memref<1024xf32, #tpu.memory_space<vmem>>, vector<16xf32>,
      %broadcast_in_dim3A_116 = arith.constant 1.000000e+10 : f32
      %broadcast_in_dim3A_117 = vector.broadcast %broadcast_in_dim3A_116 : f32 to vector<16xf32>
      %swap3A_118 = arith.constant 288 : index
      %swap3A_119 = tpu.vector_load %arg12[%swap3A_118] {strides = array<i32>} : memref<1024xf32, #tpu.memory_space<vmem>>, vector<16xf32>,
      %swap3A_120 = vector.shape_cast %swap3A_119 : vector<16xf32> to vector<16xf32>
      %swap3A_121 = vector.shape_cast %broadcast_in_dim3A_117 : vector<16xf32> to vector<16xf32>
      tpu.vector_store %arg12[%swap3A_118], %swap3A_121 {strides = array<i32>} : memref<1024xf32, #tpu.memory_space<vmem>>, vector<16xf32>,
      %broadcast_in_dim3A_122 = arith.constant 1.000000e+10 : f32
      %broadcast_in_dim3A_123 = vector.broadcast %broadcast_in_dim3A_122 : f32 to vector<16xf32>
      %swap3A_124 = arith.constant 304 : index
      %swap3A_125 = tpu.vector_load %arg12[%swap3A_124] {strides = array<i32>} : memref<1024xf32, #tpu.memory_space<vmem>>, vector<16xf32>,
      %swap3A_126 = vector.shape_cast %swap3A_125 : vector<16xf32> to vector<16xf32>
      %swap3A_127 = vector.shape_cast %broadcast_in_dim3A_123 : vector<16xf32> to vector<16xf32>
      tpu.vector_store %arg12[%swap3A_124], %swap3A_127 {strides = array<i32>} : memref<1024xf32, #tpu.memory_space<vmem>>, vector<16xf32>,
      %broadcast_in_dim3A_128 = arith.constant 1.000000e+10 : f32
      %broadcast_in_dim3A_129 = vector.broadcast %broadcast_in_dim3A_128 : f32 to vector<16xf32>
      %swap3A_130 = arith.constant 320 : index
      %swap3A_131 = tpu.vector_load %arg12[%swap3A_130] {strides = array<i32>} : memref<1024xf32, #tpu.memory_space<vmem>>, vector<16xf32>,
      %swap3A_132 = vector.shape_cast %swap3A_131 : vector<16xf32> to vector<16xf32>
      %swap3A_133 = vector.shape_cast %broadcast_in_dim3A_129 : vector<16xf32> to vector<16xf32>
      tpu.vector_store %arg12[%swap3A_130], %swap3A_133 {strides = array<i32>} : memref<1024xf32, #tpu.memory_space<vmem>>, vector<16xf32>,
      %broadcast_in_dim3A_134 = arith.constant 1.000000e+10 : f32
      %broadcast_in_dim3A_135 = vector.broadcast %broadcast_in_dim3A_134 : f32 to vector<16xf32>
      %swap3A_136 = arith.constant 336 : index
      %swap3A_137 = tpu.vector_load %arg12[%swap3A_136] {strides = array<i32>} : memref<1024xf32, #tpu.memory_space<vmem>>, vector<16xf32>,
      %swap3A_138 = vector.shape_cast %swap3A_137 : vector<16xf32> to vector<16xf32>
      %swap3A_139 = vector.shape_cast %broadcast_in_dim3A_135 : vector<16xf32> to vector<16xf32>
      tpu.vector_store %arg12[%swap3A_136], %swap3A_139 {strides = array<i32>} : memref<1024xf32, #tpu.memory_space<vmem>>, vector<16xf32>,
      %broadcast_in_dim3A_140 = arith.constant 1.000000e+10 : f32
      %broadcast_in_dim3A_141 = vector.broadcast %broadcast_in_dim3A_140 : f32 to vector<16xf32>
      %swap3A_142 = arith.constant 352 : index
      %swap3A_143 = tpu.vector_load %arg12[%swap3A_142] {strides = array<i32>} : memref<1024xf32, #tpu.memory_space<vmem>>, vector<16xf32>,
      %swap3A_144 = vector.shape_cast %swap3A_143 : vector<16xf32> to vector<16xf32>
      %swap3A_145 = vector.shape_cast %broadcast_in_dim3A_141 : vector<16xf32> to vector<16xf32>
      tpu.vector_store %arg12[%swap3A_142], %swap3A_145 {strides = array<i32>} : memref<1024xf32, #tpu.memory_space<vmem>>, vector<16xf32>,
      %broadcast_in_dim3A_146 = arith.constant 1.000000e+10 : f32
      %broadcast_in_dim3A_147 = vector.broadcast %broadcast_in_dim3A_146 : f32 to vector<16xf32>
      %swap3A_148 = arith.constant 368 : index
      %swap3A_149 = tpu.vector_load %arg12[%swap3A_148] {strides = array<i32>} : memref<1024xf32, #tpu.memory_space<vmem>>, vector<16xf32>,
      %swap3A_150 = vector.shape_cast %swap3A_149 : vector<16xf32> to vector<16xf32>
      %swap3A_151 = vector.shape_cast %broadcast_in_dim3A_147 : vector<16xf32> to vector<16xf32>
      tpu.vector_store %arg12[%swap3A_148], %swap3A_151 {strides = array<i32>} : memref<1024xf32, #tpu.memory_space<vmem>>, vector<16xf32>,
      %broadcast_in_dim3A_152 = arith.constant 1.000000e+10 : f32
      %broadcast_in_dim3A_153 = vector.broadcast %broadcast_in_dim3A_152 : f32 to vector<16xf32>
      %swap3A_154 = arith.constant 384 : index
      %swap3A_155 = tpu.vector_load %arg12[%swap3A_154] {strides = array<i32>} : memref<1024xf32, #tpu.memory_space<vmem>>, vector<16xf32>,
      %swap3A_156 = vector.shape_cast %swap3A_155 : vector<16xf32> to vector<16xf32>
      %swap3A_157 = vector.shape_cast %broadcast_in_dim3A_153 : vector<16xf32> to vector<16xf32>
      tpu.vector_store %arg12[%swap3A_154], %swap3A_157 {strides = array<i32>} : memref<1024xf32, #tpu.memory_space<vmem>>, vector<16xf32>,
      %broadcast_in_dim3A_158 = arith.constant 1.000000e+10 : f32
      %broadcast_in_dim3A_159 = vector.broadcast %broadcast_in_dim3A_158 : f32 to vector<16xf32>
      %swap3A_160 = arith.constant 400 : index
      %swap3A_161 = tpu.vector_load %arg12[%swap3A_160] {strides = array<i32>} : memref<1024xf32, #tpu.memory_space<vmem>>, vector<16xf32>,
      %swap3A_162 = vector.shape_cast %swap3A_161 : vector<16xf32> to vector<16xf32>
      %swap3A_163 = vector.shape_cast %broadcast_in_dim3A_159 : vector<16xf32> to vector<16xf32>
      tpu.vector_store %arg12[%swap3A_160], %swap3A_163 {strides = array<i32>} : memref<1024xf32, #tpu.memory_space<vmem>>, vector<16xf32>,
      %broadcast_in_dim3A_164 = arith.constant 1.000000e+10 : f32
      %broadcast_in_dim3A_165 = vector.broadcast %broadcast_in_dim3A_164 : f32 to vector<16xf32>
      %swap3A_166 = arith.constant 416 : index
      %swap3A_167 = tpu.vector_load %arg12[%swap3A_166] {strides = array<i32>} : memref<1024xf32, #tpu.memory_space<vmem>>, vector<16xf32>,
      %swap3A_168 = vector.shape_cast %swap3A_167 : vector<16xf32> to vector<16xf32>
      %swap3A_169 = vector.shape_cast %broadcast_in_dim3A_165 : vector<16xf32> to vector<16xf32>
      tpu.vector_store %arg12[%swap3A_166], %swap3A_169 {strides = array<i32>} : memref<1024xf32, #tpu.memory_space<vmem>>, vector<16xf32>,
      %broadcast_in_dim3A_170 = arith.constant 1.000000e+10 : f32
      %broadcast_in_dim3A_171 = vector.broadcast %broadcast_in_dim3A_170 : f32 to vector<16xf32>
      %swap3A_172 = arith.constant 432 : index
      %swap3A_173 = tpu.vector_load %arg12[%swap3A_172] {strides = array<i32>} : memref<1024xf32, #tpu.memory_space<vmem>>, vector<16xf32>,
      %swap3A_174 = vector.shape_cast %swap3A_173 : vector<16xf32> to vector<16xf32>
      %swap3A_175 = vector.shape_cast %broadcast_in_dim3A_171 : vector<16xf32> to vector<16xf32>
      tpu.vector_store %arg12[%swap3A_172], %swap3A_175 {strides = array<i32>} : memref<1024xf32, #tpu.memory_space<vmem>>, vector<16xf32>,
      %broadcast_in_dim3A_176 = arith.constant 1.000000e+10 : f32
      %broadcast_in_dim3A_177 = vector.broadcast %broadcast_in_dim3A_176 : f32 to vector<16xf32>
      %swap3A_178 = arith.constant 448 : index
      %swap3A_179 = tpu.vector_load %arg12[%swap3A_178] {strides = array<i32>} : memref<1024xf32, #tpu.memory_space<vmem>>, vector<16xf32>,
      %swap3A_180 = vector.shape_cast %swap3A_179 : vector<16xf32> to vector<16xf32>
      %swap3A_181 = vector.shape_cast %broadcast_in_dim3A_177 : vector<16xf32> to vector<16xf32>
      tpu.vector_store %arg12[%swap3A_178], %swap3A_181 {strides = array<i32>} : memref<1024xf32, #tpu.memory_space<vmem>>, vector<16xf32>,
      %broadcast_in_dim3A_182 = arith.constant 1.000000e+10 : f32
      %broadcast_in_dim3A_183 = vector.broadcast %broadcast_in_dim3A_182 : f32 to vector<16xf32>
      %swap3A_184 = arith.constant 464 : index
      %swap3A_185 = tpu.vector_load %arg12[%swap3A_184] {strides = array<i32>} : memref<1024xf32, #tpu.memory_space<vmem>>, vector<16xf32>,
      %swap3A_186 = vector.shape_cast %swap3A_185 : vector<16xf32> to vector<16xf32>
      %swap3A_187 = vector.shape_cast %broadcast_in_dim3A_183 : vector<16xf32> to vector<16xf32>
      tpu.vector_store %arg12[%swap3A_184], %swap3A_187 {strides = array<i32>} : memref<1024xf32, #tpu.memory_space<vmem>>, vector<16xf32>,
      %broadcast_in_dim3A_188 = arith.constant 1.000000e+10 : f32
      %broadcast_in_dim3A_189 = vector.broadcast %broadcast_in_dim3A_188 : f32 to vector<16xf32>
      %swap3A_190 = arith.constant 480 : index
      %swap3A_191 = tpu.vector_load %arg12[%swap3A_190] {strides = array<i32>} : memref<1024xf32, #tpu.memory_space<vmem>>, vector<16xf32>,
      %swap3A_192 = vector.shape_cast %swap3A_191 : vector<16xf32> to vector<16xf32>
      %swap3A_193 = vector.shape_cast %broadcast_in_dim3A_189 : vector<16xf32> to vector<16xf32>
      tpu.vector_store %arg12[%swap3A_190], %swap3A_193 {strides = array<i32>} : memref<1024xf32, #tpu.memory_space<vmem>>, vector<16xf32>,
      %broadcast_in_dim3A_194 = arith.constant 1.000000e+10 : f32
      %broadcast_in_dim3A_195 = vector.broadcast %broadcast_in_dim3A_194 : f32 to vector<16xf32>
      %swap3A_196 = arith.constant 496 : index
      %swap3A_197 = tpu.vector_load %arg12[%swap3A_196] {strides = array<i32>} : memref<1024xf32, #tpu.memory_space<vmem>>, vector<16xf32>,
      %swap3A_198 = vector.shape_cast %swap3A_197 : vector<16xf32> to vector<16xf32>
      %swap3A_199 = vector.shape_cast %broadcast_in_dim3A_195 : vector<16xf32> to vector<16xf32>
      tpu.vector_store %arg12[%swap3A_196], %swap3A_199 {strides = array<i32>} : memref<1024xf32, #tpu.memory_space<vmem>>, vector<16xf32>,
      %broadcast_in_dim3A_200 = arith.constant 1.000000e+10 : f32
      %broadcast_in_dim3A_201 = vector.broadcast %broadcast_in_dim3A_200 : f32 to vector<16xf32>
      %swap3A_202 = arith.constant 512 : index
      %swap3A_203 = tpu.vector_load %arg12[%swap3A_202] {strides = array<i32>} : memref<1024xf32, #tpu.memory_space<vmem>>, vector<16xf32>,
      %swap3A_204 = vector.shape_cast %swap3A_203 : vector<16xf32> to vector<16xf32>
      %swap3A_205 = vector.shape_cast %broadcast_in_dim3A_201 : vector<16xf32> to vector<16xf32>
      tpu.vector_store %arg12[%swap3A_202], %swap3A_205 {strides = array<i32>} : memref<1024xf32, #tpu.memory_space<vmem>>, vector<16xf32>,
      %broadcast_in_dim3A_206 = arith.constant 1.000000e+10 : f32
      %broadcast_in_dim3A_207 = vector.broadcast %broadcast_in_dim3A_206 : f32 to vector<16xf32>
      %swap3A_208 = arith.constant 528 : index
      %swap3A_209 = tpu.vector_load %arg12[%swap3A_208] {strides = array<i32>} : memref<1024xf32, #tpu.memory_space<vmem>>, vector<16xf32>,
      %swap3A_210 = vector.shape_cast %swap3A_209 : vector<16xf32> to vector<16xf32>
      %swap3A_211 = vector.shape_cast %broadcast_in_dim3A_207 : vector<16xf32> to vector<16xf32>
      tpu.vector_store %arg12[%swap3A_208], %swap3A_211 {strides = array<i32>} : memref<1024xf32, #tpu.memory_space<vmem>>, vector<16xf32>,
      %broadcast_in_dim3A_212 = arith.constant 1.000000e+10 : f32
      %broadcast_in_dim3A_213 = vector.broadcast %broadcast_in_dim3A_212 : f32 to vector<16xf32>
      %swap3A_214 = arith.constant 544 : index
      %swap3A_215 = tpu.vector_load %arg12[%swap3A_214] {strides = array<i32>} : memref<1024xf32, #tpu.memory_space<vmem>>, vector<16xf32>,
      %swap3A_216 = vector.shape_cast %swap3A_215 : vector<16xf32> to vector<16xf32>
      %swap3A_217 = vector.shape_cast %broadcast_in_dim3A_213 : vector<16xf32> to vector<16xf32>
      tpu.vector_store %arg12[%swap3A_214], %swap3A_217 {strides = array<i32>} : memref<1024xf32, #tpu.memory_space<vmem>>, vector<16xf32>,
      %broadcast_in_dim3A_218 = arith.constant 1.000000e+10 : f32
      %broadcast_in_dim3A_219 = vector.broadcast %broadcast_in_dim3A_218 : f32 to vector<16xf32>
      %swap3A_220 = arith.constant 560 : index
      %swap3A_221 = tpu.vector_load %arg12[%swap3A_220] {strides = array<i32>} : memref<1024xf32, #tpu.memory_space<vmem>>, vector<16xf32>,
      %swap3A_222 = vector.shape_cast %swap3A_221 : vector<16xf32> to vector<16xf32>
      %swap3A_223 = vector.shape_cast %broadcast_in_dim3A_219 : vector<16xf32> to vector<16xf32>
      tpu.vector_store %arg12[%swap3A_220], %swap3A_223 {strides = array<i32>} : memref<1024xf32, #tpu.memory_space<vmem>>, vector<16xf32>,
      %broadcast_in_dim3A_224 = arith.constant 1.000000e+10 : f32
      %broadcast_in_dim3A_225 = vector.broadcast %broadcast_in_dim3A_224 : f32 to vector<16xf32>
      %swap3A_226 = arith.constant 576 : index
      %swap3A_227 = tpu.vector_load %arg12[%swap3A_226] {strides = array<i32>} : memref<1024xf32, #tpu.memory_space<vmem>>, vector<16xf32>,
      %swap3A_228 = vector.shape_cast %swap3A_227 : vector<16xf32> to vector<16xf32>
      %swap3A_229 = vector.shape_cast %broadcast_in_dim3A_225 : vector<16xf32> to vector<16xf32>
      tpu.vector_store %arg12[%swap3A_226], %swap3A_229 {strides = array<i32>} : memref<1024xf32, #tpu.memory_space<vmem>>, vector<16xf32>,
      %broadcast_in_dim3A_230 = arith.constant 1.000000e+10 : f32
      %broadcast_in_dim3A_231 = vector.broadcast %broadcast_in_dim3A_230 : f32 to vector<16xf32>
      %swap3A_232 = arith.constant 592 : index
      %swap3A_233 = tpu.vector_load %arg12[%swap3A_232] {strides = array<i32>} : memref<1024xf32, #tpu.memory_space<vmem>>, vector<16xf32>,
      %swap3A_234 = vector.shape_cast %swap3A_233 : vector<16xf32> to vector<16xf32>
      %swap3A_235 = vector.shape_cast %broadcast_in_dim3A_231 : vector<16xf32> to vector<16xf32>
      tpu.vector_store %arg12[%swap3A_232], %swap3A_235 {strides = array<i32>} : memref<1024xf32, #tpu.memory_space<vmem>>, vector<16xf32>,
      %broadcast_in_dim3A_236 = arith.constant 1.000000e+10 : f32
      %broadcast_in_dim3A_237 = vector.broadcast %broadcast_in_dim3A_236 : f32 to vector<16xf32>
      %swap3A_238 = arith.constant 608 : index
      %swap3A_239 = tpu.vector_load %arg12[%swap3A_238] {strides = array<i32>} : memref<1024xf32, #tpu.memory_space<vmem>>, vector<16xf32>,
      %swap3A_240 = vector.shape_cast %swap3A_239 : vector<16xf32> to vector<16xf32>
      %swap3A_241 = vector.shape_cast %broadcast_in_dim3A_237 : vector<16xf32> to vector<16xf32>
      tpu.vector_store %arg12[%swap3A_238], %swap3A_241 {strides = array<i32>} : memref<1024xf32, #tpu.memory_space<vmem>>, vector<16xf32>,
      %broadcast_in_dim3A_242 = arith.constant 1.000000e+10 : f32
      %broadcast_in_dim3A_243 = vector.broadcast %broadcast_in_dim3A_242 : f32 to vector<16xf32>
      %swap3A_244 = arith.constant 624 : index
      %swap3A_245 = tpu.vector_load %arg12[%swap3A_244] {strides = array<i32>} : memref<1024xf32, #tpu.memory_space<vmem>>, vector<16xf32>,
      %swap3A_246 = vector.shape_cast %swap3A_245 : vector<16xf32> to vector<16xf32>
      %swap3A_247 = vector.shape_cast %broadcast_in_dim3A_243 : vector<16xf32> to vector<16xf32>
      tpu.vector_store %arg12[%swap3A_244], %swap3A_247 {strides = array<i32>} : memref<1024xf32, #tpu.memory_space<vmem>>, vector<16xf32>,
      %broadcast_in_dim3A_248 = arith.constant 1.000000e+10 : f32
      %broadcast_in_dim3A_249 = vector.broadcast %broadcast_in_dim3A_248 : f32 to vector<16xf32>
      %swap3A_250 = arith.constant 640 : index
      %swap3A_251 = tpu.vector_load %arg12[%swap3A_250] {strides = array<i32>} : memref<1024xf32, #tpu.memory_space<vmem>>, vector<16xf32>,
      %swap3A_252 = vector.shape_cast %swap3A_251 : vector<16xf32> to vector<16xf32>
      %swap3A_253 = vector.shape_cast %broadcast_in_dim3A_249 : vector<16xf32> to vector<16xf32>
      tpu.vector_store %arg12[%swap3A_250], %swap3A_253 {strides = array<i32>} : memref<1024xf32, #tpu.memory_space<vmem>>, vector<16xf32>,
      %broadcast_in_dim3A_254 = arith.constant 1.000000e+10 : f32
      %broadcast_in_dim3A_255 = vector.broadcast %broadcast_in_dim3A_254 : f32 to vector<16xf32>
      %swap3A_256 = arith.constant 656 : index
      %swap3A_257 = tpu.vector_load %arg12[%swap3A_256] {strides = array<i32>} : memref<1024xf32, #tpu.memory_space<vmem>>, vector<16xf32>,
      %swap3A_258 = vector.shape_cast %swap3A_257 : vector<16xf32> to vector<16xf32>
      %swap3A_259 = vector.shape_cast %broadcast_in_dim3A_255 : vector<16xf32> to vector<16xf32>
      tpu.vector_store %arg12[%swap3A_256], %swap3A_259 {strides = array<i32>} : memref<1024xf32, #tpu.memory_space<vmem>>, vector<16xf32>,
      %broadcast_in_dim3A_260 = arith.constant 1.000000e+10 : f32
      %broadcast_in_dim3A_261 = vector.broadcast %broadcast_in_dim3A_260 : f32 to vector<16xf32>
      %swap3A_262 = arith.constant 672 : index
      %swap3A_263 = tpu.vector_load %arg12[%swap3A_262] {strides = array<i32>} : memref<1024xf32, #tpu.memory_space<vmem>>, vector<16xf32>,
      %swap3A_264 = vector.shape_cast %swap3A_263 : vector<16xf32> to vector<16xf32>
      %swap3A_265 = vector.shape_cast %broadcast_in_dim3A_261 : vector<16xf32> to vector<16xf32>
      tpu.vector_store %arg12[%swap3A_262], %swap3A_265 {strides = array<i32>} : memref<1024xf32, #tpu.memory_space<vmem>>, vector<16xf32>,
      %broadcast_in_dim3A_266 = arith.constant 1.000000e+10 : f32
      %broadcast_in_dim3A_267 = vector.broadcast %broadcast_in_dim3A_266 : f32 to vector<16xf32>
      %swap3A_268 = arith.constant 688 : index
      %swap3A_269 = tpu.vector_load %arg12[%swap3A_268] {strides = array<i32>} : memref<1024xf32, #tpu.memory_space<vmem>>, vector<16xf32>,
      %swap3A_270 = vector.shape_cast %swap3A_269 : vector<16xf32> to vector<16xf32>
      %swap3A_271 = vector.shape_cast %broadcast_in_dim3A_267 : vector<16xf32> to vector<16xf32>
      tpu.vector_store %arg12[%swap3A_268], %swap3A_271 {strides = array<i32>} : memref<1024xf32, #tpu.memory_space<vmem>>, vector<16xf32>,
      %broadcast_in_dim3A_272 = arith.constant 1.000000e+10 : f32
      %broadcast_in_dim3A_273 = vector.broadcast %broadcast_in_dim3A_272 : f32 to vector<16xf32>
      %swap3A_274 = arith.constant 704 : index
      %swap3A_275 = tpu.vector_load %arg12[%swap3A_274] {strides = array<i32>} : memref<1024xf32, #tpu.memory_space<vmem>>, vector<16xf32>,
      %swap3A_276 = vector.shape_cast %swap3A_275 : vector<16xf32> to vector<16xf32>
      %swap3A_277 = vector.shape_cast %broadcast_in_dim3A_273 : vector<16xf32> to vector<16xf32>
      tpu.vector_store %arg12[%swap3A_274], %swap3A_277 {strides = array<i32>} : memref<1024xf32, #tpu.memory_space<vmem>>, vector<16xf32>,
      %broadcast_in_dim3A_278 = arith.constant 1.000000e+10 : f32
      %broadcast_in_dim3A_279 = vector.broadcast %broadcast_in_dim3A_278 : f32 to vector<16xf32>
      %swap3A_280 = arith.constant 720 : index
      %swap3A_281 = tpu.vector_load %arg12[%swap3A_280] {strides = array<i32>} : memref<1024xf32, #tpu.memory_space<vmem>>, vector<16xf32>,
      %swap3A_282 = vector.shape_cast %swap3A_281 : vector<16xf32> to vector<16xf32>
      %swap3A_283 = vector.shape_cast %broadcast_in_dim3A_279 : vector<16xf32> to vector<16xf32>
      tpu.vector_store %arg12[%swap3A_280], %swap3A_283 {strides = array<i32>} : memref<1024xf32, #tpu.memory_space<vmem>>, vector<16xf32>,
      %broadcast_in_dim3A_284 = arith.constant 1.000000e+10 : f32
      %broadcast_in_dim3A_285 = vector.broadcast %broadcast_in_dim3A_284 : f32 to vector<16xf32>
      %swap3A_286 = arith.constant 736 : index
      %swap3A_287 = tpu.vector_load %arg12[%swap3A_286] {strides = array<i32>} : memref<1024xf32, #tpu.memory_space<vmem>>, vector<16xf32>,
      %swap3A_288 = vector.shape_cast %swap3A_287 : vector<16xf32> to vector<16xf32>
      %swap3A_289 = vector.shape_cast %broadcast_in_dim3A_285 : vector<16xf32> to vector<16xf32>
      tpu.vector_store %arg12[%swap3A_286], %swap3A_289 {strides = array<i32>} : memref<1024xf32, #tpu.memory_space<vmem>>, vector<16xf32>,
      %broadcast_in_dim3A_290 = arith.constant 1.000000e+10 : f32
      %broadcast_in_dim3A_291 = vector.broadcast %broadcast_in_dim3A_290 : f32 to vector<16xf32>
      %swap3A_292 = arith.constant 752 : index
      %swap3A_293 = tpu.vector_load %arg12[%swap3A_292] {strides = array<i32>} : memref<1024xf32, #tpu.memory_space<vmem>>, vector<16xf32>,
      %swap3A_294 = vector.shape_cast %swap3A_293 : vector<16xf32> to vector<16xf32>
      %swap3A_295 = vector.shape_cast %broadcast_in_dim3A_291 : vector<16xf32> to vector<16xf32>
      tpu.vector_store %arg12[%swap3A_292], %swap3A_295 {strides = array<i32>} : memref<1024xf32, #tpu.memory_space<vmem>>, vector<16xf32>,
      %broadcast_in_dim3A_296 = arith.constant 1.000000e+10 : f32
      %broadcast_in_dim3A_297 = vector.broadcast %broadcast_in_dim3A_296 : f32 to vector<16xf32>
      %swap3A_298 = arith.constant 768 : index
      %swap3A_299 = tpu.vector_load %arg12[%swap3A_298] {strides = array<i32>} : memref<1024xf32, #tpu.memory_space<vmem>>, vector<16xf32>,
      %swap3A_300 = vector.shape_cast %swap3A_299 : vector<16xf32> to vector<16xf32>
      %swap3A_301 = vector.shape_cast %broadcast_in_dim3A_297 : vector<16xf32> to vector<16xf32>
      tpu.vector_store %arg12[%swap3A_298], %swap3A_301 {strides = array<i32>} : memref<1024xf32, #tpu.memory_space<vmem>>, vector<16xf32>,
      %broadcast_in_dim3A_302 = arith.constant 1.000000e+10 : f32
      %broadcast_in_dim3A_303 = vector.broadcast %broadcast_in_dim3A_302 : f32 to vector<16xf32>
      %swap3A_304 = arith.constant 784 : index
      %swap3A_305 = tpu.vector_load %arg12[%swap3A_304] {strides = array<i32>} : memref<1024xf32, #tpu.memory_space<vmem>>, vector<16xf32>,
      %swap3A_306 = vector.shape_cast %swap3A_305 : vector<16xf32> to vector<16xf32>
      %swap3A_307 = vector.shape_cast %broadcast_in_dim3A_303 : vector<16xf32> to vector<16xf32>
      tpu.vector_store %arg12[%swap3A_304], %swap3A_307 {strides = array<i32>} : memref<1024xf32, #tpu.memory_space<vmem>>, vector<16xf32>,
      %broadcast_in_dim3A_308 = arith.constant 1.000000e+10 : f32
      %broadcast_in_dim3A_309 = vector.broadcast %broadcast_in_dim3A_308 : f32 to vector<16xf32>
      %swap3A_310 = arith.constant 800 : index
      %swap3A_311 = tpu.vector_load %arg12[%swap3A_310] {strides = array<i32>} : memref<1024xf32, #tpu.memory_space<vmem>>, vector<16xf32>,
      %swap3A_312 = vector.shape_cast %swap3A_311 : vector<16xf32> to vector<16xf32>
      %swap3A_313 = vector.shape_cast %broadcast_in_dim3A_309 : vector<16xf32> to vector<16xf32>
      tpu.vector_store %arg12[%swap3A_310], %swap3A_313 {strides = array<i32>} : memref<1024xf32, #tpu.memory_space<vmem>>, vector<16xf32>,
      %broadcast_in_dim3A_314 = arith.constant 1.000000e+10 : f32
      %broadcast_in_dim3A_315 = vector.broadcast %broadcast_in_dim3A_314 : f32 to vector<16xf32>
      %swap3A_316 = arith.constant 816 : index
      %swap3A_317 = tpu.vector_load %arg12[%swap3A_316] {strides = array<i32>} : memref<1024xf32, #tpu.memory_space<vmem>>, vector<16xf32>,
      %swap3A_318 = vector.shape_cast %swap3A_317 : vector<16xf32> to vector<16xf32>
      %swap3A_319 = vector.shape_cast %broadcast_in_dim3A_315 : vector<16xf32> to vector<16xf32>
      tpu.vector_store %arg12[%swap3A_316], %swap3A_319 {strides = array<i32>} : memref<1024xf32, #tpu.memory_space<vmem>>, vector<16xf32>,
      %broadcast_in_dim3A_320 = arith.constant 1.000000e+10 : f32
      %broadcast_in_dim3A_321 = vector.broadcast %broadcast_in_dim3A_320 : f32 to vector<16xf32>
      %swap3A_322 = arith.constant 832 : index
      %swap3A_323 = tpu.vector_load %arg12[%swap3A_322] {strides = array<i32>} : memref<1024xf32, #tpu.memory_space<vmem>>, vector<16xf32>,
      %swap3A_324 = vector.shape_cast %swap3A_323 : vector<16xf32> to vector<16xf32>
      %swap3A_325 = vector.shape_cast %broadcast_in_dim3A_321 : vector<16xf32> to vector<16xf32>
      tpu.vector_store %arg12[%swap3A_322], %swap3A_325 {strides = array<i32>} : memref<1024xf32, #tpu.memory_space<vmem>>, vector<16xf32>,
      %broadcast_in_dim3A_326 = arith.constant 1.000000e+10 : f32
      %broadcast_in_dim3A_327 = vector.broadcast %broadcast_in_dim3A_326 : f32 to vector<16xf32>
      %swap3A_328 = arith.constant 848 : index
      %swap3A_329 = tpu.vector_load %arg12[%swap3A_328] {strides = array<i32>} : memref<1024xf32, #tpu.memory_space<vmem>>, vector<16xf32>,
      %swap3A_330 = vector.shape_cast %swap3A_329 : vector<16xf32> to vector<16xf32>
      %swap3A_331 = vector.shape_cast %broadcast_in_dim3A_327 : vector<16xf32> to vector<16xf32>
      tpu.vector_store %arg12[%swap3A_328], %swap3A_331 {strides = array<i32>} : memref<1024xf32, #tpu.memory_space<vmem>>, vector<16xf32>,
      %broadcast_in_dim3A_332 = arith.constant 1.000000e+10 : f32
      %broadcast_in_dim3A_333 = vector.broadcast %broadcast_in_dim3A_332 : f32 to vector<16xf32>
      %swap3A_334 = arith.constant 864 : index
      %swap3A_335 = tpu.vector_load %arg12[%swap3A_334] {strides = array<i32>} : memref<1024xf32, #tpu.memory_space<vmem>>, vector<16xf32>,
      %swap3A_336 = vector.shape_cast %swap3A_335 : vector<16xf32> to vector<16xf32>
      %swap3A_337 = vector.shape_cast %broadcast_in_dim3A_333 : vector<16xf32> to vector<16xf32>
      tpu.vector_store %arg12[%swap3A_334], %swap3A_337 {strides = array<i32>} : memref<1024xf32, #tpu.memory_space<vmem>>, vector<16xf32>,
      %broadcast_in_dim3A_338 = arith.constant 1.000000e+10 : f32
      %broadcast_in_dim3A_339 = vector.broadcast %broadcast_in_dim3A_338 : f32 to vector<16xf32>
      %swap3A_340 = arith.constant 880 : index
      %swap3A_341 = tpu.vector_load %arg12[%swap3A_340] {strides = array<i32>} : memref<1024xf32, #tpu.memory_space<vmem>>, vector<16xf32>,
      %swap3A_342 = vector.shape_cast %swap3A_341 : vector<16xf32> to vector<16xf32>
      %swap3A_343 = vector.shape_cast %broadcast_in_dim3A_339 : vector<16xf32> to vector<16xf32>
      tpu.vector_store %arg12[%swap3A_340], %swap3A_343 {strides = array<i32>} : memref<1024xf32, #tpu.memory_space<vmem>>, vector<16xf32>,
      %broadcast_in_dim3A_344 = arith.constant 1.000000e+10 : f32
      %broadcast_in_dim3A_345 = vector.broadcast %broadcast_in_dim3A_344 : f32 to vector<16xf32>
      %swap3A_346 = arith.constant 896 : index
      %swap3A_347 = tpu.vector_load %arg12[%swap3A_346] {strides = array<i32>} : memref<1024xf32, #tpu.memory_space<vmem>>, vector<16xf32>,
      %swap3A_348 = vector.shape_cast %swap3A_347 : vector<16xf32> to vector<16xf32>
      %swap3A_349 = vector.shape_cast %broadcast_in_dim3A_345 : vector<16xf32> to vector<16xf32>
      tpu.vector_store %arg12[%swap3A_346], %swap3A_349 {strides = array<i32>} : memref<1024xf32, #tpu.memory_space<vmem>>, vector<16xf32>,
      %broadcast_in_dim3A_350 = arith.constant 1.000000e+10 : f32
      %broadcast_in_dim3A_351 = vector.broadcast %broadcast_in_dim3A_350 : f32 to vector<16xf32>
      %swap3A_352 = arith.constant 912 : index
      %swap3A_353 = tpu.vector_load %arg12[%swap3A_352] {strides = array<i32>} : memref<1024xf32, #tpu.memory_space<vmem>>, vector<16xf32>,
      %swap3A_354 = vector.shape_cast %swap3A_353 : vector<16xf32> to vector<16xf32>
      %swap3A_355 = vector.shape_cast %broadcast_in_dim3A_351 : vector<16xf32> to vector<16xf32>
      tpu.vector_store %arg12[%swap3A_352], %swap3A_355 {strides = array<i32>} : memref<1024xf32, #tpu.memory_space<vmem>>, vector<16xf32>,
      %broadcast_in_dim3A_356 = arith.constant 1.000000e+10 : f32
      %broadcast_in_dim3A_357 = vector.broadcast %broadcast_in_dim3A_356 : f32 to vector<16xf32>
      %swap3A_358 = arith.constant 928 : index
      %swap3A_359 = tpu.vector_load %arg12[%swap3A_358] {strides = array<i32>} : memref<1024xf32, #tpu.memory_space<vmem>>, vector<16xf32>,
      %swap3A_360 = vector.shape_cast %swap3A_359 : vector<16xf32> to vector<16xf32>
      %swap3A_361 = vector.shape_cast %broadcast_in_dim3A_357 : vector<16xf32> to vector<16xf32>
      tpu.vector_store %arg12[%swap3A_358], %swap3A_361 {strides = array<i32>} : memref<1024xf32, #tpu.memory_space<vmem>>, vector<16xf32>,
      %broadcast_in_dim3A_362 = arith.constant 1.000000e+10 : f32
      %broadcast_in_dim3A_363 = vector.broadcast %broadcast_in_dim3A_362 : f32 to vector<16xf32>
      %swap3A_364 = arith.constant 944 : index
      %swap3A_365 = tpu.vector_load %arg12[%swap3A_364] {strides = array<i32>} : memref<1024xf32, #tpu.memory_space<vmem>>, vector<16xf32>,
      %swap3A_366 = vector.shape_cast %swap3A_365 : vector<16xf32> to vector<16xf32>
      %swap3A_367 = vector.shape_cast %broadcast_in_dim3A_363 : vector<16xf32> to vector<16xf32>
      tpu.vector_store %arg12[%swap3A_364], %swap3A_367 {strides = array<i32>} : memref<1024xf32, #tpu.memory_space<vmem>>, vector<16xf32>,
      %broadcast_in_dim3A_368 = arith.constant 1.000000e+10 : f32
      %broadcast_in_dim3A_369 = vector.broadcast %broadcast_in_dim3A_368 : f32 to vector<16xf32>
      %swap3A_370 = arith.constant 960 : index
      %swap3A_371 = tpu.vector_load %arg12[%swap3A_370] {strides = array<i32>} : memref<1024xf32, #tpu.memory_space<vmem>>, vector<16xf32>,
      %swap3A_372 = vector.shape_cast %swap3A_371 : vector<16xf32> to vector<16xf32>
      %swap3A_373 = vector.shape_cast %broadcast_in_dim3A_369 : vector<16xf32> to vector<16xf32>
      tpu.vector_store %arg12[%swap3A_370], %swap3A_373 {strides = array<i32>} : memref<1024xf32, #tpu.memory_space<vmem>>, vector<16xf32>,
      %broadcast_in_dim3A_374 = arith.constant 1.000000e+10 : f32
      %broadcast_in_dim3A_375 = vector.broadcast %broadcast_in_dim3A_374 : f32 to vector<16xf32>
      %swap3A_376 = arith.constant 976 : index
      %swap3A_377 = tpu.vector_load %arg12[%swap3A_376] {strides = array<i32>} : memref<1024xf32, #tpu.memory_space<vmem>>, vector<16xf32>,
      %swap3A_378 = vector.shape_cast %swap3A_377 : vector<16xf32> to vector<16xf32>
      %swap3A_379 = vector.shape_cast %broadcast_in_dim3A_375 : vector<16xf32> to vector<16xf32>
      tpu.vector_store %arg12[%swap3A_376], %swap3A_379 {strides = array<i32>} : memref<1024xf32, #tpu.memory_space<vmem>>, vector<16xf32>,
      %broadcast_in_dim3A_380 = arith.constant 1.000000e+10 : f32
      %broadcast_in_dim3A_381 = vector.broadcast %broadcast_in_dim3A_380 : f32 to vector<16xf32>
      %swap3A_382 = arith.constant 992 : index
      %swap3A_383 = tpu.vector_load %arg12[%swap3A_382] {strides = array<i32>} : memref<1024xf32, #tpu.memory_space<vmem>>, vector<16xf32>,
      %swap3A_384 = vector.shape_cast %swap3A_383 : vector<16xf32> to vector<16xf32>
      %swap3A_385 = vector.shape_cast %broadcast_in_dim3A_381 : vector<16xf32> to vector<16xf32>
      tpu.vector_store %arg12[%swap3A_382], %swap3A_385 {strides = array<i32>} : memref<1024xf32, #tpu.memory_space<vmem>>, vector<16xf32>,
      %broadcast_in_dim3A_386 = arith.constant 1.000000e+10 : f32
      %broadcast_in_dim3A_387 = vector.broadcast %broadcast_in_dim3A_386 : f32 to vector<16xf32>
      %swap3A_388 = arith.constant 1008 : index
      %swap3A_389 = tpu.vector_load %arg12[%swap3A_388] {strides = array<i32>} : memref<1024xf32, #tpu.memory_space<vmem>>, vector<16xf32>,
      %swap3A_390 = vector.shape_cast %swap3A_389 : vector<16xf32> to vector<16xf32>
      %swap3A_391 = vector.shape_cast %broadcast_in_dim3A_387 : vector<16xf32> to vector<16xf32>
      tpu.vector_store %arg12[%swap3A_388], %swap3A_391 {strides = array<i32>} : memref<1024xf32, #tpu.memory_space<vmem>>, vector<16xf32>,
      %eq3A = arith.constant 0 : i32
      %eq3A_392 = vector.broadcast %eq3A : i32 to vector<16xi32>
      %eq3A_393 = arith.cmpi eq, %iota3A, %eq3A_392 : vector<16xi32>
      %get3A = arith.constant 0 : index
      %get3A_394 = tpu.vector_load %arg9[%get3A] {strides = array<i32>} : memref<1024xf32, #tpu.memory_space<vmem>>, vector<16xf32>,
      %get3A_395 = vector.shape_cast %get3A_394 : vector<16xf32> to vector<16xf32>
      %jit3A = arith.constant 1.000000e+30 : f32
      %broadcast_in_dim3A_396 = vector.broadcast %jit3A : f32 to vector<16xf32>
      %select_n3A = arith.select %eq3A_393, %get3A_395, %broadcast_in_dim3A_396 : vector<16xi1>, vector<16xf32>
      %xor3A = arith.constant 8 : i32
      %xor3A_397 = vector.broadcast %xor3A : i32 to vector<16xi32>
      %xor3A_398 = arith.xori %iota3A, %xor3A_397 : vector<16xi32>
      %lt3A_399 = arith.constant 0 : i32
      %lt3A_400 = vector.broadcast %lt3A_399 : i32 to vector<16xi32>
      %lt3A_401 = arith.cmpi slt, %xor3A_398, %lt3A_400 : vector<16xi32>
      %add3A_402 = arith.constant 16 : i32
      %add3A_403 = vector.broadcast %add3A_402 : i32 to vector<16xi32>
      %add3A_404 = arith.addi %xor3A_398, %add3A_403 : vector<16xi32>
      %select_n3A_405 = arith.select %lt3A_401, %add3A_404, %xor3A_398 : vector<16xi1>, vector<16xi32>
      %broadcast_in_dim3A_406 = vector.shape_cast %select_n3A_405 : vector<16xi32> to vector<16x1xi32>
      %gather3A = vector.shape_cast %broadcast_in_dim3A_406 : vector<16x1xi32> to vector<16xi32>
      %gather3A_407 = tpu.dynamic_gather %select_n3A[%gather3A] in [0] : vector<16xf32>, vector<16xi32> -> vector<16xf32>
      %min3A = arith.minimumf %select_n3A, %gather3A_407 : vector<16xf32>
      %xor3A_408 = arith.constant 4 : i32
      %xor3A_409 = vector.broadcast %xor3A_408 : i32 to vector<16xi32>
      %xor3A_410 = arith.xori %iota3A, %xor3A_409 : vector<16xi32>
      %lt3A_411 = arith.constant 0 : i32
      %lt3A_412 = vector.broadcast %lt3A_411 : i32 to vector<16xi32>
      %lt3A_413 = arith.cmpi slt, %xor3A_410, %lt3A_412 : vector<16xi32>
      %add3A_414 = arith.constant 16 : i32
      %add3A_415 = vector.broadcast %add3A_414 : i32 to vector<16xi32>
      %add3A_416 = arith.addi %xor3A_410, %add3A_415 : vector<16xi32>
      %select_n3A_417 = arith.select %lt3A_413, %add3A_416, %xor3A_410 : vector<16xi1>, vector<16xi32>
      %broadcast_in_dim3A_418 = vector.shape_cast %select_n3A_417 : vector<16xi32> to vector<16x1xi32>
      %gather3A_419 = vector.shape_cast %broadcast_in_dim3A_418 : vector<16x1xi32> to vector<16xi32>
      %gather3A_420 = tpu.dynamic_gather %min3A[%gather3A_419] in [0] : vector<16xf32>, vector<16xi32> -> vector<16xf32>
      %min3A_421 = arith.minimumf %min3A, %gather3A_420 : vector<16xf32>
      %xor3A_422 = arith.constant 2 : i32
      %xor3A_423 = vector.broadcast %xor3A_422 : i32 to vector<16xi32>
      %xor3A_424 = arith.xori %iota3A, %xor3A_423 : vector<16xi32>
      %lt3A_425 = arith.constant 0 : i32
      %lt3A_426 = vector.broadcast %lt3A_425 : i32 to vector<16xi32>
      %lt3A_427 = arith.cmpi slt, %xor3A_424, %lt3A_426 : vector<16xi32>
      %add3A_428 = arith.constant 16 : i32
      %add3A_429 = vector.broadcast %add3A_428 : i32 to vector<16xi32>
      %add3A_430 = arith.addi %xor3A_424, %add3A_429 : vector<16xi32>
      %select_n3A_431 = arith.select %lt3A_427, %add3A_430, %xor3A_424 : vector<16xi1>, vector<16xi32>
      %broadcast_in_dim3A_432 = vector.shape_cast %select_n3A_431 : vector<16xi32> to vector<16x1xi32>
      %gather3A_433 = vector.shape_cast %broadcast_in_dim3A_432 : vector<16x1xi32> to vector<16xi32>
      %gather3A_434 = tpu.dynamic_gather %min3A_421[%gather3A_433] in [0] : vector<16xf32>, vector<16xi32> -> vector<16xf32>
      %min3A_435 = arith.minimumf %min3A_421, %gather3A_434 : vector<16xf32>
      %xor3A_436 = arith.constant 1 : i32
      %xor3A_437 = vector.broadcast %xor3A_436 : i32 to vector<16xi32>
      %xor3A_438 = arith.xori %iota3A, %xor3A_437 : vector<16xi32>
      %lt3A_439 = arith.constant 0 : i32
      %lt3A_440 = vector.broadcast %lt3A_439 : i32 to vector<16xi32>
      %lt3A_441 = arith.cmpi slt, %xor3A_438, %lt3A_440 : vector<16xi32>
      %add3A_442 = arith.constant 16 : i32
      %add3A_443 = vector.broadcast %add3A_442 : i32 to vector<16xi32>
      %add3A_444 = arith.addi %xor3A_438, %add3A_443 : vector<16xi32>
      %select_n3A_445 = arith.select %lt3A_441, %add3A_444, %xor3A_438 : vector<16xi1>, vector<16xi32>
      %broadcast_in_dim3A_446 = vector.shape_cast %select_n3A_445 : vector<16xi32> to vector<16x1xi32>
      %gather3A_447 = vector.shape_cast %broadcast_in_dim3A_446 : vector<16x1xi32> to vector<16xi32>
      %gather3A_448 = tpu.dynamic_gather %min3A_435[%gather3A_447] in [0] : vector<16xf32>, vector<16xi32> -> vector<16xf32>
      %min3A_449 = arith.minimumf %min3A_435, %gather3A_448 : vector<16xf32>
      %eq3A_450 = arith.constant 0 : i32
      %eq3A_451 = vector.broadcast %eq3A_450 : i32 to vector<16xi32>
      %eq3A_452 = arith.cmpi eq, %iota3A, %eq3A_451 : vector<16xi32>
      %get3A_453 = arith.constant 0 : index
      %get3A_454 = tpu.vector_load %arg10[%get3A_453] {strides = array<i32>} : memref<1024xf32, #tpu.memory_space<vmem>>, vector<16xf32>,
      %get3A_455 = vector.shape_cast %get3A_454 : vector<16xf32> to vector<16xf32>
      %jit3A_456 = arith.constant 1.000000e+30 : f32
      %broadcast_in_dim3A_457 = vector.broadcast %jit3A_456 : f32 to vector<16xf32>
      %select_n3A_458 = arith.select %eq3A_452, %get3A_455, %broadcast_in_dim3A_457 : vector<16xi1>, vector<16xf32>
      %xor3A_459 = arith.constant 8 : i32
      %xor3A_460 = vector.broadcast %xor3A_459 : i32 to vector<16xi32>
      %xor3A_461 = arith.xori %iota3A, %xor3A_460 : vector<16xi32>
      %lt3A_462 = arith.constant 0 : i32
      %lt3A_463 = vector.broadcast %lt3A_462 : i32 to vector<16xi32>
      %lt3A_464 = arith.cmpi slt, %xor3A_461, %lt3A_463 : vector<16xi32>
      %add3A_465 = arith.constant 16 : i32
      %add3A_466 = vector.broadcast %add3A_465 : i32 to vector<16xi32>
      %add3A_467 = arith.addi %xor3A_461, %add3A_466 : vector<16xi32>
      %select_n3A_468 = arith.select %lt3A_464, %add3A_467, %xor3A_461 : vector<16xi1>, vector<16xi32>
      %broadcast_in_dim3A_469 = vector.shape_cast %select_n3A_468 : vector<16xi32> to vector<16x1xi32>
      %gather3A_470 = vector.shape_cast %broadcast_in_dim3A_469 : vector<16x1xi32> to vector<16xi32>
      %gather3A_471 = tpu.dynamic_gather %select_n3A_458[%gather3A_470] in [0] : vector<16xf32>, vector<16xi32> -> vector<16xf32>
      %min3A_472 = arith.minimumf %select_n3A_458, %gather3A_471 : vector<16xf32>
      %xor3A_473 = arith.constant 4 : i32
      %xor3A_474 = vector.broadcast %xor3A_473 : i32 to vector<16xi32>
      %xor3A_475 = arith.xori %iota3A, %xor3A_474 : vector<16xi32>
      %lt3A_476 = arith.constant 0 : i32
      %lt3A_477 = vector.broadcast %lt3A_476 : i32 to vector<16xi32>
      %lt3A_478 = arith.cmpi slt, %xor3A_475, %lt3A_477 : vector<16xi32>
      %add3A_479 = arith.constant 16 : i32
      %add3A_480 = vector.broadcast %add3A_479 : i32 to vector<16xi32>
      %add3A_481 = arith.addi %xor3A_475, %add3A_480 : vector<16xi32>
      %select_n3A_482 = arith.select %lt3A_478, %add3A_481, %xor3A_475 : vector<16xi1>, vector<16xi32>
      %broadcast_in_dim3A_483 = vector.shape_cast %select_n3A_482 : vector<16xi32> to vector<16x1xi32>
      %gather3A_484 = vector.shape_cast %broadcast_in_dim3A_483 : vector<16x1xi32> to vector<16xi32>
      %gather3A_485 = tpu.dynamic_gather %min3A_472[%gather3A_484] in [0] : vector<16xf32>, vector<16xi32> -> vector<16xf32>
      %min3A_486 = arith.minimumf %min3A_472, %gather3A_485 : vector<16xf32>
      %xor3A_487 = arith.constant 2 : i32
      %xor3A_488 = vector.broadcast %xor3A_487 : i32 to vector<16xi32>
      %xor3A_489 = arith.xori %iota3A, %xor3A_488 : vector<16xi32>
      %lt3A_490 = arith.constant 0 : i32
      %lt3A_491 = vector.broadcast %lt3A_490 : i32 to vector<16xi32>
      %lt3A_492 = arith.cmpi slt, %xor3A_489, %lt3A_491 : vector<16xi32>
      %add3A_493 = arith.constant 16 : i32
      %add3A_494 = vector.broadcast %add3A_493 : i32 to vector<16xi32>
      %add3A_495 = arith.addi %xor3A_489, %add3A_494 : vector<16xi32>
      %select_n3A_496 = arith.select %lt3A_492, %add3A_495, %xor3A_489 : vector<16xi1>, vector<16xi32>
      %broadcast_in_dim3A_497 = vector.shape_cast %select_n3A_496 : vector<16xi32> to vector<16x1xi32>
      %gather3A_498 = vector.shape_cast %broadcast_in_dim3A_497 : vector<16x1xi32> to vector<16xi32>
      %gather3A_499 = tpu.dynamic_gather %min3A_486[%gather3A_498] in [0] : vector<16xf32>, vector<16xi32> -> vector<16xf32>
      %min3A_500 = arith.minimumf %min3A_486, %gather3A_499 : vector<16xf32>
      %xor3A_501 = arith.constant 1 : i32
      %xor3A_502 = vector.broadcast %xor3A_501 : i32 to vector<16xi32>
      %xor3A_503 = arith.xori %iota3A, %xor3A_502 : vector<16xi32>
      %lt3A_504 = arith.constant 0 : i32
      %lt3A_505 = vector.broadcast %lt3A_504 : i32 to vector<16xi32>
      %lt3A_506 = arith.cmpi slt, %xor3A_503, %lt3A_505 : vector<16xi32>
      %add3A_507 = arith.constant 16 : i32
      %add3A_508 = vector.broadcast %add3A_507 : i32 to vector<16xi32>
      %add3A_509 = arith.addi %xor3A_503, %add3A_508 : vector<16xi32>
      %select_n3A_510 = arith.select %lt3A_506, %add3A_509, %xor3A_503 : vector<16xi1>, vector<16xi32>
      %broadcast_in_dim3A_511 = vector.shape_cast %select_n3A_510 : vector<16xi32> to vector<16x1xi32>
      %gather3A_512 = vector.shape_cast %broadcast_in_dim3A_511 : vector<16x1xi32> to vector<16xi32>
      %gather3A_513 = tpu.dynamic_gather %min3A_500[%gather3A_512] in [0] : vector<16xf32>, vector<16xi32> -> vector<16xf32>
      %min3A_514 = arith.minimumf %min3A_500, %gather3A_513 : vector<16xf32>
      %eq3A_515 = arith.constant 0 : i32
      %eq3A_516 = vector.broadcast %eq3A_515 : i32 to vector<16xi32>
      %eq3A_517 = arith.cmpi eq, %iota3A, %eq3A_516 : vector<16xi32>
      %get3A_518 = arith.constant 0 : index
      %get3A_519 = tpu.vector_load %arg11[%get3A_518] {strides = array<i32>} : memref<1024xf32, #tpu.memory_space<vmem>>, vector<16xf32>,
      %get3A_520 = vector.shape_cast %get3A_519 : vector<16xf32> to vector<16xf32>
      %jit3A_521 = arith.constant 1.000000e+30 : f32
      %broadcast_in_dim3A_522 = vector.broadcast %jit3A_521 : f32 to vector<16xf32>
      %select_n3A_523 = arith.select %eq3A_517, %get3A_520, %broadcast_in_dim3A_522 : vector<16xi1>, vector<16xf32>
      %xor3A_524 = arith.constant 8 : i32
      %xor3A_525 = vector.broadcast %xor3A_524 : i32 to vector<16xi32>
      %xor3A_526 = arith.xori %iota3A, %xor3A_525 : vector<16xi32>
      %lt3A_527 = arith.constant 0 : i32
      %lt3A_528 = vector.broadcast %lt3A_527 : i32 to vector<16xi32>
      %lt3A_529 = arith.cmpi slt, %xor3A_526, %lt3A_528 : vector<16xi32>
      %add3A_530 = arith.constant 16 : i32
      %add3A_531 = vector.broadcast %add3A_530 : i32 to vector<16xi32>
      %add3A_532 = arith.addi %xor3A_526, %add3A_531 : vector<16xi32>
      %select_n3A_533 = arith.select %lt3A_529, %add3A_532, %xor3A_526 : vector<16xi1>, vector<16xi32>
      %broadcast_in_dim3A_534 = vector.shape_cast %select_n3A_533 : vector<16xi32> to vector<16x1xi32>
      %gather3A_535 = vector.shape_cast %broadcast_in_dim3A_534 : vector<16x1xi32> to vector<16xi32>
      %gather3A_536 = tpu.dynamic_gather %select_n3A_523[%gather3A_535] in [0] : vector<16xf32>, vector<16xi32> -> vector<16xf32>
      %min3A_537 = arith.minimumf %select_n3A_523, %gather3A_536 : vector<16xf32>
      %xor3A_538 = arith.constant 4 : i32
      %xor3A_539 = vector.broadcast %xor3A_538 : i32 to vector<16xi32>
      %xor3A_540 = arith.xori %iota3A, %xor3A_539 : vector<16xi32>
      %lt3A_541 = arith.constant 0 : i32
      %lt3A_542 = vector.broadcast %lt3A_541 : i32 to vector<16xi32>
      %lt3A_543 = arith.cmpi slt, %xor3A_540, %lt3A_542 : vector<16xi32>
      %add3A_544 = arith.constant 16 : i32
      %add3A_545 = vector.broadcast %add3A_544 : i32 to vector<16xi32>
      %add3A_546 = arith.addi %xor3A_540, %add3A_545 : vector<16xi32>
      %select_n3A_547 = arith.select %lt3A_543, %add3A_546, %xor3A_540 : vector<16xi1>, vector<16xi32>
      %broadcast_in_dim3A_548 = vector.shape_cast %select_n3A_547 : vector<16xi32> to vector<16x1xi32>
      %gather3A_549 = vector.shape_cast %broadcast_in_dim3A_548 : vector<16x1xi32> to vector<16xi32>
      %gather3A_550 = tpu.dynamic_gather %min3A_537[%gather3A_549] in [0] : vector<16xf32>, vector<16xi32> -> vector<16xf32>
      %min3A_551 = arith.minimumf %min3A_537, %gather3A_550 : vector<16xf32>
      %xor3A_552 = arith.constant 2 : i32
      %xor3A_553 = vector.broadcast %xor3A_552 : i32 to vector<16xi32>
      %xor3A_554 = arith.xori %iota3A, %xor3A_553 : vector<16xi32>
      %lt3A_555 = arith.constant 0 : i32
      %lt3A_556 = vector.broadcast %lt3A_555 : i32 to vector<16xi32>
      %lt3A_557 = arith.cmpi slt, %xor3A_554, %lt3A_556 : vector<16xi32>
      %add3A_558 = arith.constant 16 : i32
      %add3A_559 = vector.broadcast %add3A_558 : i32 to vector<16xi32>
      %add3A_560 = arith.addi %xor3A_554, %add3A_559 : vector<16xi32>
      %select_n3A_561 = arith.select %lt3A_557, %add3A_560, %xor3A_554 : vector<16xi1>, vector<16xi32>
      %broadcast_in_dim3A_562 = vector.shape_cast %select_n3A_561 : vector<16xi32> to vector<16x1xi32>
      %gather3A_563 = vector.shape_cast %broadcast_in_dim3A_562 : vector<16x1xi32> to vector<16xi32>
      %gather3A_564 = tpu.dynamic_gather %min3A_551[%gather3A_563] in [0] : vector<16xf32>, vector<16xi32> -> vector<16xf32>
      %min3A_565 = arith.minimumf %min3A_551, %gather3A_564 : vector<16xf32>
      %xor3A_566 = arith.constant 1 : i32
      %xor3A_567 = vector.broadcast %xor3A_566 : i32 to vector<16xi32>
      %xor3A_568 = arith.xori %iota3A, %xor3A_567 : vector<16xi32>
      %lt3A_569 = arith.constant 0 : i32
      %lt3A_570 = vector.broadcast %lt3A_569 : i32 to vector<16xi32>
      %lt3A_571 = arith.cmpi slt, %xor3A_568, %lt3A_570 : vector<16xi32>
      %add3A_572 = arith.constant 16 : i32
      %add3A_573 = vector.broadcast %add3A_572 : i32 to vector<16xi32>
      %add3A_574 = arith.addi %xor3A_568, %add3A_573 : vector<16xi32>
      %select_n3A_575 = arith.select %lt3A_571, %add3A_574, %xor3A_568 : vector<16xi1>, vector<16xi32>
      %broadcast_in_dim3A_576 = vector.shape_cast %select_n3A_575 : vector<16xi32> to vector<16x1xi32>
      %gather3A_577 = vector.shape_cast %broadcast_in_dim3A_576 : vector<16x1xi32> to vector<16xi32>
      %gather3A_578 = tpu.dynamic_gather %min3A_565[%gather3A_577] in [0] : vector<16xf32>, vector<16xi32> -> vector<16xf32>
      %min3A_579 = arith.minimumf %min3A_565, %gather3A_578 : vector<16xf32>
      %broadcast_in_dim3A_580 = arith.constant 0.000000e+00 : f32
      %broadcast_in_dim3A_581 = vector.broadcast %broadcast_in_dim3A_580 : f32 to vector<16xf32>
      %scan3A = arith.constant 1.000000e+30 : f32
      %scan3A_582 = arith.constant 0 : i32
      %scan3A_583 = arith.constant 512 : i32
      %scan3A_584 = arith.addi %scan3A_582, %scan3A_583 : i32
      %scan3A_585 = arith.constant 1 : i32
      %scan3A_586:8 = scf.for %scan3A_596 = %scan3A_582 to %scan3A_584 step %scan3A_585 iter_args(%scan3A_597 = %min3A_449, %scan3A_598 = %min3A_514, %scan3A_599 = %min3A_579, %scan3A_600 = %broadcast_in_dim3A_581, %scan3A_601 = %broadcast_in_dim3A_581, %scan3A_602 = %broadcast_in_dim3A_581, %scan3A_603 = %broadcast_in_dim3A_581, %scan3A_604 = %broadcast_in_dim3A_581) -> (vector<16xf32>, vector<16xf32>, vector<16xf32>, vector<16xf32>, vector<16xf32>, vector<16xf32>, vector<16xf32>, vector<16xf32>)  : i32 {
        %jit3A_605 = arith.constant 16 : i32
        %eq3A_606 = arith.constant 0 : i32
        %eq3A_607 = arith.cmpi eq, %jit3A_605, %eq3A_606 : i32
        %jit3A_608 = arith.constant 1 : i32
        %select_n3A_609 = arith.select %eq3A_607, %jit3A_608, %jit3A_605 : i32
        %rem3A = arith.remsi %scan3A_596, %select_n3A_609 : i32
        %ne3A = arith.constant 0 : i32
        %ne3A_610 = arith.cmpi ne, %rem3A, %ne3A : i32
        %lt3A_611 = arith.constant 0 : i32
        %lt3A_612 = arith.cmpi slt, %rem3A, %lt3A_611 : i32
        %lt3A_613 = arith.constant 0 : i32
        %lt3A_614 = arith.cmpi slt, %select_n3A_609, %lt3A_613 : i32
        %ne3A_615 = arith.xori %lt3A_612, %lt3A_614 : i1
        %and3A = arith.andi %ne3A_615, %ne3A_610 : i1
        %add3A_616 = arith.addi %rem3A, %select_n3A_609 : i32
        %select_n3A_617 = arith.select %and3A, %add3A_616, %rem3A : i32
        %eq3A_618 = vector.broadcast %select_n3A_617 : i32 to vector<16xi32>
        %eq3A_619 = arith.cmpi eq, %iota3A, %eq3A_618 : vector<16xi32>
        %select_n3A_620 = arith.select %eq3A_619, %scan3A_600, %scan3A_601 : vector<16xi1>, vector<16xf32>
        %select_n3A_621 = arith.select %eq3A_619, %scan3A_597, %scan3A_602 : vector<16xi1>, vector<16xf32>
        %select_n3A_622 = arith.select %eq3A_619, %scan3A_598, %scan3A_603 : vector<16xi1>, vector<16xf32>
        %select_n3A_623 = arith.select %eq3A_619, %scan3A_599, %scan3A_604 : vector<16xi1>, vector<16xf32>
        %jit3A_624 = arith.constant 16 : i32
        %eq3A_625 = arith.constant 0 : i32
        %eq3A_626 = arith.cmpi eq, %jit3A_624, %eq3A_625 : i32
        %jit3A_627 = arith.constant 1 : i32
        %select_n3A_628 = arith.select %eq3A_626, %jit3A_627, %jit3A_624 : i32
        %rem3A_629 = arith.remsi %scan3A_596, %select_n3A_628 : i32
        %ne3A_630 = arith.constant 0 : i32
        %ne3A_631 = arith.cmpi ne, %rem3A_629, %ne3A_630 : i32
        %lt3A_632 = arith.constant 0 : i32
        %lt3A_633 = arith.cmpi slt, %rem3A_629, %lt3A_632 : i32
        %lt3A_634 = arith.constant 0 : i32
        %lt3A_635 = arith.cmpi slt, %select_n3A_628, %lt3A_634 : i32
        %ne3A_636 = arith.xori %lt3A_633, %lt3A_635 : i1
        %and3A_637 = arith.andi %ne3A_636, %ne3A_631 : i1
        %add3A_638 = arith.addi %rem3A_629, %select_n3A_628 : i32
        %select_n3A_639 = arith.select %and3A_637, %add3A_638, %rem3A_629 : i32
        %eq3A_640 = arith.constant 15 : i32
        %eq3A_641 = arith.cmpi eq, %select_n3A_639, %eq3A_640 : i32
        %convert_element_type3A_642 = arith.extui %eq3A_641 : i1 to i32
        %cond3A_643 = arith.constant 0 : i32
        %cond3A_644 = arith.cmpi ne, %convert_element_type3A_642, %cond3A_643 : i32
        scf.if %cond3A_644 {
          %sub3A_3119 = arith.constant 15 : i32
          %sub3A_3120 = arith.subi %scan3A_596, %sub3A_3119 : i32
          %swap3A_3121 = arith.index_cast %sub3A_3120 : i32 to index
          %swap3A_3122 = tpu.vector_load %arg13[%swap3A_3121] {strides = array<i32>} : memref<512xf32, #tpu.memory_space<vmem>>, vector<16xf32>,
          %swap3A_3123 = vector.shape_cast %swap3A_3122 : vector<16xf32> to vector<16xf32>
          %swap3A_3124 = vector.shape_cast %select_n3A_620 : vector<16xf32> to vector<16xf32>
          tpu.vector_store %arg13[%swap3A_3121], %swap3A_3124 {strides = array<i32>} : memref<512xf32, #tpu.memory_space<vmem>>, vector<16xf32>,
          %swap3A_3125 = arith.index_cast %sub3A_3120 : i32 to index
          %swap3A_3126 = tpu.vector_load %arg14[%swap3A_3125] {strides = array<i32>} : memref<512xf32, #tpu.memory_space<vmem>>, vector<16xf32>,
          %swap3A_3127 = vector.shape_cast %swap3A_3126 : vector<16xf32> to vector<16xf32>
          %swap3A_3128 = vector.shape_cast %select_n3A_621 : vector<16xf32> to vector<16xf32>
          tpu.vector_store %arg14[%swap3A_3125], %swap3A_3128 {strides = array<i32>} : memref<512xf32, #tpu.memory_space<vmem>>, vector<16xf32>,
          %swap3A_3129 = arith.index_cast %sub3A_3120 : i32 to index
          %swap3A_3130 = tpu.vector_load %arg15[%swap3A_3129] {strides = array<i32>} : memref<512xf32, #tpu.memory_space<vmem>>, vector<16xf32>,
          %swap3A_3131 = vector.shape_cast %swap3A_3130 : vector<16xf32> to vector<16xf32>
          %swap3A_3132 = vector.shape_cast %select_n3A_622 : vector<16xf32> to vector<16xf32>
          tpu.vector_store %arg15[%swap3A_3129], %swap3A_3132 {strides = array<i32>} : memref<512xf32, #tpu.memory_space<vmem>>, vector<16xf32>,
          %swap3A_3133 = arith.index_cast %sub3A_3120 : i32 to index
          %swap3A_3134 = tpu.vector_load %arg16[%swap3A_3133] {strides = array<i32>} : memref<512xf32, #tpu.memory_space<vmem>>, vector<16xf32>,
          %swap3A_3135 = vector.shape_cast %swap3A_3134 : vector<16xf32> to vector<16xf32>
          %swap3A_3136 = vector.shape_cast %select_n3A_623 : vector<16xf32> to vector<16xf32>
          tpu.vector_store %arg16[%swap3A_3133], %swap3A_3136 {strides = array<i32>} : memref<512xf32, #tpu.memory_space<vmem>>, vector<16xf32>,
        } else {
        }
        %broadcast_in_dim3A_645 = arith.constant -1.000000e+00 : f32
        %broadcast_in_dim3A_646 = vector.broadcast %broadcast_in_dim3A_645 : f32 to vector<16xf32>
        %broadcast_in_dim3A_647 = arith.constant 0.000000e+00 : f32
        %broadcast_in_dim3A_648 = vector.broadcast %broadcast_in_dim3A_647 : f32 to vector<16xf32>
        %broadcast_in_dim3A_649 = arith.constant 0.000000e+00 : f32
        %broadcast_in_dim3A_650 = vector.broadcast %broadcast_in_dim3A_649 : f32 to vector<16xf32>
        %broadcast_in_dim3A_651 = arith.constant 0.000000e+00 : f32
        %broadcast_in_dim3A_652 = vector.broadcast %broadcast_in_dim3A_651 : f32 to vector<16xf32>
        %broadcast_in_dim3A_653 = arith.constant 0.000000e+00 : f32
        %broadcast_in_dim3A_654 = vector.broadcast %broadcast_in_dim3A_653 : f32 to vector<16xf32>
        %get3A_655 = arith.constant 0 : index
        %get3A_656 = tpu.vector_load %arg9[%get3A_655] {strides = array<i32>} : memref<1024xf32, #tpu.memory_space<vmem>>, vector<16xf32>,
        %get3A_657 = vector.shape_cast %get3A_656 : vector<16xf32> to vector<16xf32>
        %get3A_658 = arith.constant 0 : index
        %get3A_659 = tpu.vector_load %arg10[%get3A_658] {strides = array<i32>} : memref<1024xf32, #tpu.memory_space<vmem>>, vector<16xf32>,
        %get3A_660 = vector.shape_cast %get3A_659 : vector<16xf32> to vector<16xf32>
        %get3A_661 = arith.constant 0 : index
        %get3A_662 = tpu.vector_load %arg11[%get3A_661] {strides = array<i32>} : memref<1024xf32, #tpu.memory_space<vmem>>, vector<16xf32>,
        %get3A_663 = vector.shape_cast %get3A_662 : vector<16xf32> to vector<16xf32>
        %sub3A = arith.subf %get3A_657, %scan3A_597 : vector<16xf32>
        %sub3A_664 = arith.subf %get3A_660, %scan3A_598 : vector<16xf32>
        %sub3A_665 = arith.subf %get3A_663, %scan3A_599 : vector<16xf32>
        %mul3A_666 = arith.mulf %sub3A, %sub3A : vector<16xf32>
        %mul3A_667 = arith.mulf %sub3A_664, %sub3A_664 : vector<16xf32>
        %add3A_668 = arith.addf %mul3A_666, %mul3A_667 : vector<16xf32>
        %mul3A_669 = arith.mulf %sub3A_665, %sub3A_665 : vector<16xf32>
        %add3A_670 = arith.addf %add3A_668, %mul3A_669 : vector<16xf32>
        %get3A_671 = arith.constant 0 : index
        %get3A_672 = tpu.vector_load %arg12[%get3A_671] {strides = array<i32>} : memref<1024xf32, #tpu.memory_space<vmem>>, vector<16xf32>,
        %get3A_673 = vector.shape_cast %get3A_672 : vector<16xf32> to vector<16xf32>
        %min3A_674 = arith.minimumf %get3A_673, %add3A_670 : vector<16xf32>
        %swap3A_675 = arith.constant 0 : index
        %swap3A_676 = tpu.vector_load %arg12[%swap3A_675] {strides = array<i32>} : memref<1024xf32, #tpu.memory_space<vmem>>, vector<16xf32>,
        %swap3A_677 = vector.shape_cast %swap3A_676 : vector<16xf32> to vector<16xf32>
        %swap3A_678 = vector.shape_cast %min3A_674 : vector<16xf32> to vector<16xf32>
        tpu.vector_store %arg12[%swap3A_675], %swap3A_678 {strides = array<i32>} : memref<1024xf32, #tpu.memory_space<vmem>>, vector<16xf32>,
        %gt3A = arith.cmpf ogt, %min3A_674, %broadcast_in_dim3A_646 : vector<16xf32>
        %select_n3A_679 = arith.select %gt3A, %min3A_674, %broadcast_in_dim3A_646 : vector<16xi1>, vector<16xf32>
        %add3A_680 = arith.constant 0.000000e+00 : f32
        %add3A_681 = vector.broadcast %add3A_680 : f32 to vector<16xf32>
        %add3A_682 = arith.addf %convert_element_type3A_9, %add3A_681 : vector<16xf32>
        %select_n3A_683 = arith.select %gt3A, %add3A_682, %broadcast_in_dim3A_648 : vector<16xi1>, vector<16xf32>
        %select_n3A_684 = arith.select %gt3A, %get3A_657, %broadcast_in_dim3A_650 : vector<16xi1>, vector<16xf32>
        %select_n3A_685 = arith.select %gt3A, %get3A_660, %broadcast_in_dim3A_652 : vector<16xi1>, vector<16xf32>
        %select_n3A_686 = arith.select %gt3A, %get3A_663, %broadcast_in_dim3A_654 : vector<16xi1>, vector<16xf32>
        %get3A_687 = arith.constant 16 : index
        %get3A_688 = tpu.vector_load %arg9[%get3A_687] {strides = array<i32>} : memref<1024xf32, #tpu.memory_space<vmem>>, vector<16xf32>,
        %get3A_689 = vector.shape_cast %get3A_688 : vector<16xf32> to vector<16xf32>
        %get3A_690 = arith.constant 16 : index
        %get3A_691 = tpu.vector_load %arg10[%get3A_690] {strides = array<i32>} : memref<1024xf32, #tpu.memory_space<vmem>>, vector<16xf32>,
        %get3A_692 = vector.shape_cast %get3A_691 : vector<16xf32> to vector<16xf32>
        %get3A_693 = arith.constant 16 : index
        %get3A_694 = tpu.vector_load %arg11[%get3A_693] {strides = array<i32>} : memref<1024xf32, #tpu.memory_space<vmem>>, vector<16xf32>,
        %get3A_695 = vector.shape_cast %get3A_694 : vector<16xf32> to vector<16xf32>
        %sub3A_696 = arith.subf %get3A_689, %scan3A_597 : vector<16xf32>
        %sub3A_697 = arith.subf %get3A_692, %scan3A_598 : vector<16xf32>
        %sub3A_698 = arith.subf %get3A_695, %scan3A_599 : vector<16xf32>
        %mul3A_699 = arith.mulf %sub3A_696, %sub3A_696 : vector<16xf32>
        %mul3A_700 = arith.mulf %sub3A_697, %sub3A_697 : vector<16xf32>
        %add3A_701 = arith.addf %mul3A_699, %mul3A_700 : vector<16xf32>
        %mul3A_702 = arith.mulf %sub3A_698, %sub3A_698 : vector<16xf32>
        %add3A_703 = arith.addf %add3A_701, %mul3A_702 : vector<16xf32>
        %get3A_704 = arith.constant 16 : index
        %get3A_705 = tpu.vector_load %arg12[%get3A_704] {strides = array<i32>} : memref<1024xf32, #tpu.memory_space<vmem>>, vector<16xf32>,
        %get3A_706 = vector.shape_cast %get3A_705 : vector<16xf32> to vector<16xf32>
        %min3A_707 = arith.minimumf %get3A_706, %add3A_703 : vector<16xf32>
        %swap3A_708 = arith.constant 16 : index
        %swap3A_709 = tpu.vector_load %arg12[%swap3A_708] {strides = array<i32>} : memref<1024xf32, #tpu.memory_space<vmem>>, vector<16xf32>,
        %swap3A_710 = vector.shape_cast %swap3A_709 : vector<16xf32> to vector<16xf32>
        %swap3A_711 = vector.shape_cast %min3A_707 : vector<16xf32> to vector<16xf32>
        tpu.vector_store %arg12[%swap3A_708], %swap3A_711 {strides = array<i32>} : memref<1024xf32, #tpu.memory_space<vmem>>, vector<16xf32>,
        %gt3A_712 = arith.cmpf ogt, %min3A_707, %select_n3A_679 : vector<16xf32>
        %select_n3A_713 = arith.select %gt3A_712, %min3A_707, %select_n3A_679 : vector<16xi1>, vector<16xf32>
        %add3A_714 = arith.constant 1.600000e+01 : f32
        %add3A_715 = vector.broadcast %add3A_714 : f32 to vector<16xf32>
        %add3A_716 = arith.addf %convert_element_type3A_9, %add3A_715 : vector<16xf32>
        %select_n3A_717 = arith.select %gt3A_712, %add3A_716, %select_n3A_683 : vector<16xi1>, vector<16xf32>
        %select_n3A_718 = arith.select %gt3A_712, %get3A_689, %select_n3A_684 : vector<16xi1>, vector<16xf32>
        %select_n3A_719 = arith.select %gt3A_712, %get3A_692, %select_n3A_685 : vector<16xi1>, vector<16xf32>
        %select_n3A_720 = arith.select %gt3A_712, %get3A_695, %select_n3A_686 : vector<16xi1>, vector<16xf32>
        %get3A_721 = arith.constant 32 : index
        %get3A_722 = tpu.vector_load %arg9[%get3A_721] {strides = array<i32>} : memref<1024xf32, #tpu.memory_space<vmem>>, vector<16xf32>,
        %get3A_723 = vector.shape_cast %get3A_722 : vector<16xf32> to vector<16xf32>
        %get3A_724 = arith.constant 32 : index
        %get3A_725 = tpu.vector_load %arg10[%get3A_724] {strides = array<i32>} : memref<1024xf32, #tpu.memory_space<vmem>>, vector<16xf32>,
        %get3A_726 = vector.shape_cast %get3A_725 : vector<16xf32> to vector<16xf32>
        %get3A_727 = arith.constant 32 : index
        %get3A_728 = tpu.vector_load %arg11[%get3A_727] {strides = array<i32>} : memref<1024xf32, #tpu.memory_space<vmem>>, vector<16xf32>,
        %get3A_729 = vector.shape_cast %get3A_728 : vector<16xf32> to vector<16xf32>
        %sub3A_730 = arith.subf %get3A_723, %scan3A_597 : vector<16xf32>
        %sub3A_731 = arith.subf %get3A_726, %scan3A_598 : vector<16xf32>
        %sub3A_732 = arith.subf %get3A_729, %scan3A_599 : vector<16xf32>
        %mul3A_733 = arith.mulf %sub3A_730, %sub3A_730 : vector<16xf32>
        %mul3A_734 = arith.mulf %sub3A_731, %sub3A_731 : vector<16xf32>
        %add3A_735 = arith.addf %mul3A_733, %mul3A_734 : vector<16xf32>
        %mul3A_736 = arith.mulf %sub3A_732, %sub3A_732 : vector<16xf32>
        %add3A_737 = arith.addf %add3A_735, %mul3A_736 : vector<16xf32>
        %get3A_738 = arith.constant 32 : index
        %get3A_739 = tpu.vector_load %arg12[%get3A_738] {strides = array<i32>} : memref<1024xf32, #tpu.memory_space<vmem>>, vector<16xf32>,
        %get3A_740 = vector.shape_cast %get3A_739 : vector<16xf32> to vector<16xf32>
        %min3A_741 = arith.minimumf %get3A_740, %add3A_737 : vector<16xf32>
        %swap3A_742 = arith.constant 32 : index
        %swap3A_743 = tpu.vector_load %arg12[%swap3A_742] {strides = array<i32>} : memref<1024xf32, #tpu.memory_space<vmem>>, vector<16xf32>,
        %swap3A_744 = vector.shape_cast %swap3A_743 : vector<16xf32> to vector<16xf32>
        %swap3A_745 = vector.shape_cast %min3A_741 : vector<16xf32> to vector<16xf32>
        tpu.vector_store %arg12[%swap3A_742], %swap3A_745 {strides = array<i32>} : memref<1024xf32, #tpu.memory_space<vmem>>, vector<16xf32>,
        %gt3A_746 = arith.cmpf ogt, %min3A_741, %select_n3A_713 : vector<16xf32>
        %select_n3A_747 = arith.select %gt3A_746, %min3A_741, %select_n3A_713 : vector<16xi1>, vector<16xf32>
        %add3A_748 = arith.constant 3.200000e+01 : f32
        %add3A_749 = vector.broadcast %add3A_748 : f32 to vector<16xf32>
        %add3A_750 = arith.addf %convert_element_type3A_9, %add3A_749 : vector<16xf32>
        %select_n3A_751 = arith.select %gt3A_746, %add3A_750, %select_n3A_717 : vector<16xi1>, vector<16xf32>
        %select_n3A_752 = arith.select %gt3A_746, %get3A_723, %select_n3A_718 : vector<16xi1>, vector<16xf32>
        %select_n3A_753 = arith.select %gt3A_746, %get3A_726, %select_n3A_719 : vector<16xi1>, vector<16xf32>
        %select_n3A_754 = arith.select %gt3A_746, %get3A_729, %select_n3A_720 : vector<16xi1>, vector<16xf32>
        %get3A_755 = arith.constant 48 : index
        %get3A_756 = tpu.vector_load %arg9[%get3A_755] {strides = array<i32>} : memref<1024xf32, #tpu.memory_space<vmem>>, vector<16xf32>,
        %get3A_757 = vector.shape_cast %get3A_756 : vector<16xf32> to vector<16xf32>
        %get3A_758 = arith.constant 48 : index
        %get3A_759 = tpu.vector_load %arg10[%get3A_758] {strides = array<i32>} : memref<1024xf32, #tpu.memory_space<vmem>>, vector<16xf32>,
        %get3A_760 = vector.shape_cast %get3A_759 : vector<16xf32> to vector<16xf32>
        %get3A_761 = arith.constant 48 : index
        %get3A_762 = tpu.vector_load %arg11[%get3A_761] {strides = array<i32>} : memref<1024xf32, #tpu.memory_space<vmem>>, vector<16xf32>,
        %get3A_763 = vector.shape_cast %get3A_762 : vector<16xf32> to vector<16xf32>
        %sub3A_764 = arith.subf %get3A_757, %scan3A_597 : vector<16xf32>
        %sub3A_765 = arith.subf %get3A_760, %scan3A_598 : vector<16xf32>
        %sub3A_766 = arith.subf %get3A_763, %scan3A_599 : vector<16xf32>
        %mul3A_767 = arith.mulf %sub3A_764, %sub3A_764 : vector<16xf32>
        %mul3A_768 = arith.mulf %sub3A_765, %sub3A_765 : vector<16xf32>
        %add3A_769 = arith.addf %mul3A_767, %mul3A_768 : vector<16xf32>
        %mul3A_770 = arith.mulf %sub3A_766, %sub3A_766 : vector<16xf32>
        %add3A_771 = arith.addf %add3A_769, %mul3A_770 : vector<16xf32>
        %get3A_772 = arith.constant 48 : index
        %get3A_773 = tpu.vector_load %arg12[%get3A_772] {strides = array<i32>} : memref<1024xf32, #tpu.memory_space<vmem>>, vector<16xf32>,
        %get3A_774 = vector.shape_cast %get3A_773 : vector<16xf32> to vector<16xf32>
        %min3A_775 = arith.minimumf %get3A_774, %add3A_771 : vector<16xf32>
        %swap3A_776 = arith.constant 48 : index
        %swap3A_777 = tpu.vector_load %arg12[%swap3A_776] {strides = array<i32>} : memref<1024xf32, #tpu.memory_space<vmem>>, vector<16xf32>,
        %swap3A_778 = vector.shape_cast %swap3A_777 : vector<16xf32> to vector<16xf32>
        %swap3A_779 = vector.shape_cast %min3A_775 : vector<16xf32> to vector<16xf32>
        tpu.vector_store %arg12[%swap3A_776], %swap3A_779 {strides = array<i32>} : memref<1024xf32, #tpu.memory_space<vmem>>, vector<16xf32>,
        %gt3A_780 = arith.cmpf ogt, %min3A_775, %select_n3A_747 : vector<16xf32>
        %select_n3A_781 = arith.select %gt3A_780, %min3A_775, %select_n3A_747 : vector<16xi1>, vector<16xf32>
        %add3A_782 = arith.constant 4.800000e+01 : f32
        %add3A_783 = vector.broadcast %add3A_782 : f32 to vector<16xf32>
        %add3A_784 = arith.addf %convert_element_type3A_9, %add3A_783 : vector<16xf32>
        %select_n3A_785 = arith.select %gt3A_780, %add3A_784, %select_n3A_751 : vector<16xi1>, vector<16xf32>
        %select_n3A_786 = arith.select %gt3A_780, %get3A_757, %select_n3A_752 : vector<16xi1>, vector<16xf32>
        %select_n3A_787 = arith.select %gt3A_780, %get3A_760, %select_n3A_753 : vector<16xi1>, vector<16xf32>
        %select_n3A_788 = arith.select %gt3A_780, %get3A_763, %select_n3A_754 : vector<16xi1>, vector<16xf32>
        %get3A_789 = arith.constant 64 : index
        %get3A_790 = tpu.vector_load %arg9[%get3A_789] {strides = array<i32>} : memref<1024xf32, #tpu.memory_space<vmem>>, vector<16xf32>,
        %get3A_791 = vector.shape_cast %get3A_790 : vector<16xf32> to vector<16xf32>
        %get3A_792 = arith.constant 64 : index
        %get3A_793 = tpu.vector_load %arg10[%get3A_792] {strides = array<i32>} : memref<1024xf32, #tpu.memory_space<vmem>>, vector<16xf32>,
        %get3A_794 = vector.shape_cast %get3A_793 : vector<16xf32> to vector<16xf32>
        %get3A_795 = arith.constant 64 : index
        %get3A_796 = tpu.vector_load %arg11[%get3A_795] {strides = array<i32>} : memref<1024xf32, #tpu.memory_space<vmem>>, vector<16xf32>,
        %get3A_797 = vector.shape_cast %get3A_796 : vector<16xf32> to vector<16xf32>
        %sub3A_798 = arith.subf %get3A_791, %scan3A_597 : vector<16xf32>
        %sub3A_799 = arith.subf %get3A_794, %scan3A_598 : vector<16xf32>
        %sub3A_800 = arith.subf %get3A_797, %scan3A_599 : vector<16xf32>
        %mul3A_801 = arith.mulf %sub3A_798, %sub3A_798 : vector<16xf32>
        %mul3A_802 = arith.mulf %sub3A_799, %sub3A_799 : vector<16xf32>
        %add3A_803 = arith.addf %mul3A_801, %mul3A_802 : vector<16xf32>
        %mul3A_804 = arith.mulf %sub3A_800, %sub3A_800 : vector<16xf32>
        %add3A_805 = arith.addf %add3A_803, %mul3A_804 : vector<16xf32>
        %get3A_806 = arith.constant 64 : index
        %get3A_807 = tpu.vector_load %arg12[%get3A_806] {strides = array<i32>} : memref<1024xf32, #tpu.memory_space<vmem>>, vector<16xf32>,
        %get3A_808 = vector.shape_cast %get3A_807 : vector<16xf32> to vector<16xf32>
        %min3A_809 = arith.minimumf %get3A_808, %add3A_805 : vector<16xf32>
        %swap3A_810 = arith.constant 64 : index
        %swap3A_811 = tpu.vector_load %arg12[%swap3A_810] {strides = array<i32>} : memref<1024xf32, #tpu.memory_space<vmem>>, vector<16xf32>,
        %swap3A_812 = vector.shape_cast %swap3A_811 : vector<16xf32> to vector<16xf32>
        %swap3A_813 = vector.shape_cast %min3A_809 : vector<16xf32> to vector<16xf32>
        tpu.vector_store %arg12[%swap3A_810], %swap3A_813 {strides = array<i32>} : memref<1024xf32, #tpu.memory_space<vmem>>, vector<16xf32>,
        %gt3A_814 = arith.cmpf ogt, %min3A_809, %select_n3A_781 : vector<16xf32>
        %select_n3A_815 = arith.select %gt3A_814, %min3A_809, %select_n3A_781 : vector<16xi1>, vector<16xf32>
        %add3A_816 = arith.constant 6.400000e+01 : f32
        %add3A_817 = vector.broadcast %add3A_816 : f32 to vector<16xf32>
        %add3A_818 = arith.addf %convert_element_type3A_9, %add3A_817 : vector<16xf32>
        %select_n3A_819 = arith.select %gt3A_814, %add3A_818, %select_n3A_785 : vector<16xi1>, vector<16xf32>
        %select_n3A_820 = arith.select %gt3A_814, %get3A_791, %select_n3A_786 : vector<16xi1>, vector<16xf32>
        %select_n3A_821 = arith.select %gt3A_814, %get3A_794, %select_n3A_787 : vector<16xi1>, vector<16xf32>
        %select_n3A_822 = arith.select %gt3A_814, %get3A_797, %select_n3A_788 : vector<16xi1>, vector<16xf32>
        %get3A_823 = arith.constant 80 : index
        %get3A_824 = tpu.vector_load %arg9[%get3A_823] {strides = array<i32>} : memref<1024xf32, #tpu.memory_space<vmem>>, vector<16xf32>,
        %get3A_825 = vector.shape_cast %get3A_824 : vector<16xf32> to vector<16xf32>
        %get3A_826 = arith.constant 80 : index
        %get3A_827 = tpu.vector_load %arg10[%get3A_826] {strides = array<i32>} : memref<1024xf32, #tpu.memory_space<vmem>>, vector<16xf32>,
        %get3A_828 = vector.shape_cast %get3A_827 : vector<16xf32> to vector<16xf32>
        %get3A_829 = arith.constant 80 : index
        %get3A_830 = tpu.vector_load %arg11[%get3A_829] {strides = array<i32>} : memref<1024xf32, #tpu.memory_space<vmem>>, vector<16xf32>,
        %get3A_831 = vector.shape_cast %get3A_830 : vector<16xf32> to vector<16xf32>
        %sub3A_832 = arith.subf %get3A_825, %scan3A_597 : vector<16xf32>
        %sub3A_833 = arith.subf %get3A_828, %scan3A_598 : vector<16xf32>
        %sub3A_834 = arith.subf %get3A_831, %scan3A_599 : vector<16xf32>
        %mul3A_835 = arith.mulf %sub3A_832, %sub3A_832 : vector<16xf32>
        %mul3A_836 = arith.mulf %sub3A_833, %sub3A_833 : vector<16xf32>
        %add3A_837 = arith.addf %mul3A_835, %mul3A_836 : vector<16xf32>
        %mul3A_838 = arith.mulf %sub3A_834, %sub3A_834 : vector<16xf32>
        %add3A_839 = arith.addf %add3A_837, %mul3A_838 : vector<16xf32>
        %get3A_840 = arith.constant 80 : index
        %get3A_841 = tpu.vector_load %arg12[%get3A_840] {strides = array<i32>} : memref<1024xf32, #tpu.memory_space<vmem>>, vector<16xf32>,
        %get3A_842 = vector.shape_cast %get3A_841 : vector<16xf32> to vector<16xf32>
        %min3A_843 = arith.minimumf %get3A_842, %add3A_839 : vector<16xf32>
        %swap3A_844 = arith.constant 80 : index
        %swap3A_845 = tpu.vector_load %arg12[%swap3A_844] {strides = array<i32>} : memref<1024xf32, #tpu.memory_space<vmem>>, vector<16xf32>,
        %swap3A_846 = vector.shape_cast %swap3A_845 : vector<16xf32> to vector<16xf32>
        %swap3A_847 = vector.shape_cast %min3A_843 : vector<16xf32> to vector<16xf32>
        tpu.vector_store %arg12[%swap3A_844], %swap3A_847 {strides = array<i32>} : memref<1024xf32, #tpu.memory_space<vmem>>, vector<16xf32>,
        %gt3A_848 = arith.cmpf ogt, %min3A_843, %select_n3A_815 : vector<16xf32>
        %select_n3A_849 = arith.select %gt3A_848, %min3A_843, %select_n3A_815 : vector<16xi1>, vector<16xf32>
        %add3A_850 = arith.constant 8.000000e+01 : f32
        %add3A_851 = vector.broadcast %add3A_850 : f32 to vector<16xf32>
        %add3A_852 = arith.addf %convert_element_type3A_9, %add3A_851 : vector<16xf32>
        %select_n3A_853 = arith.select %gt3A_848, %add3A_852, %select_n3A_819 : vector<16xi1>, vector<16xf32>
        %select_n3A_854 = arith.select %gt3A_848, %get3A_825, %select_n3A_820 : vector<16xi1>, vector<16xf32>
        %select_n3A_855 = arith.select %gt3A_848, %get3A_828, %select_n3A_821 : vector<16xi1>, vector<16xf32>
        %select_n3A_856 = arith.select %gt3A_848, %get3A_831, %select_n3A_822 : vector<16xi1>, vector<16xf32>
        %get3A_857 = arith.constant 96 : index
        %get3A_858 = tpu.vector_load %arg9[%get3A_857] {strides = array<i32>} : memref<1024xf32, #tpu.memory_space<vmem>>, vector<16xf32>,
        %get3A_859 = vector.shape_cast %get3A_858 : vector<16xf32> to vector<16xf32>
        %get3A_860 = arith.constant 96 : index
        %get3A_861 = tpu.vector_load %arg10[%get3A_860] {strides = array<i32>} : memref<1024xf32, #tpu.memory_space<vmem>>, vector<16xf32>,
        %get3A_862 = vector.shape_cast %get3A_861 : vector<16xf32> to vector<16xf32>
        %get3A_863 = arith.constant 96 : index
        %get3A_864 = tpu.vector_load %arg11[%get3A_863] {strides = array<i32>} : memref<1024xf32, #tpu.memory_space<vmem>>, vector<16xf32>,
        %get3A_865 = vector.shape_cast %get3A_864 : vector<16xf32> to vector<16xf32>
        %sub3A_866 = arith.subf %get3A_859, %scan3A_597 : vector<16xf32>
        %sub3A_867 = arith.subf %get3A_862, %scan3A_598 : vector<16xf32>
        %sub3A_868 = arith.subf %get3A_865, %scan3A_599 : vector<16xf32>
        %mul3A_869 = arith.mulf %sub3A_866, %sub3A_866 : vector<16xf32>
        %mul3A_870 = arith.mulf %sub3A_867, %sub3A_867 : vector<16xf32>
        %add3A_871 = arith.addf %mul3A_869, %mul3A_870 : vector<16xf32>
        %mul3A_872 = arith.mulf %sub3A_868, %sub3A_868 : vector<16xf32>
        %add3A_873 = arith.addf %add3A_871, %mul3A_872 : vector<16xf32>
        %get3A_874 = arith.constant 96 : index
        %get3A_875 = tpu.vector_load %arg12[%get3A_874] {strides = array<i32>} : memref<1024xf32, #tpu.memory_space<vmem>>, vector<16xf32>,
        %get3A_876 = vector.shape_cast %get3A_875 : vector<16xf32> to vector<16xf32>
        %min3A_877 = arith.minimumf %get3A_876, %add3A_873 : vector<16xf32>
        %swap3A_878 = arith.constant 96 : index
        %swap3A_879 = tpu.vector_load %arg12[%swap3A_878] {strides = array<i32>} : memref<1024xf32, #tpu.memory_space<vmem>>, vector<16xf32>,
        %swap3A_880 = vector.shape_cast %swap3A_879 : vector<16xf32> to vector<16xf32>
        %swap3A_881 = vector.shape_cast %min3A_877 : vector<16xf32> to vector<16xf32>
        tpu.vector_store %arg12[%swap3A_878], %swap3A_881 {strides = array<i32>} : memref<1024xf32, #tpu.memory_space<vmem>>, vector<16xf32>,
        %gt3A_882 = arith.cmpf ogt, %min3A_877, %select_n3A_849 : vector<16xf32>
        %select_n3A_883 = arith.select %gt3A_882, %min3A_877, %select_n3A_849 : vector<16xi1>, vector<16xf32>
        %add3A_884 = arith.constant 9.600000e+01 : f32
        %add3A_885 = vector.broadcast %add3A_884 : f32 to vector<16xf32>
        %add3A_886 = arith.addf %convert_element_type3A_9, %add3A_885 : vector<16xf32>
        %select_n3A_887 = arith.select %gt3A_882, %add3A_886, %select_n3A_853 : vector<16xi1>, vector<16xf32>
        %select_n3A_888 = arith.select %gt3A_882, %get3A_859, %select_n3A_854 : vector<16xi1>, vector<16xf32>
        %select_n3A_889 = arith.select %gt3A_882, %get3A_862, %select_n3A_855 : vector<16xi1>, vector<16xf32>
        %select_n3A_890 = arith.select %gt3A_882, %get3A_865, %select_n3A_856 : vector<16xi1>, vector<16xf32>
        %get3A_891 = arith.constant 112 : index
        %get3A_892 = tpu.vector_load %arg9[%get3A_891] {strides = array<i32>} : memref<1024xf32, #tpu.memory_space<vmem>>, vector<16xf32>,
        %get3A_893 = vector.shape_cast %get3A_892 : vector<16xf32> to vector<16xf32>
        %get3A_894 = arith.constant 112 : index
        %get3A_895 = tpu.vector_load %arg10[%get3A_894] {strides = array<i32>} : memref<1024xf32, #tpu.memory_space<vmem>>, vector<16xf32>,
        %get3A_896 = vector.shape_cast %get3A_895 : vector<16xf32> to vector<16xf32>
        %get3A_897 = arith.constant 112 : index
        %get3A_898 = tpu.vector_load %arg11[%get3A_897] {strides = array<i32>} : memref<1024xf32, #tpu.memory_space<vmem>>, vector<16xf32>,
        %get3A_899 = vector.shape_cast %get3A_898 : vector<16xf32> to vector<16xf32>
        %sub3A_900 = arith.subf %get3A_893, %scan3A_597 : vector<16xf32>
        %sub3A_901 = arith.subf %get3A_896, %scan3A_598 : vector<16xf32>
        %sub3A_902 = arith.subf %get3A_899, %scan3A_599 : vector<16xf32>
        %mul3A_903 = arith.mulf %sub3A_900, %sub3A_900 : vector<16xf32>
        %mul3A_904 = arith.mulf %sub3A_901, %sub3A_901 : vector<16xf32>
        %add3A_905 = arith.addf %mul3A_903, %mul3A_904 : vector<16xf32>
        %mul3A_906 = arith.mulf %sub3A_902, %sub3A_902 : vector<16xf32>
        %add3A_907 = arith.addf %add3A_905, %mul3A_906 : vector<16xf32>
        %get3A_908 = arith.constant 112 : index
        %get3A_909 = tpu.vector_load %arg12[%get3A_908] {strides = array<i32>} : memref<1024xf32, #tpu.memory_space<vmem>>, vector<16xf32>,
        %get3A_910 = vector.shape_cast %get3A_909 : vector<16xf32> to vector<16xf32>
        %min3A_911 = arith.minimumf %get3A_910, %add3A_907 : vector<16xf32>
        %swap3A_912 = arith.constant 112 : index
        %swap3A_913 = tpu.vector_load %arg12[%swap3A_912] {strides = array<i32>} : memref<1024xf32, #tpu.memory_space<vmem>>, vector<16xf32>,
        %swap3A_914 = vector.shape_cast %swap3A_913 : vector<16xf32> to vector<16xf32>
        %swap3A_915 = vector.shape_cast %min3A_911 : vector<16xf32> to vector<16xf32>
        tpu.vector_store %arg12[%swap3A_912], %swap3A_915 {strides = array<i32>} : memref<1024xf32, #tpu.memory_space<vmem>>, vector<16xf32>,
        %gt3A_916 = arith.cmpf ogt, %min3A_911, %select_n3A_883 : vector<16xf32>
        %select_n3A_917 = arith.select %gt3A_916, %min3A_911, %select_n3A_883 : vector<16xi1>, vector<16xf32>
        %add3A_918 = arith.constant 1.120000e+02 : f32
        %add3A_919 = vector.broadcast %add3A_918 : f32 to vector<16xf32>
        %add3A_920 = arith.addf %convert_element_type3A_9, %add3A_919 : vector<16xf32>
        %select_n3A_921 = arith.select %gt3A_916, %add3A_920, %select_n3A_887 : vector<16xi1>, vector<16xf32>
        %select_n3A_922 = arith.select %gt3A_916, %get3A_893, %select_n3A_888 : vector<16xi1>, vector<16xf32>
        %select_n3A_923 = arith.select %gt3A_916, %get3A_896, %select_n3A_889 : vector<16xi1>, vector<16xf32>
        %select_n3A_924 = arith.select %gt3A_916, %get3A_899, %select_n3A_890 : vector<16xi1>, vector<16xf32>
        %get3A_925 = arith.constant 128 : index
        %get3A_926 = tpu.vector_load %arg9[%get3A_925] {strides = array<i32>} : memref<1024xf32, #tpu.memory_space<vmem>>, vector<16xf32>,
        %get3A_927 = vector.shape_cast %get3A_926 : vector<16xf32> to vector<16xf32>
        %get3A_928 = arith.constant 128 : index
        %get3A_929 = tpu.vector_load %arg10[%get3A_928] {strides = array<i32>} : memref<1024xf32, #tpu.memory_space<vmem>>, vector<16xf32>,
        %get3A_930 = vector.shape_cast %get3A_929 : vector<16xf32> to vector<16xf32>
        %get3A_931 = arith.constant 128 : index
        %get3A_932 = tpu.vector_load %arg11[%get3A_931] {strides = array<i32>} : memref<1024xf32, #tpu.memory_space<vmem>>, vector<16xf32>,
        %get3A_933 = vector.shape_cast %get3A_932 : vector<16xf32> to vector<16xf32>
        %sub3A_934 = arith.subf %get3A_927, %scan3A_597 : vector<16xf32>
        %sub3A_935 = arith.subf %get3A_930, %scan3A_598 : vector<16xf32>
        %sub3A_936 = arith.subf %get3A_933, %scan3A_599 : vector<16xf32>
        %mul3A_937 = arith.mulf %sub3A_934, %sub3A_934 : vector<16xf32>
        %mul3A_938 = arith.mulf %sub3A_935, %sub3A_935 : vector<16xf32>
        %add3A_939 = arith.addf %mul3A_937, %mul3A_938 : vector<16xf32>
        %mul3A_940 = arith.mulf %sub3A_936, %sub3A_936 : vector<16xf32>
        %add3A_941 = arith.addf %add3A_939, %mul3A_940 : vector<16xf32>
        %get3A_942 = arith.constant 128 : index
        %get3A_943 = tpu.vector_load %arg12[%get3A_942] {strides = array<i32>} : memref<1024xf32, #tpu.memory_space<vmem>>, vector<16xf32>,
        %get3A_944 = vector.shape_cast %get3A_943 : vector<16xf32> to vector<16xf32>
        %min3A_945 = arith.minimumf %get3A_944, %add3A_941 : vector<16xf32>
        %swap3A_946 = arith.constant 128 : index
        %swap3A_947 = tpu.vector_load %arg12[%swap3A_946] {strides = array<i32>} : memref<1024xf32, #tpu.memory_space<vmem>>, vector<16xf32>,
        %swap3A_948 = vector.shape_cast %swap3A_947 : vector<16xf32> to vector<16xf32>
        %swap3A_949 = vector.shape_cast %min3A_945 : vector<16xf32> to vector<16xf32>
        tpu.vector_store %arg12[%swap3A_946], %swap3A_949 {strides = array<i32>} : memref<1024xf32, #tpu.memory_space<vmem>>, vector<16xf32>,
        %gt3A_950 = arith.cmpf ogt, %min3A_945, %select_n3A_917 : vector<16xf32>
        %select_n3A_951 = arith.select %gt3A_950, %min3A_945, %select_n3A_917 : vector<16xi1>, vector<16xf32>
        %add3A_952 = arith.constant 1.280000e+02 : f32
        %add3A_953 = vector.broadcast %add3A_952 : f32 to vector<16xf32>
        %add3A_954 = arith.addf %convert_element_type3A_9, %add3A_953 : vector<16xf32>
        %select_n3A_955 = arith.select %gt3A_950, %add3A_954, %select_n3A_921 : vector<16xi1>, vector<16xf32>
        %select_n3A_956 = arith.select %gt3A_950, %get3A_927, %select_n3A_922 : vector<16xi1>, vector<16xf32>
        %select_n3A_957 = arith.select %gt3A_950, %get3A_930, %select_n3A_923 : vector<16xi1>, vector<16xf32>
        %select_n3A_958 = arith.select %gt3A_950, %get3A_933, %select_n3A_924 : vector<16xi1>, vector<16xf32>
        %get3A_959 = arith.constant 144 : index
        %get3A_960 = tpu.vector_load %arg9[%get3A_959] {strides = array<i32>} : memref<1024xf32, #tpu.memory_space<vmem>>, vector<16xf32>,
        %get3A_961 = vector.shape_cast %get3A_960 : vector<16xf32> to vector<16xf32>
        %get3A_962 = arith.constant 144 : index
        %get3A_963 = tpu.vector_load %arg10[%get3A_962] {strides = array<i32>} : memref<1024xf32, #tpu.memory_space<vmem>>, vector<16xf32>,
        %get3A_964 = vector.shape_cast %get3A_963 : vector<16xf32> to vector<16xf32>
        %get3A_965 = arith.constant 144 : index
        %get3A_966 = tpu.vector_load %arg11[%get3A_965] {strides = array<i32>} : memref<1024xf32, #tpu.memory_space<vmem>>, vector<16xf32>,
        %get3A_967 = vector.shape_cast %get3A_966 : vector<16xf32> to vector<16xf32>
        %sub3A_968 = arith.subf %get3A_961, %scan3A_597 : vector<16xf32>
        %sub3A_969 = arith.subf %get3A_964, %scan3A_598 : vector<16xf32>
        %sub3A_970 = arith.subf %get3A_967, %scan3A_599 : vector<16xf32>
        %mul3A_971 = arith.mulf %sub3A_968, %sub3A_968 : vector<16xf32>
        %mul3A_972 = arith.mulf %sub3A_969, %sub3A_969 : vector<16xf32>
        %add3A_973 = arith.addf %mul3A_971, %mul3A_972 : vector<16xf32>
        %mul3A_974 = arith.mulf %sub3A_970, %sub3A_970 : vector<16xf32>
        %add3A_975 = arith.addf %add3A_973, %mul3A_974 : vector<16xf32>
        %get3A_976 = arith.constant 144 : index
        %get3A_977 = tpu.vector_load %arg12[%get3A_976] {strides = array<i32>} : memref<1024xf32, #tpu.memory_space<vmem>>, vector<16xf32>,
        %get3A_978 = vector.shape_cast %get3A_977 : vector<16xf32> to vector<16xf32>
        %min3A_979 = arith.minimumf %get3A_978, %add3A_975 : vector<16xf32>
        %swap3A_980 = arith.constant 144 : index
        %swap3A_981 = tpu.vector_load %arg12[%swap3A_980] {strides = array<i32>} : memref<1024xf32, #tpu.memory_space<vmem>>, vector<16xf32>,
        %swap3A_982 = vector.shape_cast %swap3A_981 : vector<16xf32> to vector<16xf32>
        %swap3A_983 = vector.shape_cast %min3A_979 : vector<16xf32> to vector<16xf32>
        tpu.vector_store %arg12[%swap3A_980], %swap3A_983 {strides = array<i32>} : memref<1024xf32, #tpu.memory_space<vmem>>, vector<16xf32>,
        %gt3A_984 = arith.cmpf ogt, %min3A_979, %select_n3A_951 : vector<16xf32>
        %select_n3A_985 = arith.select %gt3A_984, %min3A_979, %select_n3A_951 : vector<16xi1>, vector<16xf32>
        %add3A_986 = arith.constant 1.440000e+02 : f32
        %add3A_987 = vector.broadcast %add3A_986 : f32 to vector<16xf32>
        %add3A_988 = arith.addf %convert_element_type3A_9, %add3A_987 : vector<16xf32>
        %select_n3A_989 = arith.select %gt3A_984, %add3A_988, %select_n3A_955 : vector<16xi1>, vector<16xf32>
        %select_n3A_990 = arith.select %gt3A_984, %get3A_961, %select_n3A_956 : vector<16xi1>, vector<16xf32>
        %select_n3A_991 = arith.select %gt3A_984, %get3A_964, %select_n3A_957 : vector<16xi1>, vector<16xf32>
        %select_n3A_992 = arith.select %gt3A_984, %get3A_967, %select_n3A_958 : vector<16xi1>, vector<16xf32>
        %get3A_993 = arith.constant 160 : index
        %get3A_994 = tpu.vector_load %arg9[%get3A_993] {strides = array<i32>} : memref<1024xf32, #tpu.memory_space<vmem>>, vector<16xf32>,
        %get3A_995 = vector.shape_cast %get3A_994 : vector<16xf32> to vector<16xf32>
        %get3A_996 = arith.constant 160 : index
        %get3A_997 = tpu.vector_load %arg10[%get3A_996] {strides = array<i32>} : memref<1024xf32, #tpu.memory_space<vmem>>, vector<16xf32>,
        %get3A_998 = vector.shape_cast %get3A_997 : vector<16xf32> to vector<16xf32>
        %get3A_999 = arith.constant 160 : index
        %get3A_1000 = tpu.vector_load %arg11[%get3A_999] {strides = array<i32>} : memref<1024xf32, #tpu.memory_space<vmem>>, vector<16xf32>,
        %get3A_1001 = vector.shape_cast %get3A_1000 : vector<16xf32> to vector<16xf32>
        %sub3A_1002 = arith.subf %get3A_995, %scan3A_597 : vector<16xf32>
        %sub3A_1003 = arith.subf %get3A_998, %scan3A_598 : vector<16xf32>
        %sub3A_1004 = arith.subf %get3A_1001, %scan3A_599 : vector<16xf32>
        %mul3A_1005 = arith.mulf %sub3A_1002, %sub3A_1002 : vector<16xf32>
        %mul3A_1006 = arith.mulf %sub3A_1003, %sub3A_1003 : vector<16xf32>
        %add3A_1007 = arith.addf %mul3A_1005, %mul3A_1006 : vector<16xf32>
        %mul3A_1008 = arith.mulf %sub3A_1004, %sub3A_1004 : vector<16xf32>
        %add3A_1009 = arith.addf %add3A_1007, %mul3A_1008 : vector<16xf32>
        %get3A_1010 = arith.constant 160 : index
        %get3A_1011 = tpu.vector_load %arg12[%get3A_1010] {strides = array<i32>} : memref<1024xf32, #tpu.memory_space<vmem>>, vector<16xf32>,
        %get3A_1012 = vector.shape_cast %get3A_1011 : vector<16xf32> to vector<16xf32>
        %min3A_1013 = arith.minimumf %get3A_1012, %add3A_1009 : vector<16xf32>
        %swap3A_1014 = arith.constant 160 : index
        %swap3A_1015 = tpu.vector_load %arg12[%swap3A_1014] {strides = array<i32>} : memref<1024xf32, #tpu.memory_space<vmem>>, vector<16xf32>,
        %swap3A_1016 = vector.shape_cast %swap3A_1015 : vector<16xf32> to vector<16xf32>
        %swap3A_1017 = vector.shape_cast %min3A_1013 : vector<16xf32> to vector<16xf32>
        tpu.vector_store %arg12[%swap3A_1014], %swap3A_1017 {strides = array<i32>} : memref<1024xf32, #tpu.memory_space<vmem>>, vector<16xf32>,
        %gt3A_1018 = arith.cmpf ogt, %min3A_1013, %select_n3A_985 : vector<16xf32>
        %select_n3A_1019 = arith.select %gt3A_1018, %min3A_1013, %select_n3A_985 : vector<16xi1>, vector<16xf32>
        %add3A_1020 = arith.constant 1.600000e+02 : f32
        %add3A_1021 = vector.broadcast %add3A_1020 : f32 to vector<16xf32>
        %add3A_1022 = arith.addf %convert_element_type3A_9, %add3A_1021 : vector<16xf32>
        %select_n3A_1023 = arith.select %gt3A_1018, %add3A_1022, %select_n3A_989 : vector<16xi1>, vector<16xf32>
        %select_n3A_1024 = arith.select %gt3A_1018, %get3A_995, %select_n3A_990 : vector<16xi1>, vector<16xf32>
        %select_n3A_1025 = arith.select %gt3A_1018, %get3A_998, %select_n3A_991 : vector<16xi1>, vector<16xf32>
        %select_n3A_1026 = arith.select %gt3A_1018, %get3A_1001, %select_n3A_992 : vector<16xi1>, vector<16xf32>
        %get3A_1027 = arith.constant 176 : index
        %get3A_1028 = tpu.vector_load %arg9[%get3A_1027] {strides = array<i32>} : memref<1024xf32, #tpu.memory_space<vmem>>, vector<16xf32>,
        %get3A_1029 = vector.shape_cast %get3A_1028 : vector<16xf32> to vector<16xf32>
        %get3A_1030 = arith.constant 176 : index
        %get3A_1031 = tpu.vector_load %arg10[%get3A_1030] {strides = array<i32>} : memref<1024xf32, #tpu.memory_space<vmem>>, vector<16xf32>,
        %get3A_1032 = vector.shape_cast %get3A_1031 : vector<16xf32> to vector<16xf32>
        %get3A_1033 = arith.constant 176 : index
        %get3A_1034 = tpu.vector_load %arg11[%get3A_1033] {strides = array<i32>} : memref<1024xf32, #tpu.memory_space<vmem>>, vector<16xf32>,
        %get3A_1035 = vector.shape_cast %get3A_1034 : vector<16xf32> to vector<16xf32>
        %sub3A_1036 = arith.subf %get3A_1029, %scan3A_597 : vector<16xf32>
        %sub3A_1037 = arith.subf %get3A_1032, %scan3A_598 : vector<16xf32>
        %sub3A_1038 = arith.subf %get3A_1035, %scan3A_599 : vector<16xf32>
        %mul3A_1039 = arith.mulf %sub3A_1036, %sub3A_1036 : vector<16xf32>
        %mul3A_1040 = arith.mulf %sub3A_1037, %sub3A_1037 : vector<16xf32>
        %add3A_1041 = arith.addf %mul3A_1039, %mul3A_1040 : vector<16xf32>
        %mul3A_1042 = arith.mulf %sub3A_1038, %sub3A_1038 : vector<16xf32>
        %add3A_1043 = arith.addf %add3A_1041, %mul3A_1042 : vector<16xf32>
        %get3A_1044 = arith.constant 176 : index
        %get3A_1045 = tpu.vector_load %arg12[%get3A_1044] {strides = array<i32>} : memref<1024xf32, #tpu.memory_space<vmem>>, vector<16xf32>,
        %get3A_1046 = vector.shape_cast %get3A_1045 : vector<16xf32> to vector<16xf32>
        %min3A_1047 = arith.minimumf %get3A_1046, %add3A_1043 : vector<16xf32>
        %swap3A_1048 = arith.constant 176 : index
        %swap3A_1049 = tpu.vector_load %arg12[%swap3A_1048] {strides = array<i32>} : memref<1024xf32, #tpu.memory_space<vmem>>, vector<16xf32>,
        %swap3A_1050 = vector.shape_cast %swap3A_1049 : vector<16xf32> to vector<16xf32>
        %swap3A_1051 = vector.shape_cast %min3A_1047 : vector<16xf32> to vector<16xf32>
        tpu.vector_store %arg12[%swap3A_1048], %swap3A_1051 {strides = array<i32>} : memref<1024xf32, #tpu.memory_space<vmem>>, vector<16xf32>,
        %gt3A_1052 = arith.cmpf ogt, %min3A_1047, %select_n3A_1019 : vector<16xf32>
        %select_n3A_1053 = arith.select %gt3A_1052, %min3A_1047, %select_n3A_1019 : vector<16xi1>, vector<16xf32>
        %add3A_1054 = arith.constant 1.760000e+02 : f32
        %add3A_1055 = vector.broadcast %add3A_1054 : f32 to vector<16xf32>
        %add3A_1056 = arith.addf %convert_element_type3A_9, %add3A_1055 : vector<16xf32>
        %select_n3A_1057 = arith.select %gt3A_1052, %add3A_1056, %select_n3A_1023 : vector<16xi1>, vector<16xf32>
        %select_n3A_1058 = arith.select %gt3A_1052, %get3A_1029, %select_n3A_1024 : vector<16xi1>, vector<16xf32>
        %select_n3A_1059 = arith.select %gt3A_1052, %get3A_1032, %select_n3A_1025 : vector<16xi1>, vector<16xf32>
        %select_n3A_1060 = arith.select %gt3A_1052, %get3A_1035, %select_n3A_1026 : vector<16xi1>, vector<16xf32>
        %get3A_1061 = arith.constant 192 : index
        %get3A_1062 = tpu.vector_load %arg9[%get3A_1061] {strides = array<i32>} : memref<1024xf32, #tpu.memory_space<vmem>>, vector<16xf32>,
        %get3A_1063 = vector.shape_cast %get3A_1062 : vector<16xf32> to vector<16xf32>
        %get3A_1064 = arith.constant 192 : index
        %get3A_1065 = tpu.vector_load %arg10[%get3A_1064] {strides = array<i32>} : memref<1024xf32, #tpu.memory_space<vmem>>, vector<16xf32>,
        %get3A_1066 = vector.shape_cast %get3A_1065 : vector<16xf32> to vector<16xf32>
        %get3A_1067 = arith.constant 192 : index
        %get3A_1068 = tpu.vector_load %arg11[%get3A_1067] {strides = array<i32>} : memref<1024xf32, #tpu.memory_space<vmem>>, vector<16xf32>,
        %get3A_1069 = vector.shape_cast %get3A_1068 : vector<16xf32> to vector<16xf32>
        %sub3A_1070 = arith.subf %get3A_1063, %scan3A_597 : vector<16xf32>
        %sub3A_1071 = arith.subf %get3A_1066, %scan3A_598 : vector<16xf32>
        %sub3A_1072 = arith.subf %get3A_1069, %scan3A_599 : vector<16xf32>
        %mul3A_1073 = arith.mulf %sub3A_1070, %sub3A_1070 : vector<16xf32>
        %mul3A_1074 = arith.mulf %sub3A_1071, %sub3A_1071 : vector<16xf32>
        %add3A_1075 = arith.addf %mul3A_1073, %mul3A_1074 : vector<16xf32>
        %mul3A_1076 = arith.mulf %sub3A_1072, %sub3A_1072 : vector<16xf32>
        %add3A_1077 = arith.addf %add3A_1075, %mul3A_1076 : vector<16xf32>
        %get3A_1078 = arith.constant 192 : index
        %get3A_1079 = tpu.vector_load %arg12[%get3A_1078] {strides = array<i32>} : memref<1024xf32, #tpu.memory_space<vmem>>, vector<16xf32>,
        %get3A_1080 = vector.shape_cast %get3A_1079 : vector<16xf32> to vector<16xf32>
        %min3A_1081 = arith.minimumf %get3A_1080, %add3A_1077 : vector<16xf32>
        %swap3A_1082 = arith.constant 192 : index
        %swap3A_1083 = tpu.vector_load %arg12[%swap3A_1082] {strides = array<i32>} : memref<1024xf32, #tpu.memory_space<vmem>>, vector<16xf32>,
        %swap3A_1084 = vector.shape_cast %swap3A_1083 : vector<16xf32> to vector<16xf32>
        %swap3A_1085 = vector.shape_cast %min3A_1081 : vector<16xf32> to vector<16xf32>
        tpu.vector_store %arg12[%swap3A_1082], %swap3A_1085 {strides = array<i32>} : memref<1024xf32, #tpu.memory_space<vmem>>, vector<16xf32>,
        %gt3A_1086 = arith.cmpf ogt, %min3A_1081, %select_n3A_1053 : vector<16xf32>
        %select_n3A_1087 = arith.select %gt3A_1086, %min3A_1081, %select_n3A_1053 : vector<16xi1>, vector<16xf32>
        %add3A_1088 = arith.constant 1.920000e+02 : f32
        %add3A_1089 = vector.broadcast %add3A_1088 : f32 to vector<16xf32>
        %add3A_1090 = arith.addf %convert_element_type3A_9, %add3A_1089 : vector<16xf32>
        %select_n3A_1091 = arith.select %gt3A_1086, %add3A_1090, %select_n3A_1057 : vector<16xi1>, vector<16xf32>
        %select_n3A_1092 = arith.select %gt3A_1086, %get3A_1063, %select_n3A_1058 : vector<16xi1>, vector<16xf32>
        %select_n3A_1093 = arith.select %gt3A_1086, %get3A_1066, %select_n3A_1059 : vector<16xi1>, vector<16xf32>
        %select_n3A_1094 = arith.select %gt3A_1086, %get3A_1069, %select_n3A_1060 : vector<16xi1>, vector<16xf32>
        %get3A_1095 = arith.constant 208 : index
        %get3A_1096 = tpu.vector_load %arg9[%get3A_1095] {strides = array<i32>} : memref<1024xf32, #tpu.memory_space<vmem>>, vector<16xf32>,
        %get3A_1097 = vector.shape_cast %get3A_1096 : vector<16xf32> to vector<16xf32>
        %get3A_1098 = arith.constant 208 : index
        %get3A_1099 = tpu.vector_load %arg10[%get3A_1098] {strides = array<i32>} : memref<1024xf32, #tpu.memory_space<vmem>>, vector<16xf32>,
        %get3A_1100 = vector.shape_cast %get3A_1099 : vector<16xf32> to vector<16xf32>
        %get3A_1101 = arith.constant 208 : index
        %get3A_1102 = tpu.vector_load %arg11[%get3A_1101] {strides = array<i32>} : memref<1024xf32, #tpu.memory_space<vmem>>, vector<16xf32>,
        %get3A_1103 = vector.shape_cast %get3A_1102 : vector<16xf32> to vector<16xf32>
        %sub3A_1104 = arith.subf %get3A_1097, %scan3A_597 : vector<16xf32>
        %sub3A_1105 = arith.subf %get3A_1100, %scan3A_598 : vector<16xf32>
        %sub3A_1106 = arith.subf %get3A_1103, %scan3A_599 : vector<16xf32>
        %mul3A_1107 = arith.mulf %sub3A_1104, %sub3A_1104 : vector<16xf32>
        %mul3A_1108 = arith.mulf %sub3A_1105, %sub3A_1105 : vector<16xf32>
        %add3A_1109 = arith.addf %mul3A_1107, %mul3A_1108 : vector<16xf32>
        %mul3A_1110 = arith.mulf %sub3A_1106, %sub3A_1106 : vector<16xf32>
        %add3A_1111 = arith.addf %add3A_1109, %mul3A_1110 : vector<16xf32>
        %get3A_1112 = arith.constant 208 : index
        %get3A_1113 = tpu.vector_load %arg12[%get3A_1112] {strides = array<i32>} : memref<1024xf32, #tpu.memory_space<vmem>>, vector<16xf32>,
        %get3A_1114 = vector.shape_cast %get3A_1113 : vector<16xf32> to vector<16xf32>
        %min3A_1115 = arith.minimumf %get3A_1114, %add3A_1111 : vector<16xf32>
        %swap3A_1116 = arith.constant 208 : index
        %swap3A_1117 = tpu.vector_load %arg12[%swap3A_1116] {strides = array<i32>} : memref<1024xf32, #tpu.memory_space<vmem>>, vector<16xf32>,
        %swap3A_1118 = vector.shape_cast %swap3A_1117 : vector<16xf32> to vector<16xf32>
        %swap3A_1119 = vector.shape_cast %min3A_1115 : vector<16xf32> to vector<16xf32>
        tpu.vector_store %arg12[%swap3A_1116], %swap3A_1119 {strides = array<i32>} : memref<1024xf32, #tpu.memory_space<vmem>>, vector<16xf32>,
        %gt3A_1120 = arith.cmpf ogt, %min3A_1115, %select_n3A_1087 : vector<16xf32>
        %select_n3A_1121 = arith.select %gt3A_1120, %min3A_1115, %select_n3A_1087 : vector<16xi1>, vector<16xf32>
        %add3A_1122 = arith.constant 2.080000e+02 : f32
        %add3A_1123 = vector.broadcast %add3A_1122 : f32 to vector<16xf32>
        %add3A_1124 = arith.addf %convert_element_type3A_9, %add3A_1123 : vector<16xf32>
        %select_n3A_1125 = arith.select %gt3A_1120, %add3A_1124, %select_n3A_1091 : vector<16xi1>, vector<16xf32>
        %select_n3A_1126 = arith.select %gt3A_1120, %get3A_1097, %select_n3A_1092 : vector<16xi1>, vector<16xf32>
        %select_n3A_1127 = arith.select %gt3A_1120, %get3A_1100, %select_n3A_1093 : vector<16xi1>, vector<16xf32>
        %select_n3A_1128 = arith.select %gt3A_1120, %get3A_1103, %select_n3A_1094 : vector<16xi1>, vector<16xf32>
        %get3A_1129 = arith.constant 224 : index
        %get3A_1130 = tpu.vector_load %arg9[%get3A_1129] {strides = array<i32>} : memref<1024xf32, #tpu.memory_space<vmem>>, vector<16xf32>,
        %get3A_1131 = vector.shape_cast %get3A_1130 : vector<16xf32> to vector<16xf32>
        %get3A_1132 = arith.constant 224 : index
        %get3A_1133 = tpu.vector_load %arg10[%get3A_1132] {strides = array<i32>} : memref<1024xf32, #tpu.memory_space<vmem>>, vector<16xf32>,
        %get3A_1134 = vector.shape_cast %get3A_1133 : vector<16xf32> to vector<16xf32>
        %get3A_1135 = arith.constant 224 : index
        %get3A_1136 = tpu.vector_load %arg11[%get3A_1135] {strides = array<i32>} : memref<1024xf32, #tpu.memory_space<vmem>>, vector<16xf32>,
        %get3A_1137 = vector.shape_cast %get3A_1136 : vector<16xf32> to vector<16xf32>
        %sub3A_1138 = arith.subf %get3A_1131, %scan3A_597 : vector<16xf32>
        %sub3A_1139 = arith.subf %get3A_1134, %scan3A_598 : vector<16xf32>
        %sub3A_1140 = arith.subf %get3A_1137, %scan3A_599 : vector<16xf32>
        %mul3A_1141 = arith.mulf %sub3A_1138, %sub3A_1138 : vector<16xf32>
        %mul3A_1142 = arith.mulf %sub3A_1139, %sub3A_1139 : vector<16xf32>
        %add3A_1143 = arith.addf %mul3A_1141, %mul3A_1142 : vector<16xf32>
        %mul3A_1144 = arith.mulf %sub3A_1140, %sub3A_1140 : vector<16xf32>
        %add3A_1145 = arith.addf %add3A_1143, %mul3A_1144 : vector<16xf32>
        %get3A_1146 = arith.constant 224 : index
        %get3A_1147 = tpu.vector_load %arg12[%get3A_1146] {strides = array<i32>} : memref<1024xf32, #tpu.memory_space<vmem>>, vector<16xf32>,
        %get3A_1148 = vector.shape_cast %get3A_1147 : vector<16xf32> to vector<16xf32>
        %min3A_1149 = arith.minimumf %get3A_1148, %add3A_1145 : vector<16xf32>
        %swap3A_1150 = arith.constant 224 : index
        %swap3A_1151 = tpu.vector_load %arg12[%swap3A_1150] {strides = array<i32>} : memref<1024xf32, #tpu.memory_space<vmem>>, vector<16xf32>,
        %swap3A_1152 = vector.shape_cast %swap3A_1151 : vector<16xf32> to vector<16xf32>
        %swap3A_1153 = vector.shape_cast %min3A_1149 : vector<16xf32> to vector<16xf32>
        tpu.vector_store %arg12[%swap3A_1150], %swap3A_1153 {strides = array<i32>} : memref<1024xf32, #tpu.memory_space<vmem>>, vector<16xf32>,
        %gt3A_1154 = arith.cmpf ogt, %min3A_1149, %select_n3A_1121 : vector<16xf32>
        %select_n3A_1155 = arith.select %gt3A_1154, %min3A_1149, %select_n3A_1121 : vector<16xi1>, vector<16xf32>
        %add3A_1156 = arith.constant 2.240000e+02 : f32
        %add3A_1157 = vector.broadcast %add3A_1156 : f32 to vector<16xf32>
        %add3A_1158 = arith.addf %convert_element_type3A_9, %add3A_1157 : vector<16xf32>
        %select_n3A_1159 = arith.select %gt3A_1154, %add3A_1158, %select_n3A_1125 : vector<16xi1>, vector<16xf32>
        %select_n3A_1160 = arith.select %gt3A_1154, %get3A_1131, %select_n3A_1126 : vector<16xi1>, vector<16xf32>
        %select_n3A_1161 = arith.select %gt3A_1154, %get3A_1134, %select_n3A_1127 : vector<16xi1>, vector<16xf32>
        %select_n3A_1162 = arith.select %gt3A_1154, %get3A_1137, %select_n3A_1128 : vector<16xi1>, vector<16xf32>
        %get3A_1163 = arith.constant 240 : index
        %get3A_1164 = tpu.vector_load %arg9[%get3A_1163] {strides = array<i32>} : memref<1024xf32, #tpu.memory_space<vmem>>, vector<16xf32>,
        %get3A_1165 = vector.shape_cast %get3A_1164 : vector<16xf32> to vector<16xf32>
        %get3A_1166 = arith.constant 240 : index
        %get3A_1167 = tpu.vector_load %arg10[%get3A_1166] {strides = array<i32>} : memref<1024xf32, #tpu.memory_space<vmem>>, vector<16xf32>,
        %get3A_1168 = vector.shape_cast %get3A_1167 : vector<16xf32> to vector<16xf32>
        %get3A_1169 = arith.constant 240 : index
        %get3A_1170 = tpu.vector_load %arg11[%get3A_1169] {strides = array<i32>} : memref<1024xf32, #tpu.memory_space<vmem>>, vector<16xf32>,
        %get3A_1171 = vector.shape_cast %get3A_1170 : vector<16xf32> to vector<16xf32>
        %sub3A_1172 = arith.subf %get3A_1165, %scan3A_597 : vector<16xf32>
        %sub3A_1173 = arith.subf %get3A_1168, %scan3A_598 : vector<16xf32>
        %sub3A_1174 = arith.subf %get3A_1171, %scan3A_599 : vector<16xf32>
        %mul3A_1175 = arith.mulf %sub3A_1172, %sub3A_1172 : vector<16xf32>
        %mul3A_1176 = arith.mulf %sub3A_1173, %sub3A_1173 : vector<16xf32>
        %add3A_1177 = arith.addf %mul3A_1175, %mul3A_1176 : vector<16xf32>
        %mul3A_1178 = arith.mulf %sub3A_1174, %sub3A_1174 : vector<16xf32>
        %add3A_1179 = arith.addf %add3A_1177, %mul3A_1178 : vector<16xf32>
        %get3A_1180 = arith.constant 240 : index
        %get3A_1181 = tpu.vector_load %arg12[%get3A_1180] {strides = array<i32>} : memref<1024xf32, #tpu.memory_space<vmem>>, vector<16xf32>,
        %get3A_1182 = vector.shape_cast %get3A_1181 : vector<16xf32> to vector<16xf32>
        %min3A_1183 = arith.minimumf %get3A_1182, %add3A_1179 : vector<16xf32>
        %swap3A_1184 = arith.constant 240 : index
        %swap3A_1185 = tpu.vector_load %arg12[%swap3A_1184] {strides = array<i32>} : memref<1024xf32, #tpu.memory_space<vmem>>, vector<16xf32>,
        %swap3A_1186 = vector.shape_cast %swap3A_1185 : vector<16xf32> to vector<16xf32>
        %swap3A_1187 = vector.shape_cast %min3A_1183 : vector<16xf32> to vector<16xf32>
        tpu.vector_store %arg12[%swap3A_1184], %swap3A_1187 {strides = array<i32>} : memref<1024xf32, #tpu.memory_space<vmem>>, vector<16xf32>,
        %gt3A_1188 = arith.cmpf ogt, %min3A_1183, %select_n3A_1155 : vector<16xf32>
        %select_n3A_1189 = arith.select %gt3A_1188, %min3A_1183, %select_n3A_1155 : vector<16xi1>, vector<16xf32>
        %add3A_1190 = arith.constant 2.400000e+02 : f32
        %add3A_1191 = vector.broadcast %add3A_1190 : f32 to vector<16xf32>
        %add3A_1192 = arith.addf %convert_element_type3A_9, %add3A_1191 : vector<16xf32>
        %select_n3A_1193 = arith.select %gt3A_1188, %add3A_1192, %select_n3A_1159 : vector<16xi1>, vector<16xf32>
        %select_n3A_1194 = arith.select %gt3A_1188, %get3A_1165, %select_n3A_1160 : vector<16xi1>, vector<16xf32>
        %select_n3A_1195 = arith.select %gt3A_1188, %get3A_1168, %select_n3A_1161 : vector<16xi1>, vector<16xf32>
        %select_n3A_1196 = arith.select %gt3A_1188, %get3A_1171, %select_n3A_1162 : vector<16xi1>, vector<16xf32>
        %get3A_1197 = arith.constant 256 : index
        %get3A_1198 = tpu.vector_load %arg9[%get3A_1197] {strides = array<i32>} : memref<1024xf32, #tpu.memory_space<vmem>>, vector<16xf32>,
        %get3A_1199 = vector.shape_cast %get3A_1198 : vector<16xf32> to vector<16xf32>
        %get3A_1200 = arith.constant 256 : index
        %get3A_1201 = tpu.vector_load %arg10[%get3A_1200] {strides = array<i32>} : memref<1024xf32, #tpu.memory_space<vmem>>, vector<16xf32>,
        %get3A_1202 = vector.shape_cast %get3A_1201 : vector<16xf32> to vector<16xf32>
        %get3A_1203 = arith.constant 256 : index
        %get3A_1204 = tpu.vector_load %arg11[%get3A_1203] {strides = array<i32>} : memref<1024xf32, #tpu.memory_space<vmem>>, vector<16xf32>,
        %get3A_1205 = vector.shape_cast %get3A_1204 : vector<16xf32> to vector<16xf32>
        %sub3A_1206 = arith.subf %get3A_1199, %scan3A_597 : vector<16xf32>
        %sub3A_1207 = arith.subf %get3A_1202, %scan3A_598 : vector<16xf32>
        %sub3A_1208 = arith.subf %get3A_1205, %scan3A_599 : vector<16xf32>
        %mul3A_1209 = arith.mulf %sub3A_1206, %sub3A_1206 : vector<16xf32>
        %mul3A_1210 = arith.mulf %sub3A_1207, %sub3A_1207 : vector<16xf32>
        %add3A_1211 = arith.addf %mul3A_1209, %mul3A_1210 : vector<16xf32>
        %mul3A_1212 = arith.mulf %sub3A_1208, %sub3A_1208 : vector<16xf32>
        %add3A_1213 = arith.addf %add3A_1211, %mul3A_1212 : vector<16xf32>
        %get3A_1214 = arith.constant 256 : index
        %get3A_1215 = tpu.vector_load %arg12[%get3A_1214] {strides = array<i32>} : memref<1024xf32, #tpu.memory_space<vmem>>, vector<16xf32>,
        %get3A_1216 = vector.shape_cast %get3A_1215 : vector<16xf32> to vector<16xf32>
        %min3A_1217 = arith.minimumf %get3A_1216, %add3A_1213 : vector<16xf32>
        %swap3A_1218 = arith.constant 256 : index
        %swap3A_1219 = tpu.vector_load %arg12[%swap3A_1218] {strides = array<i32>} : memref<1024xf32, #tpu.memory_space<vmem>>, vector<16xf32>,
        %swap3A_1220 = vector.shape_cast %swap3A_1219 : vector<16xf32> to vector<16xf32>
        %swap3A_1221 = vector.shape_cast %min3A_1217 : vector<16xf32> to vector<16xf32>
        tpu.vector_store %arg12[%swap3A_1218], %swap3A_1221 {strides = array<i32>} : memref<1024xf32, #tpu.memory_space<vmem>>, vector<16xf32>,
        %gt3A_1222 = arith.cmpf ogt, %min3A_1217, %select_n3A_1189 : vector<16xf32>
        %select_n3A_1223 = arith.select %gt3A_1222, %min3A_1217, %select_n3A_1189 : vector<16xi1>, vector<16xf32>
        %add3A_1224 = arith.constant 2.560000e+02 : f32
        %add3A_1225 = vector.broadcast %add3A_1224 : f32 to vector<16xf32>
        %add3A_1226 = arith.addf %convert_element_type3A_9, %add3A_1225 : vector<16xf32>
        %select_n3A_1227 = arith.select %gt3A_1222, %add3A_1226, %select_n3A_1193 : vector<16xi1>, vector<16xf32>
        %select_n3A_1228 = arith.select %gt3A_1222, %get3A_1199, %select_n3A_1194 : vector<16xi1>, vector<16xf32>
        %select_n3A_1229 = arith.select %gt3A_1222, %get3A_1202, %select_n3A_1195 : vector<16xi1>, vector<16xf32>
        %select_n3A_1230 = arith.select %gt3A_1222, %get3A_1205, %select_n3A_1196 : vector<16xi1>, vector<16xf32>
        %get3A_1231 = arith.constant 272 : index
        %get3A_1232 = tpu.vector_load %arg9[%get3A_1231] {strides = array<i32>} : memref<1024xf32, #tpu.memory_space<vmem>>, vector<16xf32>,
        %get3A_1233 = vector.shape_cast %get3A_1232 : vector<16xf32> to vector<16xf32>
        %get3A_1234 = arith.constant 272 : index
        %get3A_1235 = tpu.vector_load %arg10[%get3A_1234] {strides = array<i32>} : memref<1024xf32, #tpu.memory_space<vmem>>, vector<16xf32>,
        %get3A_1236 = vector.shape_cast %get3A_1235 : vector<16xf32> to vector<16xf32>
        %get3A_1237 = arith.constant 272 : index
        %get3A_1238 = tpu.vector_load %arg11[%get3A_1237] {strides = array<i32>} : memref<1024xf32, #tpu.memory_space<vmem>>, vector<16xf32>,
        %get3A_1239 = vector.shape_cast %get3A_1238 : vector<16xf32> to vector<16xf32>
        %sub3A_1240 = arith.subf %get3A_1233, %scan3A_597 : vector<16xf32>
        %sub3A_1241 = arith.subf %get3A_1236, %scan3A_598 : vector<16xf32>
        %sub3A_1242 = arith.subf %get3A_1239, %scan3A_599 : vector<16xf32>
        %mul3A_1243 = arith.mulf %sub3A_1240, %sub3A_1240 : vector<16xf32>
        %mul3A_1244 = arith.mulf %sub3A_1241, %sub3A_1241 : vector<16xf32>
        %add3A_1245 = arith.addf %mul3A_1243, %mul3A_1244 : vector<16xf32>
        %mul3A_1246 = arith.mulf %sub3A_1242, %sub3A_1242 : vector<16xf32>
        %add3A_1247 = arith.addf %add3A_1245, %mul3A_1246 : vector<16xf32>
        %get3A_1248 = arith.constant 272 : index
        %get3A_1249 = tpu.vector_load %arg12[%get3A_1248] {strides = array<i32>} : memref<1024xf32, #tpu.memory_space<vmem>>, vector<16xf32>,
        %get3A_1250 = vector.shape_cast %get3A_1249 : vector<16xf32> to vector<16xf32>
        %min3A_1251 = arith.minimumf %get3A_1250, %add3A_1247 : vector<16xf32>
        %swap3A_1252 = arith.constant 272 : index
        %swap3A_1253 = tpu.vector_load %arg12[%swap3A_1252] {strides = array<i32>} : memref<1024xf32, #tpu.memory_space<vmem>>, vector<16xf32>,
        %swap3A_1254 = vector.shape_cast %swap3A_1253 : vector<16xf32> to vector<16xf32>
        %swap3A_1255 = vector.shape_cast %min3A_1251 : vector<16xf32> to vector<16xf32>
        tpu.vector_store %arg12[%swap3A_1252], %swap3A_1255 {strides = array<i32>} : memref<1024xf32, #tpu.memory_space<vmem>>, vector<16xf32>,
        %gt3A_1256 = arith.cmpf ogt, %min3A_1251, %select_n3A_1223 : vector<16xf32>
        %select_n3A_1257 = arith.select %gt3A_1256, %min3A_1251, %select_n3A_1223 : vector<16xi1>, vector<16xf32>
        %add3A_1258 = arith.constant 2.720000e+02 : f32
        %add3A_1259 = vector.broadcast %add3A_1258 : f32 to vector<16xf32>
        %add3A_1260 = arith.addf %convert_element_type3A_9, %add3A_1259 : vector<16xf32>
        %select_n3A_1261 = arith.select %gt3A_1256, %add3A_1260, %select_n3A_1227 : vector<16xi1>, vector<16xf32>
        %select_n3A_1262 = arith.select %gt3A_1256, %get3A_1233, %select_n3A_1228 : vector<16xi1>, vector<16xf32>
        %select_n3A_1263 = arith.select %gt3A_1256, %get3A_1236, %select_n3A_1229 : vector<16xi1>, vector<16xf32>
        %select_n3A_1264 = arith.select %gt3A_1256, %get3A_1239, %select_n3A_1230 : vector<16xi1>, vector<16xf32>
        %get3A_1265 = arith.constant 288 : index
        %get3A_1266 = tpu.vector_load %arg9[%get3A_1265] {strides = array<i32>} : memref<1024xf32, #tpu.memory_space<vmem>>, vector<16xf32>,
        %get3A_1267 = vector.shape_cast %get3A_1266 : vector<16xf32> to vector<16xf32>
        %get3A_1268 = arith.constant 288 : index
        %get3A_1269 = tpu.vector_load %arg10[%get3A_1268] {strides = array<i32>} : memref<1024xf32, #tpu.memory_space<vmem>>, vector<16xf32>,
        %get3A_1270 = vector.shape_cast %get3A_1269 : vector<16xf32> to vector<16xf32>
        %get3A_1271 = arith.constant 288 : index
        %get3A_1272 = tpu.vector_load %arg11[%get3A_1271] {strides = array<i32>} : memref<1024xf32, #tpu.memory_space<vmem>>, vector<16xf32>,
        %get3A_1273 = vector.shape_cast %get3A_1272 : vector<16xf32> to vector<16xf32>
        %sub3A_1274 = arith.subf %get3A_1267, %scan3A_597 : vector<16xf32>
        %sub3A_1275 = arith.subf %get3A_1270, %scan3A_598 : vector<16xf32>
        %sub3A_1276 = arith.subf %get3A_1273, %scan3A_599 : vector<16xf32>
        %mul3A_1277 = arith.mulf %sub3A_1274, %sub3A_1274 : vector<16xf32>
        %mul3A_1278 = arith.mulf %sub3A_1275, %sub3A_1275 : vector<16xf32>
        %add3A_1279 = arith.addf %mul3A_1277, %mul3A_1278 : vector<16xf32>
        %mul3A_1280 = arith.mulf %sub3A_1276, %sub3A_1276 : vector<16xf32>
        %add3A_1281 = arith.addf %add3A_1279, %mul3A_1280 : vector<16xf32>
        %get3A_1282 = arith.constant 288 : index
        %get3A_1283 = tpu.vector_load %arg12[%get3A_1282] {strides = array<i32>} : memref<1024xf32, #tpu.memory_space<vmem>>, vector<16xf32>,
        %get3A_1284 = vector.shape_cast %get3A_1283 : vector<16xf32> to vector<16xf32>
        %min3A_1285 = arith.minimumf %get3A_1284, %add3A_1281 : vector<16xf32>
        %swap3A_1286 = arith.constant 288 : index
        %swap3A_1287 = tpu.vector_load %arg12[%swap3A_1286] {strides = array<i32>} : memref<1024xf32, #tpu.memory_space<vmem>>, vector<16xf32>,
        %swap3A_1288 = vector.shape_cast %swap3A_1287 : vector<16xf32> to vector<16xf32>
        %swap3A_1289 = vector.shape_cast %min3A_1285 : vector<16xf32> to vector<16xf32>
        tpu.vector_store %arg12[%swap3A_1286], %swap3A_1289 {strides = array<i32>} : memref<1024xf32, #tpu.memory_space<vmem>>, vector<16xf32>,
        %gt3A_1290 = arith.cmpf ogt, %min3A_1285, %select_n3A_1257 : vector<16xf32>
        %select_n3A_1291 = arith.select %gt3A_1290, %min3A_1285, %select_n3A_1257 : vector<16xi1>, vector<16xf32>
        %add3A_1292 = arith.constant 2.880000e+02 : f32
        %add3A_1293 = vector.broadcast %add3A_1292 : f32 to vector<16xf32>
        %add3A_1294 = arith.addf %convert_element_type3A_9, %add3A_1293 : vector<16xf32>
        %select_n3A_1295 = arith.select %gt3A_1290, %add3A_1294, %select_n3A_1261 : vector<16xi1>, vector<16xf32>
        %select_n3A_1296 = arith.select %gt3A_1290, %get3A_1267, %select_n3A_1262 : vector<16xi1>, vector<16xf32>
        %select_n3A_1297 = arith.select %gt3A_1290, %get3A_1270, %select_n3A_1263 : vector<16xi1>, vector<16xf32>
        %select_n3A_1298 = arith.select %gt3A_1290, %get3A_1273, %select_n3A_1264 : vector<16xi1>, vector<16xf32>
        %get3A_1299 = arith.constant 304 : index
        %get3A_1300 = tpu.vector_load %arg9[%get3A_1299] {strides = array<i32>} : memref<1024xf32, #tpu.memory_space<vmem>>, vector<16xf32>,
        %get3A_1301 = vector.shape_cast %get3A_1300 : vector<16xf32> to vector<16xf32>
        %get3A_1302 = arith.constant 304 : index
        %get3A_1303 = tpu.vector_load %arg10[%get3A_1302] {strides = array<i32>} : memref<1024xf32, #tpu.memory_space<vmem>>, vector<16xf32>,
        %get3A_1304 = vector.shape_cast %get3A_1303 : vector<16xf32> to vector<16xf32>
        %get3A_1305 = arith.constant 304 : index
        %get3A_1306 = tpu.vector_load %arg11[%get3A_1305] {strides = array<i32>} : memref<1024xf32, #tpu.memory_space<vmem>>, vector<16xf32>,
        %get3A_1307 = vector.shape_cast %get3A_1306 : vector<16xf32> to vector<16xf32>
        %sub3A_1308 = arith.subf %get3A_1301, %scan3A_597 : vector<16xf32>
        %sub3A_1309 = arith.subf %get3A_1304, %scan3A_598 : vector<16xf32>
        %sub3A_1310 = arith.subf %get3A_1307, %scan3A_599 : vector<16xf32>
        %mul3A_1311 = arith.mulf %sub3A_1308, %sub3A_1308 : vector<16xf32>
        %mul3A_1312 = arith.mulf %sub3A_1309, %sub3A_1309 : vector<16xf32>
        %add3A_1313 = arith.addf %mul3A_1311, %mul3A_1312 : vector<16xf32>
        %mul3A_1314 = arith.mulf %sub3A_1310, %sub3A_1310 : vector<16xf32>
        %add3A_1315 = arith.addf %add3A_1313, %mul3A_1314 : vector<16xf32>
        %get3A_1316 = arith.constant 304 : index
        %get3A_1317 = tpu.vector_load %arg12[%get3A_1316] {strides = array<i32>} : memref<1024xf32, #tpu.memory_space<vmem>>, vector<16xf32>,
        %get3A_1318 = vector.shape_cast %get3A_1317 : vector<16xf32> to vector<16xf32>
        %min3A_1319 = arith.minimumf %get3A_1318, %add3A_1315 : vector<16xf32>
        %swap3A_1320 = arith.constant 304 : index
        %swap3A_1321 = tpu.vector_load %arg12[%swap3A_1320] {strides = array<i32>} : memref<1024xf32, #tpu.memory_space<vmem>>, vector<16xf32>,
        %swap3A_1322 = vector.shape_cast %swap3A_1321 : vector<16xf32> to vector<16xf32>
        %swap3A_1323 = vector.shape_cast %min3A_1319 : vector<16xf32> to vector<16xf32>
        tpu.vector_store %arg12[%swap3A_1320], %swap3A_1323 {strides = array<i32>} : memref<1024xf32, #tpu.memory_space<vmem>>, vector<16xf32>,
        %gt3A_1324 = arith.cmpf ogt, %min3A_1319, %select_n3A_1291 : vector<16xf32>
        %select_n3A_1325 = arith.select %gt3A_1324, %min3A_1319, %select_n3A_1291 : vector<16xi1>, vector<16xf32>
        %add3A_1326 = arith.constant 3.040000e+02 : f32
        %add3A_1327 = vector.broadcast %add3A_1326 : f32 to vector<16xf32>
        %add3A_1328 = arith.addf %convert_element_type3A_9, %add3A_1327 : vector<16xf32>
        %select_n3A_1329 = arith.select %gt3A_1324, %add3A_1328, %select_n3A_1295 : vector<16xi1>, vector<16xf32>
        %select_n3A_1330 = arith.select %gt3A_1324, %get3A_1301, %select_n3A_1296 : vector<16xi1>, vector<16xf32>
        %select_n3A_1331 = arith.select %gt3A_1324, %get3A_1304, %select_n3A_1297 : vector<16xi1>, vector<16xf32>
        %select_n3A_1332 = arith.select %gt3A_1324, %get3A_1307, %select_n3A_1298 : vector<16xi1>, vector<16xf32>
        %get3A_1333 = arith.constant 320 : index
        %get3A_1334 = tpu.vector_load %arg9[%get3A_1333] {strides = array<i32>} : memref<1024xf32, #tpu.memory_space<vmem>>, vector<16xf32>,
        %get3A_1335 = vector.shape_cast %get3A_1334 : vector<16xf32> to vector<16xf32>
        %get3A_1336 = arith.constant 320 : index
        %get3A_1337 = tpu.vector_load %arg10[%get3A_1336] {strides = array<i32>} : memref<1024xf32, #tpu.memory_space<vmem>>, vector<16xf32>,
        %get3A_1338 = vector.shape_cast %get3A_1337 : vector<16xf32> to vector<16xf32>
        %get3A_1339 = arith.constant 320 : index
        %get3A_1340 = tpu.vector_load %arg11[%get3A_1339] {strides = array<i32>} : memref<1024xf32, #tpu.memory_space<vmem>>, vector<16xf32>,
        %get3A_1341 = vector.shape_cast %get3A_1340 : vector<16xf32> to vector<16xf32>
        %sub3A_1342 = arith.subf %get3A_1335, %scan3A_597 : vector<16xf32>
        %sub3A_1343 = arith.subf %get3A_1338, %scan3A_598 : vector<16xf32>
        %sub3A_1344 = arith.subf %get3A_1341, %scan3A_599 : vector<16xf32>
        %mul3A_1345 = arith.mulf %sub3A_1342, %sub3A_1342 : vector<16xf32>
        %mul3A_1346 = arith.mulf %sub3A_1343, %sub3A_1343 : vector<16xf32>
        %add3A_1347 = arith.addf %mul3A_1345, %mul3A_1346 : vector<16xf32>
        %mul3A_1348 = arith.mulf %sub3A_1344, %sub3A_1344 : vector<16xf32>
        %add3A_1349 = arith.addf %add3A_1347, %mul3A_1348 : vector<16xf32>
        %get3A_1350 = arith.constant 320 : index
        %get3A_1351 = tpu.vector_load %arg12[%get3A_1350] {strides = array<i32>} : memref<1024xf32, #tpu.memory_space<vmem>>, vector<16xf32>,
        %get3A_1352 = vector.shape_cast %get3A_1351 : vector<16xf32> to vector<16xf32>
        %min3A_1353 = arith.minimumf %get3A_1352, %add3A_1349 : vector<16xf32>
        %swap3A_1354 = arith.constant 320 : index
        %swap3A_1355 = tpu.vector_load %arg12[%swap3A_1354] {strides = array<i32>} : memref<1024xf32, #tpu.memory_space<vmem>>, vector<16xf32>,
        %swap3A_1356 = vector.shape_cast %swap3A_1355 : vector<16xf32> to vector<16xf32>
        %swap3A_1357 = vector.shape_cast %min3A_1353 : vector<16xf32> to vector<16xf32>
        tpu.vector_store %arg12[%swap3A_1354], %swap3A_1357 {strides = array<i32>} : memref<1024xf32, #tpu.memory_space<vmem>>, vector<16xf32>,
        %gt3A_1358 = arith.cmpf ogt, %min3A_1353, %select_n3A_1325 : vector<16xf32>
        %select_n3A_1359 = arith.select %gt3A_1358, %min3A_1353, %select_n3A_1325 : vector<16xi1>, vector<16xf32>
        %add3A_1360 = arith.constant 3.200000e+02 : f32
        %add3A_1361 = vector.broadcast %add3A_1360 : f32 to vector<16xf32>
        %add3A_1362 = arith.addf %convert_element_type3A_9, %add3A_1361 : vector<16xf32>
        %select_n3A_1363 = arith.select %gt3A_1358, %add3A_1362, %select_n3A_1329 : vector<16xi1>, vector<16xf32>
        %select_n3A_1364 = arith.select %gt3A_1358, %get3A_1335, %select_n3A_1330 : vector<16xi1>, vector<16xf32>
        %select_n3A_1365 = arith.select %gt3A_1358, %get3A_1338, %select_n3A_1331 : vector<16xi1>, vector<16xf32>
        %select_n3A_1366 = arith.select %gt3A_1358, %get3A_1341, %select_n3A_1332 : vector<16xi1>, vector<16xf32>
        %get3A_1367 = arith.constant 336 : index
        %get3A_1368 = tpu.vector_load %arg9[%get3A_1367] {strides = array<i32>} : memref<1024xf32, #tpu.memory_space<vmem>>, vector<16xf32>,
        %get3A_1369 = vector.shape_cast %get3A_1368 : vector<16xf32> to vector<16xf32>
        %get3A_1370 = arith.constant 336 : index
        %get3A_1371 = tpu.vector_load %arg10[%get3A_1370] {strides = array<i32>} : memref<1024xf32, #tpu.memory_space<vmem>>, vector<16xf32>,
        %get3A_1372 = vector.shape_cast %get3A_1371 : vector<16xf32> to vector<16xf32>
        %get3A_1373 = arith.constant 336 : index
        %get3A_1374 = tpu.vector_load %arg11[%get3A_1373] {strides = array<i32>} : memref<1024xf32, #tpu.memory_space<vmem>>, vector<16xf32>,
        %get3A_1375 = vector.shape_cast %get3A_1374 : vector<16xf32> to vector<16xf32>
        %sub3A_1376 = arith.subf %get3A_1369, %scan3A_597 : vector<16xf32>
        %sub3A_1377 = arith.subf %get3A_1372, %scan3A_598 : vector<16xf32>
        %sub3A_1378 = arith.subf %get3A_1375, %scan3A_599 : vector<16xf32>
        %mul3A_1379 = arith.mulf %sub3A_1376, %sub3A_1376 : vector<16xf32>
        %mul3A_1380 = arith.mulf %sub3A_1377, %sub3A_1377 : vector<16xf32>
        %add3A_1381 = arith.addf %mul3A_1379, %mul3A_1380 : vector<16xf32>
        %mul3A_1382 = arith.mulf %sub3A_1378, %sub3A_1378 : vector<16xf32>
        %add3A_1383 = arith.addf %add3A_1381, %mul3A_1382 : vector<16xf32>
        %get3A_1384 = arith.constant 336 : index
        %get3A_1385 = tpu.vector_load %arg12[%get3A_1384] {strides = array<i32>} : memref<1024xf32, #tpu.memory_space<vmem>>, vector<16xf32>,
        %get3A_1386 = vector.shape_cast %get3A_1385 : vector<16xf32> to vector<16xf32>
        %min3A_1387 = arith.minimumf %get3A_1386, %add3A_1383 : vector<16xf32>
        %swap3A_1388 = arith.constant 336 : index
        %swap3A_1389 = tpu.vector_load %arg12[%swap3A_1388] {strides = array<i32>} : memref<1024xf32, #tpu.memory_space<vmem>>, vector<16xf32>,
        %swap3A_1390 = vector.shape_cast %swap3A_1389 : vector<16xf32> to vector<16xf32>
        %swap3A_1391 = vector.shape_cast %min3A_1387 : vector<16xf32> to vector<16xf32>
        tpu.vector_store %arg12[%swap3A_1388], %swap3A_1391 {strides = array<i32>} : memref<1024xf32, #tpu.memory_space<vmem>>, vector<16xf32>,
        %gt3A_1392 = arith.cmpf ogt, %min3A_1387, %select_n3A_1359 : vector<16xf32>
        %select_n3A_1393 = arith.select %gt3A_1392, %min3A_1387, %select_n3A_1359 : vector<16xi1>, vector<16xf32>
        %add3A_1394 = arith.constant 3.360000e+02 : f32
        %add3A_1395 = vector.broadcast %add3A_1394 : f32 to vector<16xf32>
        %add3A_1396 = arith.addf %convert_element_type3A_9, %add3A_1395 : vector<16xf32>
        %select_n3A_1397 = arith.select %gt3A_1392, %add3A_1396, %select_n3A_1363 : vector<16xi1>, vector<16xf32>
        %select_n3A_1398 = arith.select %gt3A_1392, %get3A_1369, %select_n3A_1364 : vector<16xi1>, vector<16xf32>
        %select_n3A_1399 = arith.select %gt3A_1392, %get3A_1372, %select_n3A_1365 : vector<16xi1>, vector<16xf32>
        %select_n3A_1400 = arith.select %gt3A_1392, %get3A_1375, %select_n3A_1366 : vector<16xi1>, vector<16xf32>
        %get3A_1401 = arith.constant 352 : index
        %get3A_1402 = tpu.vector_load %arg9[%get3A_1401] {strides = array<i32>} : memref<1024xf32, #tpu.memory_space<vmem>>, vector<16xf32>,
        %get3A_1403 = vector.shape_cast %get3A_1402 : vector<16xf32> to vector<16xf32>
        %get3A_1404 = arith.constant 352 : index
        %get3A_1405 = tpu.vector_load %arg10[%get3A_1404] {strides = array<i32>} : memref<1024xf32, #tpu.memory_space<vmem>>, vector<16xf32>,
        %get3A_1406 = vector.shape_cast %get3A_1405 : vector<16xf32> to vector<16xf32>
        %get3A_1407 = arith.constant 352 : index
        %get3A_1408 = tpu.vector_load %arg11[%get3A_1407] {strides = array<i32>} : memref<1024xf32, #tpu.memory_space<vmem>>, vector<16xf32>,
        %get3A_1409 = vector.shape_cast %get3A_1408 : vector<16xf32> to vector<16xf32>
        %sub3A_1410 = arith.subf %get3A_1403, %scan3A_597 : vector<16xf32>
        %sub3A_1411 = arith.subf %get3A_1406, %scan3A_598 : vector<16xf32>
        %sub3A_1412 = arith.subf %get3A_1409, %scan3A_599 : vector<16xf32>
        %mul3A_1413 = arith.mulf %sub3A_1410, %sub3A_1410 : vector<16xf32>
        %mul3A_1414 = arith.mulf %sub3A_1411, %sub3A_1411 : vector<16xf32>
        %add3A_1415 = arith.addf %mul3A_1413, %mul3A_1414 : vector<16xf32>
        %mul3A_1416 = arith.mulf %sub3A_1412, %sub3A_1412 : vector<16xf32>
        %add3A_1417 = arith.addf %add3A_1415, %mul3A_1416 : vector<16xf32>
        %get3A_1418 = arith.constant 352 : index
        %get3A_1419 = tpu.vector_load %arg12[%get3A_1418] {strides = array<i32>} : memref<1024xf32, #tpu.memory_space<vmem>>, vector<16xf32>,
        %get3A_1420 = vector.shape_cast %get3A_1419 : vector<16xf32> to vector<16xf32>
        %min3A_1421 = arith.minimumf %get3A_1420, %add3A_1417 : vector<16xf32>
        %swap3A_1422 = arith.constant 352 : index
        %swap3A_1423 = tpu.vector_load %arg12[%swap3A_1422] {strides = array<i32>} : memref<1024xf32, #tpu.memory_space<vmem>>, vector<16xf32>,
        %swap3A_1424 = vector.shape_cast %swap3A_1423 : vector<16xf32> to vector<16xf32>
        %swap3A_1425 = vector.shape_cast %min3A_1421 : vector<16xf32> to vector<16xf32>
        tpu.vector_store %arg12[%swap3A_1422], %swap3A_1425 {strides = array<i32>} : memref<1024xf32, #tpu.memory_space<vmem>>, vector<16xf32>,
        %gt3A_1426 = arith.cmpf ogt, %min3A_1421, %select_n3A_1393 : vector<16xf32>
        %select_n3A_1427 = arith.select %gt3A_1426, %min3A_1421, %select_n3A_1393 : vector<16xi1>, vector<16xf32>
        %add3A_1428 = arith.constant 3.520000e+02 : f32
        %add3A_1429 = vector.broadcast %add3A_1428 : f32 to vector<16xf32>
        %add3A_1430 = arith.addf %convert_element_type3A_9, %add3A_1429 : vector<16xf32>
        %select_n3A_1431 = arith.select %gt3A_1426, %add3A_1430, %select_n3A_1397 : vector<16xi1>, vector<16xf32>
        %select_n3A_1432 = arith.select %gt3A_1426, %get3A_1403, %select_n3A_1398 : vector<16xi1>, vector<16xf32>
        %select_n3A_1433 = arith.select %gt3A_1426, %get3A_1406, %select_n3A_1399 : vector<16xi1>, vector<16xf32>
        %select_n3A_1434 = arith.select %gt3A_1426, %get3A_1409, %select_n3A_1400 : vector<16xi1>, vector<16xf32>
        %get3A_1435 = arith.constant 368 : index
        %get3A_1436 = tpu.vector_load %arg9[%get3A_1435] {strides = array<i32>} : memref<1024xf32, #tpu.memory_space<vmem>>, vector<16xf32>,
        %get3A_1437 = vector.shape_cast %get3A_1436 : vector<16xf32> to vector<16xf32>
        %get3A_1438 = arith.constant 368 : index
        %get3A_1439 = tpu.vector_load %arg10[%get3A_1438] {strides = array<i32>} : memref<1024xf32, #tpu.memory_space<vmem>>, vector<16xf32>,
        %get3A_1440 = vector.shape_cast %get3A_1439 : vector<16xf32> to vector<16xf32>
        %get3A_1441 = arith.constant 368 : index
        %get3A_1442 = tpu.vector_load %arg11[%get3A_1441] {strides = array<i32>} : memref<1024xf32, #tpu.memory_space<vmem>>, vector<16xf32>,
        %get3A_1443 = vector.shape_cast %get3A_1442 : vector<16xf32> to vector<16xf32>
        %sub3A_1444 = arith.subf %get3A_1437, %scan3A_597 : vector<16xf32>
        %sub3A_1445 = arith.subf %get3A_1440, %scan3A_598 : vector<16xf32>
        %sub3A_1446 = arith.subf %get3A_1443, %scan3A_599 : vector<16xf32>
        %mul3A_1447 = arith.mulf %sub3A_1444, %sub3A_1444 : vector<16xf32>
        %mul3A_1448 = arith.mulf %sub3A_1445, %sub3A_1445 : vector<16xf32>
        %add3A_1449 = arith.addf %mul3A_1447, %mul3A_1448 : vector<16xf32>
        %mul3A_1450 = arith.mulf %sub3A_1446, %sub3A_1446 : vector<16xf32>
        %add3A_1451 = arith.addf %add3A_1449, %mul3A_1450 : vector<16xf32>
        %get3A_1452 = arith.constant 368 : index
        %get3A_1453 = tpu.vector_load %arg12[%get3A_1452] {strides = array<i32>} : memref<1024xf32, #tpu.memory_space<vmem>>, vector<16xf32>,
        %get3A_1454 = vector.shape_cast %get3A_1453 : vector<16xf32> to vector<16xf32>
        %min3A_1455 = arith.minimumf %get3A_1454, %add3A_1451 : vector<16xf32>
        %swap3A_1456 = arith.constant 368 : index
        %swap3A_1457 = tpu.vector_load %arg12[%swap3A_1456] {strides = array<i32>} : memref<1024xf32, #tpu.memory_space<vmem>>, vector<16xf32>,
        %swap3A_1458 = vector.shape_cast %swap3A_1457 : vector<16xf32> to vector<16xf32>
        %swap3A_1459 = vector.shape_cast %min3A_1455 : vector<16xf32> to vector<16xf32>
        tpu.vector_store %arg12[%swap3A_1456], %swap3A_1459 {strides = array<i32>} : memref<1024xf32, #tpu.memory_space<vmem>>, vector<16xf32>,
        %gt3A_1460 = arith.cmpf ogt, %min3A_1455, %select_n3A_1427 : vector<16xf32>
        %select_n3A_1461 = arith.select %gt3A_1460, %min3A_1455, %select_n3A_1427 : vector<16xi1>, vector<16xf32>
        %add3A_1462 = arith.constant 3.680000e+02 : f32
        %add3A_1463 = vector.broadcast %add3A_1462 : f32 to vector<16xf32>
        %add3A_1464 = arith.addf %convert_element_type3A_9, %add3A_1463 : vector<16xf32>
        %select_n3A_1465 = arith.select %gt3A_1460, %add3A_1464, %select_n3A_1431 : vector<16xi1>, vector<16xf32>
        %select_n3A_1466 = arith.select %gt3A_1460, %get3A_1437, %select_n3A_1432 : vector<16xi1>, vector<16xf32>
        %select_n3A_1467 = arith.select %gt3A_1460, %get3A_1440, %select_n3A_1433 : vector<16xi1>, vector<16xf32>
        %select_n3A_1468 = arith.select %gt3A_1460, %get3A_1443, %select_n3A_1434 : vector<16xi1>, vector<16xf32>
        %get3A_1469 = arith.constant 384 : index
        %get3A_1470 = tpu.vector_load %arg9[%get3A_1469] {strides = array<i32>} : memref<1024xf32, #tpu.memory_space<vmem>>, vector<16xf32>,
        %get3A_1471 = vector.shape_cast %get3A_1470 : vector<16xf32> to vector<16xf32>
        %get3A_1472 = arith.constant 384 : index
        %get3A_1473 = tpu.vector_load %arg10[%get3A_1472] {strides = array<i32>} : memref<1024xf32, #tpu.memory_space<vmem>>, vector<16xf32>,
        %get3A_1474 = vector.shape_cast %get3A_1473 : vector<16xf32> to vector<16xf32>
        %get3A_1475 = arith.constant 384 : index
        %get3A_1476 = tpu.vector_load %arg11[%get3A_1475] {strides = array<i32>} : memref<1024xf32, #tpu.memory_space<vmem>>, vector<16xf32>,
        %get3A_1477 = vector.shape_cast %get3A_1476 : vector<16xf32> to vector<16xf32>
        %sub3A_1478 = arith.subf %get3A_1471, %scan3A_597 : vector<16xf32>
        %sub3A_1479 = arith.subf %get3A_1474, %scan3A_598 : vector<16xf32>
        %sub3A_1480 = arith.subf %get3A_1477, %scan3A_599 : vector<16xf32>
        %mul3A_1481 = arith.mulf %sub3A_1478, %sub3A_1478 : vector<16xf32>
        %mul3A_1482 = arith.mulf %sub3A_1479, %sub3A_1479 : vector<16xf32>
        %add3A_1483 = arith.addf %mul3A_1481, %mul3A_1482 : vector<16xf32>
        %mul3A_1484 = arith.mulf %sub3A_1480, %sub3A_1480 : vector<16xf32>
        %add3A_1485 = arith.addf %add3A_1483, %mul3A_1484 : vector<16xf32>
        %get3A_1486 = arith.constant 384 : index
        %get3A_1487 = tpu.vector_load %arg12[%get3A_1486] {strides = array<i32>} : memref<1024xf32, #tpu.memory_space<vmem>>, vector<16xf32>,
        %get3A_1488 = vector.shape_cast %get3A_1487 : vector<16xf32> to vector<16xf32>
        %min3A_1489 = arith.minimumf %get3A_1488, %add3A_1485 : vector<16xf32>
        %swap3A_1490 = arith.constant 384 : index
        %swap3A_1491 = tpu.vector_load %arg12[%swap3A_1490] {strides = array<i32>} : memref<1024xf32, #tpu.memory_space<vmem>>, vector<16xf32>,
        %swap3A_1492 = vector.shape_cast %swap3A_1491 : vector<16xf32> to vector<16xf32>
        %swap3A_1493 = vector.shape_cast %min3A_1489 : vector<16xf32> to vector<16xf32>
        tpu.vector_store %arg12[%swap3A_1490], %swap3A_1493 {strides = array<i32>} : memref<1024xf32, #tpu.memory_space<vmem>>, vector<16xf32>,
        %gt3A_1494 = arith.cmpf ogt, %min3A_1489, %select_n3A_1461 : vector<16xf32>
        %select_n3A_1495 = arith.select %gt3A_1494, %min3A_1489, %select_n3A_1461 : vector<16xi1>, vector<16xf32>
        %add3A_1496 = arith.constant 3.840000e+02 : f32
        %add3A_1497 = vector.broadcast %add3A_1496 : f32 to vector<16xf32>
        %add3A_1498 = arith.addf %convert_element_type3A_9, %add3A_1497 : vector<16xf32>
        %select_n3A_1499 = arith.select %gt3A_1494, %add3A_1498, %select_n3A_1465 : vector<16xi1>, vector<16xf32>
        %select_n3A_1500 = arith.select %gt3A_1494, %get3A_1471, %select_n3A_1466 : vector<16xi1>, vector<16xf32>
        %select_n3A_1501 = arith.select %gt3A_1494, %get3A_1474, %select_n3A_1467 : vector<16xi1>, vector<16xf32>
        %select_n3A_1502 = arith.select %gt3A_1494, %get3A_1477, %select_n3A_1468 : vector<16xi1>, vector<16xf32>
        %get3A_1503 = arith.constant 400 : index
        %get3A_1504 = tpu.vector_load %arg9[%get3A_1503] {strides = array<i32>} : memref<1024xf32, #tpu.memory_space<vmem>>, vector<16xf32>,
        %get3A_1505 = vector.shape_cast %get3A_1504 : vector<16xf32> to vector<16xf32>
        %get3A_1506 = arith.constant 400 : index
        %get3A_1507 = tpu.vector_load %arg10[%get3A_1506] {strides = array<i32>} : memref<1024xf32, #tpu.memory_space<vmem>>, vector<16xf32>,
        %get3A_1508 = vector.shape_cast %get3A_1507 : vector<16xf32> to vector<16xf32>
        %get3A_1509 = arith.constant 400 : index
        %get3A_1510 = tpu.vector_load %arg11[%get3A_1509] {strides = array<i32>} : memref<1024xf32, #tpu.memory_space<vmem>>, vector<16xf32>,
        %get3A_1511 = vector.shape_cast %get3A_1510 : vector<16xf32> to vector<16xf32>
        %sub3A_1512 = arith.subf %get3A_1505, %scan3A_597 : vector<16xf32>
        %sub3A_1513 = arith.subf %get3A_1508, %scan3A_598 : vector<16xf32>
        %sub3A_1514 = arith.subf %get3A_1511, %scan3A_599 : vector<16xf32>
        %mul3A_1515 = arith.mulf %sub3A_1512, %sub3A_1512 : vector<16xf32>
        %mul3A_1516 = arith.mulf %sub3A_1513, %sub3A_1513 : vector<16xf32>
        %add3A_1517 = arith.addf %mul3A_1515, %mul3A_1516 : vector<16xf32>
        %mul3A_1518 = arith.mulf %sub3A_1514, %sub3A_1514 : vector<16xf32>
        %add3A_1519 = arith.addf %add3A_1517, %mul3A_1518 : vector<16xf32>
        %get3A_1520 = arith.constant 400 : index
        %get3A_1521 = tpu.vector_load %arg12[%get3A_1520] {strides = array<i32>} : memref<1024xf32, #tpu.memory_space<vmem>>, vector<16xf32>,
        %get3A_1522 = vector.shape_cast %get3A_1521 : vector<16xf32> to vector<16xf32>
        %min3A_1523 = arith.minimumf %get3A_1522, %add3A_1519 : vector<16xf32>
        %swap3A_1524 = arith.constant 400 : index
        %swap3A_1525 = tpu.vector_load %arg12[%swap3A_1524] {strides = array<i32>} : memref<1024xf32, #tpu.memory_space<vmem>>, vector<16xf32>,
        %swap3A_1526 = vector.shape_cast %swap3A_1525 : vector<16xf32> to vector<16xf32>
        %swap3A_1527 = vector.shape_cast %min3A_1523 : vector<16xf32> to vector<16xf32>
        tpu.vector_store %arg12[%swap3A_1524], %swap3A_1527 {strides = array<i32>} : memref<1024xf32, #tpu.memory_space<vmem>>, vector<16xf32>,
        %gt3A_1528 = arith.cmpf ogt, %min3A_1523, %select_n3A_1495 : vector<16xf32>
        %select_n3A_1529 = arith.select %gt3A_1528, %min3A_1523, %select_n3A_1495 : vector<16xi1>, vector<16xf32>
        %add3A_1530 = arith.constant 4.000000e+02 : f32
        %add3A_1531 = vector.broadcast %add3A_1530 : f32 to vector<16xf32>
        %add3A_1532 = arith.addf %convert_element_type3A_9, %add3A_1531 : vector<16xf32>
        %select_n3A_1533 = arith.select %gt3A_1528, %add3A_1532, %select_n3A_1499 : vector<16xi1>, vector<16xf32>
        %select_n3A_1534 = arith.select %gt3A_1528, %get3A_1505, %select_n3A_1500 : vector<16xi1>, vector<16xf32>
        %select_n3A_1535 = arith.select %gt3A_1528, %get3A_1508, %select_n3A_1501 : vector<16xi1>, vector<16xf32>
        %select_n3A_1536 = arith.select %gt3A_1528, %get3A_1511, %select_n3A_1502 : vector<16xi1>, vector<16xf32>
        %get3A_1537 = arith.constant 416 : index
        %get3A_1538 = tpu.vector_load %arg9[%get3A_1537] {strides = array<i32>} : memref<1024xf32, #tpu.memory_space<vmem>>, vector<16xf32>,
        %get3A_1539 = vector.shape_cast %get3A_1538 : vector<16xf32> to vector<16xf32>
        %get3A_1540 = arith.constant 416 : index
        %get3A_1541 = tpu.vector_load %arg10[%get3A_1540] {strides = array<i32>} : memref<1024xf32, #tpu.memory_space<vmem>>, vector<16xf32>,
        %get3A_1542 = vector.shape_cast %get3A_1541 : vector<16xf32> to vector<16xf32>
        %get3A_1543 = arith.constant 416 : index
        %get3A_1544 = tpu.vector_load %arg11[%get3A_1543] {strides = array<i32>} : memref<1024xf32, #tpu.memory_space<vmem>>, vector<16xf32>,
        %get3A_1545 = vector.shape_cast %get3A_1544 : vector<16xf32> to vector<16xf32>
        %sub3A_1546 = arith.subf %get3A_1539, %scan3A_597 : vector<16xf32>
        %sub3A_1547 = arith.subf %get3A_1542, %scan3A_598 : vector<16xf32>
        %sub3A_1548 = arith.subf %get3A_1545, %scan3A_599 : vector<16xf32>
        %mul3A_1549 = arith.mulf %sub3A_1546, %sub3A_1546 : vector<16xf32>
        %mul3A_1550 = arith.mulf %sub3A_1547, %sub3A_1547 : vector<16xf32>
        %add3A_1551 = arith.addf %mul3A_1549, %mul3A_1550 : vector<16xf32>
        %mul3A_1552 = arith.mulf %sub3A_1548, %sub3A_1548 : vector<16xf32>
        %add3A_1553 = arith.addf %add3A_1551, %mul3A_1552 : vector<16xf32>
        %get3A_1554 = arith.constant 416 : index
        %get3A_1555 = tpu.vector_load %arg12[%get3A_1554] {strides = array<i32>} : memref<1024xf32, #tpu.memory_space<vmem>>, vector<16xf32>,
        %get3A_1556 = vector.shape_cast %get3A_1555 : vector<16xf32> to vector<16xf32>
        %min3A_1557 = arith.minimumf %get3A_1556, %add3A_1553 : vector<16xf32>
        %swap3A_1558 = arith.constant 416 : index
        %swap3A_1559 = tpu.vector_load %arg12[%swap3A_1558] {strides = array<i32>} : memref<1024xf32, #tpu.memory_space<vmem>>, vector<16xf32>,
        %swap3A_1560 = vector.shape_cast %swap3A_1559 : vector<16xf32> to vector<16xf32>
        %swap3A_1561 = vector.shape_cast %min3A_1557 : vector<16xf32> to vector<16xf32>
        tpu.vector_store %arg12[%swap3A_1558], %swap3A_1561 {strides = array<i32>} : memref<1024xf32, #tpu.memory_space<vmem>>, vector<16xf32>,
        %gt3A_1562 = arith.cmpf ogt, %min3A_1557, %select_n3A_1529 : vector<16xf32>
        %select_n3A_1563 = arith.select %gt3A_1562, %min3A_1557, %select_n3A_1529 : vector<16xi1>, vector<16xf32>
        %add3A_1564 = arith.constant 4.160000e+02 : f32
        %add3A_1565 = vector.broadcast %add3A_1564 : f32 to vector<16xf32>
        %add3A_1566 = arith.addf %convert_element_type3A_9, %add3A_1565 : vector<16xf32>
        %select_n3A_1567 = arith.select %gt3A_1562, %add3A_1566, %select_n3A_1533 : vector<16xi1>, vector<16xf32>
        %select_n3A_1568 = arith.select %gt3A_1562, %get3A_1539, %select_n3A_1534 : vector<16xi1>, vector<16xf32>
        %select_n3A_1569 = arith.select %gt3A_1562, %get3A_1542, %select_n3A_1535 : vector<16xi1>, vector<16xf32>
        %select_n3A_1570 = arith.select %gt3A_1562, %get3A_1545, %select_n3A_1536 : vector<16xi1>, vector<16xf32>
        %get3A_1571 = arith.constant 432 : index
        %get3A_1572 = tpu.vector_load %arg9[%get3A_1571] {strides = array<i32>} : memref<1024xf32, #tpu.memory_space<vmem>>, vector<16xf32>,
        %get3A_1573 = vector.shape_cast %get3A_1572 : vector<16xf32> to vector<16xf32>
        %get3A_1574 = arith.constant 432 : index
        %get3A_1575 = tpu.vector_load %arg10[%get3A_1574] {strides = array<i32>} : memref<1024xf32, #tpu.memory_space<vmem>>, vector<16xf32>,
        %get3A_1576 = vector.shape_cast %get3A_1575 : vector<16xf32> to vector<16xf32>
        %get3A_1577 = arith.constant 432 : index
        %get3A_1578 = tpu.vector_load %arg11[%get3A_1577] {strides = array<i32>} : memref<1024xf32, #tpu.memory_space<vmem>>, vector<16xf32>,
        %get3A_1579 = vector.shape_cast %get3A_1578 : vector<16xf32> to vector<16xf32>
        %sub3A_1580 = arith.subf %get3A_1573, %scan3A_597 : vector<16xf32>
        %sub3A_1581 = arith.subf %get3A_1576, %scan3A_598 : vector<16xf32>
        %sub3A_1582 = arith.subf %get3A_1579, %scan3A_599 : vector<16xf32>
        %mul3A_1583 = arith.mulf %sub3A_1580, %sub3A_1580 : vector<16xf32>
        %mul3A_1584 = arith.mulf %sub3A_1581, %sub3A_1581 : vector<16xf32>
        %add3A_1585 = arith.addf %mul3A_1583, %mul3A_1584 : vector<16xf32>
        %mul3A_1586 = arith.mulf %sub3A_1582, %sub3A_1582 : vector<16xf32>
        %add3A_1587 = arith.addf %add3A_1585, %mul3A_1586 : vector<16xf32>
        %get3A_1588 = arith.constant 432 : index
        %get3A_1589 = tpu.vector_load %arg12[%get3A_1588] {strides = array<i32>} : memref<1024xf32, #tpu.memory_space<vmem>>, vector<16xf32>,
        %get3A_1590 = vector.shape_cast %get3A_1589 : vector<16xf32> to vector<16xf32>
        %min3A_1591 = arith.minimumf %get3A_1590, %add3A_1587 : vector<16xf32>
        %swap3A_1592 = arith.constant 432 : index
        %swap3A_1593 = tpu.vector_load %arg12[%swap3A_1592] {strides = array<i32>} : memref<1024xf32, #tpu.memory_space<vmem>>, vector<16xf32>,
        %swap3A_1594 = vector.shape_cast %swap3A_1593 : vector<16xf32> to vector<16xf32>
        %swap3A_1595 = vector.shape_cast %min3A_1591 : vector<16xf32> to vector<16xf32>
        tpu.vector_store %arg12[%swap3A_1592], %swap3A_1595 {strides = array<i32>} : memref<1024xf32, #tpu.memory_space<vmem>>, vector<16xf32>,
        %gt3A_1596 = arith.cmpf ogt, %min3A_1591, %select_n3A_1563 : vector<16xf32>
        %select_n3A_1597 = arith.select %gt3A_1596, %min3A_1591, %select_n3A_1563 : vector<16xi1>, vector<16xf32>
        %add3A_1598 = arith.constant 4.320000e+02 : f32
        %add3A_1599 = vector.broadcast %add3A_1598 : f32 to vector<16xf32>
        %add3A_1600 = arith.addf %convert_element_type3A_9, %add3A_1599 : vector<16xf32>
        %select_n3A_1601 = arith.select %gt3A_1596, %add3A_1600, %select_n3A_1567 : vector<16xi1>, vector<16xf32>
        %select_n3A_1602 = arith.select %gt3A_1596, %get3A_1573, %select_n3A_1568 : vector<16xi1>, vector<16xf32>
        %select_n3A_1603 = arith.select %gt3A_1596, %get3A_1576, %select_n3A_1569 : vector<16xi1>, vector<16xf32>
        %select_n3A_1604 = arith.select %gt3A_1596, %get3A_1579, %select_n3A_1570 : vector<16xi1>, vector<16xf32>
        %get3A_1605 = arith.constant 448 : index
        %get3A_1606 = tpu.vector_load %arg9[%get3A_1605] {strides = array<i32>} : memref<1024xf32, #tpu.memory_space<vmem>>, vector<16xf32>,
        %get3A_1607 = vector.shape_cast %get3A_1606 : vector<16xf32> to vector<16xf32>
        %get3A_1608 = arith.constant 448 : index
        %get3A_1609 = tpu.vector_load %arg10[%get3A_1608] {strides = array<i32>} : memref<1024xf32, #tpu.memory_space<vmem>>, vector<16xf32>,
        %get3A_1610 = vector.shape_cast %get3A_1609 : vector<16xf32> to vector<16xf32>
        %get3A_1611 = arith.constant 448 : index
        %get3A_1612 = tpu.vector_load %arg11[%get3A_1611] {strides = array<i32>} : memref<1024xf32, #tpu.memory_space<vmem>>, vector<16xf32>,
        %get3A_1613 = vector.shape_cast %get3A_1612 : vector<16xf32> to vector<16xf32>
        %sub3A_1614 = arith.subf %get3A_1607, %scan3A_597 : vector<16xf32>
        %sub3A_1615 = arith.subf %get3A_1610, %scan3A_598 : vector<16xf32>
        %sub3A_1616 = arith.subf %get3A_1613, %scan3A_599 : vector<16xf32>
        %mul3A_1617 = arith.mulf %sub3A_1614, %sub3A_1614 : vector<16xf32>
        %mul3A_1618 = arith.mulf %sub3A_1615, %sub3A_1615 : vector<16xf32>
        %add3A_1619 = arith.addf %mul3A_1617, %mul3A_1618 : vector<16xf32>
        %mul3A_1620 = arith.mulf %sub3A_1616, %sub3A_1616 : vector<16xf32>
        %add3A_1621 = arith.addf %add3A_1619, %mul3A_1620 : vector<16xf32>
        %get3A_1622 = arith.constant 448 : index
        %get3A_1623 = tpu.vector_load %arg12[%get3A_1622] {strides = array<i32>} : memref<1024xf32, #tpu.memory_space<vmem>>, vector<16xf32>,
        %get3A_1624 = vector.shape_cast %get3A_1623 : vector<16xf32> to vector<16xf32>
        %min3A_1625 = arith.minimumf %get3A_1624, %add3A_1621 : vector<16xf32>
        %swap3A_1626 = arith.constant 448 : index
        %swap3A_1627 = tpu.vector_load %arg12[%swap3A_1626] {strides = array<i32>} : memref<1024xf32, #tpu.memory_space<vmem>>, vector<16xf32>,
        %swap3A_1628 = vector.shape_cast %swap3A_1627 : vector<16xf32> to vector<16xf32>
        %swap3A_1629 = vector.shape_cast %min3A_1625 : vector<16xf32> to vector<16xf32>
        tpu.vector_store %arg12[%swap3A_1626], %swap3A_1629 {strides = array<i32>} : memref<1024xf32, #tpu.memory_space<vmem>>, vector<16xf32>,
        %gt3A_1630 = arith.cmpf ogt, %min3A_1625, %select_n3A_1597 : vector<16xf32>
        %select_n3A_1631 = arith.select %gt3A_1630, %min3A_1625, %select_n3A_1597 : vector<16xi1>, vector<16xf32>
        %add3A_1632 = arith.constant 4.480000e+02 : f32
        %add3A_1633 = vector.broadcast %add3A_1632 : f32 to vector<16xf32>
        %add3A_1634 = arith.addf %convert_element_type3A_9, %add3A_1633 : vector<16xf32>
        %select_n3A_1635 = arith.select %gt3A_1630, %add3A_1634, %select_n3A_1601 : vector<16xi1>, vector<16xf32>
        %select_n3A_1636 = arith.select %gt3A_1630, %get3A_1607, %select_n3A_1602 : vector<16xi1>, vector<16xf32>
        %select_n3A_1637 = arith.select %gt3A_1630, %get3A_1610, %select_n3A_1603 : vector<16xi1>, vector<16xf32>
        %select_n3A_1638 = arith.select %gt3A_1630, %get3A_1613, %select_n3A_1604 : vector<16xi1>, vector<16xf32>
        %get3A_1639 = arith.constant 464 : index
        %get3A_1640 = tpu.vector_load %arg9[%get3A_1639] {strides = array<i32>} : memref<1024xf32, #tpu.memory_space<vmem>>, vector<16xf32>,
        %get3A_1641 = vector.shape_cast %get3A_1640 : vector<16xf32> to vector<16xf32>
        %get3A_1642 = arith.constant 464 : index
        %get3A_1643 = tpu.vector_load %arg10[%get3A_1642] {strides = array<i32>} : memref<1024xf32, #tpu.memory_space<vmem>>, vector<16xf32>,
        %get3A_1644 = vector.shape_cast %get3A_1643 : vector<16xf32> to vector<16xf32>
        %get3A_1645 = arith.constant 464 : index
        %get3A_1646 = tpu.vector_load %arg11[%get3A_1645] {strides = array<i32>} : memref<1024xf32, #tpu.memory_space<vmem>>, vector<16xf32>,
        %get3A_1647 = vector.shape_cast %get3A_1646 : vector<16xf32> to vector<16xf32>
        %sub3A_1648 = arith.subf %get3A_1641, %scan3A_597 : vector<16xf32>
        %sub3A_1649 = arith.subf %get3A_1644, %scan3A_598 : vector<16xf32>
        %sub3A_1650 = arith.subf %get3A_1647, %scan3A_599 : vector<16xf32>
        %mul3A_1651 = arith.mulf %sub3A_1648, %sub3A_1648 : vector<16xf32>
        %mul3A_1652 = arith.mulf %sub3A_1649, %sub3A_1649 : vector<16xf32>
        %add3A_1653 = arith.addf %mul3A_1651, %mul3A_1652 : vector<16xf32>
        %mul3A_1654 = arith.mulf %sub3A_1650, %sub3A_1650 : vector<16xf32>
        %add3A_1655 = arith.addf %add3A_1653, %mul3A_1654 : vector<16xf32>
        %get3A_1656 = arith.constant 464 : index
        %get3A_1657 = tpu.vector_load %arg12[%get3A_1656] {strides = array<i32>} : memref<1024xf32, #tpu.memory_space<vmem>>, vector<16xf32>,
        %get3A_1658 = vector.shape_cast %get3A_1657 : vector<16xf32> to vector<16xf32>
        %min3A_1659 = arith.minimumf %get3A_1658, %add3A_1655 : vector<16xf32>
        %swap3A_1660 = arith.constant 464 : index
        %swap3A_1661 = tpu.vector_load %arg12[%swap3A_1660] {strides = array<i32>} : memref<1024xf32, #tpu.memory_space<vmem>>, vector<16xf32>,
        %swap3A_1662 = vector.shape_cast %swap3A_1661 : vector<16xf32> to vector<16xf32>
        %swap3A_1663 = vector.shape_cast %min3A_1659 : vector<16xf32> to vector<16xf32>
        tpu.vector_store %arg12[%swap3A_1660], %swap3A_1663 {strides = array<i32>} : memref<1024xf32, #tpu.memory_space<vmem>>, vector<16xf32>,
        %gt3A_1664 = arith.cmpf ogt, %min3A_1659, %select_n3A_1631 : vector<16xf32>
        %select_n3A_1665 = arith.select %gt3A_1664, %min3A_1659, %select_n3A_1631 : vector<16xi1>, vector<16xf32>
        %add3A_1666 = arith.constant 4.640000e+02 : f32
        %add3A_1667 = vector.broadcast %add3A_1666 : f32 to vector<16xf32>
        %add3A_1668 = arith.addf %convert_element_type3A_9, %add3A_1667 : vector<16xf32>
        %select_n3A_1669 = arith.select %gt3A_1664, %add3A_1668, %select_n3A_1635 : vector<16xi1>, vector<16xf32>
        %select_n3A_1670 = arith.select %gt3A_1664, %get3A_1641, %select_n3A_1636 : vector<16xi1>, vector<16xf32>
        %select_n3A_1671 = arith.select %gt3A_1664, %get3A_1644, %select_n3A_1637 : vector<16xi1>, vector<16xf32>
        %select_n3A_1672 = arith.select %gt3A_1664, %get3A_1647, %select_n3A_1638 : vector<16xi1>, vector<16xf32>
        %get3A_1673 = arith.constant 480 : index
        %get3A_1674 = tpu.vector_load %arg9[%get3A_1673] {strides = array<i32>} : memref<1024xf32, #tpu.memory_space<vmem>>, vector<16xf32>,
        %get3A_1675 = vector.shape_cast %get3A_1674 : vector<16xf32> to vector<16xf32>
        %get3A_1676 = arith.constant 480 : index
        %get3A_1677 = tpu.vector_load %arg10[%get3A_1676] {strides = array<i32>} : memref<1024xf32, #tpu.memory_space<vmem>>, vector<16xf32>,
        %get3A_1678 = vector.shape_cast %get3A_1677 : vector<16xf32> to vector<16xf32>
        %get3A_1679 = arith.constant 480 : index
        %get3A_1680 = tpu.vector_load %arg11[%get3A_1679] {strides = array<i32>} : memref<1024xf32, #tpu.memory_space<vmem>>, vector<16xf32>,
        %get3A_1681 = vector.shape_cast %get3A_1680 : vector<16xf32> to vector<16xf32>
        %sub3A_1682 = arith.subf %get3A_1675, %scan3A_597 : vector<16xf32>
        %sub3A_1683 = arith.subf %get3A_1678, %scan3A_598 : vector<16xf32>
        %sub3A_1684 = arith.subf %get3A_1681, %scan3A_599 : vector<16xf32>
        %mul3A_1685 = arith.mulf %sub3A_1682, %sub3A_1682 : vector<16xf32>
        %mul3A_1686 = arith.mulf %sub3A_1683, %sub3A_1683 : vector<16xf32>
        %add3A_1687 = arith.addf %mul3A_1685, %mul3A_1686 : vector<16xf32>
        %mul3A_1688 = arith.mulf %sub3A_1684, %sub3A_1684 : vector<16xf32>
        %add3A_1689 = arith.addf %add3A_1687, %mul3A_1688 : vector<16xf32>
        %get3A_1690 = arith.constant 480 : index
        %get3A_1691 = tpu.vector_load %arg12[%get3A_1690] {strides = array<i32>} : memref<1024xf32, #tpu.memory_space<vmem>>, vector<16xf32>,
        %get3A_1692 = vector.shape_cast %get3A_1691 : vector<16xf32> to vector<16xf32>
        %min3A_1693 = arith.minimumf %get3A_1692, %add3A_1689 : vector<16xf32>
        %swap3A_1694 = arith.constant 480 : index
        %swap3A_1695 = tpu.vector_load %arg12[%swap3A_1694] {strides = array<i32>} : memref<1024xf32, #tpu.memory_space<vmem>>, vector<16xf32>,
        %swap3A_1696 = vector.shape_cast %swap3A_1695 : vector<16xf32> to vector<16xf32>
        %swap3A_1697 = vector.shape_cast %min3A_1693 : vector<16xf32> to vector<16xf32>
        tpu.vector_store %arg12[%swap3A_1694], %swap3A_1697 {strides = array<i32>} : memref<1024xf32, #tpu.memory_space<vmem>>, vector<16xf32>,
        %gt3A_1698 = arith.cmpf ogt, %min3A_1693, %select_n3A_1665 : vector<16xf32>
        %select_n3A_1699 = arith.select %gt3A_1698, %min3A_1693, %select_n3A_1665 : vector<16xi1>, vector<16xf32>
        %add3A_1700 = arith.constant 4.800000e+02 : f32
        %add3A_1701 = vector.broadcast %add3A_1700 : f32 to vector<16xf32>
        %add3A_1702 = arith.addf %convert_element_type3A_9, %add3A_1701 : vector<16xf32>
        %select_n3A_1703 = arith.select %gt3A_1698, %add3A_1702, %select_n3A_1669 : vector<16xi1>, vector<16xf32>
        %select_n3A_1704 = arith.select %gt3A_1698, %get3A_1675, %select_n3A_1670 : vector<16xi1>, vector<16xf32>
        %select_n3A_1705 = arith.select %gt3A_1698, %get3A_1678, %select_n3A_1671 : vector<16xi1>, vector<16xf32>
        %select_n3A_1706 = arith.select %gt3A_1698, %get3A_1681, %select_n3A_1672 : vector<16xi1>, vector<16xf32>
        %get3A_1707 = arith.constant 496 : index
        %get3A_1708 = tpu.vector_load %arg9[%get3A_1707] {strides = array<i32>} : memref<1024xf32, #tpu.memory_space<vmem>>, vector<16xf32>,
        %get3A_1709 = vector.shape_cast %get3A_1708 : vector<16xf32> to vector<16xf32>
        %get3A_1710 = arith.constant 496 : index
        %get3A_1711 = tpu.vector_load %arg10[%get3A_1710] {strides = array<i32>} : memref<1024xf32, #tpu.memory_space<vmem>>, vector<16xf32>,
        %get3A_1712 = vector.shape_cast %get3A_1711 : vector<16xf32> to vector<16xf32>
        %get3A_1713 = arith.constant 496 : index
        %get3A_1714 = tpu.vector_load %arg11[%get3A_1713] {strides = array<i32>} : memref<1024xf32, #tpu.memory_space<vmem>>, vector<16xf32>,
        %get3A_1715 = vector.shape_cast %get3A_1714 : vector<16xf32> to vector<16xf32>
        %sub3A_1716 = arith.subf %get3A_1709, %scan3A_597 : vector<16xf32>
        %sub3A_1717 = arith.subf %get3A_1712, %scan3A_598 : vector<16xf32>
        %sub3A_1718 = arith.subf %get3A_1715, %scan3A_599 : vector<16xf32>
        %mul3A_1719 = arith.mulf %sub3A_1716, %sub3A_1716 : vector<16xf32>
        %mul3A_1720 = arith.mulf %sub3A_1717, %sub3A_1717 : vector<16xf32>
        %add3A_1721 = arith.addf %mul3A_1719, %mul3A_1720 : vector<16xf32>
        %mul3A_1722 = arith.mulf %sub3A_1718, %sub3A_1718 : vector<16xf32>
        %add3A_1723 = arith.addf %add3A_1721, %mul3A_1722 : vector<16xf32>
        %get3A_1724 = arith.constant 496 : index
        %get3A_1725 = tpu.vector_load %arg12[%get3A_1724] {strides = array<i32>} : memref<1024xf32, #tpu.memory_space<vmem>>, vector<16xf32>,
        %get3A_1726 = vector.shape_cast %get3A_1725 : vector<16xf32> to vector<16xf32>
        %min3A_1727 = arith.minimumf %get3A_1726, %add3A_1723 : vector<16xf32>
        %swap3A_1728 = arith.constant 496 : index
        %swap3A_1729 = tpu.vector_load %arg12[%swap3A_1728] {strides = array<i32>} : memref<1024xf32, #tpu.memory_space<vmem>>, vector<16xf32>,
        %swap3A_1730 = vector.shape_cast %swap3A_1729 : vector<16xf32> to vector<16xf32>
        %swap3A_1731 = vector.shape_cast %min3A_1727 : vector<16xf32> to vector<16xf32>
        tpu.vector_store %arg12[%swap3A_1728], %swap3A_1731 {strides = array<i32>} : memref<1024xf32, #tpu.memory_space<vmem>>, vector<16xf32>,
        %gt3A_1732 = arith.cmpf ogt, %min3A_1727, %select_n3A_1699 : vector<16xf32>
        %select_n3A_1733 = arith.select %gt3A_1732, %min3A_1727, %select_n3A_1699 : vector<16xi1>, vector<16xf32>
        %add3A_1734 = arith.constant 4.960000e+02 : f32
        %add3A_1735 = vector.broadcast %add3A_1734 : f32 to vector<16xf32>
        %add3A_1736 = arith.addf %convert_element_type3A_9, %add3A_1735 : vector<16xf32>
        %select_n3A_1737 = arith.select %gt3A_1732, %add3A_1736, %select_n3A_1703 : vector<16xi1>, vector<16xf32>
        %select_n3A_1738 = arith.select %gt3A_1732, %get3A_1709, %select_n3A_1704 : vector<16xi1>, vector<16xf32>
        %select_n3A_1739 = arith.select %gt3A_1732, %get3A_1712, %select_n3A_1705 : vector<16xi1>, vector<16xf32>
        %select_n3A_1740 = arith.select %gt3A_1732, %get3A_1715, %select_n3A_1706 : vector<16xi1>, vector<16xf32>
        %get3A_1741 = arith.constant 512 : index
        %get3A_1742 = tpu.vector_load %arg9[%get3A_1741] {strides = array<i32>} : memref<1024xf32, #tpu.memory_space<vmem>>, vector<16xf32>,
        %get3A_1743 = vector.shape_cast %get3A_1742 : vector<16xf32> to vector<16xf32>
        %get3A_1744 = arith.constant 512 : index
        %get3A_1745 = tpu.vector_load %arg10[%get3A_1744] {strides = array<i32>} : memref<1024xf32, #tpu.memory_space<vmem>>, vector<16xf32>,
        %get3A_1746 = vector.shape_cast %get3A_1745 : vector<16xf32> to vector<16xf32>
        %get3A_1747 = arith.constant 512 : index
        %get3A_1748 = tpu.vector_load %arg11[%get3A_1747] {strides = array<i32>} : memref<1024xf32, #tpu.memory_space<vmem>>, vector<16xf32>,
        %get3A_1749 = vector.shape_cast %get3A_1748 : vector<16xf32> to vector<16xf32>
        %sub3A_1750 = arith.subf %get3A_1743, %scan3A_597 : vector<16xf32>
        %sub3A_1751 = arith.subf %get3A_1746, %scan3A_598 : vector<16xf32>
        %sub3A_1752 = arith.subf %get3A_1749, %scan3A_599 : vector<16xf32>
        %mul3A_1753 = arith.mulf %sub3A_1750, %sub3A_1750 : vector<16xf32>
        %mul3A_1754 = arith.mulf %sub3A_1751, %sub3A_1751 : vector<16xf32>
        %add3A_1755 = arith.addf %mul3A_1753, %mul3A_1754 : vector<16xf32>
        %mul3A_1756 = arith.mulf %sub3A_1752, %sub3A_1752 : vector<16xf32>
        %add3A_1757 = arith.addf %add3A_1755, %mul3A_1756 : vector<16xf32>
        %get3A_1758 = arith.constant 512 : index
        %get3A_1759 = tpu.vector_load %arg12[%get3A_1758] {strides = array<i32>} : memref<1024xf32, #tpu.memory_space<vmem>>, vector<16xf32>,
        %get3A_1760 = vector.shape_cast %get3A_1759 : vector<16xf32> to vector<16xf32>
        %min3A_1761 = arith.minimumf %get3A_1760, %add3A_1757 : vector<16xf32>
        %swap3A_1762 = arith.constant 512 : index
        %swap3A_1763 = tpu.vector_load %arg12[%swap3A_1762] {strides = array<i32>} : memref<1024xf32, #tpu.memory_space<vmem>>, vector<16xf32>,
        %swap3A_1764 = vector.shape_cast %swap3A_1763 : vector<16xf32> to vector<16xf32>
        %swap3A_1765 = vector.shape_cast %min3A_1761 : vector<16xf32> to vector<16xf32>
        tpu.vector_store %arg12[%swap3A_1762], %swap3A_1765 {strides = array<i32>} : memref<1024xf32, #tpu.memory_space<vmem>>, vector<16xf32>,
        %gt3A_1766 = arith.cmpf ogt, %min3A_1761, %select_n3A_1733 : vector<16xf32>
        %select_n3A_1767 = arith.select %gt3A_1766, %min3A_1761, %select_n3A_1733 : vector<16xi1>, vector<16xf32>
        %add3A_1768 = arith.constant 5.120000e+02 : f32
        %add3A_1769 = vector.broadcast %add3A_1768 : f32 to vector<16xf32>
        %add3A_1770 = arith.addf %convert_element_type3A_9, %add3A_1769 : vector<16xf32>
        %select_n3A_1771 = arith.select %gt3A_1766, %add3A_1770, %select_n3A_1737 : vector<16xi1>, vector<16xf32>
        %select_n3A_1772 = arith.select %gt3A_1766, %get3A_1743, %select_n3A_1738 : vector<16xi1>, vector<16xf32>
        %select_n3A_1773 = arith.select %gt3A_1766, %get3A_1746, %select_n3A_1739 : vector<16xi1>, vector<16xf32>
        %select_n3A_1774 = arith.select %gt3A_1766, %get3A_1749, %select_n3A_1740 : vector<16xi1>, vector<16xf32>
        %get3A_1775 = arith.constant 528 : index
        %get3A_1776 = tpu.vector_load %arg9[%get3A_1775] {strides = array<i32>} : memref<1024xf32, #tpu.memory_space<vmem>>, vector<16xf32>,
        %get3A_1777 = vector.shape_cast %get3A_1776 : vector<16xf32> to vector<16xf32>
        %get3A_1778 = arith.constant 528 : index
        %get3A_1779 = tpu.vector_load %arg10[%get3A_1778] {strides = array<i32>} : memref<1024xf32, #tpu.memory_space<vmem>>, vector<16xf32>,
        %get3A_1780 = vector.shape_cast %get3A_1779 : vector<16xf32> to vector<16xf32>
        %get3A_1781 = arith.constant 528 : index
        %get3A_1782 = tpu.vector_load %arg11[%get3A_1781] {strides = array<i32>} : memref<1024xf32, #tpu.memory_space<vmem>>, vector<16xf32>,
        %get3A_1783 = vector.shape_cast %get3A_1782 : vector<16xf32> to vector<16xf32>
        %sub3A_1784 = arith.subf %get3A_1777, %scan3A_597 : vector<16xf32>
        %sub3A_1785 = arith.subf %get3A_1780, %scan3A_598 : vector<16xf32>
        %sub3A_1786 = arith.subf %get3A_1783, %scan3A_599 : vector<16xf32>
        %mul3A_1787 = arith.mulf %sub3A_1784, %sub3A_1784 : vector<16xf32>
        %mul3A_1788 = arith.mulf %sub3A_1785, %sub3A_1785 : vector<16xf32>
        %add3A_1789 = arith.addf %mul3A_1787, %mul3A_1788 : vector<16xf32>
        %mul3A_1790 = arith.mulf %sub3A_1786, %sub3A_1786 : vector<16xf32>
        %add3A_1791 = arith.addf %add3A_1789, %mul3A_1790 : vector<16xf32>
        %get3A_1792 = arith.constant 528 : index
        %get3A_1793 = tpu.vector_load %arg12[%get3A_1792] {strides = array<i32>} : memref<1024xf32, #tpu.memory_space<vmem>>, vector<16xf32>,
        %get3A_1794 = vector.shape_cast %get3A_1793 : vector<16xf32> to vector<16xf32>
        %min3A_1795 = arith.minimumf %get3A_1794, %add3A_1791 : vector<16xf32>
        %swap3A_1796 = arith.constant 528 : index
        %swap3A_1797 = tpu.vector_load %arg12[%swap3A_1796] {strides = array<i32>} : memref<1024xf32, #tpu.memory_space<vmem>>, vector<16xf32>,
        %swap3A_1798 = vector.shape_cast %swap3A_1797 : vector<16xf32> to vector<16xf32>
        %swap3A_1799 = vector.shape_cast %min3A_1795 : vector<16xf32> to vector<16xf32>
        tpu.vector_store %arg12[%swap3A_1796], %swap3A_1799 {strides = array<i32>} : memref<1024xf32, #tpu.memory_space<vmem>>, vector<16xf32>,
        %gt3A_1800 = arith.cmpf ogt, %min3A_1795, %select_n3A_1767 : vector<16xf32>
        %select_n3A_1801 = arith.select %gt3A_1800, %min3A_1795, %select_n3A_1767 : vector<16xi1>, vector<16xf32>
        %add3A_1802 = arith.constant 5.280000e+02 : f32
        %add3A_1803 = vector.broadcast %add3A_1802 : f32 to vector<16xf32>
        %add3A_1804 = arith.addf %convert_element_type3A_9, %add3A_1803 : vector<16xf32>
        %select_n3A_1805 = arith.select %gt3A_1800, %add3A_1804, %select_n3A_1771 : vector<16xi1>, vector<16xf32>
        %select_n3A_1806 = arith.select %gt3A_1800, %get3A_1777, %select_n3A_1772 : vector<16xi1>, vector<16xf32>
        %select_n3A_1807 = arith.select %gt3A_1800, %get3A_1780, %select_n3A_1773 : vector<16xi1>, vector<16xf32>
        %select_n3A_1808 = arith.select %gt3A_1800, %get3A_1783, %select_n3A_1774 : vector<16xi1>, vector<16xf32>
        %get3A_1809 = arith.constant 544 : index
        %get3A_1810 = tpu.vector_load %arg9[%get3A_1809] {strides = array<i32>} : memref<1024xf32, #tpu.memory_space<vmem>>, vector<16xf32>,
        %get3A_1811 = vector.shape_cast %get3A_1810 : vector<16xf32> to vector<16xf32>
        %get3A_1812 = arith.constant 544 : index
        %get3A_1813 = tpu.vector_load %arg10[%get3A_1812] {strides = array<i32>} : memref<1024xf32, #tpu.memory_space<vmem>>, vector<16xf32>,
        %get3A_1814 = vector.shape_cast %get3A_1813 : vector<16xf32> to vector<16xf32>
        %get3A_1815 = arith.constant 544 : index
        %get3A_1816 = tpu.vector_load %arg11[%get3A_1815] {strides = array<i32>} : memref<1024xf32, #tpu.memory_space<vmem>>, vector<16xf32>,
        %get3A_1817 = vector.shape_cast %get3A_1816 : vector<16xf32> to vector<16xf32>
        %sub3A_1818 = arith.subf %get3A_1811, %scan3A_597 : vector<16xf32>
        %sub3A_1819 = arith.subf %get3A_1814, %scan3A_598 : vector<16xf32>
        %sub3A_1820 = arith.subf %get3A_1817, %scan3A_599 : vector<16xf32>
        %mul3A_1821 = arith.mulf %sub3A_1818, %sub3A_1818 : vector<16xf32>
        %mul3A_1822 = arith.mulf %sub3A_1819, %sub3A_1819 : vector<16xf32>
        %add3A_1823 = arith.addf %mul3A_1821, %mul3A_1822 : vector<16xf32>
        %mul3A_1824 = arith.mulf %sub3A_1820, %sub3A_1820 : vector<16xf32>
        %add3A_1825 = arith.addf %add3A_1823, %mul3A_1824 : vector<16xf32>
        %get3A_1826 = arith.constant 544 : index
        %get3A_1827 = tpu.vector_load %arg12[%get3A_1826] {strides = array<i32>} : memref<1024xf32, #tpu.memory_space<vmem>>, vector<16xf32>,
        %get3A_1828 = vector.shape_cast %get3A_1827 : vector<16xf32> to vector<16xf32>
        %min3A_1829 = arith.minimumf %get3A_1828, %add3A_1825 : vector<16xf32>
        %swap3A_1830 = arith.constant 544 : index
        %swap3A_1831 = tpu.vector_load %arg12[%swap3A_1830] {strides = array<i32>} : memref<1024xf32, #tpu.memory_space<vmem>>, vector<16xf32>,
        %swap3A_1832 = vector.shape_cast %swap3A_1831 : vector<16xf32> to vector<16xf32>
        %swap3A_1833 = vector.shape_cast %min3A_1829 : vector<16xf32> to vector<16xf32>
        tpu.vector_store %arg12[%swap3A_1830], %swap3A_1833 {strides = array<i32>} : memref<1024xf32, #tpu.memory_space<vmem>>, vector<16xf32>,
        %gt3A_1834 = arith.cmpf ogt, %min3A_1829, %select_n3A_1801 : vector<16xf32>
        %select_n3A_1835 = arith.select %gt3A_1834, %min3A_1829, %select_n3A_1801 : vector<16xi1>, vector<16xf32>
        %add3A_1836 = arith.constant 5.440000e+02 : f32
        %add3A_1837 = vector.broadcast %add3A_1836 : f32 to vector<16xf32>
        %add3A_1838 = arith.addf %convert_element_type3A_9, %add3A_1837 : vector<16xf32>
        %select_n3A_1839 = arith.select %gt3A_1834, %add3A_1838, %select_n3A_1805 : vector<16xi1>, vector<16xf32>
        %select_n3A_1840 = arith.select %gt3A_1834, %get3A_1811, %select_n3A_1806 : vector<16xi1>, vector<16xf32>
        %select_n3A_1841 = arith.select %gt3A_1834, %get3A_1814, %select_n3A_1807 : vector<16xi1>, vector<16xf32>
        %select_n3A_1842 = arith.select %gt3A_1834, %get3A_1817, %select_n3A_1808 : vector<16xi1>, vector<16xf32>
        %get3A_1843 = arith.constant 560 : index
        %get3A_1844 = tpu.vector_load %arg9[%get3A_1843] {strides = array<i32>} : memref<1024xf32, #tpu.memory_space<vmem>>, vector<16xf32>,
        %get3A_1845 = vector.shape_cast %get3A_1844 : vector<16xf32> to vector<16xf32>
        %get3A_1846 = arith.constant 560 : index
        %get3A_1847 = tpu.vector_load %arg10[%get3A_1846] {strides = array<i32>} : memref<1024xf32, #tpu.memory_space<vmem>>, vector<16xf32>,
        %get3A_1848 = vector.shape_cast %get3A_1847 : vector<16xf32> to vector<16xf32>
        %get3A_1849 = arith.constant 560 : index
        %get3A_1850 = tpu.vector_load %arg11[%get3A_1849] {strides = array<i32>} : memref<1024xf32, #tpu.memory_space<vmem>>, vector<16xf32>,
        %get3A_1851 = vector.shape_cast %get3A_1850 : vector<16xf32> to vector<16xf32>
        %sub3A_1852 = arith.subf %get3A_1845, %scan3A_597 : vector<16xf32>
        %sub3A_1853 = arith.subf %get3A_1848, %scan3A_598 : vector<16xf32>
        %sub3A_1854 = arith.subf %get3A_1851, %scan3A_599 : vector<16xf32>
        %mul3A_1855 = arith.mulf %sub3A_1852, %sub3A_1852 : vector<16xf32>
        %mul3A_1856 = arith.mulf %sub3A_1853, %sub3A_1853 : vector<16xf32>
        %add3A_1857 = arith.addf %mul3A_1855, %mul3A_1856 : vector<16xf32>
        %mul3A_1858 = arith.mulf %sub3A_1854, %sub3A_1854 : vector<16xf32>
        %add3A_1859 = arith.addf %add3A_1857, %mul3A_1858 : vector<16xf32>
        %get3A_1860 = arith.constant 560 : index
        %get3A_1861 = tpu.vector_load %arg12[%get3A_1860] {strides = array<i32>} : memref<1024xf32, #tpu.memory_space<vmem>>, vector<16xf32>,
        %get3A_1862 = vector.shape_cast %get3A_1861 : vector<16xf32> to vector<16xf32>
        %min3A_1863 = arith.minimumf %get3A_1862, %add3A_1859 : vector<16xf32>
        %swap3A_1864 = arith.constant 560 : index
        %swap3A_1865 = tpu.vector_load %arg12[%swap3A_1864] {strides = array<i32>} : memref<1024xf32, #tpu.memory_space<vmem>>, vector<16xf32>,
        %swap3A_1866 = vector.shape_cast %swap3A_1865 : vector<16xf32> to vector<16xf32>
        %swap3A_1867 = vector.shape_cast %min3A_1863 : vector<16xf32> to vector<16xf32>
        tpu.vector_store %arg12[%swap3A_1864], %swap3A_1867 {strides = array<i32>} : memref<1024xf32, #tpu.memory_space<vmem>>, vector<16xf32>,
        %gt3A_1868 = arith.cmpf ogt, %min3A_1863, %select_n3A_1835 : vector<16xf32>
        %select_n3A_1869 = arith.select %gt3A_1868, %min3A_1863, %select_n3A_1835 : vector<16xi1>, vector<16xf32>
        %add3A_1870 = arith.constant 5.600000e+02 : f32
        %add3A_1871 = vector.broadcast %add3A_1870 : f32 to vector<16xf32>
        %add3A_1872 = arith.addf %convert_element_type3A_9, %add3A_1871 : vector<16xf32>
        %select_n3A_1873 = arith.select %gt3A_1868, %add3A_1872, %select_n3A_1839 : vector<16xi1>, vector<16xf32>
        %select_n3A_1874 = arith.select %gt3A_1868, %get3A_1845, %select_n3A_1840 : vector<16xi1>, vector<16xf32>
        %select_n3A_1875 = arith.select %gt3A_1868, %get3A_1848, %select_n3A_1841 : vector<16xi1>, vector<16xf32>
        %select_n3A_1876 = arith.select %gt3A_1868, %get3A_1851, %select_n3A_1842 : vector<16xi1>, vector<16xf32>
        %get3A_1877 = arith.constant 576 : index
        %get3A_1878 = tpu.vector_load %arg9[%get3A_1877] {strides = array<i32>} : memref<1024xf32, #tpu.memory_space<vmem>>, vector<16xf32>,
        %get3A_1879 = vector.shape_cast %get3A_1878 : vector<16xf32> to vector<16xf32>
        %get3A_1880 = arith.constant 576 : index
        %get3A_1881 = tpu.vector_load %arg10[%get3A_1880] {strides = array<i32>} : memref<1024xf32, #tpu.memory_space<vmem>>, vector<16xf32>,
        %get3A_1882 = vector.shape_cast %get3A_1881 : vector<16xf32> to vector<16xf32>
        %get3A_1883 = arith.constant 576 : index
        %get3A_1884 = tpu.vector_load %arg11[%get3A_1883] {strides = array<i32>} : memref<1024xf32, #tpu.memory_space<vmem>>, vector<16xf32>,
        %get3A_1885 = vector.shape_cast %get3A_1884 : vector<16xf32> to vector<16xf32>
        %sub3A_1886 = arith.subf %get3A_1879, %scan3A_597 : vector<16xf32>
        %sub3A_1887 = arith.subf %get3A_1882, %scan3A_598 : vector<16xf32>
        %sub3A_1888 = arith.subf %get3A_1885, %scan3A_599 : vector<16xf32>
        %mul3A_1889 = arith.mulf %sub3A_1886, %sub3A_1886 : vector<16xf32>
        %mul3A_1890 = arith.mulf %sub3A_1887, %sub3A_1887 : vector<16xf32>
        %add3A_1891 = arith.addf %mul3A_1889, %mul3A_1890 : vector<16xf32>
        %mul3A_1892 = arith.mulf %sub3A_1888, %sub3A_1888 : vector<16xf32>
        %add3A_1893 = arith.addf %add3A_1891, %mul3A_1892 : vector<16xf32>
        %get3A_1894 = arith.constant 576 : index
        %get3A_1895 = tpu.vector_load %arg12[%get3A_1894] {strides = array<i32>} : memref<1024xf32, #tpu.memory_space<vmem>>, vector<16xf32>,
        %get3A_1896 = vector.shape_cast %get3A_1895 : vector<16xf32> to vector<16xf32>
        %min3A_1897 = arith.minimumf %get3A_1896, %add3A_1893 : vector<16xf32>
        %swap3A_1898 = arith.constant 576 : index
        %swap3A_1899 = tpu.vector_load %arg12[%swap3A_1898] {strides = array<i32>} : memref<1024xf32, #tpu.memory_space<vmem>>, vector<16xf32>,
        %swap3A_1900 = vector.shape_cast %swap3A_1899 : vector<16xf32> to vector<16xf32>
        %swap3A_1901 = vector.shape_cast %min3A_1897 : vector<16xf32> to vector<16xf32>
        tpu.vector_store %arg12[%swap3A_1898], %swap3A_1901 {strides = array<i32>} : memref<1024xf32, #tpu.memory_space<vmem>>, vector<16xf32>,
        %gt3A_1902 = arith.cmpf ogt, %min3A_1897, %select_n3A_1869 : vector<16xf32>
        %select_n3A_1903 = arith.select %gt3A_1902, %min3A_1897, %select_n3A_1869 : vector<16xi1>, vector<16xf32>
        %add3A_1904 = arith.constant 5.760000e+02 : f32
        %add3A_1905 = vector.broadcast %add3A_1904 : f32 to vector<16xf32>
        %add3A_1906 = arith.addf %convert_element_type3A_9, %add3A_1905 : vector<16xf32>
        %select_n3A_1907 = arith.select %gt3A_1902, %add3A_1906, %select_n3A_1873 : vector<16xi1>, vector<16xf32>
        %select_n3A_1908 = arith.select %gt3A_1902, %get3A_1879, %select_n3A_1874 : vector<16xi1>, vector<16xf32>
        %select_n3A_1909 = arith.select %gt3A_1902, %get3A_1882, %select_n3A_1875 : vector<16xi1>, vector<16xf32>
        %select_n3A_1910 = arith.select %gt3A_1902, %get3A_1885, %select_n3A_1876 : vector<16xi1>, vector<16xf32>
        %get3A_1911 = arith.constant 592 : index
        %get3A_1912 = tpu.vector_load %arg9[%get3A_1911] {strides = array<i32>} : memref<1024xf32, #tpu.memory_space<vmem>>, vector<16xf32>,
        %get3A_1913 = vector.shape_cast %get3A_1912 : vector<16xf32> to vector<16xf32>
        %get3A_1914 = arith.constant 592 : index
        %get3A_1915 = tpu.vector_load %arg10[%get3A_1914] {strides = array<i32>} : memref<1024xf32, #tpu.memory_space<vmem>>, vector<16xf32>,
        %get3A_1916 = vector.shape_cast %get3A_1915 : vector<16xf32> to vector<16xf32>
        %get3A_1917 = arith.constant 592 : index
        %get3A_1918 = tpu.vector_load %arg11[%get3A_1917] {strides = array<i32>} : memref<1024xf32, #tpu.memory_space<vmem>>, vector<16xf32>,
        %get3A_1919 = vector.shape_cast %get3A_1918 : vector<16xf32> to vector<16xf32>
        %sub3A_1920 = arith.subf %get3A_1913, %scan3A_597 : vector<16xf32>
        %sub3A_1921 = arith.subf %get3A_1916, %scan3A_598 : vector<16xf32>
        %sub3A_1922 = arith.subf %get3A_1919, %scan3A_599 : vector<16xf32>
        %mul3A_1923 = arith.mulf %sub3A_1920, %sub3A_1920 : vector<16xf32>
        %mul3A_1924 = arith.mulf %sub3A_1921, %sub3A_1921 : vector<16xf32>
        %add3A_1925 = arith.addf %mul3A_1923, %mul3A_1924 : vector<16xf32>
        %mul3A_1926 = arith.mulf %sub3A_1922, %sub3A_1922 : vector<16xf32>
        %add3A_1927 = arith.addf %add3A_1925, %mul3A_1926 : vector<16xf32>
        %get3A_1928 = arith.constant 592 : index
        %get3A_1929 = tpu.vector_load %arg12[%get3A_1928] {strides = array<i32>} : memref<1024xf32, #tpu.memory_space<vmem>>, vector<16xf32>,
        %get3A_1930 = vector.shape_cast %get3A_1929 : vector<16xf32> to vector<16xf32>
        %min3A_1931 = arith.minimumf %get3A_1930, %add3A_1927 : vector<16xf32>
        %swap3A_1932 = arith.constant 592 : index
        %swap3A_1933 = tpu.vector_load %arg12[%swap3A_1932] {strides = array<i32>} : memref<1024xf32, #tpu.memory_space<vmem>>, vector<16xf32>,
        %swap3A_1934 = vector.shape_cast %swap3A_1933 : vector<16xf32> to vector<16xf32>
        %swap3A_1935 = vector.shape_cast %min3A_1931 : vector<16xf32> to vector<16xf32>
        tpu.vector_store %arg12[%swap3A_1932], %swap3A_1935 {strides = array<i32>} : memref<1024xf32, #tpu.memory_space<vmem>>, vector<16xf32>,
        %gt3A_1936 = arith.cmpf ogt, %min3A_1931, %select_n3A_1903 : vector<16xf32>
        %select_n3A_1937 = arith.select %gt3A_1936, %min3A_1931, %select_n3A_1903 : vector<16xi1>, vector<16xf32>
        %add3A_1938 = arith.constant 5.920000e+02 : f32
        %add3A_1939 = vector.broadcast %add3A_1938 : f32 to vector<16xf32>
        %add3A_1940 = arith.addf %convert_element_type3A_9, %add3A_1939 : vector<16xf32>
        %select_n3A_1941 = arith.select %gt3A_1936, %add3A_1940, %select_n3A_1907 : vector<16xi1>, vector<16xf32>
        %select_n3A_1942 = arith.select %gt3A_1936, %get3A_1913, %select_n3A_1908 : vector<16xi1>, vector<16xf32>
        %select_n3A_1943 = arith.select %gt3A_1936, %get3A_1916, %select_n3A_1909 : vector<16xi1>, vector<16xf32>
        %select_n3A_1944 = arith.select %gt3A_1936, %get3A_1919, %select_n3A_1910 : vector<16xi1>, vector<16xf32>
        %get3A_1945 = arith.constant 608 : index
        %get3A_1946 = tpu.vector_load %arg9[%get3A_1945] {strides = array<i32>} : memref<1024xf32, #tpu.memory_space<vmem>>, vector<16xf32>,
        %get3A_1947 = vector.shape_cast %get3A_1946 : vector<16xf32> to vector<16xf32>
        %get3A_1948 = arith.constant 608 : index
        %get3A_1949 = tpu.vector_load %arg10[%get3A_1948] {strides = array<i32>} : memref<1024xf32, #tpu.memory_space<vmem>>, vector<16xf32>,
        %get3A_1950 = vector.shape_cast %get3A_1949 : vector<16xf32> to vector<16xf32>
        %get3A_1951 = arith.constant 608 : index
        %get3A_1952 = tpu.vector_load %arg11[%get3A_1951] {strides = array<i32>} : memref<1024xf32, #tpu.memory_space<vmem>>, vector<16xf32>,
        %get3A_1953 = vector.shape_cast %get3A_1952 : vector<16xf32> to vector<16xf32>
        %sub3A_1954 = arith.subf %get3A_1947, %scan3A_597 : vector<16xf32>
        %sub3A_1955 = arith.subf %get3A_1950, %scan3A_598 : vector<16xf32>
        %sub3A_1956 = arith.subf %get3A_1953, %scan3A_599 : vector<16xf32>
        %mul3A_1957 = arith.mulf %sub3A_1954, %sub3A_1954 : vector<16xf32>
        %mul3A_1958 = arith.mulf %sub3A_1955, %sub3A_1955 : vector<16xf32>
        %add3A_1959 = arith.addf %mul3A_1957, %mul3A_1958 : vector<16xf32>
        %mul3A_1960 = arith.mulf %sub3A_1956, %sub3A_1956 : vector<16xf32>
        %add3A_1961 = arith.addf %add3A_1959, %mul3A_1960 : vector<16xf32>
        %get3A_1962 = arith.constant 608 : index
        %get3A_1963 = tpu.vector_load %arg12[%get3A_1962] {strides = array<i32>} : memref<1024xf32, #tpu.memory_space<vmem>>, vector<16xf32>,
        %get3A_1964 = vector.shape_cast %get3A_1963 : vector<16xf32> to vector<16xf32>
        %min3A_1965 = arith.minimumf %get3A_1964, %add3A_1961 : vector<16xf32>
        %swap3A_1966 = arith.constant 608 : index
        %swap3A_1967 = tpu.vector_load %arg12[%swap3A_1966] {strides = array<i32>} : memref<1024xf32, #tpu.memory_space<vmem>>, vector<16xf32>,
        %swap3A_1968 = vector.shape_cast %swap3A_1967 : vector<16xf32> to vector<16xf32>
        %swap3A_1969 = vector.shape_cast %min3A_1965 : vector<16xf32> to vector<16xf32>
        tpu.vector_store %arg12[%swap3A_1966], %swap3A_1969 {strides = array<i32>} : memref<1024xf32, #tpu.memory_space<vmem>>, vector<16xf32>,
        %gt3A_1970 = arith.cmpf ogt, %min3A_1965, %select_n3A_1937 : vector<16xf32>
        %select_n3A_1971 = arith.select %gt3A_1970, %min3A_1965, %select_n3A_1937 : vector<16xi1>, vector<16xf32>
        %add3A_1972 = arith.constant 6.080000e+02 : f32
        %add3A_1973 = vector.broadcast %add3A_1972 : f32 to vector<16xf32>
        %add3A_1974 = arith.addf %convert_element_type3A_9, %add3A_1973 : vector<16xf32>
        %select_n3A_1975 = arith.select %gt3A_1970, %add3A_1974, %select_n3A_1941 : vector<16xi1>, vector<16xf32>
        %select_n3A_1976 = arith.select %gt3A_1970, %get3A_1947, %select_n3A_1942 : vector<16xi1>, vector<16xf32>
        %select_n3A_1977 = arith.select %gt3A_1970, %get3A_1950, %select_n3A_1943 : vector<16xi1>, vector<16xf32>
        %select_n3A_1978 = arith.select %gt3A_1970, %get3A_1953, %select_n3A_1944 : vector<16xi1>, vector<16xf32>
        %get3A_1979 = arith.constant 624 : index
        %get3A_1980 = tpu.vector_load %arg9[%get3A_1979] {strides = array<i32>} : memref<1024xf32, #tpu.memory_space<vmem>>, vector<16xf32>,
        %get3A_1981 = vector.shape_cast %get3A_1980 : vector<16xf32> to vector<16xf32>
        %get3A_1982 = arith.constant 624 : index
        %get3A_1983 = tpu.vector_load %arg10[%get3A_1982] {strides = array<i32>} : memref<1024xf32, #tpu.memory_space<vmem>>, vector<16xf32>,
        %get3A_1984 = vector.shape_cast %get3A_1983 : vector<16xf32> to vector<16xf32>
        %get3A_1985 = arith.constant 624 : index
        %get3A_1986 = tpu.vector_load %arg11[%get3A_1985] {strides = array<i32>} : memref<1024xf32, #tpu.memory_space<vmem>>, vector<16xf32>,
        %get3A_1987 = vector.shape_cast %get3A_1986 : vector<16xf32> to vector<16xf32>
        %sub3A_1988 = arith.subf %get3A_1981, %scan3A_597 : vector<16xf32>
        %sub3A_1989 = arith.subf %get3A_1984, %scan3A_598 : vector<16xf32>
        %sub3A_1990 = arith.subf %get3A_1987, %scan3A_599 : vector<16xf32>
        %mul3A_1991 = arith.mulf %sub3A_1988, %sub3A_1988 : vector<16xf32>
        %mul3A_1992 = arith.mulf %sub3A_1989, %sub3A_1989 : vector<16xf32>
        %add3A_1993 = arith.addf %mul3A_1991, %mul3A_1992 : vector<16xf32>
        %mul3A_1994 = arith.mulf %sub3A_1990, %sub3A_1990 : vector<16xf32>
        %add3A_1995 = arith.addf %add3A_1993, %mul3A_1994 : vector<16xf32>
        %get3A_1996 = arith.constant 624 : index
        %get3A_1997 = tpu.vector_load %arg12[%get3A_1996] {strides = array<i32>} : memref<1024xf32, #tpu.memory_space<vmem>>, vector<16xf32>,
        %get3A_1998 = vector.shape_cast %get3A_1997 : vector<16xf32> to vector<16xf32>
        %min3A_1999 = arith.minimumf %get3A_1998, %add3A_1995 : vector<16xf32>
        %swap3A_2000 = arith.constant 624 : index
        %swap3A_2001 = tpu.vector_load %arg12[%swap3A_2000] {strides = array<i32>} : memref<1024xf32, #tpu.memory_space<vmem>>, vector<16xf32>,
        %swap3A_2002 = vector.shape_cast %swap3A_2001 : vector<16xf32> to vector<16xf32>
        %swap3A_2003 = vector.shape_cast %min3A_1999 : vector<16xf32> to vector<16xf32>
        tpu.vector_store %arg12[%swap3A_2000], %swap3A_2003 {strides = array<i32>} : memref<1024xf32, #tpu.memory_space<vmem>>, vector<16xf32>,
        %gt3A_2004 = arith.cmpf ogt, %min3A_1999, %select_n3A_1971 : vector<16xf32>
        %select_n3A_2005 = arith.select %gt3A_2004, %min3A_1999, %select_n3A_1971 : vector<16xi1>, vector<16xf32>
        %add3A_2006 = arith.constant 6.240000e+02 : f32
        %add3A_2007 = vector.broadcast %add3A_2006 : f32 to vector<16xf32>
        %add3A_2008 = arith.addf %convert_element_type3A_9, %add3A_2007 : vector<16xf32>
        %select_n3A_2009 = arith.select %gt3A_2004, %add3A_2008, %select_n3A_1975 : vector<16xi1>, vector<16xf32>
        %select_n3A_2010 = arith.select %gt3A_2004, %get3A_1981, %select_n3A_1976 : vector<16xi1>, vector<16xf32>
        %select_n3A_2011 = arith.select %gt3A_2004, %get3A_1984, %select_n3A_1977 : vector<16xi1>, vector<16xf32>
        %select_n3A_2012 = arith.select %gt3A_2004, %get3A_1987, %select_n3A_1978 : vector<16xi1>, vector<16xf32>
        %get3A_2013 = arith.constant 640 : index
        %get3A_2014 = tpu.vector_load %arg9[%get3A_2013] {strides = array<i32>} : memref<1024xf32, #tpu.memory_space<vmem>>, vector<16xf32>,
        %get3A_2015 = vector.shape_cast %get3A_2014 : vector<16xf32> to vector<16xf32>
        %get3A_2016 = arith.constant 640 : index
        %get3A_2017 = tpu.vector_load %arg10[%get3A_2016] {strides = array<i32>} : memref<1024xf32, #tpu.memory_space<vmem>>, vector<16xf32>,
        %get3A_2018 = vector.shape_cast %get3A_2017 : vector<16xf32> to vector<16xf32>
        %get3A_2019 = arith.constant 640 : index
        %get3A_2020 = tpu.vector_load %arg11[%get3A_2019] {strides = array<i32>} : memref<1024xf32, #tpu.memory_space<vmem>>, vector<16xf32>,
        %get3A_2021 = vector.shape_cast %get3A_2020 : vector<16xf32> to vector<16xf32>
        %sub3A_2022 = arith.subf %get3A_2015, %scan3A_597 : vector<16xf32>
        %sub3A_2023 = arith.subf %get3A_2018, %scan3A_598 : vector<16xf32>
        %sub3A_2024 = arith.subf %get3A_2021, %scan3A_599 : vector<16xf32>
        %mul3A_2025 = arith.mulf %sub3A_2022, %sub3A_2022 : vector<16xf32>
        %mul3A_2026 = arith.mulf %sub3A_2023, %sub3A_2023 : vector<16xf32>
        %add3A_2027 = arith.addf %mul3A_2025, %mul3A_2026 : vector<16xf32>
        %mul3A_2028 = arith.mulf %sub3A_2024, %sub3A_2024 : vector<16xf32>
        %add3A_2029 = arith.addf %add3A_2027, %mul3A_2028 : vector<16xf32>
        %get3A_2030 = arith.constant 640 : index
        %get3A_2031 = tpu.vector_load %arg12[%get3A_2030] {strides = array<i32>} : memref<1024xf32, #tpu.memory_space<vmem>>, vector<16xf32>,
        %get3A_2032 = vector.shape_cast %get3A_2031 : vector<16xf32> to vector<16xf32>
        %min3A_2033 = arith.minimumf %get3A_2032, %add3A_2029 : vector<16xf32>
        %swap3A_2034 = arith.constant 640 : index
        %swap3A_2035 = tpu.vector_load %arg12[%swap3A_2034] {strides = array<i32>} : memref<1024xf32, #tpu.memory_space<vmem>>, vector<16xf32>,
        %swap3A_2036 = vector.shape_cast %swap3A_2035 : vector<16xf32> to vector<16xf32>
        %swap3A_2037 = vector.shape_cast %min3A_2033 : vector<16xf32> to vector<16xf32>
        tpu.vector_store %arg12[%swap3A_2034], %swap3A_2037 {strides = array<i32>} : memref<1024xf32, #tpu.memory_space<vmem>>, vector<16xf32>,
        %gt3A_2038 = arith.cmpf ogt, %min3A_2033, %select_n3A_2005 : vector<16xf32>
        %select_n3A_2039 = arith.select %gt3A_2038, %min3A_2033, %select_n3A_2005 : vector<16xi1>, vector<16xf32>
        %add3A_2040 = arith.constant 6.400000e+02 : f32
        %add3A_2041 = vector.broadcast %add3A_2040 : f32 to vector<16xf32>
        %add3A_2042 = arith.addf %convert_element_type3A_9, %add3A_2041 : vector<16xf32>
        %select_n3A_2043 = arith.select %gt3A_2038, %add3A_2042, %select_n3A_2009 : vector<16xi1>, vector<16xf32>
        %select_n3A_2044 = arith.select %gt3A_2038, %get3A_2015, %select_n3A_2010 : vector<16xi1>, vector<16xf32>
        %select_n3A_2045 = arith.select %gt3A_2038, %get3A_2018, %select_n3A_2011 : vector<16xi1>, vector<16xf32>
        %select_n3A_2046 = arith.select %gt3A_2038, %get3A_2021, %select_n3A_2012 : vector<16xi1>, vector<16xf32>
        %get3A_2047 = arith.constant 656 : index
        %get3A_2048 = tpu.vector_load %arg9[%get3A_2047] {strides = array<i32>} : memref<1024xf32, #tpu.memory_space<vmem>>, vector<16xf32>,
        %get3A_2049 = vector.shape_cast %get3A_2048 : vector<16xf32> to vector<16xf32>
        %get3A_2050 = arith.constant 656 : index
        %get3A_2051 = tpu.vector_load %arg10[%get3A_2050] {strides = array<i32>} : memref<1024xf32, #tpu.memory_space<vmem>>, vector<16xf32>,
        %get3A_2052 = vector.shape_cast %get3A_2051 : vector<16xf32> to vector<16xf32>
        %get3A_2053 = arith.constant 656 : index
        %get3A_2054 = tpu.vector_load %arg11[%get3A_2053] {strides = array<i32>} : memref<1024xf32, #tpu.memory_space<vmem>>, vector<16xf32>,
        %get3A_2055 = vector.shape_cast %get3A_2054 : vector<16xf32> to vector<16xf32>
        %sub3A_2056 = arith.subf %get3A_2049, %scan3A_597 : vector<16xf32>
        %sub3A_2057 = arith.subf %get3A_2052, %scan3A_598 : vector<16xf32>
        %sub3A_2058 = arith.subf %get3A_2055, %scan3A_599 : vector<16xf32>
        %mul3A_2059 = arith.mulf %sub3A_2056, %sub3A_2056 : vector<16xf32>
        %mul3A_2060 = arith.mulf %sub3A_2057, %sub3A_2057 : vector<16xf32>
        %add3A_2061 = arith.addf %mul3A_2059, %mul3A_2060 : vector<16xf32>
        %mul3A_2062 = arith.mulf %sub3A_2058, %sub3A_2058 : vector<16xf32>
        %add3A_2063 = arith.addf %add3A_2061, %mul3A_2062 : vector<16xf32>
        %get3A_2064 = arith.constant 656 : index
        %get3A_2065 = tpu.vector_load %arg12[%get3A_2064] {strides = array<i32>} : memref<1024xf32, #tpu.memory_space<vmem>>, vector<16xf32>,
        %get3A_2066 = vector.shape_cast %get3A_2065 : vector<16xf32> to vector<16xf32>
        %min3A_2067 = arith.minimumf %get3A_2066, %add3A_2063 : vector<16xf32>
        %swap3A_2068 = arith.constant 656 : index
        %swap3A_2069 = tpu.vector_load %arg12[%swap3A_2068] {strides = array<i32>} : memref<1024xf32, #tpu.memory_space<vmem>>, vector<16xf32>,
        %swap3A_2070 = vector.shape_cast %swap3A_2069 : vector<16xf32> to vector<16xf32>
        %swap3A_2071 = vector.shape_cast %min3A_2067 : vector<16xf32> to vector<16xf32>
        tpu.vector_store %arg12[%swap3A_2068], %swap3A_2071 {strides = array<i32>} : memref<1024xf32, #tpu.memory_space<vmem>>, vector<16xf32>,
        %gt3A_2072 = arith.cmpf ogt, %min3A_2067, %select_n3A_2039 : vector<16xf32>
        %select_n3A_2073 = arith.select %gt3A_2072, %min3A_2067, %select_n3A_2039 : vector<16xi1>, vector<16xf32>
        %add3A_2074 = arith.constant 6.560000e+02 : f32
        %add3A_2075 = vector.broadcast %add3A_2074 : f32 to vector<16xf32>
        %add3A_2076 = arith.addf %convert_element_type3A_9, %add3A_2075 : vector<16xf32>
        %select_n3A_2077 = arith.select %gt3A_2072, %add3A_2076, %select_n3A_2043 : vector<16xi1>, vector<16xf32>
        %select_n3A_2078 = arith.select %gt3A_2072, %get3A_2049, %select_n3A_2044 : vector<16xi1>, vector<16xf32>
        %select_n3A_2079 = arith.select %gt3A_2072, %get3A_2052, %select_n3A_2045 : vector<16xi1>, vector<16xf32>
        %select_n3A_2080 = arith.select %gt3A_2072, %get3A_2055, %select_n3A_2046 : vector<16xi1>, vector<16xf32>
        %get3A_2081 = arith.constant 672 : index
        %get3A_2082 = tpu.vector_load %arg9[%get3A_2081] {strides = array<i32>} : memref<1024xf32, #tpu.memory_space<vmem>>, vector<16xf32>,
        %get3A_2083 = vector.shape_cast %get3A_2082 : vector<16xf32> to vector<16xf32>
        %get3A_2084 = arith.constant 672 : index
        %get3A_2085 = tpu.vector_load %arg10[%get3A_2084] {strides = array<i32>} : memref<1024xf32, #tpu.memory_space<vmem>>, vector<16xf32>,
        %get3A_2086 = vector.shape_cast %get3A_2085 : vector<16xf32> to vector<16xf32>
        %get3A_2087 = arith.constant 672 : index
        %get3A_2088 = tpu.vector_load %arg11[%get3A_2087] {strides = array<i32>} : memref<1024xf32, #tpu.memory_space<vmem>>, vector<16xf32>,
        %get3A_2089 = vector.shape_cast %get3A_2088 : vector<16xf32> to vector<16xf32>
        %sub3A_2090 = arith.subf %get3A_2083, %scan3A_597 : vector<16xf32>
        %sub3A_2091 = arith.subf %get3A_2086, %scan3A_598 : vector<16xf32>
        %sub3A_2092 = arith.subf %get3A_2089, %scan3A_599 : vector<16xf32>
        %mul3A_2093 = arith.mulf %sub3A_2090, %sub3A_2090 : vector<16xf32>
        %mul3A_2094 = arith.mulf %sub3A_2091, %sub3A_2091 : vector<16xf32>
        %add3A_2095 = arith.addf %mul3A_2093, %mul3A_2094 : vector<16xf32>
        %mul3A_2096 = arith.mulf %sub3A_2092, %sub3A_2092 : vector<16xf32>
        %add3A_2097 = arith.addf %add3A_2095, %mul3A_2096 : vector<16xf32>
        %get3A_2098 = arith.constant 672 : index
        %get3A_2099 = tpu.vector_load %arg12[%get3A_2098] {strides = array<i32>} : memref<1024xf32, #tpu.memory_space<vmem>>, vector<16xf32>,
        %get3A_2100 = vector.shape_cast %get3A_2099 : vector<16xf32> to vector<16xf32>
        %min3A_2101 = arith.minimumf %get3A_2100, %add3A_2097 : vector<16xf32>
        %swap3A_2102 = arith.constant 672 : index
        %swap3A_2103 = tpu.vector_load %arg12[%swap3A_2102] {strides = array<i32>} : memref<1024xf32, #tpu.memory_space<vmem>>, vector<16xf32>,
        %swap3A_2104 = vector.shape_cast %swap3A_2103 : vector<16xf32> to vector<16xf32>
        %swap3A_2105 = vector.shape_cast %min3A_2101 : vector<16xf32> to vector<16xf32>
        tpu.vector_store %arg12[%swap3A_2102], %swap3A_2105 {strides = array<i32>} : memref<1024xf32, #tpu.memory_space<vmem>>, vector<16xf32>,
        %gt3A_2106 = arith.cmpf ogt, %min3A_2101, %select_n3A_2073 : vector<16xf32>
        %select_n3A_2107 = arith.select %gt3A_2106, %min3A_2101, %select_n3A_2073 : vector<16xi1>, vector<16xf32>
        %add3A_2108 = arith.constant 6.720000e+02 : f32
        %add3A_2109 = vector.broadcast %add3A_2108 : f32 to vector<16xf32>
        %add3A_2110 = arith.addf %convert_element_type3A_9, %add3A_2109 : vector<16xf32>
        %select_n3A_2111 = arith.select %gt3A_2106, %add3A_2110, %select_n3A_2077 : vector<16xi1>, vector<16xf32>
        %select_n3A_2112 = arith.select %gt3A_2106, %get3A_2083, %select_n3A_2078 : vector<16xi1>, vector<16xf32>
        %select_n3A_2113 = arith.select %gt3A_2106, %get3A_2086, %select_n3A_2079 : vector<16xi1>, vector<16xf32>
        %select_n3A_2114 = arith.select %gt3A_2106, %get3A_2089, %select_n3A_2080 : vector<16xi1>, vector<16xf32>
        %get3A_2115 = arith.constant 688 : index
        %get3A_2116 = tpu.vector_load %arg9[%get3A_2115] {strides = array<i32>} : memref<1024xf32, #tpu.memory_space<vmem>>, vector<16xf32>,
        %get3A_2117 = vector.shape_cast %get3A_2116 : vector<16xf32> to vector<16xf32>
        %get3A_2118 = arith.constant 688 : index
        %get3A_2119 = tpu.vector_load %arg10[%get3A_2118] {strides = array<i32>} : memref<1024xf32, #tpu.memory_space<vmem>>, vector<16xf32>,
        %get3A_2120 = vector.shape_cast %get3A_2119 : vector<16xf32> to vector<16xf32>
        %get3A_2121 = arith.constant 688 : index
        %get3A_2122 = tpu.vector_load %arg11[%get3A_2121] {strides = array<i32>} : memref<1024xf32, #tpu.memory_space<vmem>>, vector<16xf32>,
        %get3A_2123 = vector.shape_cast %get3A_2122 : vector<16xf32> to vector<16xf32>
        %sub3A_2124 = arith.subf %get3A_2117, %scan3A_597 : vector<16xf32>
        %sub3A_2125 = arith.subf %get3A_2120, %scan3A_598 : vector<16xf32>
        %sub3A_2126 = arith.subf %get3A_2123, %scan3A_599 : vector<16xf32>
        %mul3A_2127 = arith.mulf %sub3A_2124, %sub3A_2124 : vector<16xf32>
        %mul3A_2128 = arith.mulf %sub3A_2125, %sub3A_2125 : vector<16xf32>
        %add3A_2129 = arith.addf %mul3A_2127, %mul3A_2128 : vector<16xf32>
        %mul3A_2130 = arith.mulf %sub3A_2126, %sub3A_2126 : vector<16xf32>
        %add3A_2131 = arith.addf %add3A_2129, %mul3A_2130 : vector<16xf32>
        %get3A_2132 = arith.constant 688 : index
        %get3A_2133 = tpu.vector_load %arg12[%get3A_2132] {strides = array<i32>} : memref<1024xf32, #tpu.memory_space<vmem>>, vector<16xf32>,
        %get3A_2134 = vector.shape_cast %get3A_2133 : vector<16xf32> to vector<16xf32>
        %min3A_2135 = arith.minimumf %get3A_2134, %add3A_2131 : vector<16xf32>
        %swap3A_2136 = arith.constant 688 : index
        %swap3A_2137 = tpu.vector_load %arg12[%swap3A_2136] {strides = array<i32>} : memref<1024xf32, #tpu.memory_space<vmem>>, vector<16xf32>,
        %swap3A_2138 = vector.shape_cast %swap3A_2137 : vector<16xf32> to vector<16xf32>
        %swap3A_2139 = vector.shape_cast %min3A_2135 : vector<16xf32> to vector<16xf32>
        tpu.vector_store %arg12[%swap3A_2136], %swap3A_2139 {strides = array<i32>} : memref<1024xf32, #tpu.memory_space<vmem>>, vector<16xf32>,
        %gt3A_2140 = arith.cmpf ogt, %min3A_2135, %select_n3A_2107 : vector<16xf32>
        %select_n3A_2141 = arith.select %gt3A_2140, %min3A_2135, %select_n3A_2107 : vector<16xi1>, vector<16xf32>
        %add3A_2142 = arith.constant 6.880000e+02 : f32
        %add3A_2143 = vector.broadcast %add3A_2142 : f32 to vector<16xf32>
        %add3A_2144 = arith.addf %convert_element_type3A_9, %add3A_2143 : vector<16xf32>
        %select_n3A_2145 = arith.select %gt3A_2140, %add3A_2144, %select_n3A_2111 : vector<16xi1>, vector<16xf32>
        %select_n3A_2146 = arith.select %gt3A_2140, %get3A_2117, %select_n3A_2112 : vector<16xi1>, vector<16xf32>
        %select_n3A_2147 = arith.select %gt3A_2140, %get3A_2120, %select_n3A_2113 : vector<16xi1>, vector<16xf32>
        %select_n3A_2148 = arith.select %gt3A_2140, %get3A_2123, %select_n3A_2114 : vector<16xi1>, vector<16xf32>
        %get3A_2149 = arith.constant 704 : index
        %get3A_2150 = tpu.vector_load %arg9[%get3A_2149] {strides = array<i32>} : memref<1024xf32, #tpu.memory_space<vmem>>, vector<16xf32>,
        %get3A_2151 = vector.shape_cast %get3A_2150 : vector<16xf32> to vector<16xf32>
        %get3A_2152 = arith.constant 704 : index
        %get3A_2153 = tpu.vector_load %arg10[%get3A_2152] {strides = array<i32>} : memref<1024xf32, #tpu.memory_space<vmem>>, vector<16xf32>,
        %get3A_2154 = vector.shape_cast %get3A_2153 : vector<16xf32> to vector<16xf32>
        %get3A_2155 = arith.constant 704 : index
        %get3A_2156 = tpu.vector_load %arg11[%get3A_2155] {strides = array<i32>} : memref<1024xf32, #tpu.memory_space<vmem>>, vector<16xf32>,
        %get3A_2157 = vector.shape_cast %get3A_2156 : vector<16xf32> to vector<16xf32>
        %sub3A_2158 = arith.subf %get3A_2151, %scan3A_597 : vector<16xf32>
        %sub3A_2159 = arith.subf %get3A_2154, %scan3A_598 : vector<16xf32>
        %sub3A_2160 = arith.subf %get3A_2157, %scan3A_599 : vector<16xf32>
        %mul3A_2161 = arith.mulf %sub3A_2158, %sub3A_2158 : vector<16xf32>
        %mul3A_2162 = arith.mulf %sub3A_2159, %sub3A_2159 : vector<16xf32>
        %add3A_2163 = arith.addf %mul3A_2161, %mul3A_2162 : vector<16xf32>
        %mul3A_2164 = arith.mulf %sub3A_2160, %sub3A_2160 : vector<16xf32>
        %add3A_2165 = arith.addf %add3A_2163, %mul3A_2164 : vector<16xf32>
        %get3A_2166 = arith.constant 704 : index
        %get3A_2167 = tpu.vector_load %arg12[%get3A_2166] {strides = array<i32>} : memref<1024xf32, #tpu.memory_space<vmem>>, vector<16xf32>,
        %get3A_2168 = vector.shape_cast %get3A_2167 : vector<16xf32> to vector<16xf32>
        %min3A_2169 = arith.minimumf %get3A_2168, %add3A_2165 : vector<16xf32>
        %swap3A_2170 = arith.constant 704 : index
        %swap3A_2171 = tpu.vector_load %arg12[%swap3A_2170] {strides = array<i32>} : memref<1024xf32, #tpu.memory_space<vmem>>, vector<16xf32>,
        %swap3A_2172 = vector.shape_cast %swap3A_2171 : vector<16xf32> to vector<16xf32>
        %swap3A_2173 = vector.shape_cast %min3A_2169 : vector<16xf32> to vector<16xf32>
        tpu.vector_store %arg12[%swap3A_2170], %swap3A_2173 {strides = array<i32>} : memref<1024xf32, #tpu.memory_space<vmem>>, vector<16xf32>,
        %gt3A_2174 = arith.cmpf ogt, %min3A_2169, %select_n3A_2141 : vector<16xf32>
        %select_n3A_2175 = arith.select %gt3A_2174, %min3A_2169, %select_n3A_2141 : vector<16xi1>, vector<16xf32>
        %add3A_2176 = arith.constant 7.040000e+02 : f32
        %add3A_2177 = vector.broadcast %add3A_2176 : f32 to vector<16xf32>
        %add3A_2178 = arith.addf %convert_element_type3A_9, %add3A_2177 : vector<16xf32>
        %select_n3A_2179 = arith.select %gt3A_2174, %add3A_2178, %select_n3A_2145 : vector<16xi1>, vector<16xf32>
        %select_n3A_2180 = arith.select %gt3A_2174, %get3A_2151, %select_n3A_2146 : vector<16xi1>, vector<16xf32>
        %select_n3A_2181 = arith.select %gt3A_2174, %get3A_2154, %select_n3A_2147 : vector<16xi1>, vector<16xf32>
        %select_n3A_2182 = arith.select %gt3A_2174, %get3A_2157, %select_n3A_2148 : vector<16xi1>, vector<16xf32>
        %get3A_2183 = arith.constant 720 : index
        %get3A_2184 = tpu.vector_load %arg9[%get3A_2183] {strides = array<i32>} : memref<1024xf32, #tpu.memory_space<vmem>>, vector<16xf32>,
        %get3A_2185 = vector.shape_cast %get3A_2184 : vector<16xf32> to vector<16xf32>
        %get3A_2186 = arith.constant 720 : index
        %get3A_2187 = tpu.vector_load %arg10[%get3A_2186] {strides = array<i32>} : memref<1024xf32, #tpu.memory_space<vmem>>, vector<16xf32>,
        %get3A_2188 = vector.shape_cast %get3A_2187 : vector<16xf32> to vector<16xf32>
        %get3A_2189 = arith.constant 720 : index
        %get3A_2190 = tpu.vector_load %arg11[%get3A_2189] {strides = array<i32>} : memref<1024xf32, #tpu.memory_space<vmem>>, vector<16xf32>,
        %get3A_2191 = vector.shape_cast %get3A_2190 : vector<16xf32> to vector<16xf32>
        %sub3A_2192 = arith.subf %get3A_2185, %scan3A_597 : vector<16xf32>
        %sub3A_2193 = arith.subf %get3A_2188, %scan3A_598 : vector<16xf32>
        %sub3A_2194 = arith.subf %get3A_2191, %scan3A_599 : vector<16xf32>
        %mul3A_2195 = arith.mulf %sub3A_2192, %sub3A_2192 : vector<16xf32>
        %mul3A_2196 = arith.mulf %sub3A_2193, %sub3A_2193 : vector<16xf32>
        %add3A_2197 = arith.addf %mul3A_2195, %mul3A_2196 : vector<16xf32>
        %mul3A_2198 = arith.mulf %sub3A_2194, %sub3A_2194 : vector<16xf32>
        %add3A_2199 = arith.addf %add3A_2197, %mul3A_2198 : vector<16xf32>
        %get3A_2200 = arith.constant 720 : index
        %get3A_2201 = tpu.vector_load %arg12[%get3A_2200] {strides = array<i32>} : memref<1024xf32, #tpu.memory_space<vmem>>, vector<16xf32>,
        %get3A_2202 = vector.shape_cast %get3A_2201 : vector<16xf32> to vector<16xf32>
        %min3A_2203 = arith.minimumf %get3A_2202, %add3A_2199 : vector<16xf32>
        %swap3A_2204 = arith.constant 720 : index
        %swap3A_2205 = tpu.vector_load %arg12[%swap3A_2204] {strides = array<i32>} : memref<1024xf32, #tpu.memory_space<vmem>>, vector<16xf32>,
        %swap3A_2206 = vector.shape_cast %swap3A_2205 : vector<16xf32> to vector<16xf32>
        %swap3A_2207 = vector.shape_cast %min3A_2203 : vector<16xf32> to vector<16xf32>
        tpu.vector_store %arg12[%swap3A_2204], %swap3A_2207 {strides = array<i32>} : memref<1024xf32, #tpu.memory_space<vmem>>, vector<16xf32>,
        %gt3A_2208 = arith.cmpf ogt, %min3A_2203, %select_n3A_2175 : vector<16xf32>
        %select_n3A_2209 = arith.select %gt3A_2208, %min3A_2203, %select_n3A_2175 : vector<16xi1>, vector<16xf32>
        %add3A_2210 = arith.constant 7.200000e+02 : f32
        %add3A_2211 = vector.broadcast %add3A_2210 : f32 to vector<16xf32>
        %add3A_2212 = arith.addf %convert_element_type3A_9, %add3A_2211 : vector<16xf32>
        %select_n3A_2213 = arith.select %gt3A_2208, %add3A_2212, %select_n3A_2179 : vector<16xi1>, vector<16xf32>
        %select_n3A_2214 = arith.select %gt3A_2208, %get3A_2185, %select_n3A_2180 : vector<16xi1>, vector<16xf32>
        %select_n3A_2215 = arith.select %gt3A_2208, %get3A_2188, %select_n3A_2181 : vector<16xi1>, vector<16xf32>
        %select_n3A_2216 = arith.select %gt3A_2208, %get3A_2191, %select_n3A_2182 : vector<16xi1>, vector<16xf32>
        %get3A_2217 = arith.constant 736 : index
        %get3A_2218 = tpu.vector_load %arg9[%get3A_2217] {strides = array<i32>} : memref<1024xf32, #tpu.memory_space<vmem>>, vector<16xf32>,
        %get3A_2219 = vector.shape_cast %get3A_2218 : vector<16xf32> to vector<16xf32>
        %get3A_2220 = arith.constant 736 : index
        %get3A_2221 = tpu.vector_load %arg10[%get3A_2220] {strides = array<i32>} : memref<1024xf32, #tpu.memory_space<vmem>>, vector<16xf32>,
        %get3A_2222 = vector.shape_cast %get3A_2221 : vector<16xf32> to vector<16xf32>
        %get3A_2223 = arith.constant 736 : index
        %get3A_2224 = tpu.vector_load %arg11[%get3A_2223] {strides = array<i32>} : memref<1024xf32, #tpu.memory_space<vmem>>, vector<16xf32>,
        %get3A_2225 = vector.shape_cast %get3A_2224 : vector<16xf32> to vector<16xf32>
        %sub3A_2226 = arith.subf %get3A_2219, %scan3A_597 : vector<16xf32>
        %sub3A_2227 = arith.subf %get3A_2222, %scan3A_598 : vector<16xf32>
        %sub3A_2228 = arith.subf %get3A_2225, %scan3A_599 : vector<16xf32>
        %mul3A_2229 = arith.mulf %sub3A_2226, %sub3A_2226 : vector<16xf32>
        %mul3A_2230 = arith.mulf %sub3A_2227, %sub3A_2227 : vector<16xf32>
        %add3A_2231 = arith.addf %mul3A_2229, %mul3A_2230 : vector<16xf32>
        %mul3A_2232 = arith.mulf %sub3A_2228, %sub3A_2228 : vector<16xf32>
        %add3A_2233 = arith.addf %add3A_2231, %mul3A_2232 : vector<16xf32>
        %get3A_2234 = arith.constant 736 : index
        %get3A_2235 = tpu.vector_load %arg12[%get3A_2234] {strides = array<i32>} : memref<1024xf32, #tpu.memory_space<vmem>>, vector<16xf32>,
        %get3A_2236 = vector.shape_cast %get3A_2235 : vector<16xf32> to vector<16xf32>
        %min3A_2237 = arith.minimumf %get3A_2236, %add3A_2233 : vector<16xf32>
        %swap3A_2238 = arith.constant 736 : index
        %swap3A_2239 = tpu.vector_load %arg12[%swap3A_2238] {strides = array<i32>} : memref<1024xf32, #tpu.memory_space<vmem>>, vector<16xf32>,
        %swap3A_2240 = vector.shape_cast %swap3A_2239 : vector<16xf32> to vector<16xf32>
        %swap3A_2241 = vector.shape_cast %min3A_2237 : vector<16xf32> to vector<16xf32>
        tpu.vector_store %arg12[%swap3A_2238], %swap3A_2241 {strides = array<i32>} : memref<1024xf32, #tpu.memory_space<vmem>>, vector<16xf32>,
        %gt3A_2242 = arith.cmpf ogt, %min3A_2237, %select_n3A_2209 : vector<16xf32>
        %select_n3A_2243 = arith.select %gt3A_2242, %min3A_2237, %select_n3A_2209 : vector<16xi1>, vector<16xf32>
        %add3A_2244 = arith.constant 7.360000e+02 : f32
        %add3A_2245 = vector.broadcast %add3A_2244 : f32 to vector<16xf32>
        %add3A_2246 = arith.addf %convert_element_type3A_9, %add3A_2245 : vector<16xf32>
        %select_n3A_2247 = arith.select %gt3A_2242, %add3A_2246, %select_n3A_2213 : vector<16xi1>, vector<16xf32>
        %select_n3A_2248 = arith.select %gt3A_2242, %get3A_2219, %select_n3A_2214 : vector<16xi1>, vector<16xf32>
        %select_n3A_2249 = arith.select %gt3A_2242, %get3A_2222, %select_n3A_2215 : vector<16xi1>, vector<16xf32>
        %select_n3A_2250 = arith.select %gt3A_2242, %get3A_2225, %select_n3A_2216 : vector<16xi1>, vector<16xf32>
        %get3A_2251 = arith.constant 752 : index
        %get3A_2252 = tpu.vector_load %arg9[%get3A_2251] {strides = array<i32>} : memref<1024xf32, #tpu.memory_space<vmem>>, vector<16xf32>,
        %get3A_2253 = vector.shape_cast %get3A_2252 : vector<16xf32> to vector<16xf32>
        %get3A_2254 = arith.constant 752 : index
        %get3A_2255 = tpu.vector_load %arg10[%get3A_2254] {strides = array<i32>} : memref<1024xf32, #tpu.memory_space<vmem>>, vector<16xf32>,
        %get3A_2256 = vector.shape_cast %get3A_2255 : vector<16xf32> to vector<16xf32>
        %get3A_2257 = arith.constant 752 : index
        %get3A_2258 = tpu.vector_load %arg11[%get3A_2257] {strides = array<i32>} : memref<1024xf32, #tpu.memory_space<vmem>>, vector<16xf32>,
        %get3A_2259 = vector.shape_cast %get3A_2258 : vector<16xf32> to vector<16xf32>
        %sub3A_2260 = arith.subf %get3A_2253, %scan3A_597 : vector<16xf32>
        %sub3A_2261 = arith.subf %get3A_2256, %scan3A_598 : vector<16xf32>
        %sub3A_2262 = arith.subf %get3A_2259, %scan3A_599 : vector<16xf32>
        %mul3A_2263 = arith.mulf %sub3A_2260, %sub3A_2260 : vector<16xf32>
        %mul3A_2264 = arith.mulf %sub3A_2261, %sub3A_2261 : vector<16xf32>
        %add3A_2265 = arith.addf %mul3A_2263, %mul3A_2264 : vector<16xf32>
        %mul3A_2266 = arith.mulf %sub3A_2262, %sub3A_2262 : vector<16xf32>
        %add3A_2267 = arith.addf %add3A_2265, %mul3A_2266 : vector<16xf32>
        %get3A_2268 = arith.constant 752 : index
        %get3A_2269 = tpu.vector_load %arg12[%get3A_2268] {strides = array<i32>} : memref<1024xf32, #tpu.memory_space<vmem>>, vector<16xf32>,
        %get3A_2270 = vector.shape_cast %get3A_2269 : vector<16xf32> to vector<16xf32>
        %min3A_2271 = arith.minimumf %get3A_2270, %add3A_2267 : vector<16xf32>
        %swap3A_2272 = arith.constant 752 : index
        %swap3A_2273 = tpu.vector_load %arg12[%swap3A_2272] {strides = array<i32>} : memref<1024xf32, #tpu.memory_space<vmem>>, vector<16xf32>,
        %swap3A_2274 = vector.shape_cast %swap3A_2273 : vector<16xf32> to vector<16xf32>
        %swap3A_2275 = vector.shape_cast %min3A_2271 : vector<16xf32> to vector<16xf32>
        tpu.vector_store %arg12[%swap3A_2272], %swap3A_2275 {strides = array<i32>} : memref<1024xf32, #tpu.memory_space<vmem>>, vector<16xf32>,
        %gt3A_2276 = arith.cmpf ogt, %min3A_2271, %select_n3A_2243 : vector<16xf32>
        %select_n3A_2277 = arith.select %gt3A_2276, %min3A_2271, %select_n3A_2243 : vector<16xi1>, vector<16xf32>
        %add3A_2278 = arith.constant 7.520000e+02 : f32
        %add3A_2279 = vector.broadcast %add3A_2278 : f32 to vector<16xf32>
        %add3A_2280 = arith.addf %convert_element_type3A_9, %add3A_2279 : vector<16xf32>
        %select_n3A_2281 = arith.select %gt3A_2276, %add3A_2280, %select_n3A_2247 : vector<16xi1>, vector<16xf32>
        %select_n3A_2282 = arith.select %gt3A_2276, %get3A_2253, %select_n3A_2248 : vector<16xi1>, vector<16xf32>
        %select_n3A_2283 = arith.select %gt3A_2276, %get3A_2256, %select_n3A_2249 : vector<16xi1>, vector<16xf32>
        %select_n3A_2284 = arith.select %gt3A_2276, %get3A_2259, %select_n3A_2250 : vector<16xi1>, vector<16xf32>
        %get3A_2285 = arith.constant 768 : index
        %get3A_2286 = tpu.vector_load %arg9[%get3A_2285] {strides = array<i32>} : memref<1024xf32, #tpu.memory_space<vmem>>, vector<16xf32>,
        %get3A_2287 = vector.shape_cast %get3A_2286 : vector<16xf32> to vector<16xf32>
        %get3A_2288 = arith.constant 768 : index
        %get3A_2289 = tpu.vector_load %arg10[%get3A_2288] {strides = array<i32>} : memref<1024xf32, #tpu.memory_space<vmem>>, vector<16xf32>,
        %get3A_2290 = vector.shape_cast %get3A_2289 : vector<16xf32> to vector<16xf32>
        %get3A_2291 = arith.constant 768 : index
        %get3A_2292 = tpu.vector_load %arg11[%get3A_2291] {strides = array<i32>} : memref<1024xf32, #tpu.memory_space<vmem>>, vector<16xf32>,
        %get3A_2293 = vector.shape_cast %get3A_2292 : vector<16xf32> to vector<16xf32>
        %sub3A_2294 = arith.subf %get3A_2287, %scan3A_597 : vector<16xf32>
        %sub3A_2295 = arith.subf %get3A_2290, %scan3A_598 : vector<16xf32>
        %sub3A_2296 = arith.subf %get3A_2293, %scan3A_599 : vector<16xf32>
        %mul3A_2297 = arith.mulf %sub3A_2294, %sub3A_2294 : vector<16xf32>
        %mul3A_2298 = arith.mulf %sub3A_2295, %sub3A_2295 : vector<16xf32>
        %add3A_2299 = arith.addf %mul3A_2297, %mul3A_2298 : vector<16xf32>
        %mul3A_2300 = arith.mulf %sub3A_2296, %sub3A_2296 : vector<16xf32>
        %add3A_2301 = arith.addf %add3A_2299, %mul3A_2300 : vector<16xf32>
        %get3A_2302 = arith.constant 768 : index
        %get3A_2303 = tpu.vector_load %arg12[%get3A_2302] {strides = array<i32>} : memref<1024xf32, #tpu.memory_space<vmem>>, vector<16xf32>,
        %get3A_2304 = vector.shape_cast %get3A_2303 : vector<16xf32> to vector<16xf32>
        %min3A_2305 = arith.minimumf %get3A_2304, %add3A_2301 : vector<16xf32>
        %swap3A_2306 = arith.constant 768 : index
        %swap3A_2307 = tpu.vector_load %arg12[%swap3A_2306] {strides = array<i32>} : memref<1024xf32, #tpu.memory_space<vmem>>, vector<16xf32>,
        %swap3A_2308 = vector.shape_cast %swap3A_2307 : vector<16xf32> to vector<16xf32>
        %swap3A_2309 = vector.shape_cast %min3A_2305 : vector<16xf32> to vector<16xf32>
        tpu.vector_store %arg12[%swap3A_2306], %swap3A_2309 {strides = array<i32>} : memref<1024xf32, #tpu.memory_space<vmem>>, vector<16xf32>,
        %gt3A_2310 = arith.cmpf ogt, %min3A_2305, %select_n3A_2277 : vector<16xf32>
        %select_n3A_2311 = arith.select %gt3A_2310, %min3A_2305, %select_n3A_2277 : vector<16xi1>, vector<16xf32>
        %add3A_2312 = arith.constant 7.680000e+02 : f32
        %add3A_2313 = vector.broadcast %add3A_2312 : f32 to vector<16xf32>
        %add3A_2314 = arith.addf %convert_element_type3A_9, %add3A_2313 : vector<16xf32>
        %select_n3A_2315 = arith.select %gt3A_2310, %add3A_2314, %select_n3A_2281 : vector<16xi1>, vector<16xf32>
        %select_n3A_2316 = arith.select %gt3A_2310, %get3A_2287, %select_n3A_2282 : vector<16xi1>, vector<16xf32>
        %select_n3A_2317 = arith.select %gt3A_2310, %get3A_2290, %select_n3A_2283 : vector<16xi1>, vector<16xf32>
        %select_n3A_2318 = arith.select %gt3A_2310, %get3A_2293, %select_n3A_2284 : vector<16xi1>, vector<16xf32>
        %get3A_2319 = arith.constant 784 : index
        %get3A_2320 = tpu.vector_load %arg9[%get3A_2319] {strides = array<i32>} : memref<1024xf32, #tpu.memory_space<vmem>>, vector<16xf32>,
        %get3A_2321 = vector.shape_cast %get3A_2320 : vector<16xf32> to vector<16xf32>
        %get3A_2322 = arith.constant 784 : index
        %get3A_2323 = tpu.vector_load %arg10[%get3A_2322] {strides = array<i32>} : memref<1024xf32, #tpu.memory_space<vmem>>, vector<16xf32>,
        %get3A_2324 = vector.shape_cast %get3A_2323 : vector<16xf32> to vector<16xf32>
        %get3A_2325 = arith.constant 784 : index
        %get3A_2326 = tpu.vector_load %arg11[%get3A_2325] {strides = array<i32>} : memref<1024xf32, #tpu.memory_space<vmem>>, vector<16xf32>,
        %get3A_2327 = vector.shape_cast %get3A_2326 : vector<16xf32> to vector<16xf32>
        %sub3A_2328 = arith.subf %get3A_2321, %scan3A_597 : vector<16xf32>
        %sub3A_2329 = arith.subf %get3A_2324, %scan3A_598 : vector<16xf32>
        %sub3A_2330 = arith.subf %get3A_2327, %scan3A_599 : vector<16xf32>
        %mul3A_2331 = arith.mulf %sub3A_2328, %sub3A_2328 : vector<16xf32>
        %mul3A_2332 = arith.mulf %sub3A_2329, %sub3A_2329 : vector<16xf32>
        %add3A_2333 = arith.addf %mul3A_2331, %mul3A_2332 : vector<16xf32>
        %mul3A_2334 = arith.mulf %sub3A_2330, %sub3A_2330 : vector<16xf32>
        %add3A_2335 = arith.addf %add3A_2333, %mul3A_2334 : vector<16xf32>
        %get3A_2336 = arith.constant 784 : index
        %get3A_2337 = tpu.vector_load %arg12[%get3A_2336] {strides = array<i32>} : memref<1024xf32, #tpu.memory_space<vmem>>, vector<16xf32>,
        %get3A_2338 = vector.shape_cast %get3A_2337 : vector<16xf32> to vector<16xf32>
        %min3A_2339 = arith.minimumf %get3A_2338, %add3A_2335 : vector<16xf32>
        %swap3A_2340 = arith.constant 784 : index
        %swap3A_2341 = tpu.vector_load %arg12[%swap3A_2340] {strides = array<i32>} : memref<1024xf32, #tpu.memory_space<vmem>>, vector<16xf32>,
        %swap3A_2342 = vector.shape_cast %swap3A_2341 : vector<16xf32> to vector<16xf32>
        %swap3A_2343 = vector.shape_cast %min3A_2339 : vector<16xf32> to vector<16xf32>
        tpu.vector_store %arg12[%swap3A_2340], %swap3A_2343 {strides = array<i32>} : memref<1024xf32, #tpu.memory_space<vmem>>, vector<16xf32>,
        %gt3A_2344 = arith.cmpf ogt, %min3A_2339, %select_n3A_2311 : vector<16xf32>
        %select_n3A_2345 = arith.select %gt3A_2344, %min3A_2339, %select_n3A_2311 : vector<16xi1>, vector<16xf32>
        %add3A_2346 = arith.constant 7.840000e+02 : f32
        %add3A_2347 = vector.broadcast %add3A_2346 : f32 to vector<16xf32>
        %add3A_2348 = arith.addf %convert_element_type3A_9, %add3A_2347 : vector<16xf32>
        %select_n3A_2349 = arith.select %gt3A_2344, %add3A_2348, %select_n3A_2315 : vector<16xi1>, vector<16xf32>
        %select_n3A_2350 = arith.select %gt3A_2344, %get3A_2321, %select_n3A_2316 : vector<16xi1>, vector<16xf32>
        %select_n3A_2351 = arith.select %gt3A_2344, %get3A_2324, %select_n3A_2317 : vector<16xi1>, vector<16xf32>
        %select_n3A_2352 = arith.select %gt3A_2344, %get3A_2327, %select_n3A_2318 : vector<16xi1>, vector<16xf32>
        %get3A_2353 = arith.constant 800 : index
        %get3A_2354 = tpu.vector_load %arg9[%get3A_2353] {strides = array<i32>} : memref<1024xf32, #tpu.memory_space<vmem>>, vector<16xf32>,
        %get3A_2355 = vector.shape_cast %get3A_2354 : vector<16xf32> to vector<16xf32>
        %get3A_2356 = arith.constant 800 : index
        %get3A_2357 = tpu.vector_load %arg10[%get3A_2356] {strides = array<i32>} : memref<1024xf32, #tpu.memory_space<vmem>>, vector<16xf32>,
        %get3A_2358 = vector.shape_cast %get3A_2357 : vector<16xf32> to vector<16xf32>
        %get3A_2359 = arith.constant 800 : index
        %get3A_2360 = tpu.vector_load %arg11[%get3A_2359] {strides = array<i32>} : memref<1024xf32, #tpu.memory_space<vmem>>, vector<16xf32>,
        %get3A_2361 = vector.shape_cast %get3A_2360 : vector<16xf32> to vector<16xf32>
        %sub3A_2362 = arith.subf %get3A_2355, %scan3A_597 : vector<16xf32>
        %sub3A_2363 = arith.subf %get3A_2358, %scan3A_598 : vector<16xf32>
        %sub3A_2364 = arith.subf %get3A_2361, %scan3A_599 : vector<16xf32>
        %mul3A_2365 = arith.mulf %sub3A_2362, %sub3A_2362 : vector<16xf32>
        %mul3A_2366 = arith.mulf %sub3A_2363, %sub3A_2363 : vector<16xf32>
        %add3A_2367 = arith.addf %mul3A_2365, %mul3A_2366 : vector<16xf32>
        %mul3A_2368 = arith.mulf %sub3A_2364, %sub3A_2364 : vector<16xf32>
        %add3A_2369 = arith.addf %add3A_2367, %mul3A_2368 : vector<16xf32>
        %get3A_2370 = arith.constant 800 : index
        %get3A_2371 = tpu.vector_load %arg12[%get3A_2370] {strides = array<i32>} : memref<1024xf32, #tpu.memory_space<vmem>>, vector<16xf32>,
        %get3A_2372 = vector.shape_cast %get3A_2371 : vector<16xf32> to vector<16xf32>
        %min3A_2373 = arith.minimumf %get3A_2372, %add3A_2369 : vector<16xf32>
        %swap3A_2374 = arith.constant 800 : index
        %swap3A_2375 = tpu.vector_load %arg12[%swap3A_2374] {strides = array<i32>} : memref<1024xf32, #tpu.memory_space<vmem>>, vector<16xf32>,
        %swap3A_2376 = vector.shape_cast %swap3A_2375 : vector<16xf32> to vector<16xf32>
        %swap3A_2377 = vector.shape_cast %min3A_2373 : vector<16xf32> to vector<16xf32>
        tpu.vector_store %arg12[%swap3A_2374], %swap3A_2377 {strides = array<i32>} : memref<1024xf32, #tpu.memory_space<vmem>>, vector<16xf32>,
        %gt3A_2378 = arith.cmpf ogt, %min3A_2373, %select_n3A_2345 : vector<16xf32>
        %select_n3A_2379 = arith.select %gt3A_2378, %min3A_2373, %select_n3A_2345 : vector<16xi1>, vector<16xf32>
        %add3A_2380 = arith.constant 8.000000e+02 : f32
        %add3A_2381 = vector.broadcast %add3A_2380 : f32 to vector<16xf32>
        %add3A_2382 = arith.addf %convert_element_type3A_9, %add3A_2381 : vector<16xf32>
        %select_n3A_2383 = arith.select %gt3A_2378, %add3A_2382, %select_n3A_2349 : vector<16xi1>, vector<16xf32>
        %select_n3A_2384 = arith.select %gt3A_2378, %get3A_2355, %select_n3A_2350 : vector<16xi1>, vector<16xf32>
        %select_n3A_2385 = arith.select %gt3A_2378, %get3A_2358, %select_n3A_2351 : vector<16xi1>, vector<16xf32>
        %select_n3A_2386 = arith.select %gt3A_2378, %get3A_2361, %select_n3A_2352 : vector<16xi1>, vector<16xf32>
        %get3A_2387 = arith.constant 816 : index
        %get3A_2388 = tpu.vector_load %arg9[%get3A_2387] {strides = array<i32>} : memref<1024xf32, #tpu.memory_space<vmem>>, vector<16xf32>,
        %get3A_2389 = vector.shape_cast %get3A_2388 : vector<16xf32> to vector<16xf32>
        %get3A_2390 = arith.constant 816 : index
        %get3A_2391 = tpu.vector_load %arg10[%get3A_2390] {strides = array<i32>} : memref<1024xf32, #tpu.memory_space<vmem>>, vector<16xf32>,
        %get3A_2392 = vector.shape_cast %get3A_2391 : vector<16xf32> to vector<16xf32>
        %get3A_2393 = arith.constant 816 : index
        %get3A_2394 = tpu.vector_load %arg11[%get3A_2393] {strides = array<i32>} : memref<1024xf32, #tpu.memory_space<vmem>>, vector<16xf32>,
        %get3A_2395 = vector.shape_cast %get3A_2394 : vector<16xf32> to vector<16xf32>
        %sub3A_2396 = arith.subf %get3A_2389, %scan3A_597 : vector<16xf32>
        %sub3A_2397 = arith.subf %get3A_2392, %scan3A_598 : vector<16xf32>
        %sub3A_2398 = arith.subf %get3A_2395, %scan3A_599 : vector<16xf32>
        %mul3A_2399 = arith.mulf %sub3A_2396, %sub3A_2396 : vector<16xf32>
        %mul3A_2400 = arith.mulf %sub3A_2397, %sub3A_2397 : vector<16xf32>
        %add3A_2401 = arith.addf %mul3A_2399, %mul3A_2400 : vector<16xf32>
        %mul3A_2402 = arith.mulf %sub3A_2398, %sub3A_2398 : vector<16xf32>
        %add3A_2403 = arith.addf %add3A_2401, %mul3A_2402 : vector<16xf32>
        %get3A_2404 = arith.constant 816 : index
        %get3A_2405 = tpu.vector_load %arg12[%get3A_2404] {strides = array<i32>} : memref<1024xf32, #tpu.memory_space<vmem>>, vector<16xf32>,
        %get3A_2406 = vector.shape_cast %get3A_2405 : vector<16xf32> to vector<16xf32>
        %min3A_2407 = arith.minimumf %get3A_2406, %add3A_2403 : vector<16xf32>
        %swap3A_2408 = arith.constant 816 : index
        %swap3A_2409 = tpu.vector_load %arg12[%swap3A_2408] {strides = array<i32>} : memref<1024xf32, #tpu.memory_space<vmem>>, vector<16xf32>,
        %swap3A_2410 = vector.shape_cast %swap3A_2409 : vector<16xf32> to vector<16xf32>
        %swap3A_2411 = vector.shape_cast %min3A_2407 : vector<16xf32> to vector<16xf32>
        tpu.vector_store %arg12[%swap3A_2408], %swap3A_2411 {strides = array<i32>} : memref<1024xf32, #tpu.memory_space<vmem>>, vector<16xf32>,
        %gt3A_2412 = arith.cmpf ogt, %min3A_2407, %select_n3A_2379 : vector<16xf32>
        %select_n3A_2413 = arith.select %gt3A_2412, %min3A_2407, %select_n3A_2379 : vector<16xi1>, vector<16xf32>
        %add3A_2414 = arith.constant 8.160000e+02 : f32
        %add3A_2415 = vector.broadcast %add3A_2414 : f32 to vector<16xf32>
        %add3A_2416 = arith.addf %convert_element_type3A_9, %add3A_2415 : vector<16xf32>
        %select_n3A_2417 = arith.select %gt3A_2412, %add3A_2416, %select_n3A_2383 : vector<16xi1>, vector<16xf32>
        %select_n3A_2418 = arith.select %gt3A_2412, %get3A_2389, %select_n3A_2384 : vector<16xi1>, vector<16xf32>
        %select_n3A_2419 = arith.select %gt3A_2412, %get3A_2392, %select_n3A_2385 : vector<16xi1>, vector<16xf32>
        %select_n3A_2420 = arith.select %gt3A_2412, %get3A_2395, %select_n3A_2386 : vector<16xi1>, vector<16xf32>
        %get3A_2421 = arith.constant 832 : index
        %get3A_2422 = tpu.vector_load %arg9[%get3A_2421] {strides = array<i32>} : memref<1024xf32, #tpu.memory_space<vmem>>, vector<16xf32>,
        %get3A_2423 = vector.shape_cast %get3A_2422 : vector<16xf32> to vector<16xf32>
        %get3A_2424 = arith.constant 832 : index
        %get3A_2425 = tpu.vector_load %arg10[%get3A_2424] {strides = array<i32>} : memref<1024xf32, #tpu.memory_space<vmem>>, vector<16xf32>,
        %get3A_2426 = vector.shape_cast %get3A_2425 : vector<16xf32> to vector<16xf32>
        %get3A_2427 = arith.constant 832 : index
        %get3A_2428 = tpu.vector_load %arg11[%get3A_2427] {strides = array<i32>} : memref<1024xf32, #tpu.memory_space<vmem>>, vector<16xf32>,
        %get3A_2429 = vector.shape_cast %get3A_2428 : vector<16xf32> to vector<16xf32>
        %sub3A_2430 = arith.subf %get3A_2423, %scan3A_597 : vector<16xf32>
        %sub3A_2431 = arith.subf %get3A_2426, %scan3A_598 : vector<16xf32>
        %sub3A_2432 = arith.subf %get3A_2429, %scan3A_599 : vector<16xf32>
        %mul3A_2433 = arith.mulf %sub3A_2430, %sub3A_2430 : vector<16xf32>
        %mul3A_2434 = arith.mulf %sub3A_2431, %sub3A_2431 : vector<16xf32>
        %add3A_2435 = arith.addf %mul3A_2433, %mul3A_2434 : vector<16xf32>
        %mul3A_2436 = arith.mulf %sub3A_2432, %sub3A_2432 : vector<16xf32>
        %add3A_2437 = arith.addf %add3A_2435, %mul3A_2436 : vector<16xf32>
        %get3A_2438 = arith.constant 832 : index
        %get3A_2439 = tpu.vector_load %arg12[%get3A_2438] {strides = array<i32>} : memref<1024xf32, #tpu.memory_space<vmem>>, vector<16xf32>,
        %get3A_2440 = vector.shape_cast %get3A_2439 : vector<16xf32> to vector<16xf32>
        %min3A_2441 = arith.minimumf %get3A_2440, %add3A_2437 : vector<16xf32>
        %swap3A_2442 = arith.constant 832 : index
        %swap3A_2443 = tpu.vector_load %arg12[%swap3A_2442] {strides = array<i32>} : memref<1024xf32, #tpu.memory_space<vmem>>, vector<16xf32>,
        %swap3A_2444 = vector.shape_cast %swap3A_2443 : vector<16xf32> to vector<16xf32>
        %swap3A_2445 = vector.shape_cast %min3A_2441 : vector<16xf32> to vector<16xf32>
        tpu.vector_store %arg12[%swap3A_2442], %swap3A_2445 {strides = array<i32>} : memref<1024xf32, #tpu.memory_space<vmem>>, vector<16xf32>,
        %gt3A_2446 = arith.cmpf ogt, %min3A_2441, %select_n3A_2413 : vector<16xf32>
        %select_n3A_2447 = arith.select %gt3A_2446, %min3A_2441, %select_n3A_2413 : vector<16xi1>, vector<16xf32>
        %add3A_2448 = arith.constant 8.320000e+02 : f32
        %add3A_2449 = vector.broadcast %add3A_2448 : f32 to vector<16xf32>
        %add3A_2450 = arith.addf %convert_element_type3A_9, %add3A_2449 : vector<16xf32>
        %select_n3A_2451 = arith.select %gt3A_2446, %add3A_2450, %select_n3A_2417 : vector<16xi1>, vector<16xf32>
        %select_n3A_2452 = arith.select %gt3A_2446, %get3A_2423, %select_n3A_2418 : vector<16xi1>, vector<16xf32>
        %select_n3A_2453 = arith.select %gt3A_2446, %get3A_2426, %select_n3A_2419 : vector<16xi1>, vector<16xf32>
        %select_n3A_2454 = arith.select %gt3A_2446, %get3A_2429, %select_n3A_2420 : vector<16xi1>, vector<16xf32>
        %get3A_2455 = arith.constant 848 : index
        %get3A_2456 = tpu.vector_load %arg9[%get3A_2455] {strides = array<i32>} : memref<1024xf32, #tpu.memory_space<vmem>>, vector<16xf32>,
        %get3A_2457 = vector.shape_cast %get3A_2456 : vector<16xf32> to vector<16xf32>
        %get3A_2458 = arith.constant 848 : index
        %get3A_2459 = tpu.vector_load %arg10[%get3A_2458] {strides = array<i32>} : memref<1024xf32, #tpu.memory_space<vmem>>, vector<16xf32>,
        %get3A_2460 = vector.shape_cast %get3A_2459 : vector<16xf32> to vector<16xf32>
        %get3A_2461 = arith.constant 848 : index
        %get3A_2462 = tpu.vector_load %arg11[%get3A_2461] {strides = array<i32>} : memref<1024xf32, #tpu.memory_space<vmem>>, vector<16xf32>,
        %get3A_2463 = vector.shape_cast %get3A_2462 : vector<16xf32> to vector<16xf32>
        %sub3A_2464 = arith.subf %get3A_2457, %scan3A_597 : vector<16xf32>
        %sub3A_2465 = arith.subf %get3A_2460, %scan3A_598 : vector<16xf32>
        %sub3A_2466 = arith.subf %get3A_2463, %scan3A_599 : vector<16xf32>
        %mul3A_2467 = arith.mulf %sub3A_2464, %sub3A_2464 : vector<16xf32>
        %mul3A_2468 = arith.mulf %sub3A_2465, %sub3A_2465 : vector<16xf32>
        %add3A_2469 = arith.addf %mul3A_2467, %mul3A_2468 : vector<16xf32>
        %mul3A_2470 = arith.mulf %sub3A_2466, %sub3A_2466 : vector<16xf32>
        %add3A_2471 = arith.addf %add3A_2469, %mul3A_2470 : vector<16xf32>
        %get3A_2472 = arith.constant 848 : index
        %get3A_2473 = tpu.vector_load %arg12[%get3A_2472] {strides = array<i32>} : memref<1024xf32, #tpu.memory_space<vmem>>, vector<16xf32>,
        %get3A_2474 = vector.shape_cast %get3A_2473 : vector<16xf32> to vector<16xf32>
        %min3A_2475 = arith.minimumf %get3A_2474, %add3A_2471 : vector<16xf32>
        %swap3A_2476 = arith.constant 848 : index
        %swap3A_2477 = tpu.vector_load %arg12[%swap3A_2476] {strides = array<i32>} : memref<1024xf32, #tpu.memory_space<vmem>>, vector<16xf32>,
        %swap3A_2478 = vector.shape_cast %swap3A_2477 : vector<16xf32> to vector<16xf32>
        %swap3A_2479 = vector.shape_cast %min3A_2475 : vector<16xf32> to vector<16xf32>
        tpu.vector_store %arg12[%swap3A_2476], %swap3A_2479 {strides = array<i32>} : memref<1024xf32, #tpu.memory_space<vmem>>, vector<16xf32>,
        %gt3A_2480 = arith.cmpf ogt, %min3A_2475, %select_n3A_2447 : vector<16xf32>
        %select_n3A_2481 = arith.select %gt3A_2480, %min3A_2475, %select_n3A_2447 : vector<16xi1>, vector<16xf32>
        %add3A_2482 = arith.constant 8.480000e+02 : f32
        %add3A_2483 = vector.broadcast %add3A_2482 : f32 to vector<16xf32>
        %add3A_2484 = arith.addf %convert_element_type3A_9, %add3A_2483 : vector<16xf32>
        %select_n3A_2485 = arith.select %gt3A_2480, %add3A_2484, %select_n3A_2451 : vector<16xi1>, vector<16xf32>
        %select_n3A_2486 = arith.select %gt3A_2480, %get3A_2457, %select_n3A_2452 : vector<16xi1>, vector<16xf32>
        %select_n3A_2487 = arith.select %gt3A_2480, %get3A_2460, %select_n3A_2453 : vector<16xi1>, vector<16xf32>
        %select_n3A_2488 = arith.select %gt3A_2480, %get3A_2463, %select_n3A_2454 : vector<16xi1>, vector<16xf32>
        %get3A_2489 = arith.constant 864 : index
        %get3A_2490 = tpu.vector_load %arg9[%get3A_2489] {strides = array<i32>} : memref<1024xf32, #tpu.memory_space<vmem>>, vector<16xf32>,
        %get3A_2491 = vector.shape_cast %get3A_2490 : vector<16xf32> to vector<16xf32>
        %get3A_2492 = arith.constant 864 : index
        %get3A_2493 = tpu.vector_load %arg10[%get3A_2492] {strides = array<i32>} : memref<1024xf32, #tpu.memory_space<vmem>>, vector<16xf32>,
        %get3A_2494 = vector.shape_cast %get3A_2493 : vector<16xf32> to vector<16xf32>
        %get3A_2495 = arith.constant 864 : index
        %get3A_2496 = tpu.vector_load %arg11[%get3A_2495] {strides = array<i32>} : memref<1024xf32, #tpu.memory_space<vmem>>, vector<16xf32>,
        %get3A_2497 = vector.shape_cast %get3A_2496 : vector<16xf32> to vector<16xf32>
        %sub3A_2498 = arith.subf %get3A_2491, %scan3A_597 : vector<16xf32>
        %sub3A_2499 = arith.subf %get3A_2494, %scan3A_598 : vector<16xf32>
        %sub3A_2500 = arith.subf %get3A_2497, %scan3A_599 : vector<16xf32>
        %mul3A_2501 = arith.mulf %sub3A_2498, %sub3A_2498 : vector<16xf32>
        %mul3A_2502 = arith.mulf %sub3A_2499, %sub3A_2499 : vector<16xf32>
        %add3A_2503 = arith.addf %mul3A_2501, %mul3A_2502 : vector<16xf32>
        %mul3A_2504 = arith.mulf %sub3A_2500, %sub3A_2500 : vector<16xf32>
        %add3A_2505 = arith.addf %add3A_2503, %mul3A_2504 : vector<16xf32>
        %get3A_2506 = arith.constant 864 : index
        %get3A_2507 = tpu.vector_load %arg12[%get3A_2506] {strides = array<i32>} : memref<1024xf32, #tpu.memory_space<vmem>>, vector<16xf32>,
        %get3A_2508 = vector.shape_cast %get3A_2507 : vector<16xf32> to vector<16xf32>
        %min3A_2509 = arith.minimumf %get3A_2508, %add3A_2505 : vector<16xf32>
        %swap3A_2510 = arith.constant 864 : index
        %swap3A_2511 = tpu.vector_load %arg12[%swap3A_2510] {strides = array<i32>} : memref<1024xf32, #tpu.memory_space<vmem>>, vector<16xf32>,
        %swap3A_2512 = vector.shape_cast %swap3A_2511 : vector<16xf32> to vector<16xf32>
        %swap3A_2513 = vector.shape_cast %min3A_2509 : vector<16xf32> to vector<16xf32>
        tpu.vector_store %arg12[%swap3A_2510], %swap3A_2513 {strides = array<i32>} : memref<1024xf32, #tpu.memory_space<vmem>>, vector<16xf32>,
        %gt3A_2514 = arith.cmpf ogt, %min3A_2509, %select_n3A_2481 : vector<16xf32>
        %select_n3A_2515 = arith.select %gt3A_2514, %min3A_2509, %select_n3A_2481 : vector<16xi1>, vector<16xf32>
        %add3A_2516 = arith.constant 8.640000e+02 : f32
        %add3A_2517 = vector.broadcast %add3A_2516 : f32 to vector<16xf32>
        %add3A_2518 = arith.addf %convert_element_type3A_9, %add3A_2517 : vector<16xf32>
        %select_n3A_2519 = arith.select %gt3A_2514, %add3A_2518, %select_n3A_2485 : vector<16xi1>, vector<16xf32>
        %select_n3A_2520 = arith.select %gt3A_2514, %get3A_2491, %select_n3A_2486 : vector<16xi1>, vector<16xf32>
        %select_n3A_2521 = arith.select %gt3A_2514, %get3A_2494, %select_n3A_2487 : vector<16xi1>, vector<16xf32>
        %select_n3A_2522 = arith.select %gt3A_2514, %get3A_2497, %select_n3A_2488 : vector<16xi1>, vector<16xf32>
        %get3A_2523 = arith.constant 880 : index
        %get3A_2524 = tpu.vector_load %arg9[%get3A_2523] {strides = array<i32>} : memref<1024xf32, #tpu.memory_space<vmem>>, vector<16xf32>,
        %get3A_2525 = vector.shape_cast %get3A_2524 : vector<16xf32> to vector<16xf32>
        %get3A_2526 = arith.constant 880 : index
        %get3A_2527 = tpu.vector_load %arg10[%get3A_2526] {strides = array<i32>} : memref<1024xf32, #tpu.memory_space<vmem>>, vector<16xf32>,
        %get3A_2528 = vector.shape_cast %get3A_2527 : vector<16xf32> to vector<16xf32>
        %get3A_2529 = arith.constant 880 : index
        %get3A_2530 = tpu.vector_load %arg11[%get3A_2529] {strides = array<i32>} : memref<1024xf32, #tpu.memory_space<vmem>>, vector<16xf32>,
        %get3A_2531 = vector.shape_cast %get3A_2530 : vector<16xf32> to vector<16xf32>
        %sub3A_2532 = arith.subf %get3A_2525, %scan3A_597 : vector<16xf32>
        %sub3A_2533 = arith.subf %get3A_2528, %scan3A_598 : vector<16xf32>
        %sub3A_2534 = arith.subf %get3A_2531, %scan3A_599 : vector<16xf32>
        %mul3A_2535 = arith.mulf %sub3A_2532, %sub3A_2532 : vector<16xf32>
        %mul3A_2536 = arith.mulf %sub3A_2533, %sub3A_2533 : vector<16xf32>
        %add3A_2537 = arith.addf %mul3A_2535, %mul3A_2536 : vector<16xf32>
        %mul3A_2538 = arith.mulf %sub3A_2534, %sub3A_2534 : vector<16xf32>
        %add3A_2539 = arith.addf %add3A_2537, %mul3A_2538 : vector<16xf32>
        %get3A_2540 = arith.constant 880 : index
        %get3A_2541 = tpu.vector_load %arg12[%get3A_2540] {strides = array<i32>} : memref<1024xf32, #tpu.memory_space<vmem>>, vector<16xf32>,
        %get3A_2542 = vector.shape_cast %get3A_2541 : vector<16xf32> to vector<16xf32>
        %min3A_2543 = arith.minimumf %get3A_2542, %add3A_2539 : vector<16xf32>
        %swap3A_2544 = arith.constant 880 : index
        %swap3A_2545 = tpu.vector_load %arg12[%swap3A_2544] {strides = array<i32>} : memref<1024xf32, #tpu.memory_space<vmem>>, vector<16xf32>,
        %swap3A_2546 = vector.shape_cast %swap3A_2545 : vector<16xf32> to vector<16xf32>
        %swap3A_2547 = vector.shape_cast %min3A_2543 : vector<16xf32> to vector<16xf32>
        tpu.vector_store %arg12[%swap3A_2544], %swap3A_2547 {strides = array<i32>} : memref<1024xf32, #tpu.memory_space<vmem>>, vector<16xf32>,
        %gt3A_2548 = arith.cmpf ogt, %min3A_2543, %select_n3A_2515 : vector<16xf32>
        %select_n3A_2549 = arith.select %gt3A_2548, %min3A_2543, %select_n3A_2515 : vector<16xi1>, vector<16xf32>
        %add3A_2550 = arith.constant 8.800000e+02 : f32
        %add3A_2551 = vector.broadcast %add3A_2550 : f32 to vector<16xf32>
        %add3A_2552 = arith.addf %convert_element_type3A_9, %add3A_2551 : vector<16xf32>
        %select_n3A_2553 = arith.select %gt3A_2548, %add3A_2552, %select_n3A_2519 : vector<16xi1>, vector<16xf32>
        %select_n3A_2554 = arith.select %gt3A_2548, %get3A_2525, %select_n3A_2520 : vector<16xi1>, vector<16xf32>
        %select_n3A_2555 = arith.select %gt3A_2548, %get3A_2528, %select_n3A_2521 : vector<16xi1>, vector<16xf32>
        %select_n3A_2556 = arith.select %gt3A_2548, %get3A_2531, %select_n3A_2522 : vector<16xi1>, vector<16xf32>
        %get3A_2557 = arith.constant 896 : index
        %get3A_2558 = tpu.vector_load %arg9[%get3A_2557] {strides = array<i32>} : memref<1024xf32, #tpu.memory_space<vmem>>, vector<16xf32>,
        %get3A_2559 = vector.shape_cast %get3A_2558 : vector<16xf32> to vector<16xf32>
        %get3A_2560 = arith.constant 896 : index
        %get3A_2561 = tpu.vector_load %arg10[%get3A_2560] {strides = array<i32>} : memref<1024xf32, #tpu.memory_space<vmem>>, vector<16xf32>,
        %get3A_2562 = vector.shape_cast %get3A_2561 : vector<16xf32> to vector<16xf32>
        %get3A_2563 = arith.constant 896 : index
        %get3A_2564 = tpu.vector_load %arg11[%get3A_2563] {strides = array<i32>} : memref<1024xf32, #tpu.memory_space<vmem>>, vector<16xf32>,
        %get3A_2565 = vector.shape_cast %get3A_2564 : vector<16xf32> to vector<16xf32>
        %sub3A_2566 = arith.subf %get3A_2559, %scan3A_597 : vector<16xf32>
        %sub3A_2567 = arith.subf %get3A_2562, %scan3A_598 : vector<16xf32>
        %sub3A_2568 = arith.subf %get3A_2565, %scan3A_599 : vector<16xf32>
        %mul3A_2569 = arith.mulf %sub3A_2566, %sub3A_2566 : vector<16xf32>
        %mul3A_2570 = arith.mulf %sub3A_2567, %sub3A_2567 : vector<16xf32>
        %add3A_2571 = arith.addf %mul3A_2569, %mul3A_2570 : vector<16xf32>
        %mul3A_2572 = arith.mulf %sub3A_2568, %sub3A_2568 : vector<16xf32>
        %add3A_2573 = arith.addf %add3A_2571, %mul3A_2572 : vector<16xf32>
        %get3A_2574 = arith.constant 896 : index
        %get3A_2575 = tpu.vector_load %arg12[%get3A_2574] {strides = array<i32>} : memref<1024xf32, #tpu.memory_space<vmem>>, vector<16xf32>,
        %get3A_2576 = vector.shape_cast %get3A_2575 : vector<16xf32> to vector<16xf32>
        %min3A_2577 = arith.minimumf %get3A_2576, %add3A_2573 : vector<16xf32>
        %swap3A_2578 = arith.constant 896 : index
        %swap3A_2579 = tpu.vector_load %arg12[%swap3A_2578] {strides = array<i32>} : memref<1024xf32, #tpu.memory_space<vmem>>, vector<16xf32>,
        %swap3A_2580 = vector.shape_cast %swap3A_2579 : vector<16xf32> to vector<16xf32>
        %swap3A_2581 = vector.shape_cast %min3A_2577 : vector<16xf32> to vector<16xf32>
        tpu.vector_store %arg12[%swap3A_2578], %swap3A_2581 {strides = array<i32>} : memref<1024xf32, #tpu.memory_space<vmem>>, vector<16xf32>,
        %gt3A_2582 = arith.cmpf ogt, %min3A_2577, %select_n3A_2549 : vector<16xf32>
        %select_n3A_2583 = arith.select %gt3A_2582, %min3A_2577, %select_n3A_2549 : vector<16xi1>, vector<16xf32>
        %add3A_2584 = arith.constant 8.960000e+02 : f32
        %add3A_2585 = vector.broadcast %add3A_2584 : f32 to vector<16xf32>
        %add3A_2586 = arith.addf %convert_element_type3A_9, %add3A_2585 : vector<16xf32>
        %select_n3A_2587 = arith.select %gt3A_2582, %add3A_2586, %select_n3A_2553 : vector<16xi1>, vector<16xf32>
        %select_n3A_2588 = arith.select %gt3A_2582, %get3A_2559, %select_n3A_2554 : vector<16xi1>, vector<16xf32>
        %select_n3A_2589 = arith.select %gt3A_2582, %get3A_2562, %select_n3A_2555 : vector<16xi1>, vector<16xf32>
        %select_n3A_2590 = arith.select %gt3A_2582, %get3A_2565, %select_n3A_2556 : vector<16xi1>, vector<16xf32>
        %get3A_2591 = arith.constant 912 : index
        %get3A_2592 = tpu.vector_load %arg9[%get3A_2591] {strides = array<i32>} : memref<1024xf32, #tpu.memory_space<vmem>>, vector<16xf32>,
        %get3A_2593 = vector.shape_cast %get3A_2592 : vector<16xf32> to vector<16xf32>
        %get3A_2594 = arith.constant 912 : index
        %get3A_2595 = tpu.vector_load %arg10[%get3A_2594] {strides = array<i32>} : memref<1024xf32, #tpu.memory_space<vmem>>, vector<16xf32>,
        %get3A_2596 = vector.shape_cast %get3A_2595 : vector<16xf32> to vector<16xf32>
        %get3A_2597 = arith.constant 912 : index
        %get3A_2598 = tpu.vector_load %arg11[%get3A_2597] {strides = array<i32>} : memref<1024xf32, #tpu.memory_space<vmem>>, vector<16xf32>,
        %get3A_2599 = vector.shape_cast %get3A_2598 : vector<16xf32> to vector<16xf32>
        %sub3A_2600 = arith.subf %get3A_2593, %scan3A_597 : vector<16xf32>
        %sub3A_2601 = arith.subf %get3A_2596, %scan3A_598 : vector<16xf32>
        %sub3A_2602 = arith.subf %get3A_2599, %scan3A_599 : vector<16xf32>
        %mul3A_2603 = arith.mulf %sub3A_2600, %sub3A_2600 : vector<16xf32>
        %mul3A_2604 = arith.mulf %sub3A_2601, %sub3A_2601 : vector<16xf32>
        %add3A_2605 = arith.addf %mul3A_2603, %mul3A_2604 : vector<16xf32>
        %mul3A_2606 = arith.mulf %sub3A_2602, %sub3A_2602 : vector<16xf32>
        %add3A_2607 = arith.addf %add3A_2605, %mul3A_2606 : vector<16xf32>
        %get3A_2608 = arith.constant 912 : index
        %get3A_2609 = tpu.vector_load %arg12[%get3A_2608] {strides = array<i32>} : memref<1024xf32, #tpu.memory_space<vmem>>, vector<16xf32>,
        %get3A_2610 = vector.shape_cast %get3A_2609 : vector<16xf32> to vector<16xf32>
        %min3A_2611 = arith.minimumf %get3A_2610, %add3A_2607 : vector<16xf32>
        %swap3A_2612 = arith.constant 912 : index
        %swap3A_2613 = tpu.vector_load %arg12[%swap3A_2612] {strides = array<i32>} : memref<1024xf32, #tpu.memory_space<vmem>>, vector<16xf32>,
        %swap3A_2614 = vector.shape_cast %swap3A_2613 : vector<16xf32> to vector<16xf32>
        %swap3A_2615 = vector.shape_cast %min3A_2611 : vector<16xf32> to vector<16xf32>
        tpu.vector_store %arg12[%swap3A_2612], %swap3A_2615 {strides = array<i32>} : memref<1024xf32, #tpu.memory_space<vmem>>, vector<16xf32>,
        %gt3A_2616 = arith.cmpf ogt, %min3A_2611, %select_n3A_2583 : vector<16xf32>
        %select_n3A_2617 = arith.select %gt3A_2616, %min3A_2611, %select_n3A_2583 : vector<16xi1>, vector<16xf32>
        %add3A_2618 = arith.constant 9.120000e+02 : f32
        %add3A_2619 = vector.broadcast %add3A_2618 : f32 to vector<16xf32>
        %add3A_2620 = arith.addf %convert_element_type3A_9, %add3A_2619 : vector<16xf32>
        %select_n3A_2621 = arith.select %gt3A_2616, %add3A_2620, %select_n3A_2587 : vector<16xi1>, vector<16xf32>
        %select_n3A_2622 = arith.select %gt3A_2616, %get3A_2593, %select_n3A_2588 : vector<16xi1>, vector<16xf32>
        %select_n3A_2623 = arith.select %gt3A_2616, %get3A_2596, %select_n3A_2589 : vector<16xi1>, vector<16xf32>
        %select_n3A_2624 = arith.select %gt3A_2616, %get3A_2599, %select_n3A_2590 : vector<16xi1>, vector<16xf32>
        %get3A_2625 = arith.constant 928 : index
        %get3A_2626 = tpu.vector_load %arg9[%get3A_2625] {strides = array<i32>} : memref<1024xf32, #tpu.memory_space<vmem>>, vector<16xf32>,
        %get3A_2627 = vector.shape_cast %get3A_2626 : vector<16xf32> to vector<16xf32>
        %get3A_2628 = arith.constant 928 : index
        %get3A_2629 = tpu.vector_load %arg10[%get3A_2628] {strides = array<i32>} : memref<1024xf32, #tpu.memory_space<vmem>>, vector<16xf32>,
        %get3A_2630 = vector.shape_cast %get3A_2629 : vector<16xf32> to vector<16xf32>
        %get3A_2631 = arith.constant 928 : index
        %get3A_2632 = tpu.vector_load %arg11[%get3A_2631] {strides = array<i32>} : memref<1024xf32, #tpu.memory_space<vmem>>, vector<16xf32>,
        %get3A_2633 = vector.shape_cast %get3A_2632 : vector<16xf32> to vector<16xf32>
        %sub3A_2634 = arith.subf %get3A_2627, %scan3A_597 : vector<16xf32>
        %sub3A_2635 = arith.subf %get3A_2630, %scan3A_598 : vector<16xf32>
        %sub3A_2636 = arith.subf %get3A_2633, %scan3A_599 : vector<16xf32>
        %mul3A_2637 = arith.mulf %sub3A_2634, %sub3A_2634 : vector<16xf32>
        %mul3A_2638 = arith.mulf %sub3A_2635, %sub3A_2635 : vector<16xf32>
        %add3A_2639 = arith.addf %mul3A_2637, %mul3A_2638 : vector<16xf32>
        %mul3A_2640 = arith.mulf %sub3A_2636, %sub3A_2636 : vector<16xf32>
        %add3A_2641 = arith.addf %add3A_2639, %mul3A_2640 : vector<16xf32>
        %get3A_2642 = arith.constant 928 : index
        %get3A_2643 = tpu.vector_load %arg12[%get3A_2642] {strides = array<i32>} : memref<1024xf32, #tpu.memory_space<vmem>>, vector<16xf32>,
        %get3A_2644 = vector.shape_cast %get3A_2643 : vector<16xf32> to vector<16xf32>
        %min3A_2645 = arith.minimumf %get3A_2644, %add3A_2641 : vector<16xf32>
        %swap3A_2646 = arith.constant 928 : index
        %swap3A_2647 = tpu.vector_load %arg12[%swap3A_2646] {strides = array<i32>} : memref<1024xf32, #tpu.memory_space<vmem>>, vector<16xf32>,
        %swap3A_2648 = vector.shape_cast %swap3A_2647 : vector<16xf32> to vector<16xf32>
        %swap3A_2649 = vector.shape_cast %min3A_2645 : vector<16xf32> to vector<16xf32>
        tpu.vector_store %arg12[%swap3A_2646], %swap3A_2649 {strides = array<i32>} : memref<1024xf32, #tpu.memory_space<vmem>>, vector<16xf32>,
        %gt3A_2650 = arith.cmpf ogt, %min3A_2645, %select_n3A_2617 : vector<16xf32>
        %select_n3A_2651 = arith.select %gt3A_2650, %min3A_2645, %select_n3A_2617 : vector<16xi1>, vector<16xf32>
        %add3A_2652 = arith.constant 9.280000e+02 : f32
        %add3A_2653 = vector.broadcast %add3A_2652 : f32 to vector<16xf32>
        %add3A_2654 = arith.addf %convert_element_type3A_9, %add3A_2653 : vector<16xf32>
        %select_n3A_2655 = arith.select %gt3A_2650, %add3A_2654, %select_n3A_2621 : vector<16xi1>, vector<16xf32>
        %select_n3A_2656 = arith.select %gt3A_2650, %get3A_2627, %select_n3A_2622 : vector<16xi1>, vector<16xf32>
        %select_n3A_2657 = arith.select %gt3A_2650, %get3A_2630, %select_n3A_2623 : vector<16xi1>, vector<16xf32>
        %select_n3A_2658 = arith.select %gt3A_2650, %get3A_2633, %select_n3A_2624 : vector<16xi1>, vector<16xf32>
        %get3A_2659 = arith.constant 944 : index
        %get3A_2660 = tpu.vector_load %arg9[%get3A_2659] {strides = array<i32>} : memref<1024xf32, #tpu.memory_space<vmem>>, vector<16xf32>,
        %get3A_2661 = vector.shape_cast %get3A_2660 : vector<16xf32> to vector<16xf32>
        %get3A_2662 = arith.constant 944 : index
        %get3A_2663 = tpu.vector_load %arg10[%get3A_2662] {strides = array<i32>} : memref<1024xf32, #tpu.memory_space<vmem>>, vector<16xf32>,
        %get3A_2664 = vector.shape_cast %get3A_2663 : vector<16xf32> to vector<16xf32>
        %get3A_2665 = arith.constant 944 : index
        %get3A_2666 = tpu.vector_load %arg11[%get3A_2665] {strides = array<i32>} : memref<1024xf32, #tpu.memory_space<vmem>>, vector<16xf32>,
        %get3A_2667 = vector.shape_cast %get3A_2666 : vector<16xf32> to vector<16xf32>
        %sub3A_2668 = arith.subf %get3A_2661, %scan3A_597 : vector<16xf32>
        %sub3A_2669 = arith.subf %get3A_2664, %scan3A_598 : vector<16xf32>
        %sub3A_2670 = arith.subf %get3A_2667, %scan3A_599 : vector<16xf32>
        %mul3A_2671 = arith.mulf %sub3A_2668, %sub3A_2668 : vector<16xf32>
        %mul3A_2672 = arith.mulf %sub3A_2669, %sub3A_2669 : vector<16xf32>
        %add3A_2673 = arith.addf %mul3A_2671, %mul3A_2672 : vector<16xf32>
        %mul3A_2674 = arith.mulf %sub3A_2670, %sub3A_2670 : vector<16xf32>
        %add3A_2675 = arith.addf %add3A_2673, %mul3A_2674 : vector<16xf32>
        %get3A_2676 = arith.constant 944 : index
        %get3A_2677 = tpu.vector_load %arg12[%get3A_2676] {strides = array<i32>} : memref<1024xf32, #tpu.memory_space<vmem>>, vector<16xf32>,
        %get3A_2678 = vector.shape_cast %get3A_2677 : vector<16xf32> to vector<16xf32>
        %min3A_2679 = arith.minimumf %get3A_2678, %add3A_2675 : vector<16xf32>
        %swap3A_2680 = arith.constant 944 : index
        %swap3A_2681 = tpu.vector_load %arg12[%swap3A_2680] {strides = array<i32>} : memref<1024xf32, #tpu.memory_space<vmem>>, vector<16xf32>,
        %swap3A_2682 = vector.shape_cast %swap3A_2681 : vector<16xf32> to vector<16xf32>
        %swap3A_2683 = vector.shape_cast %min3A_2679 : vector<16xf32> to vector<16xf32>
        tpu.vector_store %arg12[%swap3A_2680], %swap3A_2683 {strides = array<i32>} : memref<1024xf32, #tpu.memory_space<vmem>>, vector<16xf32>,
        %gt3A_2684 = arith.cmpf ogt, %min3A_2679, %select_n3A_2651 : vector<16xf32>
        %select_n3A_2685 = arith.select %gt3A_2684, %min3A_2679, %select_n3A_2651 : vector<16xi1>, vector<16xf32>
        %add3A_2686 = arith.constant 9.440000e+02 : f32
        %add3A_2687 = vector.broadcast %add3A_2686 : f32 to vector<16xf32>
        %add3A_2688 = arith.addf %convert_element_type3A_9, %add3A_2687 : vector<16xf32>
        %select_n3A_2689 = arith.select %gt3A_2684, %add3A_2688, %select_n3A_2655 : vector<16xi1>, vector<16xf32>
        %select_n3A_2690 = arith.select %gt3A_2684, %get3A_2661, %select_n3A_2656 : vector<16xi1>, vector<16xf32>
        %select_n3A_2691 = arith.select %gt3A_2684, %get3A_2664, %select_n3A_2657 : vector<16xi1>, vector<16xf32>
        %select_n3A_2692 = arith.select %gt3A_2684, %get3A_2667, %select_n3A_2658 : vector<16xi1>, vector<16xf32>
        %get3A_2693 = arith.constant 960 : index
        %get3A_2694 = tpu.vector_load %arg9[%get3A_2693] {strides = array<i32>} : memref<1024xf32, #tpu.memory_space<vmem>>, vector<16xf32>,
        %get3A_2695 = vector.shape_cast %get3A_2694 : vector<16xf32> to vector<16xf32>
        %get3A_2696 = arith.constant 960 : index
        %get3A_2697 = tpu.vector_load %arg10[%get3A_2696] {strides = array<i32>} : memref<1024xf32, #tpu.memory_space<vmem>>, vector<16xf32>,
        %get3A_2698 = vector.shape_cast %get3A_2697 : vector<16xf32> to vector<16xf32>
        %get3A_2699 = arith.constant 960 : index
        %get3A_2700 = tpu.vector_load %arg11[%get3A_2699] {strides = array<i32>} : memref<1024xf32, #tpu.memory_space<vmem>>, vector<16xf32>,
        %get3A_2701 = vector.shape_cast %get3A_2700 : vector<16xf32> to vector<16xf32>
        %sub3A_2702 = arith.subf %get3A_2695, %scan3A_597 : vector<16xf32>
        %sub3A_2703 = arith.subf %get3A_2698, %scan3A_598 : vector<16xf32>
        %sub3A_2704 = arith.subf %get3A_2701, %scan3A_599 : vector<16xf32>
        %mul3A_2705 = arith.mulf %sub3A_2702, %sub3A_2702 : vector<16xf32>
        %mul3A_2706 = arith.mulf %sub3A_2703, %sub3A_2703 : vector<16xf32>
        %add3A_2707 = arith.addf %mul3A_2705, %mul3A_2706 : vector<16xf32>
        %mul3A_2708 = arith.mulf %sub3A_2704, %sub3A_2704 : vector<16xf32>
        %add3A_2709 = arith.addf %add3A_2707, %mul3A_2708 : vector<16xf32>
        %get3A_2710 = arith.constant 960 : index
        %get3A_2711 = tpu.vector_load %arg12[%get3A_2710] {strides = array<i32>} : memref<1024xf32, #tpu.memory_space<vmem>>, vector<16xf32>,
        %get3A_2712 = vector.shape_cast %get3A_2711 : vector<16xf32> to vector<16xf32>
        %min3A_2713 = arith.minimumf %get3A_2712, %add3A_2709 : vector<16xf32>
        %swap3A_2714 = arith.constant 960 : index
        %swap3A_2715 = tpu.vector_load %arg12[%swap3A_2714] {strides = array<i32>} : memref<1024xf32, #tpu.memory_space<vmem>>, vector<16xf32>,
        %swap3A_2716 = vector.shape_cast %swap3A_2715 : vector<16xf32> to vector<16xf32>
        %swap3A_2717 = vector.shape_cast %min3A_2713 : vector<16xf32> to vector<16xf32>
        tpu.vector_store %arg12[%swap3A_2714], %swap3A_2717 {strides = array<i32>} : memref<1024xf32, #tpu.memory_space<vmem>>, vector<16xf32>,
        %gt3A_2718 = arith.cmpf ogt, %min3A_2713, %select_n3A_2685 : vector<16xf32>
        %select_n3A_2719 = arith.select %gt3A_2718, %min3A_2713, %select_n3A_2685 : vector<16xi1>, vector<16xf32>
        %add3A_2720 = arith.constant 9.600000e+02 : f32
        %add3A_2721 = vector.broadcast %add3A_2720 : f32 to vector<16xf32>
        %add3A_2722 = arith.addf %convert_element_type3A_9, %add3A_2721 : vector<16xf32>
        %select_n3A_2723 = arith.select %gt3A_2718, %add3A_2722, %select_n3A_2689 : vector<16xi1>, vector<16xf32>
        %select_n3A_2724 = arith.select %gt3A_2718, %get3A_2695, %select_n3A_2690 : vector<16xi1>, vector<16xf32>
        %select_n3A_2725 = arith.select %gt3A_2718, %get3A_2698, %select_n3A_2691 : vector<16xi1>, vector<16xf32>
        %select_n3A_2726 = arith.select %gt3A_2718, %get3A_2701, %select_n3A_2692 : vector<16xi1>, vector<16xf32>
        %get3A_2727 = arith.constant 976 : index
        %get3A_2728 = tpu.vector_load %arg9[%get3A_2727] {strides = array<i32>} : memref<1024xf32, #tpu.memory_space<vmem>>, vector<16xf32>,
        %get3A_2729 = vector.shape_cast %get3A_2728 : vector<16xf32> to vector<16xf32>
        %get3A_2730 = arith.constant 976 : index
        %get3A_2731 = tpu.vector_load %arg10[%get3A_2730] {strides = array<i32>} : memref<1024xf32, #tpu.memory_space<vmem>>, vector<16xf32>,
        %get3A_2732 = vector.shape_cast %get3A_2731 : vector<16xf32> to vector<16xf32>
        %get3A_2733 = arith.constant 976 : index
        %get3A_2734 = tpu.vector_load %arg11[%get3A_2733] {strides = array<i32>} : memref<1024xf32, #tpu.memory_space<vmem>>, vector<16xf32>,
        %get3A_2735 = vector.shape_cast %get3A_2734 : vector<16xf32> to vector<16xf32>
        %sub3A_2736 = arith.subf %get3A_2729, %scan3A_597 : vector<16xf32>
        %sub3A_2737 = arith.subf %get3A_2732, %scan3A_598 : vector<16xf32>
        %sub3A_2738 = arith.subf %get3A_2735, %scan3A_599 : vector<16xf32>
        %mul3A_2739 = arith.mulf %sub3A_2736, %sub3A_2736 : vector<16xf32>
        %mul3A_2740 = arith.mulf %sub3A_2737, %sub3A_2737 : vector<16xf32>
        %add3A_2741 = arith.addf %mul3A_2739, %mul3A_2740 : vector<16xf32>
        %mul3A_2742 = arith.mulf %sub3A_2738, %sub3A_2738 : vector<16xf32>
        %add3A_2743 = arith.addf %add3A_2741, %mul3A_2742 : vector<16xf32>
        %get3A_2744 = arith.constant 976 : index
        %get3A_2745 = tpu.vector_load %arg12[%get3A_2744] {strides = array<i32>} : memref<1024xf32, #tpu.memory_space<vmem>>, vector<16xf32>,
        %get3A_2746 = vector.shape_cast %get3A_2745 : vector<16xf32> to vector<16xf32>
        %min3A_2747 = arith.minimumf %get3A_2746, %add3A_2743 : vector<16xf32>
        %swap3A_2748 = arith.constant 976 : index
        %swap3A_2749 = tpu.vector_load %arg12[%swap3A_2748] {strides = array<i32>} : memref<1024xf32, #tpu.memory_space<vmem>>, vector<16xf32>,
        %swap3A_2750 = vector.shape_cast %swap3A_2749 : vector<16xf32> to vector<16xf32>
        %swap3A_2751 = vector.shape_cast %min3A_2747 : vector<16xf32> to vector<16xf32>
        tpu.vector_store %arg12[%swap3A_2748], %swap3A_2751 {strides = array<i32>} : memref<1024xf32, #tpu.memory_space<vmem>>, vector<16xf32>,
        %gt3A_2752 = arith.cmpf ogt, %min3A_2747, %select_n3A_2719 : vector<16xf32>
        %select_n3A_2753 = arith.select %gt3A_2752, %min3A_2747, %select_n3A_2719 : vector<16xi1>, vector<16xf32>
        %add3A_2754 = arith.constant 9.760000e+02 : f32
        %add3A_2755 = vector.broadcast %add3A_2754 : f32 to vector<16xf32>
        %add3A_2756 = arith.addf %convert_element_type3A_9, %add3A_2755 : vector<16xf32>
        %select_n3A_2757 = arith.select %gt3A_2752, %add3A_2756, %select_n3A_2723 : vector<16xi1>, vector<16xf32>
        %select_n3A_2758 = arith.select %gt3A_2752, %get3A_2729, %select_n3A_2724 : vector<16xi1>, vector<16xf32>
        %select_n3A_2759 = arith.select %gt3A_2752, %get3A_2732, %select_n3A_2725 : vector<16xi1>, vector<16xf32>
        %select_n3A_2760 = arith.select %gt3A_2752, %get3A_2735, %select_n3A_2726 : vector<16xi1>, vector<16xf32>
        %get3A_2761 = arith.constant 992 : index
        %get3A_2762 = tpu.vector_load %arg9[%get3A_2761] {strides = array<i32>} : memref<1024xf32, #tpu.memory_space<vmem>>, vector<16xf32>,
        %get3A_2763 = vector.shape_cast %get3A_2762 : vector<16xf32> to vector<16xf32>
        %get3A_2764 = arith.constant 992 : index
        %get3A_2765 = tpu.vector_load %arg10[%get3A_2764] {strides = array<i32>} : memref<1024xf32, #tpu.memory_space<vmem>>, vector<16xf32>,
        %get3A_2766 = vector.shape_cast %get3A_2765 : vector<16xf32> to vector<16xf32>
        %get3A_2767 = arith.constant 992 : index
        %get3A_2768 = tpu.vector_load %arg11[%get3A_2767] {strides = array<i32>} : memref<1024xf32, #tpu.memory_space<vmem>>, vector<16xf32>,
        %get3A_2769 = vector.shape_cast %get3A_2768 : vector<16xf32> to vector<16xf32>
        %sub3A_2770 = arith.subf %get3A_2763, %scan3A_597 : vector<16xf32>
        %sub3A_2771 = arith.subf %get3A_2766, %scan3A_598 : vector<16xf32>
        %sub3A_2772 = arith.subf %get3A_2769, %scan3A_599 : vector<16xf32>
        %mul3A_2773 = arith.mulf %sub3A_2770, %sub3A_2770 : vector<16xf32>
        %mul3A_2774 = arith.mulf %sub3A_2771, %sub3A_2771 : vector<16xf32>
        %add3A_2775 = arith.addf %mul3A_2773, %mul3A_2774 : vector<16xf32>
        %mul3A_2776 = arith.mulf %sub3A_2772, %sub3A_2772 : vector<16xf32>
        %add3A_2777 = arith.addf %add3A_2775, %mul3A_2776 : vector<16xf32>
        %get3A_2778 = arith.constant 992 : index
        %get3A_2779 = tpu.vector_load %arg12[%get3A_2778] {strides = array<i32>} : memref<1024xf32, #tpu.memory_space<vmem>>, vector<16xf32>,
        %get3A_2780 = vector.shape_cast %get3A_2779 : vector<16xf32> to vector<16xf32>
        %min3A_2781 = arith.minimumf %get3A_2780, %add3A_2777 : vector<16xf32>
        %swap3A_2782 = arith.constant 992 : index
        %swap3A_2783 = tpu.vector_load %arg12[%swap3A_2782] {strides = array<i32>} : memref<1024xf32, #tpu.memory_space<vmem>>, vector<16xf32>,
        %swap3A_2784 = vector.shape_cast %swap3A_2783 : vector<16xf32> to vector<16xf32>
        %swap3A_2785 = vector.shape_cast %min3A_2781 : vector<16xf32> to vector<16xf32>
        tpu.vector_store %arg12[%swap3A_2782], %swap3A_2785 {strides = array<i32>} : memref<1024xf32, #tpu.memory_space<vmem>>, vector<16xf32>,
        %gt3A_2786 = arith.cmpf ogt, %min3A_2781, %select_n3A_2753 : vector<16xf32>
        %select_n3A_2787 = arith.select %gt3A_2786, %min3A_2781, %select_n3A_2753 : vector<16xi1>, vector<16xf32>
        %add3A_2788 = arith.constant 9.920000e+02 : f32
        %add3A_2789 = vector.broadcast %add3A_2788 : f32 to vector<16xf32>
        %add3A_2790 = arith.addf %convert_element_type3A_9, %add3A_2789 : vector<16xf32>
        %select_n3A_2791 = arith.select %gt3A_2786, %add3A_2790, %select_n3A_2757 : vector<16xi1>, vector<16xf32>
        %select_n3A_2792 = arith.select %gt3A_2786, %get3A_2763, %select_n3A_2758 : vector<16xi1>, vector<16xf32>
        %select_n3A_2793 = arith.select %gt3A_2786, %get3A_2766, %select_n3A_2759 : vector<16xi1>, vector<16xf32>
        %select_n3A_2794 = arith.select %gt3A_2786, %get3A_2769, %select_n3A_2760 : vector<16xi1>, vector<16xf32>
        %get3A_2795 = arith.constant 1008 : index
        %get3A_2796 = tpu.vector_load %arg9[%get3A_2795] {strides = array<i32>} : memref<1024xf32, #tpu.memory_space<vmem>>, vector<16xf32>,
        %get3A_2797 = vector.shape_cast %get3A_2796 : vector<16xf32> to vector<16xf32>
        %get3A_2798 = arith.constant 1008 : index
        %get3A_2799 = tpu.vector_load %arg10[%get3A_2798] {strides = array<i32>} : memref<1024xf32, #tpu.memory_space<vmem>>, vector<16xf32>,
        %get3A_2800 = vector.shape_cast %get3A_2799 : vector<16xf32> to vector<16xf32>
        %get3A_2801 = arith.constant 1008 : index
        %get3A_2802 = tpu.vector_load %arg11[%get3A_2801] {strides = array<i32>} : memref<1024xf32, #tpu.memory_space<vmem>>, vector<16xf32>,
        %get3A_2803 = vector.shape_cast %get3A_2802 : vector<16xf32> to vector<16xf32>
        %sub3A_2804 = arith.subf %get3A_2797, %scan3A_597 : vector<16xf32>
        %sub3A_2805 = arith.subf %get3A_2800, %scan3A_598 : vector<16xf32>
        %sub3A_2806 = arith.subf %get3A_2803, %scan3A_599 : vector<16xf32>
        %mul3A_2807 = arith.mulf %sub3A_2804, %sub3A_2804 : vector<16xf32>
        %mul3A_2808 = arith.mulf %sub3A_2805, %sub3A_2805 : vector<16xf32>
        %add3A_2809 = arith.addf %mul3A_2807, %mul3A_2808 : vector<16xf32>
        %mul3A_2810 = arith.mulf %sub3A_2806, %sub3A_2806 : vector<16xf32>
        %add3A_2811 = arith.addf %add3A_2809, %mul3A_2810 : vector<16xf32>
        %get3A_2812 = arith.constant 1008 : index
        %get3A_2813 = tpu.vector_load %arg12[%get3A_2812] {strides = array<i32>} : memref<1024xf32, #tpu.memory_space<vmem>>, vector<16xf32>,
        %get3A_2814 = vector.shape_cast %get3A_2813 : vector<16xf32> to vector<16xf32>
        %min3A_2815 = arith.minimumf %get3A_2814, %add3A_2811 : vector<16xf32>
        %swap3A_2816 = arith.constant 1008 : index
        %swap3A_2817 = tpu.vector_load %arg12[%swap3A_2816] {strides = array<i32>} : memref<1024xf32, #tpu.memory_space<vmem>>, vector<16xf32>,
        %swap3A_2818 = vector.shape_cast %swap3A_2817 : vector<16xf32> to vector<16xf32>
        %swap3A_2819 = vector.shape_cast %min3A_2815 : vector<16xf32> to vector<16xf32>
        tpu.vector_store %arg12[%swap3A_2816], %swap3A_2819 {strides = array<i32>} : memref<1024xf32, #tpu.memory_space<vmem>>, vector<16xf32>,
        %gt3A_2820 = arith.cmpf ogt, %min3A_2815, %select_n3A_2787 : vector<16xf32>
        %select_n3A_2821 = arith.select %gt3A_2820, %min3A_2815, %select_n3A_2787 : vector<16xi1>, vector<16xf32>
        %add3A_2822 = arith.constant 1.008000e+03 : f32
        %add3A_2823 = vector.broadcast %add3A_2822 : f32 to vector<16xf32>
        %add3A_2824 = arith.addf %convert_element_type3A_9, %add3A_2823 : vector<16xf32>
        %select_n3A_2825 = arith.select %gt3A_2820, %add3A_2824, %select_n3A_2791 : vector<16xi1>, vector<16xf32>
        %select_n3A_2826 = arith.select %gt3A_2820, %get3A_2797, %select_n3A_2792 : vector<16xi1>, vector<16xf32>
        %select_n3A_2827 = arith.select %gt3A_2820, %get3A_2800, %select_n3A_2793 : vector<16xi1>, vector<16xf32>
        %select_n3A_2828 = arith.select %gt3A_2820, %get3A_2803, %select_n3A_2794 : vector<16xi1>, vector<16xf32>
        %xor3A_2829 = arith.constant 8 : i32
        %xor3A_2830 = vector.broadcast %xor3A_2829 : i32 to vector<16xi32>
        %xor3A_2831 = arith.xori %iota3A, %xor3A_2830 : vector<16xi32>
        %lt3A_2832 = arith.constant 0 : i32
        %lt3A_2833 = vector.broadcast %lt3A_2832 : i32 to vector<16xi32>
        %lt3A_2834 = arith.cmpi slt, %xor3A_2831, %lt3A_2833 : vector<16xi32>
        %add3A_2835 = arith.constant 16 : i32
        %add3A_2836 = vector.broadcast %add3A_2835 : i32 to vector<16xi32>
        %add3A_2837 = arith.addi %xor3A_2831, %add3A_2836 : vector<16xi32>
        %select_n3A_2838 = arith.select %lt3A_2834, %add3A_2837, %xor3A_2831 : vector<16xi1>, vector<16xi32>
        %broadcast_in_dim3A_2839 = vector.shape_cast %select_n3A_2838 : vector<16xi32> to vector<16x1xi32>
        %gather3A_2840 = vector.shape_cast %broadcast_in_dim3A_2839 : vector<16x1xi32> to vector<16xi32>
        %gather3A_2841 = tpu.dynamic_gather %select_n3A_2821[%gather3A_2840] in [0] : vector<16xf32>, vector<16xi32> -> vector<16xf32>
        %max3A = arith.maximumf %select_n3A_2821, %gather3A_2841 : vector<16xf32>
        %xor3A_2842 = arith.constant 4 : i32
        %xor3A_2843 = vector.broadcast %xor3A_2842 : i32 to vector<16xi32>
        %xor3A_2844 = arith.xori %iota3A, %xor3A_2843 : vector<16xi32>
        %lt3A_2845 = arith.constant 0 : i32
        %lt3A_2846 = vector.broadcast %lt3A_2845 : i32 to vector<16xi32>
        %lt3A_2847 = arith.cmpi slt, %xor3A_2844, %lt3A_2846 : vector<16xi32>
        %add3A_2848 = arith.constant 16 : i32
        %add3A_2849 = vector.broadcast %add3A_2848 : i32 to vector<16xi32>
        %add3A_2850 = arith.addi %xor3A_2844, %add3A_2849 : vector<16xi32>
        %select_n3A_2851 = arith.select %lt3A_2847, %add3A_2850, %xor3A_2844 : vector<16xi1>, vector<16xi32>
        %broadcast_in_dim3A_2852 = vector.shape_cast %select_n3A_2851 : vector<16xi32> to vector<16x1xi32>
        %gather3A_2853 = vector.shape_cast %broadcast_in_dim3A_2852 : vector<16x1xi32> to vector<16xi32>
        %gather3A_2854 = tpu.dynamic_gather %max3A[%gather3A_2853] in [0] : vector<16xf32>, vector<16xi32> -> vector<16xf32>
        %max3A_2855 = arith.maximumf %max3A, %gather3A_2854 : vector<16xf32>
        %xor3A_2856 = arith.constant 2 : i32
        %xor3A_2857 = vector.broadcast %xor3A_2856 : i32 to vector<16xi32>
        %xor3A_2858 = arith.xori %iota3A, %xor3A_2857 : vector<16xi32>
        %lt3A_2859 = arith.constant 0 : i32
        %lt3A_2860 = vector.broadcast %lt3A_2859 : i32 to vector<16xi32>
        %lt3A_2861 = arith.cmpi slt, %xor3A_2858, %lt3A_2860 : vector<16xi32>
        %add3A_2862 = arith.constant 16 : i32
        %add3A_2863 = vector.broadcast %add3A_2862 : i32 to vector<16xi32>
        %add3A_2864 = arith.addi %xor3A_2858, %add3A_2863 : vector<16xi32>
        %select_n3A_2865 = arith.select %lt3A_2861, %add3A_2864, %xor3A_2858 : vector<16xi1>, vector<16xi32>
        %broadcast_in_dim3A_2866 = vector.shape_cast %select_n3A_2865 : vector<16xi32> to vector<16x1xi32>
        %gather3A_2867 = vector.shape_cast %broadcast_in_dim3A_2866 : vector<16x1xi32> to vector<16xi32>
        %gather3A_2868 = tpu.dynamic_gather %max3A_2855[%gather3A_2867] in [0] : vector<16xf32>, vector<16xi32> -> vector<16xf32>
        %max3A_2869 = arith.maximumf %max3A_2855, %gather3A_2868 : vector<16xf32>
        %xor3A_2870 = arith.constant 1 : i32
        %xor3A_2871 = vector.broadcast %xor3A_2870 : i32 to vector<16xi32>
        %xor3A_2872 = arith.xori %iota3A, %xor3A_2871 : vector<16xi32>
        %lt3A_2873 = arith.constant 0 : i32
        %lt3A_2874 = vector.broadcast %lt3A_2873 : i32 to vector<16xi32>
        %lt3A_2875 = arith.cmpi slt, %xor3A_2872, %lt3A_2874 : vector<16xi32>
        %add3A_2876 = arith.constant 16 : i32
        %add3A_2877 = vector.broadcast %add3A_2876 : i32 to vector<16xi32>
        %add3A_2878 = arith.addi %xor3A_2872, %add3A_2877 : vector<16xi32>
        %select_n3A_2879 = arith.select %lt3A_2875, %add3A_2878, %xor3A_2872 : vector<16xi1>, vector<16xi32>
        %broadcast_in_dim3A_2880 = vector.shape_cast %select_n3A_2879 : vector<16xi32> to vector<16x1xi32>
        %gather3A_2881 = vector.shape_cast %broadcast_in_dim3A_2880 : vector<16x1xi32> to vector<16xi32>
        %gather3A_2882 = tpu.dynamic_gather %max3A_2869[%gather3A_2881] in [0] : vector<16xf32>, vector<16xi32> -> vector<16xf32>
        %max3A_2883 = arith.maximumf %max3A_2869, %gather3A_2882 : vector<16xf32>
        %eq3A_2884 = arith.cmpf oeq, %select_n3A_2821, %max3A_2883 : vector<16xf32>
        %jit3A_2885 = arith.constant 1.000000e+09 : f32
        %broadcast_in_dim3A_2886 = vector.broadcast %jit3A_2885 : f32 to vector<16xf32>
        %select_n3A_2887 = arith.select %eq3A_2884, %select_n3A_2825, %broadcast_in_dim3A_2886 : vector<16xi1>, vector<16xf32>
        %xor3A_2888 = arith.constant 8 : i32
        %xor3A_2889 = vector.broadcast %xor3A_2888 : i32 to vector<16xi32>
        %xor3A_2890 = arith.xori %iota3A, %xor3A_2889 : vector<16xi32>
        %lt3A_2891 = arith.constant 0 : i32
        %lt3A_2892 = vector.broadcast %lt3A_2891 : i32 to vector<16xi32>
        %lt3A_2893 = arith.cmpi slt, %xor3A_2890, %lt3A_2892 : vector<16xi32>
        %add3A_2894 = arith.constant 16 : i32
        %add3A_2895 = vector.broadcast %add3A_2894 : i32 to vector<16xi32>
        %add3A_2896 = arith.addi %xor3A_2890, %add3A_2895 : vector<16xi32>
        %select_n3A_2897 = arith.select %lt3A_2893, %add3A_2896, %xor3A_2890 : vector<16xi1>, vector<16xi32>
        %broadcast_in_dim3A_2898 = vector.shape_cast %select_n3A_2897 : vector<16xi32> to vector<16x1xi32>
        %gather3A_2899 = vector.shape_cast %broadcast_in_dim3A_2898 : vector<16x1xi32> to vector<16xi32>
        %gather3A_2900 = tpu.dynamic_gather %select_n3A_2887[%gather3A_2899] in [0] : vector<16xf32>, vector<16xi32> -> vector<16xf32>
        %min3A_2901 = arith.minimumf %select_n3A_2887, %gather3A_2900 : vector<16xf32>
        %xor3A_2902 = arith.constant 4 : i32
        %xor3A_2903 = vector.broadcast %xor3A_2902 : i32 to vector<16xi32>
        %xor3A_2904 = arith.xori %iota3A, %xor3A_2903 : vector<16xi32>
        %lt3A_2905 = arith.constant 0 : i32
        %lt3A_2906 = vector.broadcast %lt3A_2905 : i32 to vector<16xi32>
        %lt3A_2907 = arith.cmpi slt, %xor3A_2904, %lt3A_2906 : vector<16xi32>
        %add3A_2908 = arith.constant 16 : i32
        %add3A_2909 = vector.broadcast %add3A_2908 : i32 to vector<16xi32>
        %add3A_2910 = arith.addi %xor3A_2904, %add3A_2909 : vector<16xi32>
        %select_n3A_2911 = arith.select %lt3A_2907, %add3A_2910, %xor3A_2904 : vector<16xi1>, vector<16xi32>
        %broadcast_in_dim3A_2912 = vector.shape_cast %select_n3A_2911 : vector<16xi32> to vector<16x1xi32>
        %gather3A_2913 = vector.shape_cast %broadcast_in_dim3A_2912 : vector<16x1xi32> to vector<16xi32>
        %gather3A_2914 = tpu.dynamic_gather %min3A_2901[%gather3A_2913] in [0] : vector<16xf32>, vector<16xi32> -> vector<16xf32>
        %min3A_2915 = arith.minimumf %min3A_2901, %gather3A_2914 : vector<16xf32>
        %xor3A_2916 = arith.constant 2 : i32
        %xor3A_2917 = vector.broadcast %xor3A_2916 : i32 to vector<16xi32>
        %xor3A_2918 = arith.xori %iota3A, %xor3A_2917 : vector<16xi32>
        %lt3A_2919 = arith.constant 0 : i32
        %lt3A_2920 = vector.broadcast %lt3A_2919 : i32 to vector<16xi32>
        %lt3A_2921 = arith.cmpi slt, %xor3A_2918, %lt3A_2920 : vector<16xi32>
        %add3A_2922 = arith.constant 16 : i32
        %add3A_2923 = vector.broadcast %add3A_2922 : i32 to vector<16xi32>
        %add3A_2924 = arith.addi %xor3A_2918, %add3A_2923 : vector<16xi32>
        %select_n3A_2925 = arith.select %lt3A_2921, %add3A_2924, %xor3A_2918 : vector<16xi1>, vector<16xi32>
        %broadcast_in_dim3A_2926 = vector.shape_cast %select_n3A_2925 : vector<16xi32> to vector<16x1xi32>
        %gather3A_2927 = vector.shape_cast %broadcast_in_dim3A_2926 : vector<16x1xi32> to vector<16xi32>
        %gather3A_2928 = tpu.dynamic_gather %min3A_2915[%gather3A_2927] in [0] : vector<16xf32>, vector<16xi32> -> vector<16xf32>
        %min3A_2929 = arith.minimumf %min3A_2915, %gather3A_2928 : vector<16xf32>
        %xor3A_2930 = arith.constant 1 : i32
        %xor3A_2931 = vector.broadcast %xor3A_2930 : i32 to vector<16xi32>
        %xor3A_2932 = arith.xori %iota3A, %xor3A_2931 : vector<16xi32>
        %lt3A_2933 = arith.constant 0 : i32
        %lt3A_2934 = vector.broadcast %lt3A_2933 : i32 to vector<16xi32>
        %lt3A_2935 = arith.cmpi slt, %xor3A_2932, %lt3A_2934 : vector<16xi32>
        %add3A_2936 = arith.constant 16 : i32
        %add3A_2937 = vector.broadcast %add3A_2936 : i32 to vector<16xi32>
        %add3A_2938 = arith.addi %xor3A_2932, %add3A_2937 : vector<16xi32>
        %select_n3A_2939 = arith.select %lt3A_2935, %add3A_2938, %xor3A_2932 : vector<16xi1>, vector<16xi32>
        %broadcast_in_dim3A_2940 = vector.shape_cast %select_n3A_2939 : vector<16xi32> to vector<16x1xi32>
        %gather3A_2941 = vector.shape_cast %broadcast_in_dim3A_2940 : vector<16x1xi32> to vector<16xi32>
        %gather3A_2942 = tpu.dynamic_gather %min3A_2929[%gather3A_2941] in [0] : vector<16xf32>, vector<16xi32> -> vector<16xf32>
        %min3A_2943 = arith.minimumf %min3A_2929, %gather3A_2942 : vector<16xf32>
        %eq3A_2944 = arith.cmpf oeq, %select_n3A_2825, %min3A_2943 : vector<16xf32>
        %broadcast_in_dim3A_2945 = vector.broadcast %scan3A : f32 to vector<16xf32>
        %select_n3A_2946 = arith.select %eq3A_2944, %select_n3A_2826, %broadcast_in_dim3A_2945 : vector<16xi1>, vector<16xf32>
        %xor3A_2947 = arith.constant 8 : i32
        %xor3A_2948 = vector.broadcast %xor3A_2947 : i32 to vector<16xi32>
        %xor3A_2949 = arith.xori %iota3A, %xor3A_2948 : vector<16xi32>
        %lt3A_2950 = arith.constant 0 : i32
        %lt3A_2951 = vector.broadcast %lt3A_2950 : i32 to vector<16xi32>
        %lt3A_2952 = arith.cmpi slt, %xor3A_2949, %lt3A_2951 : vector<16xi32>
        %add3A_2953 = arith.constant 16 : i32
        %add3A_2954 = vector.broadcast %add3A_2953 : i32 to vector<16xi32>
        %add3A_2955 = arith.addi %xor3A_2949, %add3A_2954 : vector<16xi32>
        %select_n3A_2956 = arith.select %lt3A_2952, %add3A_2955, %xor3A_2949 : vector<16xi1>, vector<16xi32>
        %broadcast_in_dim3A_2957 = vector.shape_cast %select_n3A_2956 : vector<16xi32> to vector<16x1xi32>
        %gather3A_2958 = vector.shape_cast %broadcast_in_dim3A_2957 : vector<16x1xi32> to vector<16xi32>
        %gather3A_2959 = tpu.dynamic_gather %select_n3A_2946[%gather3A_2958] in [0] : vector<16xf32>, vector<16xi32> -> vector<16xf32>
        %min3A_2960 = arith.minimumf %select_n3A_2946, %gather3A_2959 : vector<16xf32>
        %xor3A_2961 = arith.constant 4 : i32
        %xor3A_2962 = vector.broadcast %xor3A_2961 : i32 to vector<16xi32>
        %xor3A_2963 = arith.xori %iota3A, %xor3A_2962 : vector<16xi32>
        %lt3A_2964 = arith.constant 0 : i32
        %lt3A_2965 = vector.broadcast %lt3A_2964 : i32 to vector<16xi32>
        %lt3A_2966 = arith.cmpi slt, %xor3A_2963, %lt3A_2965 : vector<16xi32>
        %add3A_2967 = arith.constant 16 : i32
        %add3A_2968 = vector.broadcast %add3A_2967 : i32 to vector<16xi32>
        %add3A_2969 = arith.addi %xor3A_2963, %add3A_2968 : vector<16xi32>
        %select_n3A_2970 = arith.select %lt3A_2966, %add3A_2969, %xor3A_2963 : vector<16xi1>, vector<16xi32>
        %broadcast_in_dim3A_2971 = vector.shape_cast %select_n3A_2970 : vector<16xi32> to vector<16x1xi32>
        %gather3A_2972 = vector.shape_cast %broadcast_in_dim3A_2971 : vector<16x1xi32> to vector<16xi32>
        %gather3A_2973 = tpu.dynamic_gather %min3A_2960[%gather3A_2972] in [0] : vector<16xf32>, vector<16xi32> -> vector<16xf32>
        %min3A_2974 = arith.minimumf %min3A_2960, %gather3A_2973 : vector<16xf32>
        %xor3A_2975 = arith.constant 2 : i32
        %xor3A_2976 = vector.broadcast %xor3A_2975 : i32 to vector<16xi32>
        %xor3A_2977 = arith.xori %iota3A, %xor3A_2976 : vector<16xi32>
        %lt3A_2978 = arith.constant 0 : i32
        %lt3A_2979 = vector.broadcast %lt3A_2978 : i32 to vector<16xi32>
        %lt3A_2980 = arith.cmpi slt, %xor3A_2977, %lt3A_2979 : vector<16xi32>
        %add3A_2981 = arith.constant 16 : i32
        %add3A_2982 = vector.broadcast %add3A_2981 : i32 to vector<16xi32>
        %add3A_2983 = arith.addi %xor3A_2977, %add3A_2982 : vector<16xi32>
        %select_n3A_2984 = arith.select %lt3A_2980, %add3A_2983, %xor3A_2977 : vector<16xi1>, vector<16xi32>
        %broadcast_in_dim3A_2985 = vector.shape_cast %select_n3A_2984 : vector<16xi32> to vector<16x1xi32>
        %gather3A_2986 = vector.shape_cast %broadcast_in_dim3A_2985 : vector<16x1xi32> to vector<16xi32>
        %gather3A_2987 = tpu.dynamic_gather %min3A_2974[%gather3A_2986] in [0] : vector<16xf32>, vector<16xi32> -> vector<16xf32>
        %min3A_2988 = arith.minimumf %min3A_2974, %gather3A_2987 : vector<16xf32>
        %xor3A_2989 = arith.constant 1 : i32
        %xor3A_2990 = vector.broadcast %xor3A_2989 : i32 to vector<16xi32>
        %xor3A_2991 = arith.xori %iota3A, %xor3A_2990 : vector<16xi32>
        %lt3A_2992 = arith.constant 0 : i32
        %lt3A_2993 = vector.broadcast %lt3A_2992 : i32 to vector<16xi32>
        %lt3A_2994 = arith.cmpi slt, %xor3A_2991, %lt3A_2993 : vector<16xi32>
        %add3A_2995 = arith.constant 16 : i32
        %add3A_2996 = vector.broadcast %add3A_2995 : i32 to vector<16xi32>
        %add3A_2997 = arith.addi %xor3A_2991, %add3A_2996 : vector<16xi32>
        %select_n3A_2998 = arith.select %lt3A_2994, %add3A_2997, %xor3A_2991 : vector<16xi1>, vector<16xi32>
        %broadcast_in_dim3A_2999 = vector.shape_cast %select_n3A_2998 : vector<16xi32> to vector<16x1xi32>
        %gather3A_3000 = vector.shape_cast %broadcast_in_dim3A_2999 : vector<16x1xi32> to vector<16xi32>
        %gather3A_3001 = tpu.dynamic_gather %min3A_2988[%gather3A_3000] in [0] : vector<16xf32>, vector<16xi32> -> vector<16xf32>
        %min3A_3002 = arith.minimumf %min3A_2988, %gather3A_3001 : vector<16xf32>
        %broadcast_in_dim3A_3003 = vector.broadcast %scan3A : f32 to vector<16xf32>
        %select_n3A_3004 = arith.select %eq3A_2944, %select_n3A_2827, %broadcast_in_dim3A_3003 : vector<16xi1>, vector<16xf32>
        %xor3A_3005 = arith.constant 8 : i32
        %xor3A_3006 = vector.broadcast %xor3A_3005 : i32 to vector<16xi32>
        %xor3A_3007 = arith.xori %iota3A, %xor3A_3006 : vector<16xi32>
        %lt3A_3008 = arith.constant 0 : i32
        %lt3A_3009 = vector.broadcast %lt3A_3008 : i32 to vector<16xi32>
        %lt3A_3010 = arith.cmpi slt, %xor3A_3007, %lt3A_3009 : vector<16xi32>
        %add3A_3011 = arith.constant 16 : i32
        %add3A_3012 = vector.broadcast %add3A_3011 : i32 to vector<16xi32>
        %add3A_3013 = arith.addi %xor3A_3007, %add3A_3012 : vector<16xi32>
        %select_n3A_3014 = arith.select %lt3A_3010, %add3A_3013, %xor3A_3007 : vector<16xi1>, vector<16xi32>
        %broadcast_in_dim3A_3015 = vector.shape_cast %select_n3A_3014 : vector<16xi32> to vector<16x1xi32>
        %gather3A_3016 = vector.shape_cast %broadcast_in_dim3A_3015 : vector<16x1xi32> to vector<16xi32>
        %gather3A_3017 = tpu.dynamic_gather %select_n3A_3004[%gather3A_3016] in [0] : vector<16xf32>, vector<16xi32> -> vector<16xf32>
        %min3A_3018 = arith.minimumf %select_n3A_3004, %gather3A_3017 : vector<16xf32>
        %xor3A_3019 = arith.constant 4 : i32
        %xor3A_3020 = vector.broadcast %xor3A_3019 : i32 to vector<16xi32>
        %xor3A_3021 = arith.xori %iota3A, %xor3A_3020 : vector<16xi32>
        %lt3A_3022 = arith.constant 0 : i32
        %lt3A_3023 = vector.broadcast %lt3A_3022 : i32 to vector<16xi32>
        %lt3A_3024 = arith.cmpi slt, %xor3A_3021, %lt3A_3023 : vector<16xi32>
        %add3A_3025 = arith.constant 16 : i32
        %add3A_3026 = vector.broadcast %add3A_3025 : i32 to vector<16xi32>
        %add3A_3027 = arith.addi %xor3A_3021, %add3A_3026 : vector<16xi32>
        %select_n3A_3028 = arith.select %lt3A_3024, %add3A_3027, %xor3A_3021 : vector<16xi1>, vector<16xi32>
        %broadcast_in_dim3A_3029 = vector.shape_cast %select_n3A_3028 : vector<16xi32> to vector<16x1xi32>
        %gather3A_3030 = vector.shape_cast %broadcast_in_dim3A_3029 : vector<16x1xi32> to vector<16xi32>
        %gather3A_3031 = tpu.dynamic_gather %min3A_3018[%gather3A_3030] in [0] : vector<16xf32>, vector<16xi32> -> vector<16xf32>
        %min3A_3032 = arith.minimumf %min3A_3018, %gather3A_3031 : vector<16xf32>
        %xor3A_3033 = arith.constant 2 : i32
        %xor3A_3034 = vector.broadcast %xor3A_3033 : i32 to vector<16xi32>
        %xor3A_3035 = arith.xori %iota3A, %xor3A_3034 : vector<16xi32>
        %lt3A_3036 = arith.constant 0 : i32
        %lt3A_3037 = vector.broadcast %lt3A_3036 : i32 to vector<16xi32>
        %lt3A_3038 = arith.cmpi slt, %xor3A_3035, %lt3A_3037 : vector<16xi32>
        %add3A_3039 = arith.constant 16 : i32
        %add3A_3040 = vector.broadcast %add3A_3039 : i32 to vector<16xi32>
        %add3A_3041 = arith.addi %xor3A_3035, %add3A_3040 : vector<16xi32>
        %select_n3A_3042 = arith.select %lt3A_3038, %add3A_3041, %xor3A_3035 : vector<16xi1>, vector<16xi32>
        %broadcast_in_dim3A_3043 = vector.shape_cast %select_n3A_3042 : vector<16xi32> to vector<16x1xi32>
        %gather3A_3044 = vector.shape_cast %broadcast_in_dim3A_3043 : vector<16x1xi32> to vector<16xi32>
        %gather3A_3045 = tpu.dynamic_gather %min3A_3032[%gather3A_3044] in [0] : vector<16xf32>, vector<16xi32> -> vector<16xf32>
        %min3A_3046 = arith.minimumf %min3A_3032, %gather3A_3045 : vector<16xf32>
        %xor3A_3047 = arith.constant 1 : i32
        %xor3A_3048 = vector.broadcast %xor3A_3047 : i32 to vector<16xi32>
        %xor3A_3049 = arith.xori %iota3A, %xor3A_3048 : vector<16xi32>
        %lt3A_3050 = arith.constant 0 : i32
        %lt3A_3051 = vector.broadcast %lt3A_3050 : i32 to vector<16xi32>
        %lt3A_3052 = arith.cmpi slt, %xor3A_3049, %lt3A_3051 : vector<16xi32>
        %add3A_3053 = arith.constant 16 : i32
        %add3A_3054 = vector.broadcast %add3A_3053 : i32 to vector<16xi32>
        %add3A_3055 = arith.addi %xor3A_3049, %add3A_3054 : vector<16xi32>
        %select_n3A_3056 = arith.select %lt3A_3052, %add3A_3055, %xor3A_3049 : vector<16xi1>, vector<16xi32>
        %broadcast_in_dim3A_3057 = vector.shape_cast %select_n3A_3056 : vector<16xi32> to vector<16x1xi32>
        %gather3A_3058 = vector.shape_cast %broadcast_in_dim3A_3057 : vector<16x1xi32> to vector<16xi32>
        %gather3A_3059 = tpu.dynamic_gather %min3A_3046[%gather3A_3058] in [0] : vector<16xf32>, vector<16xi32> -> vector<16xf32>
        %min3A_3060 = arith.minimumf %min3A_3046, %gather3A_3059 : vector<16xf32>
        %broadcast_in_dim3A_3061 = vector.broadcast %scan3A : f32 to vector<16xf32>
        %select_n3A_3062 = arith.select %eq3A_2944, %select_n3A_2828, %broadcast_in_dim3A_3061 : vector<16xi1>, vector<16xf32>
        %xor3A_3063 = arith.constant 8 : i32
        %xor3A_3064 = vector.broadcast %xor3A_3063 : i32 to vector<16xi32>
        %xor3A_3065 = arith.xori %iota3A, %xor3A_3064 : vector<16xi32>
        %lt3A_3066 = arith.constant 0 : i32
        %lt3A_3067 = vector.broadcast %lt3A_3066 : i32 to vector<16xi32>
        %lt3A_3068 = arith.cmpi slt, %xor3A_3065, %lt3A_3067 : vector<16xi32>
        %add3A_3069 = arith.constant 16 : i32
        %add3A_3070 = vector.broadcast %add3A_3069 : i32 to vector<16xi32>
        %add3A_3071 = arith.addi %xor3A_3065, %add3A_3070 : vector<16xi32>
        %select_n3A_3072 = arith.select %lt3A_3068, %add3A_3071, %xor3A_3065 : vector<16xi1>, vector<16xi32>
        %broadcast_in_dim3A_3073 = vector.shape_cast %select_n3A_3072 : vector<16xi32> to vector<16x1xi32>
        %gather3A_3074 = vector.shape_cast %broadcast_in_dim3A_3073 : vector<16x1xi32> to vector<16xi32>
        %gather3A_3075 = tpu.dynamic_gather %select_n3A_3062[%gather3A_3074] in [0] : vector<16xf32>, vector<16xi32> -> vector<16xf32>
        %min3A_3076 = arith.minimumf %select_n3A_3062, %gather3A_3075 : vector<16xf32>
        %xor3A_3077 = arith.constant 4 : i32
        %xor3A_3078 = vector.broadcast %xor3A_3077 : i32 to vector<16xi32>
        %xor3A_3079 = arith.xori %iota3A, %xor3A_3078 : vector<16xi32>
        %lt3A_3080 = arith.constant 0 : i32
        %lt3A_3081 = vector.broadcast %lt3A_3080 : i32 to vector<16xi32>
        %lt3A_3082 = arith.cmpi slt, %xor3A_3079, %lt3A_3081 : vector<16xi32>
        %add3A_3083 = arith.constant 16 : i32
        %add3A_3084 = vector.broadcast %add3A_3083 : i32 to vector<16xi32>
        %add3A_3085 = arith.addi %xor3A_3079, %add3A_3084 : vector<16xi32>
        %select_n3A_3086 = arith.select %lt3A_3082, %add3A_3085, %xor3A_3079 : vector<16xi1>, vector<16xi32>
        %broadcast_in_dim3A_3087 = vector.shape_cast %select_n3A_3086 : vector<16xi32> to vector<16x1xi32>
        %gather3A_3088 = vector.shape_cast %broadcast_in_dim3A_3087 : vector<16x1xi32> to vector<16xi32>
        %gather3A_3089 = tpu.dynamic_gather %min3A_3076[%gather3A_3088] in [0] : vector<16xf32>, vector<16xi32> -> vector<16xf32>
        %min3A_3090 = arith.minimumf %min3A_3076, %gather3A_3089 : vector<16xf32>
        %xor3A_3091 = arith.constant 2 : i32
        %xor3A_3092 = vector.broadcast %xor3A_3091 : i32 to vector<16xi32>
        %xor3A_3093 = arith.xori %iota3A, %xor3A_3092 : vector<16xi32>
        %lt3A_3094 = arith.constant 0 : i32
        %lt3A_3095 = vector.broadcast %lt3A_3094 : i32 to vector<16xi32>
        %lt3A_3096 = arith.cmpi slt, %xor3A_3093, %lt3A_3095 : vector<16xi32>
        %add3A_3097 = arith.constant 16 : i32
        %add3A_3098 = vector.broadcast %add3A_3097 : i32 to vector<16xi32>
        %add3A_3099 = arith.addi %xor3A_3093, %add3A_3098 : vector<16xi32>
        %select_n3A_3100 = arith.select %lt3A_3096, %add3A_3099, %xor3A_3093 : vector<16xi1>, vector<16xi32>
        %broadcast_in_dim3A_3101 = vector.shape_cast %select_n3A_3100 : vector<16xi32> to vector<16x1xi32>
        %gather3A_3102 = vector.shape_cast %broadcast_in_dim3A_3101 : vector<16x1xi32> to vector<16xi32>
        %gather3A_3103 = tpu.dynamic_gather %min3A_3090[%gather3A_3102] in [0] : vector<16xf32>, vector<16xi32> -> vector<16xf32>
        %min3A_3104 = arith.minimumf %min3A_3090, %gather3A_3103 : vector<16xf32>
        %xor3A_3105 = arith.constant 1 : i32
        %xor3A_3106 = vector.broadcast %xor3A_3105 : i32 to vector<16xi32>
        %xor3A_3107 = arith.xori %iota3A, %xor3A_3106 : vector<16xi32>
        %lt3A_3108 = arith.constant 0 : i32
        %lt3A_3109 = vector.broadcast %lt3A_3108 : i32 to vector<16xi32>
        %lt3A_3110 = arith.cmpi slt, %xor3A_3107, %lt3A_3109 : vector<16xi32>
        %add3A_3111 = arith.constant 16 : i32
        %add3A_3112 = vector.broadcast %add3A_3111 : i32 to vector<16xi32>
        %add3A_3113 = arith.addi %xor3A_3107, %add3A_3112 : vector<16xi32>
        %select_n3A_3114 = arith.select %lt3A_3110, %add3A_3113, %xor3A_3107 : vector<16xi1>, vector<16xi32>
        %broadcast_in_dim3A_3115 = vector.shape_cast %select_n3A_3114 : vector<16xi32> to vector<16x1xi32>
        %gather3A_3116 = vector.shape_cast %broadcast_in_dim3A_3115 : vector<16x1xi32> to vector<16xi32>
        %gather3A_3117 = tpu.dynamic_gather %min3A_3104[%gather3A_3116] in [0] : vector<16xf32>, vector<16xi32> -> vector<16xf32>
        %min3A_3118 = arith.minimumf %min3A_3104, %gather3A_3117 : vector<16xf32>
        scf.yield %min3A_3002, %min3A_3060, %min3A_3118, %min3A_2943, %select_n3A_620, %select_n3A_621, %select_n3A_622, %select_n3A_623 : vector<16xf32>, vector<16xf32>, vector<16xf32>, vector<16xf32>, vector<16xf32>, vector<16xf32>, vector<16xf32>, vector<16xf32>
      }
      %scan3A_587 = arith.constant 512 : i32
      %mul3A_588 = arith.constant 512 : i32
      %mul3A_589 = arith.muli %add3A, %mul3A_588 : i32
      "tpu.region"() ({
        %run_scoped3A = tpu.sem_alloc : memref<!tpu.dma_semaphore, #tpu.memory_space<semaphore_mem>>
        %dma_start3A = tpu.memref_slice %arg5[%mul3A_589] : memref<8192xf32, #tpu.memory_space<hbm>> -> memref<512xf32, #tpu.memory_space<hbm>>
        %dma_start3A_596 = tpu.memref_slice %arg5[%mul3A_589] : memref<8192xf32, #tpu.memory_space<hbm>> -> memref<512xf32, #tpu.memory_space<hbm>>
        tpu.enqueue_dma source(%arg13 : memref<512xf32, #tpu.memory_space<vmem>>) target(%dma_start3A_596 : memref<512xf32, #tpu.memory_space<hbm>>) target_semaphore(%run_scoped3A : memref<!tpu.dma_semaphore, #tpu.memory_space<semaphore_mem>>)
        %dma_wait3A = tpu.memref_slice %arg5[%mul3A_589] : memref<8192xf32, #tpu.memory_space<hbm>> -> memref<512xf32, #tpu.memory_space<hbm>>
        %dma_wait3A_597 = tpu.memref_slice %arg5[%mul3A_589] : memref<8192xf32, #tpu.memory_space<hbm>> -> memref<512xf32, #tpu.memory_space<hbm>>
        tpu.wait_dma2 semaphore(%run_scoped3A : memref<!tpu.dma_semaphore, #tpu.memory_space<semaphore_mem>>) src(%arg13 : memref<512xf32, #tpu.memory_space<vmem>>) dst(%dma_wait3A_597 : memref<512xf32, #tpu.memory_space<hbm>>)
        tpu.yield
      }) : () -> ()
      %mul3A_590 = arith.constant 512 : i32
      %mul3A_591 = arith.muli %add3A, %mul3A_590 : i32
      "tpu.region"() ({
        %run_scoped3A = tpu.sem_alloc : memref<!tpu.dma_semaphore, #tpu.memory_space<semaphore_mem>>
        %dma_start3A = tpu.memref_slice %arg6[%mul3A_591] : memref<8192xf32, #tpu.memory_space<hbm>> -> memref<512xf32, #tpu.memory_space<hbm>>
        %dma_start3A_596 = tpu.memref_slice %arg6[%mul3A_591] : memref<8192xf32, #tpu.memory_space<hbm>> -> memref<512xf32, #tpu.memory_space<hbm>>
        tpu.enqueue_dma source(%arg14 : memref<512xf32, #tpu.memory_space<vmem>>) target(%dma_start3A_596 : memref<512xf32, #tpu.memory_space<hbm>>) target_semaphore(%run_scoped3A : memref<!tpu.dma_semaphore, #tpu.memory_space<semaphore_mem>>)
        %dma_wait3A = tpu.memref_slice %arg6[%mul3A_591] : memref<8192xf32, #tpu.memory_space<hbm>> -> memref<512xf32, #tpu.memory_space<hbm>>
        %dma_wait3A_597 = tpu.memref_slice %arg6[%mul3A_591] : memref<8192xf32, #tpu.memory_space<hbm>> -> memref<512xf32, #tpu.memory_space<hbm>>
        tpu.wait_dma2 semaphore(%run_scoped3A : memref<!tpu.dma_semaphore, #tpu.memory_space<semaphore_mem>>) src(%arg14 : memref<512xf32, #tpu.memory_space<vmem>>) dst(%dma_wait3A_597 : memref<512xf32, #tpu.memory_space<hbm>>)
        tpu.yield
      }) : () -> ()
      %mul3A_592 = arith.constant 512 : i32
      %mul3A_593 = arith.muli %add3A, %mul3A_592 : i32
      "tpu.region"() ({
        %run_scoped3A = tpu.sem_alloc : memref<!tpu.dma_semaphore, #tpu.memory_space<semaphore_mem>>
        %dma_start3A = tpu.memref_slice %arg7[%mul3A_593] : memref<8192xf32, #tpu.memory_space<hbm>> -> memref<512xf32, #tpu.memory_space<hbm>>
        %dma_start3A_596 = tpu.memref_slice %arg7[%mul3A_593] : memref<8192xf32, #tpu.memory_space<hbm>> -> memref<512xf32, #tpu.memory_space<hbm>>
        tpu.enqueue_dma source(%arg15 : memref<512xf32, #tpu.memory_space<vmem>>) target(%dma_start3A_596 : memref<512xf32, #tpu.memory_space<hbm>>) target_semaphore(%run_scoped3A : memref<!tpu.dma_semaphore, #tpu.memory_space<semaphore_mem>>)
        %dma_wait3A = tpu.memref_slice %arg7[%mul3A_593] : memref<8192xf32, #tpu.memory_space<hbm>> -> memref<512xf32, #tpu.memory_space<hbm>>
        %dma_wait3A_597 = tpu.memref_slice %arg7[%mul3A_593] : memref<8192xf32, #tpu.memory_space<hbm>> -> memref<512xf32, #tpu.memory_space<hbm>>
        tpu.wait_dma2 semaphore(%run_scoped3A : memref<!tpu.dma_semaphore, #tpu.memory_space<semaphore_mem>>) src(%arg15 : memref<512xf32, #tpu.memory_space<vmem>>) dst(%dma_wait3A_597 : memref<512xf32, #tpu.memory_space<hbm>>)
        tpu.yield
      }) : () -> ()
      %mul3A_594 = arith.constant 512 : i32
      %mul3A_595 = arith.muli %add3A, %mul3A_594 : i32
      "tpu.region"() ({
        %run_scoped3A = tpu.sem_alloc : memref<!tpu.dma_semaphore, #tpu.memory_space<semaphore_mem>>
        %dma_start3A = tpu.memref_slice %arg8[%mul3A_595] : memref<8192xf32, #tpu.memory_space<hbm>> -> memref<512xf32, #tpu.memory_space<hbm>>
        %dma_start3A_596 = tpu.memref_slice %arg8[%mul3A_595] : memref<8192xf32, #tpu.memory_space<hbm>> -> memref<512xf32, #tpu.memory_space<hbm>>
        tpu.enqueue_dma source(%arg16 : memref<512xf32, #tpu.memory_space<vmem>>) target(%dma_start3A_596 : memref<512xf32, #tpu.memory_space<hbm>>) target_semaphore(%run_scoped3A : memref<!tpu.dma_semaphore, #tpu.memory_space<semaphore_mem>>)
        %dma_wait3A = tpu.memref_slice %arg8[%mul3A_595] : memref<8192xf32, #tpu.memory_space<hbm>> -> memref<512xf32, #tpu.memory_space<hbm>>
        %dma_wait3A_597 = tpu.memref_slice %arg8[%mul3A_595] : memref<8192xf32, #tpu.memory_space<hbm>> -> memref<512xf32, #tpu.memory_space<hbm>>
        tpu.wait_dma2 semaphore(%run_scoped3A : memref<!tpu.dma_semaphore, #tpu.memory_space<semaphore_mem>>) src(%arg16 : memref<512xf32, #tpu.memory_space<vmem>>) dst(%dma_wait3A_597 : memref<512xf32, #tpu.memory_space<hbm>>)
        tpu.yield
      }) : () -> ()
    } else {
    }
    return
  }
}

module attributes {stable_mosaic.version = 14 : i64} {
  func.func @_main_body(%arg0: i32, %arg1: i32, %arg2: memref<1x1x3x1024xf32, #tpu.memory_space<vmem>>, %arg3: memref<1x1x3x1024xf32, #tpu.memory_space<vmem>>, %arg4: memref<1x1x1024x64xf32, #tpu.memory_space<vmem>>, %arg5: memref<1x1x1024x64xf32, #tpu.memory_space<vmem>>, %arg6: memref<1x512x1xf32, #tpu.memory_space<vmem>>, %arg7: memref<1x512x1xf32, #tpu.memory_space<vmem>>, %arg8: memref<1x512x1xf32, #tpu.memory_space<vmem>>, %arg9: memref<1x512x1xf32, #tpu.memory_space<vmem>>, %arg10: memref<3x64xf32, #tpu.memory_space<vmem>>, %arg11: memref<64x64xf32, #tpu.memory_space<vmem>>, %arg12: memref<64x64xf32, #tpu.memory_space<vmem>>, %arg13: memref<1x64xf32, #tpu.memory_space<vmem>>, %arg14: memref<64x128xf32, #tpu.memory_space<vmem>>, %arg15: memref<1x128xf32, #tpu.memory_space<vmem>>, %arg16: memref<1x1x512x3xf32, #tpu.memory_space<vmem>>, %arg17: memref<1x1x512x128xf32, #tpu.memory_space<vmem>>) attributes {dimension_semantics = [#tpu.dimension_semantics<arbitrary>, #tpu.dimension_semantics<arbitrary>], iteration_bounds = array<i64: 4, 4>, scalar_prefetch = 0 : i64, scratch_operands = 0 : i64, tpu.core_type = #tpu.core_type<tc>, window_params = [{transform_indices = @transform_0, window_bounds = array<i64: 1, 1, 3, 1024>}, {transform_indices = @transform_1, window_bounds = array<i64: 1, 1, 3, 1024>}, {transform_indices = @transform_2, window_bounds = array<i64: 1, 1, 1024, 64>}, {transform_indices = @transform_3, window_bounds = array<i64: 1, 1, 1024, 64>}, {transform_indices = @transform_4, window_bounds = array<i64: 1, 512, 1>}, {transform_indices = @transform_5, window_bounds = array<i64: 1, 512, 1>}, {transform_indices = @transform_6, window_bounds = array<i64: 1, 512, 1>}, {transform_indices = @transform_7, window_bounds = array<i64: 1, 512, 1>}, {pipeline_mode = #tpu.pipeline_mode<synchronous>, transform_indices = @transform_8, window_bounds = array<i64: 3, 64>}, {pipeline_mode = #tpu.pipeline_mode<synchronous>, transform_indices = @transform_9, window_bounds = array<i64: 64, 64>}, {pipeline_mode = #tpu.pipeline_mode<synchronous>, transform_indices = @transform_10, window_bounds = array<i64: 64, 64>}, {pipeline_mode = #tpu.pipeline_mode<synchronous>, transform_indices = @transform_11, window_bounds = array<i64: 1, 64>}, {pipeline_mode = #tpu.pipeline_mode<synchronous>, transform_indices = @transform_12, window_bounds = array<i64: 64, 128>}, {pipeline_mode = #tpu.pipeline_mode<synchronous>, transform_indices = @transform_13, window_bounds = array<i64: 1, 128>}, {transform_indices = @transform_14, window_bounds = array<i64: 1, 1, 512, 3>}, {transform_indices = @transform_15, window_bounds = array<i64: 1, 1, 512, 128>}]} {
    %get3A = arith.constant 0 : index
    %get3A_0 = arith.constant 0 : index
    %get3A_1 = arith.constant 0 : index
    %get3A_2 = arith.constant 0 : index
    %get3A_3 = vector.load %arg2[%get3A, %get3A_0, %get3A_1, %get3A_2] : memref<1x1x3x1024xf32, #tpu.memory_space<vmem>>, vector<1x1x3x1024xf32>
    %get3A_4 = vector.shape_cast %get3A_3 : vector<1x1x3x1024xf32> to vector<3x1024xf32>
    %get3A_5 = arith.constant 0 : index
    %get3A_6 = arith.constant 0 : index
    %get3A_7 = arith.constant 0 : index
    %get3A_8 = arith.constant 0 : index
    %get3A_9 = vector.load %arg3[%get3A_5, %get3A_6, %get3A_7, %get3A_8] : memref<1x1x3x1024xf32, #tpu.memory_space<vmem>>, vector<1x1x3x1024xf32>
    %get3A_10 = vector.shape_cast %get3A_9 : vector<1x1x3x1024xf32> to vector<3x1024xf32>
    %get3A_11 = arith.constant 0 : index
    %get3A_12 = arith.constant 0 : index
    %get3A_13 = arith.constant 0 : index
    %get3A_14 = arith.constant 0 : index
    %get3A_15 = vector.load %arg4[%get3A_11, %get3A_12, %get3A_13, %get3A_14] : memref<1x1x1024x64xf32, #tpu.memory_space<vmem>>, vector<1x1x1024x64xf32>
    %get3A_16 = vector.shape_cast %get3A_15 : vector<1x1x1024x64xf32> to vector<1024x64xf32>
    %get3A_17 = arith.constant 0 : index
    %get3A_18 = arith.constant 0 : index
    %get3A_19 = arith.constant 0 : index
    %get3A_20 = arith.constant 0 : index
    %get3A_21 = vector.load %arg5[%get3A_17, %get3A_18, %get3A_19, %get3A_20] : memref<1x1x1024x64xf32, #tpu.memory_space<vmem>>, vector<1x1x1024x64xf32>
    %get3A_22 = vector.shape_cast %get3A_21 : vector<1x1x1024x64xf32> to vector<1024x64xf32>
    %get3A_23 = arith.constant 0 : index
    %get3A_24 = arith.constant 0 : index
    %get3A_25 = arith.constant 0 : index
    %get3A_26 = vector.load %arg6[%get3A_23, %get3A_24, %get3A_25] : memref<1x512x1xf32, #tpu.memory_space<vmem>>, vector<1x512x1xf32>
    %get3A_27 = vector.shape_cast %get3A_26 : vector<1x512x1xf32> to vector<512x1xf32>
    %get3A_28 = arith.constant 0 : index
    %get3A_29 = arith.constant 0 : index
    %get3A_30 = arith.constant 0 : index
    %get3A_31 = vector.load %arg7[%get3A_28, %get3A_29, %get3A_30] : memref<1x512x1xf32, #tpu.memory_space<vmem>>, vector<1x512x1xf32>
    %get3A_32 = vector.shape_cast %get3A_31 : vector<1x512x1xf32> to vector<512x1xf32>
    %get3A_33 = arith.constant 0 : index
    %get3A_34 = arith.constant 0 : index
    %get3A_35 = arith.constant 0 : index
    %get3A_36 = vector.load %arg8[%get3A_33, %get3A_34, %get3A_35] : memref<1x512x1xf32, #tpu.memory_space<vmem>>, vector<1x512x1xf32>
    %get3A_37 = vector.shape_cast %get3A_36 : vector<1x512x1xf32> to vector<512x1xf32>
    %get3A_38 = arith.constant 0 : index
    %get3A_39 = arith.constant 0 : index
    %get3A_40 = arith.constant 0 : index
    %get3A_41 = vector.load %arg9[%get3A_38, %get3A_39, %get3A_40] : memref<1x512x1xf32, #tpu.memory_space<vmem>>, vector<1x512x1xf32>
    %get3A_42 = vector.shape_cast %get3A_41 : vector<1x512x1xf32> to vector<512x1xf32>
    %get3A_43 = arith.constant 0 : index
    %get3A_44 = arith.constant 0 : index
    %get3A_45 = vector.load %arg10[%get3A_43, %get3A_44] : memref<3x64xf32, #tpu.memory_space<vmem>>, vector<3x64xf32>
    %get3A_46 = arith.constant 0 : index
    %get3A_47 = arith.constant 0 : index
    %get3A_48 = vector.load %arg11[%get3A_46, %get3A_47] : memref<64x64xf32, #tpu.memory_space<vmem>>, vector<64x64xf32>
    %get3A_49 = arith.constant 0 : index
    %get3A_50 = arith.constant 0 : index
    %get3A_51 = vector.load %arg12[%get3A_49, %get3A_50] : memref<64x64xf32, #tpu.memory_space<vmem>>, vector<64x64xf32>
    %get3A_52 = arith.constant 0 : index
    %get3A_53 = arith.constant 0 : index
    %get3A_54 = vector.load %arg13[%get3A_52, %get3A_53] : memref<1x64xf32, #tpu.memory_space<vmem>>, vector<1x64xf32>
    %get3A_55 = arith.constant 0 : index
    %get3A_56 = arith.constant 0 : index
    %get3A_57 = vector.load %arg14[%get3A_55, %get3A_56] : memref<64x128xf32, #tpu.memory_space<vmem>>, vector<64x128xf32>
    %get3A_58 = arith.constant 0 : index
    %get3A_59 = arith.constant 0 : index
    %get3A_60 = vector.load %arg15[%get3A_58, %get3A_59] : memref<1x128xf32, #tpu.memory_space<vmem>>, vector<1x128xf32>
    %iota3A = tpu.iota {dimensions = array<i32: 1>} : vector<512x1024xi32>
    %convert_element_type3A = arith.sitofp %iota3A : vector<512x1024xi32> to vector<512x1024xf32>
    %eq3A = vector.broadcast %get3A_27 : vector<512x1xf32> to vector<512x1024xf32>
    %eq3A_61 = arith.cmpf oeq, %convert_element_type3A, %eq3A : vector<512x1024xf32>
    %convert_element_type3A_62 = arith.extui %eq3A_61 : vector<512x1024xi1> to vector<512x1024xi32>
    %convert_element_type3A_63 = arith.sitofp %convert_element_type3A_62 : vector<512x1024xi32> to vector<512x1024xf32>
    %concatenate3A = tpu.concatenate %get3A_32, %get3A_37, %get3A_42 in 1 : vector<512x1xf32>, vector<512x1xf32>, vector<512x1xf32> -> vector<512x3xf32>
    %swap3A = arith.constant 0 : index
    %swap3A_64 = arith.constant 0 : index
    %swap3A_65 = arith.constant 0 : index
    %swap3A_66 = arith.constant 0 : index
    %swap3A_67 = vector.load %arg16[%swap3A, %swap3A_64, %swap3A_65, %swap3A_66] : memref<1x1x512x3xf32, #tpu.memory_space<vmem>>, vector<1x1x512x3xf32>
    %swap3A_68 = vector.shape_cast %swap3A_67 : vector<1x1x512x3xf32> to vector<512x3xf32>
    %swap3A_69 = vector.shape_cast %concatenate3A : vector<512x3xf32> to vector<1x1x512x3xf32>
    tpu.vector_store %arg16[%swap3A, %swap3A_64, %swap3A_65, %swap3A_66], %swap3A_69 {strides = array<i32>} : memref<1x1x512x3xf32, #tpu.memory_space<vmem>>, vector<1x1x512x3xf32>,
    %transpose3A = tpu.transpose %get3A_4, [1, 0] : vector<3x1024xf32> -> vector<1024x3xf32>
    %transpose3A_70 = tpu.transpose %get3A_10, [1, 0] : vector<3x1024xf32> -> vector<1024x3xf32>
    %dot_general3A = arith.constant dense<0.000000e+00> : vector<1024x64xf32>
    %dot_general3A_71 = tpu.matmul %get3A_16, %get3A_51, %dot_general3A {dimension_numbers = #tpu.dot_dimension_numbers<[1], [0], [0], [1], [0, 0, 1, 1], [], []>, transpose_lhs_hint = false} : vector<1024x64xf32>, vector<64x64xf32>, vector<1024x64xf32> -> vector<1024x64xf32>
    %dot_general3A_72 = arith.constant dense<0.000000e+00> : vector<1024x64xf32>
    %dot_general3A_73 = tpu.matmul %transpose3A, %get3A_45, %dot_general3A_72 {dimension_numbers = #tpu.dot_dimension_numbers<[1], [0], [0], [1], [0, 0, 1, 1], [], []>, transpose_lhs_hint = false} : vector<1024x3xf32>, vector<3x64xf32>, vector<1024x64xf32> -> vector<1024x64xf32>
    %sub3A = arith.subf %dot_general3A_71, %dot_general3A_73 : vector<1024x64xf32>
    %dot_general3A_74 = arith.constant dense<0.000000e+00> : vector<512x64xf32>
    %dot_general3A_75 = tpu.matmul %convert_element_type3A_63, %sub3A, %dot_general3A_74 {dimension_numbers = #tpu.dot_dimension_numbers<[1], [0], [0], [1], [0, 0, 1, 1], [], []>, transpose_lhs_hint = false} : vector<512x1024xf32>, vector<1024x64xf32>, vector<512x64xf32> -> vector<512x64xf32>
    %add3A = vector.broadcast %get3A_54 : vector<1x64xf32> to vector<512x64xf32>
    %add3A_76 = arith.addf %dot_general3A_75, %add3A : vector<512x64xf32>
    %dot_general3A_77 = arith.constant dense<0.000000e+00> : vector<1024x64xf32>
    %dot_general3A_78 = tpu.matmul %get3A_22, %get3A_48, %dot_general3A_77 {dimension_numbers = #tpu.dot_dimension_numbers<[1], [0], [0], [1], [0, 0, 1, 1], [], []>, transpose_lhs_hint = false} : vector<1024x64xf32>, vector<64x64xf32>, vector<1024x64xf32> -> vector<1024x64xf32>
    %dot_general3A_79 = arith.constant dense<0.000000e+00> : vector<1024x64xf32>
    %dot_general3A_80 = tpu.matmul %transpose3A_70, %get3A_45, %dot_general3A_79 {dimension_numbers = #tpu.dot_dimension_numbers<[1], [0], [0], [1], [0, 0, 1, 1], [], []>, transpose_lhs_hint = false} : vector<1024x3xf32>, vector<3x64xf32>, vector<1024x64xf32> -> vector<1024x64xf32>
    %add3A_81 = arith.addf %dot_general3A_78, %dot_general3A_80 : vector<1024x64xf32>
    %slice3A = vector.extract_strided_slice %get3A_10 {offsets = [0, 0], sizes = [1, 1024], strides = [1, 1]} : vector<3x1024xf32> to vector<1x1024xf32>
    %sub3A_82 = vector.broadcast %get3A_32 : vector<512x1xf32> to vector<512x1024xf32>
    %sub3A_83 = vector.broadcast %slice3A : vector<1x1024xf32> to vector<512x1024xf32>
    %sub3A_84 = arith.subf %sub3A_82, %sub3A_83 : vector<512x1024xf32>
    %slice3A_85 = vector.extract_strided_slice %get3A_10 {offsets = [1, 0], sizes = [1, 1024], strides = [1, 1]} : vector<3x1024xf32> to vector<1x1024xf32>
    %sub3A_86 = vector.broadcast %get3A_37 : vector<512x1xf32> to vector<512x1024xf32>
    %sub3A_87 = vector.broadcast %slice3A_85 : vector<1x1024xf32> to vector<512x1024xf32>
    %sub3A_88 = arith.subf %sub3A_86, %sub3A_87 : vector<512x1024xf32>
    %slice3A_89 = vector.extract_strided_slice %get3A_10 {offsets = [2, 0], sizes = [1, 1024], strides = [1, 1]} : vector<3x1024xf32> to vector<1x1024xf32>
    %sub3A_90 = vector.broadcast %get3A_42 : vector<512x1xf32> to vector<512x1024xf32>
    %sub3A_91 = vector.broadcast %slice3A_89 : vector<1x1024xf32> to vector<512x1024xf32>
    %sub3A_92 = arith.subf %sub3A_90, %sub3A_91 : vector<512x1024xf32>
    %mul3A = arith.mulf %sub3A_84, %sub3A_84 : vector<512x1024xf32>
    %mul3A_93 = arith.mulf %sub3A_88, %sub3A_88 : vector<512x1024xf32>
    %add3A_94 = arith.addf %mul3A, %mul3A_93 : vector<512x1024xf32>
    %mul3A_95 = arith.mulf %sub3A_92, %sub3A_92 : vector<512x1024xf32>
    %add3A_96 = arith.addf %add3A_94, %mul3A_95 : vector<512x1024xf32>
    %broadcast_in_dim3A = arith.constant 1.000000e+00 : f32
    %broadcast_in_dim3A_97 = vector.broadcast %broadcast_in_dim3A : f32 to vector<1024x1xf32>
    %convert_element_type3A_98 = arith.truncf %add3A_81 : vector<1024x64xf32> to vector<1024x64xbf16>
    %convert_element_type3A_99 = arith.truncf %get3A_57 : vector<64x128xf32> to vector<64x128xbf16>
    %reduce_min3A = arith.constant dense<0x7F800000> : vector<512xf32>
    %reduce_min3A_100 = vector.multi_reduction <minimumf>, %add3A_96, %reduce_min3A [1] : vector<512x1024xf32> to vector<512xf32>
    %broadcast_in_dim3A_101 = vector.shape_cast %reduce_min3A_100 : vector<512xf32> to vector<512x1xf32>
    %eq3A_102 = vector.broadcast %broadcast_in_dim3A_101 : vector<512x1xf32> to vector<512x1024xf32>
    %eq3A_103 = arith.cmpf oeq, %add3A_96, %eq3A_102 : vector<512x1024xf32>
    %jit3A = arith.constant 1.000000e+00 : f32
    %jit3A_104 = arith.constant 0.000000e+00 : f32
    %broadcast_in_dim3A_105 = vector.broadcast %jit3A : f32 to vector<512x1024xf32>
    %broadcast_in_dim3A_106 = vector.broadcast %jit3A_104 : f32 to vector<512x1024xf32>
    %select_n3A = arith.select %eq3A_103, %broadcast_in_dim3A_105, %broadcast_in_dim3A_106 : vector<512x1024xi1>, vector<512x1024xf32>
    %dot_general3A_107 = arith.constant dense<0.000000e+00> : vector<512x1xf32>
    %dot_general3A_108 = tpu.matmul %select_n3A, %broadcast_in_dim3A_97, %dot_general3A_107 {dimension_numbers = #tpu.dot_dimension_numbers<[1], [0], [0], [1], [0, 0, 1, 1], [], []>, transpose_lhs_hint = false} : vector<512x1024xf32>, vector<1024x1xf32>, vector<512x1xf32> -> vector<512x1xf32>
    %convert_element_type3A_109 = arith.truncf %select_n3A : vector<512x1024xf32> to vector<512x1024xbf16>
    %dot_general3A_110 = arith.constant dense<0.000000e+00> : vector<512x64xf32>
    %dot_general3A_111 = tpu.matmul %convert_element_type3A_109, %convert_element_type3A_98, %dot_general3A_110 {dimension_numbers = #tpu.dot_dimension_numbers<[1], [0], [0], [1], [0, 0, 1, 1], [], []>, transpose_lhs_hint = false} : vector<512x1024xbf16>, vector<1024x64xbf16>, vector<512x64xf32> -> vector<512x64xf32>
    %div3A = arith.constant 1.000000e+00 : f32
    %div3A_112 = vector.broadcast %div3A : f32 to vector<512x1xf32>
    %div3A_113 = arith.divf %div3A_112, %dot_general3A_108 : vector<512x1xf32>
    %mul3A_114 = vector.broadcast %div3A_113 : vector<512x1xf32> to vector<512x64xf32>
    %mul3A_115 = arith.mulf %dot_general3A_111, %mul3A_114 : vector<512x64xf32>
    %add3A_116 = arith.addf %mul3A_115, %add3A_76 : vector<512x64xf32>
    %max3A = arith.constant 0.000000e+00 : f32
    %max3A_117 = vector.broadcast %max3A : f32 to vector<512x64xf32>
    %max3A_118 = arith.maximumf %add3A_116, %max3A_117 : vector<512x64xf32>
    %convert_element_type3A_119 = arith.truncf %max3A_118 : vector<512x64xf32> to vector<512x64xbf16>
    %dot_general3A_120 = arith.constant dense<0.000000e+00> : vector<512x128xf32>
    %dot_general3A_121 = tpu.matmul %convert_element_type3A_119, %convert_element_type3A_99, %dot_general3A_120 {dimension_numbers = #tpu.dot_dimension_numbers<[1], [0], [0], [1], [0, 0, 1, 1], [], []>, transpose_lhs_hint = false} : vector<512x64xbf16>, vector<64x128xbf16>, vector<512x128xf32> -> vector<512x128xf32>
    %add3A_122 = vector.broadcast %get3A_60 : vector<1x128xf32> to vector<512x128xf32>
    %add3A_123 = arith.addf %dot_general3A_121, %add3A_122 : vector<512x128xf32>
    %max3A_124 = arith.constant 0.000000e+00 : f32
    %max3A_125 = vector.broadcast %max3A_124 : f32 to vector<512x128xf32>
    %max3A_126 = arith.maximumf %add3A_123, %max3A_125 : vector<512x128xf32>
    %jit3A_127 = arith.constant 3.000000e+38 : f32
    %broadcast_in_dim3A_128 = vector.broadcast %jit3A_127 : f32 to vector<512x1024xf32>
    %select_n3A_129 = arith.select %eq3A_103, %broadcast_in_dim3A_128, %add3A_96 : vector<512x1024xi1>, vector<512x1024xf32>
    %reduce_min3A_130 = arith.constant dense<0x7F800000> : vector<512xf32>
    %reduce_min3A_131 = vector.multi_reduction <minimumf>, %select_n3A_129, %reduce_min3A_130 [1] : vector<512x1024xf32> to vector<512xf32>
    %broadcast_in_dim3A_132 = vector.shape_cast %reduce_min3A_131 : vector<512xf32> to vector<512x1xf32>
    %eq3A_133 = vector.broadcast %broadcast_in_dim3A_132 : vector<512x1xf32> to vector<512x1024xf32>
    %eq3A_134 = arith.cmpf oeq, %select_n3A_129, %eq3A_133 : vector<512x1024xf32>
    %jit3A_135 = arith.constant 1.000000e+00 : f32
    %jit3A_136 = arith.constant 0.000000e+00 : f32
    %broadcast_in_dim3A_137 = vector.broadcast %jit3A_135 : f32 to vector<512x1024xf32>
    %broadcast_in_dim3A_138 = vector.broadcast %jit3A_136 : f32 to vector<512x1024xf32>
    %select_n3A_139 = arith.select %eq3A_134, %broadcast_in_dim3A_137, %broadcast_in_dim3A_138 : vector<512x1024xi1>, vector<512x1024xf32>
    %dot_general3A_140 = arith.constant dense<0.000000e+00> : vector<512x1xf32>
    %dot_general3A_141 = tpu.matmul %select_n3A_139, %broadcast_in_dim3A_97, %dot_general3A_140 {dimension_numbers = #tpu.dot_dimension_numbers<[1], [0], [0], [1], [0, 0, 1, 1], [], []>, transpose_lhs_hint = false} : vector<512x1024xf32>, vector<1024x1xf32>, vector<512x1xf32> -> vector<512x1xf32>
    %convert_element_type3A_142 = arith.truncf %select_n3A_139 : vector<512x1024xf32> to vector<512x1024xbf16>
    %dot_general3A_143 = arith.constant dense<0.000000e+00> : vector<512x64xf32>
    %dot_general3A_144 = tpu.matmul %convert_element_type3A_142, %convert_element_type3A_98, %dot_general3A_143 {dimension_numbers = #tpu.dot_dimension_numbers<[1], [0], [0], [1], [0, 0, 1, 1], [], []>, transpose_lhs_hint = false} : vector<512x1024xbf16>, vector<1024x64xbf16>, vector<512x64xf32> -> vector<512x64xf32>
    %div3A_145 = arith.constant 1.000000e+00 : f32
    %div3A_146 = vector.broadcast %div3A_145 : f32 to vector<512x1xf32>
    %div3A_147 = arith.divf %div3A_146, %dot_general3A_141 : vector<512x1xf32>
    %mul3A_148 = vector.broadcast %div3A_147 : vector<512x1xf32> to vector<512x64xf32>
    %mul3A_149 = arith.mulf %dot_general3A_144, %mul3A_148 : vector<512x64xf32>
    %add3A_150 = arith.addf %mul3A_149, %add3A_76 : vector<512x64xf32>
    %max3A_151 = arith.constant 0.000000e+00 : f32
    %max3A_152 = vector.broadcast %max3A_151 : f32 to vector<512x64xf32>
    %max3A_153 = arith.maximumf %add3A_150, %max3A_152 : vector<512x64xf32>
    %convert_element_type3A_154 = arith.truncf %max3A_153 : vector<512x64xf32> to vector<512x64xbf16>
    %dot_general3A_155 = arith.constant dense<0.000000e+00> : vector<512x128xf32>
    %dot_general3A_156 = tpu.matmul %convert_element_type3A_154, %convert_element_type3A_99, %dot_general3A_155 {dimension_numbers = #tpu.dot_dimension_numbers<[1], [0], [0], [1], [0, 0, 1, 1], [], []>, transpose_lhs_hint = false} : vector<512x64xbf16>, vector<64x128xbf16>, vector<512x128xf32> -> vector<512x128xf32>
    %add3A_157 = vector.broadcast %get3A_60 : vector<1x128xf32> to vector<512x128xf32>
    %add3A_158 = arith.addf %dot_general3A_156, %add3A_157 : vector<512x128xf32>
    %max3A_159 = arith.constant 0.000000e+00 : f32
    %max3A_160 = vector.broadcast %max3A_159 : f32 to vector<512x128xf32>
    %max3A_161 = arith.maximumf %add3A_158, %max3A_160 : vector<512x128xf32>
    %max3A_162 = arith.maximumf %max3A_126, %max3A_161 : vector<512x128xf32>
    %jit3A_163 = arith.constant 3.000000e+38 : f32
    %broadcast_in_dim3A_164 = vector.broadcast %jit3A_163 : f32 to vector<512x1024xf32>
    %select_n3A_165 = arith.select %eq3A_134, %broadcast_in_dim3A_164, %select_n3A_129 : vector<512x1024xi1>, vector<512x1024xf32>
    %reduce_min3A_166 = arith.constant dense<0x7F800000> : vector<512xf32>
    %reduce_min3A_167 = vector.multi_reduction <minimumf>, %select_n3A_165, %reduce_min3A_166 [1] : vector<512x1024xf32> to vector<512xf32>
    %broadcast_in_dim3A_168 = vector.shape_cast %reduce_min3A_167 : vector<512xf32> to vector<512x1xf32>
    %eq3A_169 = vector.broadcast %broadcast_in_dim3A_168 : vector<512x1xf32> to vector<512x1024xf32>
    %eq3A_170 = arith.cmpf oeq, %select_n3A_165, %eq3A_169 : vector<512x1024xf32>
    %jit3A_171 = arith.constant 1.000000e+00 : f32
    %jit3A_172 = arith.constant 0.000000e+00 : f32
    %broadcast_in_dim3A_173 = vector.broadcast %jit3A_171 : f32 to vector<512x1024xf32>
    %broadcast_in_dim3A_174 = vector.broadcast %jit3A_172 : f32 to vector<512x1024xf32>
    %select_n3A_175 = arith.select %eq3A_170, %broadcast_in_dim3A_173, %broadcast_in_dim3A_174 : vector<512x1024xi1>, vector<512x1024xf32>
    %dot_general3A_176 = arith.constant dense<0.000000e+00> : vector<512x1xf32>
    %dot_general3A_177 = tpu.matmul %select_n3A_175, %broadcast_in_dim3A_97, %dot_general3A_176 {dimension_numbers = #tpu.dot_dimension_numbers<[1], [0], [0], [1], [0, 0, 1, 1], [], []>, transpose_lhs_hint = false} : vector<512x1024xf32>, vector<1024x1xf32>, vector<512x1xf32> -> vector<512x1xf32>
    %convert_element_type3A_178 = arith.truncf %select_n3A_175 : vector<512x1024xf32> to vector<512x1024xbf16>
    %dot_general3A_179 = arith.constant dense<0.000000e+00> : vector<512x64xf32>
    %dot_general3A_180 = tpu.matmul %convert_element_type3A_178, %convert_element_type3A_98, %dot_general3A_179 {dimension_numbers = #tpu.dot_dimension_numbers<[1], [0], [0], [1], [0, 0, 1, 1], [], []>, transpose_lhs_hint = false} : vector<512x1024xbf16>, vector<1024x64xbf16>, vector<512x64xf32> -> vector<512x64xf32>
    %div3A_181 = arith.constant 1.000000e+00 : f32
    %div3A_182 = vector.broadcast %div3A_181 : f32 to vector<512x1xf32>
    %div3A_183 = arith.divf %div3A_182, %dot_general3A_177 : vector<512x1xf32>
    %mul3A_184 = vector.broadcast %div3A_183 : vector<512x1xf32> to vector<512x64xf32>
    %mul3A_185 = arith.mulf %dot_general3A_180, %mul3A_184 : vector<512x64xf32>
    %add3A_186 = arith.addf %mul3A_185, %add3A_76 : vector<512x64xf32>
    %max3A_187 = arith.constant 0.000000e+00 : f32
    %max3A_188 = vector.broadcast %max3A_187 : f32 to vector<512x64xf32>
    %max3A_189 = arith.maximumf %add3A_186, %max3A_188 : vector<512x64xf32>
    %convert_element_type3A_190 = arith.truncf %max3A_189 : vector<512x64xf32> to vector<512x64xbf16>
    %dot_general3A_191 = arith.constant dense<0.000000e+00> : vector<512x128xf32>
    %dot_general3A_192 = tpu.matmul %convert_element_type3A_190, %convert_element_type3A_99, %dot_general3A_191 {dimension_numbers = #tpu.dot_dimension_numbers<[1], [0], [0], [1], [0, 0, 1, 1], [], []>, transpose_lhs_hint = false} : vector<512x64xbf16>, vector<64x128xbf16>, vector<512x128xf32> -> vector<512x128xf32>
    %add3A_193 = vector.broadcast %get3A_60 : vector<1x128xf32> to vector<512x128xf32>
    %add3A_194 = arith.addf %dot_general3A_192, %add3A_193 : vector<512x128xf32>
    %max3A_195 = arith.constant 0.000000e+00 : f32
    %max3A_196 = vector.broadcast %max3A_195 : f32 to vector<512x128xf32>
    %max3A_197 = arith.maximumf %add3A_194, %max3A_196 : vector<512x128xf32>
    %max3A_198 = arith.maximumf %max3A_162, %max3A_197 : vector<512x128xf32>
    %jit3A_199 = arith.constant 3.000000e+38 : f32
    %broadcast_in_dim3A_200 = vector.broadcast %jit3A_199 : f32 to vector<512x1024xf32>
    %select_n3A_201 = arith.select %eq3A_170, %broadcast_in_dim3A_200, %select_n3A_165 : vector<512x1024xi1>, vector<512x1024xf32>
    %reduce_min3A_202 = arith.constant dense<0x7F800000> : vector<512xf32>
    %reduce_min3A_203 = vector.multi_reduction <minimumf>, %select_n3A_201, %reduce_min3A_202 [1] : vector<512x1024xf32> to vector<512xf32>
    %broadcast_in_dim3A_204 = vector.shape_cast %reduce_min3A_203 : vector<512xf32> to vector<512x1xf32>
    %eq3A_205 = vector.broadcast %broadcast_in_dim3A_204 : vector<512x1xf32> to vector<512x1024xf32>
    %eq3A_206 = arith.cmpf oeq, %select_n3A_201, %eq3A_205 : vector<512x1024xf32>
    %jit3A_207 = arith.constant 1.000000e+00 : f32
    %jit3A_208 = arith.constant 0.000000e+00 : f32
    %broadcast_in_dim3A_209 = vector.broadcast %jit3A_207 : f32 to vector<512x1024xf32>
    %broadcast_in_dim3A_210 = vector.broadcast %jit3A_208 : f32 to vector<512x1024xf32>
    %select_n3A_211 = arith.select %eq3A_206, %broadcast_in_dim3A_209, %broadcast_in_dim3A_210 : vector<512x1024xi1>, vector<512x1024xf32>
    %dot_general3A_212 = arith.constant dense<0.000000e+00> : vector<512x1xf32>
    %dot_general3A_213 = tpu.matmul %select_n3A_211, %broadcast_in_dim3A_97, %dot_general3A_212 {dimension_numbers = #tpu.dot_dimension_numbers<[1], [0], [0], [1], [0, 0, 1, 1], [], []>, transpose_lhs_hint = false} : vector<512x1024xf32>, vector<1024x1xf32>, vector<512x1xf32> -> vector<512x1xf32>
    %convert_element_type3A_214 = arith.truncf %select_n3A_211 : vector<512x1024xf32> to vector<512x1024xbf16>
    %dot_general3A_215 = arith.constant dense<0.000000e+00> : vector<512x64xf32>
    %dot_general3A_216 = tpu.matmul %convert_element_type3A_214, %convert_element_type3A_98, %dot_general3A_215 {dimension_numbers = #tpu.dot_dimension_numbers<[1], [0], [0], [1], [0, 0, 1, 1], [], []>, transpose_lhs_hint = false} : vector<512x1024xbf16>, vector<1024x64xbf16>, vector<512x64xf32> -> vector<512x64xf32>
    %div3A_217 = arith.constant 1.000000e+00 : f32
    %div3A_218 = vector.broadcast %div3A_217 : f32 to vector<512x1xf32>
    %div3A_219 = arith.divf %div3A_218, %dot_general3A_213 : vector<512x1xf32>
    %mul3A_220 = vector.broadcast %div3A_219 : vector<512x1xf32> to vector<512x64xf32>
    %mul3A_221 = arith.mulf %dot_general3A_216, %mul3A_220 : vector<512x64xf32>
    %add3A_222 = arith.addf %mul3A_221, %add3A_76 : vector<512x64xf32>
    %max3A_223 = arith.constant 0.000000e+00 : f32
    %max3A_224 = vector.broadcast %max3A_223 : f32 to vector<512x64xf32>
    %max3A_225 = arith.maximumf %add3A_222, %max3A_224 : vector<512x64xf32>
    %convert_element_type3A_226 = arith.truncf %max3A_225 : vector<512x64xf32> to vector<512x64xbf16>
    %dot_general3A_227 = arith.constant dense<0.000000e+00> : vector<512x128xf32>
    %dot_general3A_228 = tpu.matmul %convert_element_type3A_226, %convert_element_type3A_99, %dot_general3A_227 {dimension_numbers = #tpu.dot_dimension_numbers<[1], [0], [0], [1], [0, 0, 1, 1], [], []>, transpose_lhs_hint = false} : vector<512x64xbf16>, vector<64x128xbf16>, vector<512x128xf32> -> vector<512x128xf32>
    %add3A_229 = vector.broadcast %get3A_60 : vector<1x128xf32> to vector<512x128xf32>
    %add3A_230 = arith.addf %dot_general3A_228, %add3A_229 : vector<512x128xf32>
    %max3A_231 = arith.constant 0.000000e+00 : f32
    %max3A_232 = vector.broadcast %max3A_231 : f32 to vector<512x128xf32>
    %max3A_233 = arith.maximumf %add3A_230, %max3A_232 : vector<512x128xf32>
    %max3A_234 = arith.maximumf %max3A_198, %max3A_233 : vector<512x128xf32>
    %jit3A_235 = arith.constant 3.000000e+38 : f32
    %broadcast_in_dim3A_236 = vector.broadcast %jit3A_235 : f32 to vector<512x1024xf32>
    %select_n3A_237 = arith.select %eq3A_206, %broadcast_in_dim3A_236, %select_n3A_201 : vector<512x1024xi1>, vector<512x1024xf32>
    %reduce_min3A_238 = arith.constant dense<0x7F800000> : vector<512xf32>
    %reduce_min3A_239 = vector.multi_reduction <minimumf>, %select_n3A_237, %reduce_min3A_238 [1] : vector<512x1024xf32> to vector<512xf32>
    %broadcast_in_dim3A_240 = vector.shape_cast %reduce_min3A_239 : vector<512xf32> to vector<512x1xf32>
    %eq3A_241 = vector.broadcast %broadcast_in_dim3A_240 : vector<512x1xf32> to vector<512x1024xf32>
    %eq3A_242 = arith.cmpf oeq, %select_n3A_237, %eq3A_241 : vector<512x1024xf32>
    %jit3A_243 = arith.constant 1.000000e+00 : f32
    %jit3A_244 = arith.constant 0.000000e+00 : f32
    %broadcast_in_dim3A_245 = vector.broadcast %jit3A_243 : f32 to vector<512x1024xf32>
    %broadcast_in_dim3A_246 = vector.broadcast %jit3A_244 : f32 to vector<512x1024xf32>
    %select_n3A_247 = arith.select %eq3A_242, %broadcast_in_dim3A_245, %broadcast_in_dim3A_246 : vector<512x1024xi1>, vector<512x1024xf32>
    %dot_general3A_248 = arith.constant dense<0.000000e+00> : vector<512x1xf32>
    %dot_general3A_249 = tpu.matmul %select_n3A_247, %broadcast_in_dim3A_97, %dot_general3A_248 {dimension_numbers = #tpu.dot_dimension_numbers<[1], [0], [0], [1], [0, 0, 1, 1], [], []>, transpose_lhs_hint = false} : vector<512x1024xf32>, vector<1024x1xf32>, vector<512x1xf32> -> vector<512x1xf32>
    %convert_element_type3A_250 = arith.truncf %select_n3A_247 : vector<512x1024xf32> to vector<512x1024xbf16>
    %dot_general3A_251 = arith.constant dense<0.000000e+00> : vector<512x64xf32>
    %dot_general3A_252 = tpu.matmul %convert_element_type3A_250, %convert_element_type3A_98, %dot_general3A_251 {dimension_numbers = #tpu.dot_dimension_numbers<[1], [0], [0], [1], [0, 0, 1, 1], [], []>, transpose_lhs_hint = false} : vector<512x1024xbf16>, vector<1024x64xbf16>, vector<512x64xf32> -> vector<512x64xf32>
    %div3A_253 = arith.constant 1.000000e+00 : f32
    %div3A_254 = vector.broadcast %div3A_253 : f32 to vector<512x1xf32>
    %div3A_255 = arith.divf %div3A_254, %dot_general3A_249 : vector<512x1xf32>
    %mul3A_256 = vector.broadcast %div3A_255 : vector<512x1xf32> to vector<512x64xf32>
    %mul3A_257 = arith.mulf %dot_general3A_252, %mul3A_256 : vector<512x64xf32>
    %add3A_258 = arith.addf %mul3A_257, %add3A_76 : vector<512x64xf32>
    %max3A_259 = arith.constant 0.000000e+00 : f32
    %max3A_260 = vector.broadcast %max3A_259 : f32 to vector<512x64xf32>
    %max3A_261 = arith.maximumf %add3A_258, %max3A_260 : vector<512x64xf32>
    %convert_element_type3A_262 = arith.truncf %max3A_261 : vector<512x64xf32> to vector<512x64xbf16>
    %dot_general3A_263 = arith.constant dense<0.000000e+00> : vector<512x128xf32>
    %dot_general3A_264 = tpu.matmul %convert_element_type3A_262, %convert_element_type3A_99, %dot_general3A_263 {dimension_numbers = #tpu.dot_dimension_numbers<[1], [0], [0], [1], [0, 0, 1, 1], [], []>, transpose_lhs_hint = false} : vector<512x64xbf16>, vector<64x128xbf16>, vector<512x128xf32> -> vector<512x128xf32>
    %add3A_265 = vector.broadcast %get3A_60 : vector<1x128xf32> to vector<512x128xf32>
    %add3A_266 = arith.addf %dot_general3A_264, %add3A_265 : vector<512x128xf32>
    %max3A_267 = arith.constant 0.000000e+00 : f32
    %max3A_268 = vector.broadcast %max3A_267 : f32 to vector<512x128xf32>
    %max3A_269 = arith.maximumf %add3A_266, %max3A_268 : vector<512x128xf32>
    %max3A_270 = arith.maximumf %max3A_234, %max3A_269 : vector<512x128xf32>
    %jit3A_271 = arith.constant 3.000000e+38 : f32
    %broadcast_in_dim3A_272 = vector.broadcast %jit3A_271 : f32 to vector<512x1024xf32>
    %select_n3A_273 = arith.select %eq3A_242, %broadcast_in_dim3A_272, %select_n3A_237 : vector<512x1024xi1>, vector<512x1024xf32>
    %reduce_min3A_274 = arith.constant dense<0x7F800000> : vector<512xf32>
    %reduce_min3A_275 = vector.multi_reduction <minimumf>, %select_n3A_273, %reduce_min3A_274 [1] : vector<512x1024xf32> to vector<512xf32>
    %broadcast_in_dim3A_276 = vector.shape_cast %reduce_min3A_275 : vector<512xf32> to vector<512x1xf32>
    %eq3A_277 = vector.broadcast %broadcast_in_dim3A_276 : vector<512x1xf32> to vector<512x1024xf32>
    %eq3A_278 = arith.cmpf oeq, %select_n3A_273, %eq3A_277 : vector<512x1024xf32>
    %jit3A_279 = arith.constant 1.000000e+00 : f32
    %jit3A_280 = arith.constant 0.000000e+00 : f32
    %broadcast_in_dim3A_281 = vector.broadcast %jit3A_279 : f32 to vector<512x1024xf32>
    %broadcast_in_dim3A_282 = vector.broadcast %jit3A_280 : f32 to vector<512x1024xf32>
    %select_n3A_283 = arith.select %eq3A_278, %broadcast_in_dim3A_281, %broadcast_in_dim3A_282 : vector<512x1024xi1>, vector<512x1024xf32>
    %dot_general3A_284 = arith.constant dense<0.000000e+00> : vector<512x1xf32>
    %dot_general3A_285 = tpu.matmul %select_n3A_283, %broadcast_in_dim3A_97, %dot_general3A_284 {dimension_numbers = #tpu.dot_dimension_numbers<[1], [0], [0], [1], [0, 0, 1, 1], [], []>, transpose_lhs_hint = false} : vector<512x1024xf32>, vector<1024x1xf32>, vector<512x1xf32> -> vector<512x1xf32>
    %convert_element_type3A_286 = arith.truncf %select_n3A_283 : vector<512x1024xf32> to vector<512x1024xbf16>
    %dot_general3A_287 = arith.constant dense<0.000000e+00> : vector<512x64xf32>
    %dot_general3A_288 = tpu.matmul %convert_element_type3A_286, %convert_element_type3A_98, %dot_general3A_287 {dimension_numbers = #tpu.dot_dimension_numbers<[1], [0], [0], [1], [0, 0, 1, 1], [], []>, transpose_lhs_hint = false} : vector<512x1024xbf16>, vector<1024x64xbf16>, vector<512x64xf32> -> vector<512x64xf32>
    %div3A_289 = arith.constant 1.000000e+00 : f32
    %div3A_290 = vector.broadcast %div3A_289 : f32 to vector<512x1xf32>
    %div3A_291 = arith.divf %div3A_290, %dot_general3A_285 : vector<512x1xf32>
    %mul3A_292 = vector.broadcast %div3A_291 : vector<512x1xf32> to vector<512x64xf32>
    %mul3A_293 = arith.mulf %dot_general3A_288, %mul3A_292 : vector<512x64xf32>
    %add3A_294 = arith.addf %mul3A_293, %add3A_76 : vector<512x64xf32>
    %max3A_295 = arith.constant 0.000000e+00 : f32
    %max3A_296 = vector.broadcast %max3A_295 : f32 to vector<512x64xf32>
    %max3A_297 = arith.maximumf %add3A_294, %max3A_296 : vector<512x64xf32>
    %convert_element_type3A_298 = arith.truncf %max3A_297 : vector<512x64xf32> to vector<512x64xbf16>
    %dot_general3A_299 = arith.constant dense<0.000000e+00> : vector<512x128xf32>
    %dot_general3A_300 = tpu.matmul %convert_element_type3A_298, %convert_element_type3A_99, %dot_general3A_299 {dimension_numbers = #tpu.dot_dimension_numbers<[1], [0], [0], [1], [0, 0, 1, 1], [], []>, transpose_lhs_hint = false} : vector<512x64xbf16>, vector<64x128xbf16>, vector<512x128xf32> -> vector<512x128xf32>
    %add3A_301 = vector.broadcast %get3A_60 : vector<1x128xf32> to vector<512x128xf32>
    %add3A_302 = arith.addf %dot_general3A_300, %add3A_301 : vector<512x128xf32>
    %max3A_303 = arith.constant 0.000000e+00 : f32
    %max3A_304 = vector.broadcast %max3A_303 : f32 to vector<512x128xf32>
    %max3A_305 = arith.maximumf %add3A_302, %max3A_304 : vector<512x128xf32>
    %max3A_306 = arith.maximumf %max3A_270, %max3A_305 : vector<512x128xf32>
    %jit3A_307 = arith.constant 3.000000e+38 : f32
    %broadcast_in_dim3A_308 = vector.broadcast %jit3A_307 : f32 to vector<512x1024xf32>
    %select_n3A_309 = arith.select %eq3A_278, %broadcast_in_dim3A_308, %select_n3A_273 : vector<512x1024xi1>, vector<512x1024xf32>
    %reduce_min3A_310 = arith.constant dense<0x7F800000> : vector<512xf32>
    %reduce_min3A_311 = vector.multi_reduction <minimumf>, %select_n3A_309, %reduce_min3A_310 [1] : vector<512x1024xf32> to vector<512xf32>
    %broadcast_in_dim3A_312 = vector.shape_cast %reduce_min3A_311 : vector<512xf32> to vector<512x1xf32>
    %eq3A_313 = vector.broadcast %broadcast_in_dim3A_312 : vector<512x1xf32> to vector<512x1024xf32>
    %eq3A_314 = arith.cmpf oeq, %select_n3A_309, %eq3A_313 : vector<512x1024xf32>
    %jit3A_315 = arith.constant 1.000000e+00 : f32
    %jit3A_316 = arith.constant 0.000000e+00 : f32
    %broadcast_in_dim3A_317 = vector.broadcast %jit3A_315 : f32 to vector<512x1024xf32>
    %broadcast_in_dim3A_318 = vector.broadcast %jit3A_316 : f32 to vector<512x1024xf32>
    %select_n3A_319 = arith.select %eq3A_314, %broadcast_in_dim3A_317, %broadcast_in_dim3A_318 : vector<512x1024xi1>, vector<512x1024xf32>
    %dot_general3A_320 = arith.constant dense<0.000000e+00> : vector<512x1xf32>
    %dot_general3A_321 = tpu.matmul %select_n3A_319, %broadcast_in_dim3A_97, %dot_general3A_320 {dimension_numbers = #tpu.dot_dimension_numbers<[1], [0], [0], [1], [0, 0, 1, 1], [], []>, transpose_lhs_hint = false} : vector<512x1024xf32>, vector<1024x1xf32>, vector<512x1xf32> -> vector<512x1xf32>
    %convert_element_type3A_322 = arith.truncf %select_n3A_319 : vector<512x1024xf32> to vector<512x1024xbf16>
    %dot_general3A_323 = arith.constant dense<0.000000e+00> : vector<512x64xf32>
    %dot_general3A_324 = tpu.matmul %convert_element_type3A_322, %convert_element_type3A_98, %dot_general3A_323 {dimension_numbers = #tpu.dot_dimension_numbers<[1], [0], [0], [1], [0, 0, 1, 1], [], []>, transpose_lhs_hint = false} : vector<512x1024xbf16>, vector<1024x64xbf16>, vector<512x64xf32> -> vector<512x64xf32>
    %div3A_325 = arith.constant 1.000000e+00 : f32
    %div3A_326 = vector.broadcast %div3A_325 : f32 to vector<512x1xf32>
    %div3A_327 = arith.divf %div3A_326, %dot_general3A_321 : vector<512x1xf32>
    %mul3A_328 = vector.broadcast %div3A_327 : vector<512x1xf32> to vector<512x64xf32>
    %mul3A_329 = arith.mulf %dot_general3A_324, %mul3A_328 : vector<512x64xf32>
    %add3A_330 = arith.addf %mul3A_329, %add3A_76 : vector<512x64xf32>
    %max3A_331 = arith.constant 0.000000e+00 : f32
    %max3A_332 = vector.broadcast %max3A_331 : f32 to vector<512x64xf32>
    %max3A_333 = arith.maximumf %add3A_330, %max3A_332 : vector<512x64xf32>
    %convert_element_type3A_334 = arith.truncf %max3A_333 : vector<512x64xf32> to vector<512x64xbf16>
    %dot_general3A_335 = arith.constant dense<0.000000e+00> : vector<512x128xf32>
    %dot_general3A_336 = tpu.matmul %convert_element_type3A_334, %convert_element_type3A_99, %dot_general3A_335 {dimension_numbers = #tpu.dot_dimension_numbers<[1], [0], [0], [1], [0, 0, 1, 1], [], []>, transpose_lhs_hint = false} : vector<512x64xbf16>, vector<64x128xbf16>, vector<512x128xf32> -> vector<512x128xf32>
    %add3A_337 = vector.broadcast %get3A_60 : vector<1x128xf32> to vector<512x128xf32>
    %add3A_338 = arith.addf %dot_general3A_336, %add3A_337 : vector<512x128xf32>
    %max3A_339 = arith.constant 0.000000e+00 : f32
    %max3A_340 = vector.broadcast %max3A_339 : f32 to vector<512x128xf32>
    %max3A_341 = arith.maximumf %add3A_338, %max3A_340 : vector<512x128xf32>
    %max3A_342 = arith.maximumf %max3A_306, %max3A_341 : vector<512x128xf32>
    %jit3A_343 = arith.constant 3.000000e+38 : f32
    %broadcast_in_dim3A_344 = vector.broadcast %jit3A_343 : f32 to vector<512x1024xf32>
    %select_n3A_345 = arith.select %eq3A_314, %broadcast_in_dim3A_344, %select_n3A_309 : vector<512x1024xi1>, vector<512x1024xf32>
    %reduce_min3A_346 = arith.constant dense<0x7F800000> : vector<512xf32>
    %reduce_min3A_347 = vector.multi_reduction <minimumf>, %select_n3A_345, %reduce_min3A_346 [1] : vector<512x1024xf32> to vector<512xf32>
    %broadcast_in_dim3A_348 = vector.shape_cast %reduce_min3A_347 : vector<512xf32> to vector<512x1xf32>
    %eq3A_349 = vector.broadcast %broadcast_in_dim3A_348 : vector<512x1xf32> to vector<512x1024xf32>
    %eq3A_350 = arith.cmpf oeq, %select_n3A_345, %eq3A_349 : vector<512x1024xf32>
    %jit3A_351 = arith.constant 1.000000e+00 : f32
    %jit3A_352 = arith.constant 0.000000e+00 : f32
    %broadcast_in_dim3A_353 = vector.broadcast %jit3A_351 : f32 to vector<512x1024xf32>
    %broadcast_in_dim3A_354 = vector.broadcast %jit3A_352 : f32 to vector<512x1024xf32>
    %select_n3A_355 = arith.select %eq3A_350, %broadcast_in_dim3A_353, %broadcast_in_dim3A_354 : vector<512x1024xi1>, vector<512x1024xf32>
    %dot_general3A_356 = arith.constant dense<0.000000e+00> : vector<512x1xf32>
    %dot_general3A_357 = tpu.matmul %select_n3A_355, %broadcast_in_dim3A_97, %dot_general3A_356 {dimension_numbers = #tpu.dot_dimension_numbers<[1], [0], [0], [1], [0, 0, 1, 1], [], []>, transpose_lhs_hint = false} : vector<512x1024xf32>, vector<1024x1xf32>, vector<512x1xf32> -> vector<512x1xf32>
    %convert_element_type3A_358 = arith.truncf %select_n3A_355 : vector<512x1024xf32> to vector<512x1024xbf16>
    %dot_general3A_359 = arith.constant dense<0.000000e+00> : vector<512x64xf32>
    %dot_general3A_360 = tpu.matmul %convert_element_type3A_358, %convert_element_type3A_98, %dot_general3A_359 {dimension_numbers = #tpu.dot_dimension_numbers<[1], [0], [0], [1], [0, 0, 1, 1], [], []>, transpose_lhs_hint = false} : vector<512x1024xbf16>, vector<1024x64xbf16>, vector<512x64xf32> -> vector<512x64xf32>
    %div3A_361 = arith.constant 1.000000e+00 : f32
    %div3A_362 = vector.broadcast %div3A_361 : f32 to vector<512x1xf32>
    %div3A_363 = arith.divf %div3A_362, %dot_general3A_357 : vector<512x1xf32>
    %mul3A_364 = vector.broadcast %div3A_363 : vector<512x1xf32> to vector<512x64xf32>
    %mul3A_365 = arith.mulf %dot_general3A_360, %mul3A_364 : vector<512x64xf32>
    %add3A_366 = arith.addf %mul3A_365, %add3A_76 : vector<512x64xf32>
    %max3A_367 = arith.constant 0.000000e+00 : f32
    %max3A_368 = vector.broadcast %max3A_367 : f32 to vector<512x64xf32>
    %max3A_369 = arith.maximumf %add3A_366, %max3A_368 : vector<512x64xf32>
    %convert_element_type3A_370 = arith.truncf %max3A_369 : vector<512x64xf32> to vector<512x64xbf16>
    %dot_general3A_371 = arith.constant dense<0.000000e+00> : vector<512x128xf32>
    %dot_general3A_372 = tpu.matmul %convert_element_type3A_370, %convert_element_type3A_99, %dot_general3A_371 {dimension_numbers = #tpu.dot_dimension_numbers<[1], [0], [0], [1], [0, 0, 1, 1], [], []>, transpose_lhs_hint = false} : vector<512x64xbf16>, vector<64x128xbf16>, vector<512x128xf32> -> vector<512x128xf32>
    %add3A_373 = vector.broadcast %get3A_60 : vector<1x128xf32> to vector<512x128xf32>
    %add3A_374 = arith.addf %dot_general3A_372, %add3A_373 : vector<512x128xf32>
    %max3A_375 = arith.constant 0.000000e+00 : f32
    %max3A_376 = vector.broadcast %max3A_375 : f32 to vector<512x128xf32>
    %max3A_377 = arith.maximumf %add3A_374, %max3A_376 : vector<512x128xf32>
    %max3A_378 = arith.maximumf %max3A_342, %max3A_377 : vector<512x128xf32>
    %jit3A_379 = arith.constant 3.000000e+38 : f32
    %broadcast_in_dim3A_380 = vector.broadcast %jit3A_379 : f32 to vector<512x1024xf32>
    %select_n3A_381 = arith.select %eq3A_350, %broadcast_in_dim3A_380, %select_n3A_345 : vector<512x1024xi1>, vector<512x1024xf32>
    %reduce_min3A_382 = arith.constant dense<0x7F800000> : vector<512xf32>
    %reduce_min3A_383 = vector.multi_reduction <minimumf>, %select_n3A_381, %reduce_min3A_382 [1] : vector<512x1024xf32> to vector<512xf32>
    %broadcast_in_dim3A_384 = vector.shape_cast %reduce_min3A_383 : vector<512xf32> to vector<512x1xf32>
    %eq3A_385 = vector.broadcast %broadcast_in_dim3A_384 : vector<512x1xf32> to vector<512x1024xf32>
    %eq3A_386 = arith.cmpf oeq, %select_n3A_381, %eq3A_385 : vector<512x1024xf32>
    %jit3A_387 = arith.constant 1.000000e+00 : f32
    %jit3A_388 = arith.constant 0.000000e+00 : f32
    %broadcast_in_dim3A_389 = vector.broadcast %jit3A_387 : f32 to vector<512x1024xf32>
    %broadcast_in_dim3A_390 = vector.broadcast %jit3A_388 : f32 to vector<512x1024xf32>
    %select_n3A_391 = arith.select %eq3A_386, %broadcast_in_dim3A_389, %broadcast_in_dim3A_390 : vector<512x1024xi1>, vector<512x1024xf32>
    %dot_general3A_392 = arith.constant dense<0.000000e+00> : vector<512x1xf32>
    %dot_general3A_393 = tpu.matmul %select_n3A_391, %broadcast_in_dim3A_97, %dot_general3A_392 {dimension_numbers = #tpu.dot_dimension_numbers<[1], [0], [0], [1], [0, 0, 1, 1], [], []>, transpose_lhs_hint = false} : vector<512x1024xf32>, vector<1024x1xf32>, vector<512x1xf32> -> vector<512x1xf32>
    %convert_element_type3A_394 = arith.truncf %select_n3A_391 : vector<512x1024xf32> to vector<512x1024xbf16>
    %dot_general3A_395 = arith.constant dense<0.000000e+00> : vector<512x64xf32>
    %dot_general3A_396 = tpu.matmul %convert_element_type3A_394, %convert_element_type3A_98, %dot_general3A_395 {dimension_numbers = #tpu.dot_dimension_numbers<[1], [0], [0], [1], [0, 0, 1, 1], [], []>, transpose_lhs_hint = false} : vector<512x1024xbf16>, vector<1024x64xbf16>, vector<512x64xf32> -> vector<512x64xf32>
    %div3A_397 = arith.constant 1.000000e+00 : f32
    %div3A_398 = vector.broadcast %div3A_397 : f32 to vector<512x1xf32>
    %div3A_399 = arith.divf %div3A_398, %dot_general3A_393 : vector<512x1xf32>
    %mul3A_400 = vector.broadcast %div3A_399 : vector<512x1xf32> to vector<512x64xf32>
    %mul3A_401 = arith.mulf %dot_general3A_396, %mul3A_400 : vector<512x64xf32>
    %add3A_402 = arith.addf %mul3A_401, %add3A_76 : vector<512x64xf32>
    %max3A_403 = arith.constant 0.000000e+00 : f32
    %max3A_404 = vector.broadcast %max3A_403 : f32 to vector<512x64xf32>
    %max3A_405 = arith.maximumf %add3A_402, %max3A_404 : vector<512x64xf32>
    %convert_element_type3A_406 = arith.truncf %max3A_405 : vector<512x64xf32> to vector<512x64xbf16>
    %dot_general3A_407 = arith.constant dense<0.000000e+00> : vector<512x128xf32>
    %dot_general3A_408 = tpu.matmul %convert_element_type3A_406, %convert_element_type3A_99, %dot_general3A_407 {dimension_numbers = #tpu.dot_dimension_numbers<[1], [0], [0], [1], [0, 0, 1, 1], [], []>, transpose_lhs_hint = false} : vector<512x64xbf16>, vector<64x128xbf16>, vector<512x128xf32> -> vector<512x128xf32>
    %add3A_409 = vector.broadcast %get3A_60 : vector<1x128xf32> to vector<512x128xf32>
    %add3A_410 = arith.addf %dot_general3A_408, %add3A_409 : vector<512x128xf32>
    %max3A_411 = arith.constant 0.000000e+00 : f32
    %max3A_412 = vector.broadcast %max3A_411 : f32 to vector<512x128xf32>
    %max3A_413 = arith.maximumf %add3A_410, %max3A_412 : vector<512x128xf32>
    %max3A_414 = arith.maximumf %max3A_378, %max3A_413 : vector<512x128xf32>
    %jit3A_415 = arith.constant 3.000000e+38 : f32
    %broadcast_in_dim3A_416 = vector.broadcast %jit3A_415 : f32 to vector<512x1024xf32>
    %select_n3A_417 = arith.select %eq3A_386, %broadcast_in_dim3A_416, %select_n3A_381 : vector<512x1024xi1>, vector<512x1024xf32>
    %reduce_min3A_418 = arith.constant dense<0x7F800000> : vector<512xf32>
    %reduce_min3A_419 = vector.multi_reduction <minimumf>, %select_n3A_417, %reduce_min3A_418 [1] : vector<512x1024xf32> to vector<512xf32>
    %broadcast_in_dim3A_420 = vector.shape_cast %reduce_min3A_419 : vector<512xf32> to vector<512x1xf32>
    %eq3A_421 = vector.broadcast %broadcast_in_dim3A_420 : vector<512x1xf32> to vector<512x1024xf32>
    %eq3A_422 = arith.cmpf oeq, %select_n3A_417, %eq3A_421 : vector<512x1024xf32>
    %jit3A_423 = arith.constant 1.000000e+00 : f32
    %jit3A_424 = arith.constant 0.000000e+00 : f32
    %broadcast_in_dim3A_425 = vector.broadcast %jit3A_423 : f32 to vector<512x1024xf32>
    %broadcast_in_dim3A_426 = vector.broadcast %jit3A_424 : f32 to vector<512x1024xf32>
    %select_n3A_427 = arith.select %eq3A_422, %broadcast_in_dim3A_425, %broadcast_in_dim3A_426 : vector<512x1024xi1>, vector<512x1024xf32>
    %dot_general3A_428 = arith.constant dense<0.000000e+00> : vector<512x1xf32>
    %dot_general3A_429 = tpu.matmul %select_n3A_427, %broadcast_in_dim3A_97, %dot_general3A_428 {dimension_numbers = #tpu.dot_dimension_numbers<[1], [0], [0], [1], [0, 0, 1, 1], [], []>, transpose_lhs_hint = false} : vector<512x1024xf32>, vector<1024x1xf32>, vector<512x1xf32> -> vector<512x1xf32>
    %convert_element_type3A_430 = arith.truncf %select_n3A_427 : vector<512x1024xf32> to vector<512x1024xbf16>
    %dot_general3A_431 = arith.constant dense<0.000000e+00> : vector<512x64xf32>
    %dot_general3A_432 = tpu.matmul %convert_element_type3A_430, %convert_element_type3A_98, %dot_general3A_431 {dimension_numbers = #tpu.dot_dimension_numbers<[1], [0], [0], [1], [0, 0, 1, 1], [], []>, transpose_lhs_hint = false} : vector<512x1024xbf16>, vector<1024x64xbf16>, vector<512x64xf32> -> vector<512x64xf32>
    %div3A_433 = arith.constant 1.000000e+00 : f32
    %div3A_434 = vector.broadcast %div3A_433 : f32 to vector<512x1xf32>
    %div3A_435 = arith.divf %div3A_434, %dot_general3A_429 : vector<512x1xf32>
    %mul3A_436 = vector.broadcast %div3A_435 : vector<512x1xf32> to vector<512x64xf32>
    %mul3A_437 = arith.mulf %dot_general3A_432, %mul3A_436 : vector<512x64xf32>
    %add3A_438 = arith.addf %mul3A_437, %add3A_76 : vector<512x64xf32>
    %max3A_439 = arith.constant 0.000000e+00 : f32
    %max3A_440 = vector.broadcast %max3A_439 : f32 to vector<512x64xf32>
    %max3A_441 = arith.maximumf %add3A_438, %max3A_440 : vector<512x64xf32>
    %convert_element_type3A_442 = arith.truncf %max3A_441 : vector<512x64xf32> to vector<512x64xbf16>
    %dot_general3A_443 = arith.constant dense<0.000000e+00> : vector<512x128xf32>
    %dot_general3A_444 = tpu.matmul %convert_element_type3A_442, %convert_element_type3A_99, %dot_general3A_443 {dimension_numbers = #tpu.dot_dimension_numbers<[1], [0], [0], [1], [0, 0, 1, 1], [], []>, transpose_lhs_hint = false} : vector<512x64xbf16>, vector<64x128xbf16>, vector<512x128xf32> -> vector<512x128xf32>
    %add3A_445 = vector.broadcast %get3A_60 : vector<1x128xf32> to vector<512x128xf32>
    %add3A_446 = arith.addf %dot_general3A_444, %add3A_445 : vector<512x128xf32>
    %max3A_447 = arith.constant 0.000000e+00 : f32
    %max3A_448 = vector.broadcast %max3A_447 : f32 to vector<512x128xf32>
    %max3A_449 = arith.maximumf %add3A_446, %max3A_448 : vector<512x128xf32>
    %max3A_450 = arith.maximumf %max3A_414, %max3A_449 : vector<512x128xf32>
    %jit3A_451 = arith.constant 3.000000e+38 : f32
    %broadcast_in_dim3A_452 = vector.broadcast %jit3A_451 : f32 to vector<512x1024xf32>
    %select_n3A_453 = arith.select %eq3A_422, %broadcast_in_dim3A_452, %select_n3A_417 : vector<512x1024xi1>, vector<512x1024xf32>
    %reduce_min3A_454 = arith.constant dense<0x7F800000> : vector<512xf32>
    %reduce_min3A_455 = vector.multi_reduction <minimumf>, %select_n3A_453, %reduce_min3A_454 [1] : vector<512x1024xf32> to vector<512xf32>
    %broadcast_in_dim3A_456 = vector.shape_cast %reduce_min3A_455 : vector<512xf32> to vector<512x1xf32>
    %eq3A_457 = vector.broadcast %broadcast_in_dim3A_456 : vector<512x1xf32> to vector<512x1024xf32>
    %eq3A_458 = arith.cmpf oeq, %select_n3A_453, %eq3A_457 : vector<512x1024xf32>
    %jit3A_459 = arith.constant 1.000000e+00 : f32
    %jit3A_460 = arith.constant 0.000000e+00 : f32
    %broadcast_in_dim3A_461 = vector.broadcast %jit3A_459 : f32 to vector<512x1024xf32>
    %broadcast_in_dim3A_462 = vector.broadcast %jit3A_460 : f32 to vector<512x1024xf32>
    %select_n3A_463 = arith.select %eq3A_458, %broadcast_in_dim3A_461, %broadcast_in_dim3A_462 : vector<512x1024xi1>, vector<512x1024xf32>
    %dot_general3A_464 = arith.constant dense<0.000000e+00> : vector<512x1xf32>
    %dot_general3A_465 = tpu.matmul %select_n3A_463, %broadcast_in_dim3A_97, %dot_general3A_464 {dimension_numbers = #tpu.dot_dimension_numbers<[1], [0], [0], [1], [0, 0, 1, 1], [], []>, transpose_lhs_hint = false} : vector<512x1024xf32>, vector<1024x1xf32>, vector<512x1xf32> -> vector<512x1xf32>
    %convert_element_type3A_466 = arith.truncf %select_n3A_463 : vector<512x1024xf32> to vector<512x1024xbf16>
    %dot_general3A_467 = arith.constant dense<0.000000e+00> : vector<512x64xf32>
    %dot_general3A_468 = tpu.matmul %convert_element_type3A_466, %convert_element_type3A_98, %dot_general3A_467 {dimension_numbers = #tpu.dot_dimension_numbers<[1], [0], [0], [1], [0, 0, 1, 1], [], []>, transpose_lhs_hint = false} : vector<512x1024xbf16>, vector<1024x64xbf16>, vector<512x64xf32> -> vector<512x64xf32>
    %div3A_469 = arith.constant 1.000000e+00 : f32
    %div3A_470 = vector.broadcast %div3A_469 : f32 to vector<512x1xf32>
    %div3A_471 = arith.divf %div3A_470, %dot_general3A_465 : vector<512x1xf32>
    %mul3A_472 = vector.broadcast %div3A_471 : vector<512x1xf32> to vector<512x64xf32>
    %mul3A_473 = arith.mulf %dot_general3A_468, %mul3A_472 : vector<512x64xf32>
    %add3A_474 = arith.addf %mul3A_473, %add3A_76 : vector<512x64xf32>
    %max3A_475 = arith.constant 0.000000e+00 : f32
    %max3A_476 = vector.broadcast %max3A_475 : f32 to vector<512x64xf32>
    %max3A_477 = arith.maximumf %add3A_474, %max3A_476 : vector<512x64xf32>
    %convert_element_type3A_478 = arith.truncf %max3A_477 : vector<512x64xf32> to vector<512x64xbf16>
    %dot_general3A_479 = arith.constant dense<0.000000e+00> : vector<512x128xf32>
    %dot_general3A_480 = tpu.matmul %convert_element_type3A_478, %convert_element_type3A_99, %dot_general3A_479 {dimension_numbers = #tpu.dot_dimension_numbers<[1], [0], [0], [1], [0, 0, 1, 1], [], []>, transpose_lhs_hint = false} : vector<512x64xbf16>, vector<64x128xbf16>, vector<512x128xf32> -> vector<512x128xf32>
    %add3A_481 = vector.broadcast %get3A_60 : vector<1x128xf32> to vector<512x128xf32>
    %add3A_482 = arith.addf %dot_general3A_480, %add3A_481 : vector<512x128xf32>
    %max3A_483 = arith.constant 0.000000e+00 : f32
    %max3A_484 = vector.broadcast %max3A_483 : f32 to vector<512x128xf32>
    %max3A_485 = arith.maximumf %add3A_482, %max3A_484 : vector<512x128xf32>
    %max3A_486 = arith.maximumf %max3A_450, %max3A_485 : vector<512x128xf32>
    %jit3A_487 = arith.constant 3.000000e+38 : f32
    %broadcast_in_dim3A_488 = vector.broadcast %jit3A_487 : f32 to vector<512x1024xf32>
    %select_n3A_489 = arith.select %eq3A_458, %broadcast_in_dim3A_488, %select_n3A_453 : vector<512x1024xi1>, vector<512x1024xf32>
    %reduce_min3A_490 = arith.constant dense<0x7F800000> : vector<512xf32>
    %reduce_min3A_491 = vector.multi_reduction <minimumf>, %select_n3A_489, %reduce_min3A_490 [1] : vector<512x1024xf32> to vector<512xf32>
    %broadcast_in_dim3A_492 = vector.shape_cast %reduce_min3A_491 : vector<512xf32> to vector<512x1xf32>
    %eq3A_493 = vector.broadcast %broadcast_in_dim3A_492 : vector<512x1xf32> to vector<512x1024xf32>
    %eq3A_494 = arith.cmpf oeq, %select_n3A_489, %eq3A_493 : vector<512x1024xf32>
    %jit3A_495 = arith.constant 1.000000e+00 : f32
    %jit3A_496 = arith.constant 0.000000e+00 : f32
    %broadcast_in_dim3A_497 = vector.broadcast %jit3A_495 : f32 to vector<512x1024xf32>
    %broadcast_in_dim3A_498 = vector.broadcast %jit3A_496 : f32 to vector<512x1024xf32>
    %select_n3A_499 = arith.select %eq3A_494, %broadcast_in_dim3A_497, %broadcast_in_dim3A_498 : vector<512x1024xi1>, vector<512x1024xf32>
    %dot_general3A_500 = arith.constant dense<0.000000e+00> : vector<512x1xf32>
    %dot_general3A_501 = tpu.matmul %select_n3A_499, %broadcast_in_dim3A_97, %dot_general3A_500 {dimension_numbers = #tpu.dot_dimension_numbers<[1], [0], [0], [1], [0, 0, 1, 1], [], []>, transpose_lhs_hint = false} : vector<512x1024xf32>, vector<1024x1xf32>, vector<512x1xf32> -> vector<512x1xf32>
    %convert_element_type3A_502 = arith.truncf %select_n3A_499 : vector<512x1024xf32> to vector<512x1024xbf16>
    %dot_general3A_503 = arith.constant dense<0.000000e+00> : vector<512x64xf32>
    %dot_general3A_504 = tpu.matmul %convert_element_type3A_502, %convert_element_type3A_98, %dot_general3A_503 {dimension_numbers = #tpu.dot_dimension_numbers<[1], [0], [0], [1], [0, 0, 1, 1], [], []>, transpose_lhs_hint = false} : vector<512x1024xbf16>, vector<1024x64xbf16>, vector<512x64xf32> -> vector<512x64xf32>
    %div3A_505 = arith.constant 1.000000e+00 : f32
    %div3A_506 = vector.broadcast %div3A_505 : f32 to vector<512x1xf32>
    %div3A_507 = arith.divf %div3A_506, %dot_general3A_501 : vector<512x1xf32>
    %mul3A_508 = vector.broadcast %div3A_507 : vector<512x1xf32> to vector<512x64xf32>
    %mul3A_509 = arith.mulf %dot_general3A_504, %mul3A_508 : vector<512x64xf32>
    %add3A_510 = arith.addf %mul3A_509, %add3A_76 : vector<512x64xf32>
    %max3A_511 = arith.constant 0.000000e+00 : f32
    %max3A_512 = vector.broadcast %max3A_511 : f32 to vector<512x64xf32>
    %max3A_513 = arith.maximumf %add3A_510, %max3A_512 : vector<512x64xf32>
    %convert_element_type3A_514 = arith.truncf %max3A_513 : vector<512x64xf32> to vector<512x64xbf16>
    %dot_general3A_515 = arith.constant dense<0.000000e+00> : vector<512x128xf32>
    %dot_general3A_516 = tpu.matmul %convert_element_type3A_514, %convert_element_type3A_99, %dot_general3A_515 {dimension_numbers = #tpu.dot_dimension_numbers<[1], [0], [0], [1], [0, 0, 1, 1], [], []>, transpose_lhs_hint = false} : vector<512x64xbf16>, vector<64x128xbf16>, vector<512x128xf32> -> vector<512x128xf32>
    %add3A_517 = vector.broadcast %get3A_60 : vector<1x128xf32> to vector<512x128xf32>
    %add3A_518 = arith.addf %dot_general3A_516, %add3A_517 : vector<512x128xf32>
    %max3A_519 = arith.constant 0.000000e+00 : f32
    %max3A_520 = vector.broadcast %max3A_519 : f32 to vector<512x128xf32>
    %max3A_521 = arith.maximumf %add3A_518, %max3A_520 : vector<512x128xf32>
    %max3A_522 = arith.maximumf %max3A_486, %max3A_521 : vector<512x128xf32>
    %jit3A_523 = arith.constant 3.000000e+38 : f32
    %broadcast_in_dim3A_524 = vector.broadcast %jit3A_523 : f32 to vector<512x1024xf32>
    %select_n3A_525 = arith.select %eq3A_494, %broadcast_in_dim3A_524, %select_n3A_489 : vector<512x1024xi1>, vector<512x1024xf32>
    %reduce_min3A_526 = arith.constant dense<0x7F800000> : vector<512xf32>
    %reduce_min3A_527 = vector.multi_reduction <minimumf>, %select_n3A_525, %reduce_min3A_526 [1] : vector<512x1024xf32> to vector<512xf32>
    %broadcast_in_dim3A_528 = vector.shape_cast %reduce_min3A_527 : vector<512xf32> to vector<512x1xf32>
    %eq3A_529 = vector.broadcast %broadcast_in_dim3A_528 : vector<512x1xf32> to vector<512x1024xf32>
    %eq3A_530 = arith.cmpf oeq, %select_n3A_525, %eq3A_529 : vector<512x1024xf32>
    %jit3A_531 = arith.constant 1.000000e+00 : f32
    %jit3A_532 = arith.constant 0.000000e+00 : f32
    %broadcast_in_dim3A_533 = vector.broadcast %jit3A_531 : f32 to vector<512x1024xf32>
    %broadcast_in_dim3A_534 = vector.broadcast %jit3A_532 : f32 to vector<512x1024xf32>
    %select_n3A_535 = arith.select %eq3A_530, %broadcast_in_dim3A_533, %broadcast_in_dim3A_534 : vector<512x1024xi1>, vector<512x1024xf32>
    %dot_general3A_536 = arith.constant dense<0.000000e+00> : vector<512x1xf32>
    %dot_general3A_537 = tpu.matmul %select_n3A_535, %broadcast_in_dim3A_97, %dot_general3A_536 {dimension_numbers = #tpu.dot_dimension_numbers<[1], [0], [0], [1], [0, 0, 1, 1], [], []>, transpose_lhs_hint = false} : vector<512x1024xf32>, vector<1024x1xf32>, vector<512x1xf32> -> vector<512x1xf32>
    %convert_element_type3A_538 = arith.truncf %select_n3A_535 : vector<512x1024xf32> to vector<512x1024xbf16>
    %dot_general3A_539 = arith.constant dense<0.000000e+00> : vector<512x64xf32>
    %dot_general3A_540 = tpu.matmul %convert_element_type3A_538, %convert_element_type3A_98, %dot_general3A_539 {dimension_numbers = #tpu.dot_dimension_numbers<[1], [0], [0], [1], [0, 0, 1, 1], [], []>, transpose_lhs_hint = false} : vector<512x1024xbf16>, vector<1024x64xbf16>, vector<512x64xf32> -> vector<512x64xf32>
    %div3A_541 = arith.constant 1.000000e+00 : f32
    %div3A_542 = vector.broadcast %div3A_541 : f32 to vector<512x1xf32>
    %div3A_543 = arith.divf %div3A_542, %dot_general3A_537 : vector<512x1xf32>
    %mul3A_544 = vector.broadcast %div3A_543 : vector<512x1xf32> to vector<512x64xf32>
    %mul3A_545 = arith.mulf %dot_general3A_540, %mul3A_544 : vector<512x64xf32>
    %add3A_546 = arith.addf %mul3A_545, %add3A_76 : vector<512x64xf32>
    %max3A_547 = arith.constant 0.000000e+00 : f32
    %max3A_548 = vector.broadcast %max3A_547 : f32 to vector<512x64xf32>
    %max3A_549 = arith.maximumf %add3A_546, %max3A_548 : vector<512x64xf32>
    %convert_element_type3A_550 = arith.truncf %max3A_549 : vector<512x64xf32> to vector<512x64xbf16>
    %dot_general3A_551 = arith.constant dense<0.000000e+00> : vector<512x128xf32>
    %dot_general3A_552 = tpu.matmul %convert_element_type3A_550, %convert_element_type3A_99, %dot_general3A_551 {dimension_numbers = #tpu.dot_dimension_numbers<[1], [0], [0], [1], [0, 0, 1, 1], [], []>, transpose_lhs_hint = false} : vector<512x64xbf16>, vector<64x128xbf16>, vector<512x128xf32> -> vector<512x128xf32>
    %add3A_553 = vector.broadcast %get3A_60 : vector<1x128xf32> to vector<512x128xf32>
    %add3A_554 = arith.addf %dot_general3A_552, %add3A_553 : vector<512x128xf32>
    %max3A_555 = arith.constant 0.000000e+00 : f32
    %max3A_556 = vector.broadcast %max3A_555 : f32 to vector<512x128xf32>
    %max3A_557 = arith.maximumf %add3A_554, %max3A_556 : vector<512x128xf32>
    %max3A_558 = arith.maximumf %max3A_522, %max3A_557 : vector<512x128xf32>
    %jit3A_559 = arith.constant 3.000000e+38 : f32
    %broadcast_in_dim3A_560 = vector.broadcast %jit3A_559 : f32 to vector<512x1024xf32>
    %select_n3A_561 = arith.select %eq3A_530, %broadcast_in_dim3A_560, %select_n3A_525 : vector<512x1024xi1>, vector<512x1024xf32>
    %reduce_min3A_562 = arith.constant dense<0x7F800000> : vector<512xf32>
    %reduce_min3A_563 = vector.multi_reduction <minimumf>, %select_n3A_561, %reduce_min3A_562 [1] : vector<512x1024xf32> to vector<512xf32>
    %broadcast_in_dim3A_564 = vector.shape_cast %reduce_min3A_563 : vector<512xf32> to vector<512x1xf32>
    %eq3A_565 = vector.broadcast %broadcast_in_dim3A_564 : vector<512x1xf32> to vector<512x1024xf32>
    %eq3A_566 = arith.cmpf oeq, %select_n3A_561, %eq3A_565 : vector<512x1024xf32>
    %jit3A_567 = arith.constant 1.000000e+00 : f32
    %jit3A_568 = arith.constant 0.000000e+00 : f32
    %broadcast_in_dim3A_569 = vector.broadcast %jit3A_567 : f32 to vector<512x1024xf32>
    %broadcast_in_dim3A_570 = vector.broadcast %jit3A_568 : f32 to vector<512x1024xf32>
    %select_n3A_571 = arith.select %eq3A_566, %broadcast_in_dim3A_569, %broadcast_in_dim3A_570 : vector<512x1024xi1>, vector<512x1024xf32>
    %dot_general3A_572 = arith.constant dense<0.000000e+00> : vector<512x1xf32>
    %dot_general3A_573 = tpu.matmul %select_n3A_571, %broadcast_in_dim3A_97, %dot_general3A_572 {dimension_numbers = #tpu.dot_dimension_numbers<[1], [0], [0], [1], [0, 0, 1, 1], [], []>, transpose_lhs_hint = false} : vector<512x1024xf32>, vector<1024x1xf32>, vector<512x1xf32> -> vector<512x1xf32>
    %convert_element_type3A_574 = arith.truncf %select_n3A_571 : vector<512x1024xf32> to vector<512x1024xbf16>
    %dot_general3A_575 = arith.constant dense<0.000000e+00> : vector<512x64xf32>
    %dot_general3A_576 = tpu.matmul %convert_element_type3A_574, %convert_element_type3A_98, %dot_general3A_575 {dimension_numbers = #tpu.dot_dimension_numbers<[1], [0], [0], [1], [0, 0, 1, 1], [], []>, transpose_lhs_hint = false} : vector<512x1024xbf16>, vector<1024x64xbf16>, vector<512x64xf32> -> vector<512x64xf32>
    %div3A_577 = arith.constant 1.000000e+00 : f32
    %div3A_578 = vector.broadcast %div3A_577 : f32 to vector<512x1xf32>
    %div3A_579 = arith.divf %div3A_578, %dot_general3A_573 : vector<512x1xf32>
    %mul3A_580 = vector.broadcast %div3A_579 : vector<512x1xf32> to vector<512x64xf32>
    %mul3A_581 = arith.mulf %dot_general3A_576, %mul3A_580 : vector<512x64xf32>
    %add3A_582 = arith.addf %mul3A_581, %add3A_76 : vector<512x64xf32>
    %max3A_583 = arith.constant 0.000000e+00 : f32
    %max3A_584 = vector.broadcast %max3A_583 : f32 to vector<512x64xf32>
    %max3A_585 = arith.maximumf %add3A_582, %max3A_584 : vector<512x64xf32>
    %convert_element_type3A_586 = arith.truncf %max3A_585 : vector<512x64xf32> to vector<512x64xbf16>
    %dot_general3A_587 = arith.constant dense<0.000000e+00> : vector<512x128xf32>
    %dot_general3A_588 = tpu.matmul %convert_element_type3A_586, %convert_element_type3A_99, %dot_general3A_587 {dimension_numbers = #tpu.dot_dimension_numbers<[1], [0], [0], [1], [0, 0, 1, 1], [], []>, transpose_lhs_hint = false} : vector<512x64xbf16>, vector<64x128xbf16>, vector<512x128xf32> -> vector<512x128xf32>
    %add3A_589 = vector.broadcast %get3A_60 : vector<1x128xf32> to vector<512x128xf32>
    %add3A_590 = arith.addf %dot_general3A_588, %add3A_589 : vector<512x128xf32>
    %max3A_591 = arith.constant 0.000000e+00 : f32
    %max3A_592 = vector.broadcast %max3A_591 : f32 to vector<512x128xf32>
    %max3A_593 = arith.maximumf %add3A_590, %max3A_592 : vector<512x128xf32>
    %max3A_594 = arith.maximumf %max3A_558, %max3A_593 : vector<512x128xf32>
    %jit3A_595 = arith.constant 3.000000e+38 : f32
    %broadcast_in_dim3A_596 = vector.broadcast %jit3A_595 : f32 to vector<512x1024xf32>
    %select_n3A_597 = arith.select %eq3A_566, %broadcast_in_dim3A_596, %select_n3A_561 : vector<512x1024xi1>, vector<512x1024xf32>
    %reduce_min3A_598 = arith.constant dense<0x7F800000> : vector<512xf32>
    %reduce_min3A_599 = vector.multi_reduction <minimumf>, %select_n3A_597, %reduce_min3A_598 [1] : vector<512x1024xf32> to vector<512xf32>
    %broadcast_in_dim3A_600 = vector.shape_cast %reduce_min3A_599 : vector<512xf32> to vector<512x1xf32>
    %eq3A_601 = vector.broadcast %broadcast_in_dim3A_600 : vector<512x1xf32> to vector<512x1024xf32>
    %eq3A_602 = arith.cmpf oeq, %select_n3A_597, %eq3A_601 : vector<512x1024xf32>
    %jit3A_603 = arith.constant 1.000000e+00 : f32
    %jit3A_604 = arith.constant 0.000000e+00 : f32
    %broadcast_in_dim3A_605 = vector.broadcast %jit3A_603 : f32 to vector<512x1024xf32>
    %broadcast_in_dim3A_606 = vector.broadcast %jit3A_604 : f32 to vector<512x1024xf32>
    %select_n3A_607 = arith.select %eq3A_602, %broadcast_in_dim3A_605, %broadcast_in_dim3A_606 : vector<512x1024xi1>, vector<512x1024xf32>
    %dot_general3A_608 = arith.constant dense<0.000000e+00> : vector<512x1xf32>
    %dot_general3A_609 = tpu.matmul %select_n3A_607, %broadcast_in_dim3A_97, %dot_general3A_608 {dimension_numbers = #tpu.dot_dimension_numbers<[1], [0], [0], [1], [0, 0, 1, 1], [], []>, transpose_lhs_hint = false} : vector<512x1024xf32>, vector<1024x1xf32>, vector<512x1xf32> -> vector<512x1xf32>
    %convert_element_type3A_610 = arith.truncf %select_n3A_607 : vector<512x1024xf32> to vector<512x1024xbf16>
    %dot_general3A_611 = arith.constant dense<0.000000e+00> : vector<512x64xf32>
    %dot_general3A_612 = tpu.matmul %convert_element_type3A_610, %convert_element_type3A_98, %dot_general3A_611 {dimension_numbers = #tpu.dot_dimension_numbers<[1], [0], [0], [1], [0, 0, 1, 1], [], []>, transpose_lhs_hint = false} : vector<512x1024xbf16>, vector<1024x64xbf16>, vector<512x64xf32> -> vector<512x64xf32>
    %div3A_613 = arith.constant 1.000000e+00 : f32
    %div3A_614 = vector.broadcast %div3A_613 : f32 to vector<512x1xf32>
    %div3A_615 = arith.divf %div3A_614, %dot_general3A_609 : vector<512x1xf32>
    %mul3A_616 = vector.broadcast %div3A_615 : vector<512x1xf32> to vector<512x64xf32>
    %mul3A_617 = arith.mulf %dot_general3A_612, %mul3A_616 : vector<512x64xf32>
    %add3A_618 = arith.addf %mul3A_617, %add3A_76 : vector<512x64xf32>
    %max3A_619 = arith.constant 0.000000e+00 : f32
    %max3A_620 = vector.broadcast %max3A_619 : f32 to vector<512x64xf32>
    %max3A_621 = arith.maximumf %add3A_618, %max3A_620 : vector<512x64xf32>
    %convert_element_type3A_622 = arith.truncf %max3A_621 : vector<512x64xf32> to vector<512x64xbf16>
    %dot_general3A_623 = arith.constant dense<0.000000e+00> : vector<512x128xf32>
    %dot_general3A_624 = tpu.matmul %convert_element_type3A_622, %convert_element_type3A_99, %dot_general3A_623 {dimension_numbers = #tpu.dot_dimension_numbers<[1], [0], [0], [1], [0, 0, 1, 1], [], []>, transpose_lhs_hint = false} : vector<512x64xbf16>, vector<64x128xbf16>, vector<512x128xf32> -> vector<512x128xf32>
    %add3A_625 = vector.broadcast %get3A_60 : vector<1x128xf32> to vector<512x128xf32>
    %add3A_626 = arith.addf %dot_general3A_624, %add3A_625 : vector<512x128xf32>
    %max3A_627 = arith.constant 0.000000e+00 : f32
    %max3A_628 = vector.broadcast %max3A_627 : f32 to vector<512x128xf32>
    %max3A_629 = arith.maximumf %add3A_626, %max3A_628 : vector<512x128xf32>
    %max3A_630 = arith.maximumf %max3A_594, %max3A_629 : vector<512x128xf32>
    %jit3A_631 = arith.constant 3.000000e+38 : f32
    %broadcast_in_dim3A_632 = vector.broadcast %jit3A_631 : f32 to vector<512x1024xf32>
    %select_n3A_633 = arith.select %eq3A_602, %broadcast_in_dim3A_632, %select_n3A_597 : vector<512x1024xi1>, vector<512x1024xf32>
    %reduce_min3A_634 = arith.constant dense<0x7F800000> : vector<512xf32>
    %reduce_min3A_635 = vector.multi_reduction <minimumf>, %select_n3A_633, %reduce_min3A_634 [1] : vector<512x1024xf32> to vector<512xf32>
    %broadcast_in_dim3A_636 = vector.shape_cast %reduce_min3A_635 : vector<512xf32> to vector<512x1xf32>
    %eq3A_637 = vector.broadcast %broadcast_in_dim3A_636 : vector<512x1xf32> to vector<512x1024xf32>
    %eq3A_638 = arith.cmpf oeq, %select_n3A_633, %eq3A_637 : vector<512x1024xf32>
    %jit3A_639 = arith.constant 1.000000e+00 : f32
    %jit3A_640 = arith.constant 0.000000e+00 : f32
    %broadcast_in_dim3A_641 = vector.broadcast %jit3A_639 : f32 to vector<512x1024xf32>
    %broadcast_in_dim3A_642 = vector.broadcast %jit3A_640 : f32 to vector<512x1024xf32>
    %select_n3A_643 = arith.select %eq3A_638, %broadcast_in_dim3A_641, %broadcast_in_dim3A_642 : vector<512x1024xi1>, vector<512x1024xf32>
    %dot_general3A_644 = arith.constant dense<0.000000e+00> : vector<512x1xf32>
    %dot_general3A_645 = tpu.matmul %select_n3A_643, %broadcast_in_dim3A_97, %dot_general3A_644 {dimension_numbers = #tpu.dot_dimension_numbers<[1], [0], [0], [1], [0, 0, 1, 1], [], []>, transpose_lhs_hint = false} : vector<512x1024xf32>, vector<1024x1xf32>, vector<512x1xf32> -> vector<512x1xf32>
    %convert_element_type3A_646 = arith.truncf %select_n3A_643 : vector<512x1024xf32> to vector<512x1024xbf16>
    %dot_general3A_647 = arith.constant dense<0.000000e+00> : vector<512x64xf32>
    %dot_general3A_648 = tpu.matmul %convert_element_type3A_646, %convert_element_type3A_98, %dot_general3A_647 {dimension_numbers = #tpu.dot_dimension_numbers<[1], [0], [0], [1], [0, 0, 1, 1], [], []>, transpose_lhs_hint = false} : vector<512x1024xbf16>, vector<1024x64xbf16>, vector<512x64xf32> -> vector<512x64xf32>
    %div3A_649 = arith.constant 1.000000e+00 : f32
    %div3A_650 = vector.broadcast %div3A_649 : f32 to vector<512x1xf32>
    %div3A_651 = arith.divf %div3A_650, %dot_general3A_645 : vector<512x1xf32>
    %mul3A_652 = vector.broadcast %div3A_651 : vector<512x1xf32> to vector<512x64xf32>
    %mul3A_653 = arith.mulf %dot_general3A_648, %mul3A_652 : vector<512x64xf32>
    %add3A_654 = arith.addf %mul3A_653, %add3A_76 : vector<512x64xf32>
    %max3A_655 = arith.constant 0.000000e+00 : f32
    %max3A_656 = vector.broadcast %max3A_655 : f32 to vector<512x64xf32>
    %max3A_657 = arith.maximumf %add3A_654, %max3A_656 : vector<512x64xf32>
    %convert_element_type3A_658 = arith.truncf %max3A_657 : vector<512x64xf32> to vector<512x64xbf16>
    %dot_general3A_659 = arith.constant dense<0.000000e+00> : vector<512x128xf32>
    %dot_general3A_660 = tpu.matmul %convert_element_type3A_658, %convert_element_type3A_99, %dot_general3A_659 {dimension_numbers = #tpu.dot_dimension_numbers<[1], [0], [0], [1], [0, 0, 1, 1], [], []>, transpose_lhs_hint = false} : vector<512x64xbf16>, vector<64x128xbf16>, vector<512x128xf32> -> vector<512x128xf32>
    %add3A_661 = vector.broadcast %get3A_60 : vector<1x128xf32> to vector<512x128xf32>
    %add3A_662 = arith.addf %dot_general3A_660, %add3A_661 : vector<512x128xf32>
    %max3A_663 = arith.constant 0.000000e+00 : f32
    %max3A_664 = vector.broadcast %max3A_663 : f32 to vector<512x128xf32>
    %max3A_665 = arith.maximumf %add3A_662, %max3A_664 : vector<512x128xf32>
    %max3A_666 = arith.maximumf %max3A_630, %max3A_665 : vector<512x128xf32>
    %swap3A_667 = arith.constant 0 : index
    %swap3A_668 = arith.constant 0 : index
    %swap3A_669 = arith.constant 0 : index
    %swap3A_670 = arith.constant 0 : index
    %swap3A_671 = vector.load %arg17[%swap3A_667, %swap3A_668, %swap3A_669, %swap3A_670] : memref<1x1x512x128xf32, #tpu.memory_space<vmem>>, vector<1x1x512x128xf32>
    %swap3A_672 = vector.shape_cast %swap3A_671 : vector<1x1x512x128xf32> to vector<512x128xf32>
    %swap3A_673 = vector.shape_cast %max3A_666 : vector<512x128xf32> to vector<1x1x512x128xf32>
    tpu.vector_store %arg17[%swap3A_667, %swap3A_668, %swap3A_669, %swap3A_670], %swap3A_673 {strides = array<i32>} : memref<1x1x512x128xf32, #tpu.memory_space<vmem>>, vector<1x1x512x128xf32>,
    return
  }
  func.func @transform_0(%arg0: i32, %arg1: i32) -> (i32, i32, i32, i32) {
    %c0_i32 = arith.constant 0 : i32
    %c0_i32_0 = arith.constant 0 : i32
    %c0_i32_1 = arith.constant 0 : i32
    return %arg0, %arg1, %c0_i32, %c0_i32_0 : i32, i32, i32, i32
  }
  func.func @transform_1(%arg0: i32, %arg1: i32) -> (i32, i32, i32, i32) {
    %add3A = arith.constant 1 : i32
    %add3A_0 = arith.addi %arg1, %add3A : i32
    %min3A = arith.constant 3 : i32
    %min3A_1 = arith.minsi %add3A_0, %min3A : i32
    %c0_i32 = arith.constant 0 : i32
    %c0_i32_2 = arith.constant 0 : i32
    %c0_i32_3 = arith.constant 0 : i32
    return %arg0, %min3A_1, %c0_i32, %c0_i32_2 : i32, i32, i32, i32
  }
  func.func @transform_2(%arg0: i32, %arg1: i32) -> (i32, i32, i32, i32) {
    %c0_i32 = arith.constant 0 : i32
    %c0_i32_0 = arith.constant 0 : i32
    %c0_i32_1 = arith.constant 0 : i32
    return %arg0, %arg1, %c0_i32, %c0_i32_0 : i32, i32, i32, i32
  }
  func.func @transform_3(%arg0: i32, %arg1: i32) -> (i32, i32, i32, i32) {
    %add3A = arith.constant 1 : i32
    %add3A_0 = arith.addi %arg1, %add3A : i32
    %min3A = arith.constant 3 : i32
    %min3A_1 = arith.minsi %add3A_0, %min3A : i32
    %c0_i32 = arith.constant 0 : i32
    %c0_i32_2 = arith.constant 0 : i32
    %c0_i32_3 = arith.constant 0 : i32
    return %arg0, %min3A_1, %c0_i32, %c0_i32_2 : i32, i32, i32, i32
  }
  func.func @transform_4(%arg0: i32, %arg1: i32) -> (i32, i32, i32) {
    %mul3A = arith.constant 4 : i32
    %mul3A_0 = arith.muli %arg0, %mul3A : i32
    %add3A = arith.addi %mul3A_0, %arg1 : i32
    %c0_i32 = arith.constant 0 : i32
    %c0_i32_1 = arith.constant 0 : i32
    %c0_i32_2 = arith.constant 0 : i32
    return %add3A, %c0_i32, %c0_i32_1 : i32, i32, i32
  }
  func.func @transform_5(%arg0: i32, %arg1: i32) -> (i32, i32, i32) {
    %mul3A = arith.constant 4 : i32
    %mul3A_0 = arith.muli %arg0, %mul3A : i32
    %add3A = arith.addi %mul3A_0, %arg1 : i32
    %c0_i32 = arith.constant 0 : i32
    %c0_i32_1 = arith.constant 0 : i32
    %c0_i32_2 = arith.constant 0 : i32
    return %add3A, %c0_i32, %c0_i32_1 : i32, i32, i32
  }
  func.func @transform_6(%arg0: i32, %arg1: i32) -> (i32, i32, i32) {
    %mul3A = arith.constant 4 : i32
    %mul3A_0 = arith.muli %arg0, %mul3A : i32
    %add3A = arith.addi %mul3A_0, %arg1 : i32
    %c0_i32 = arith.constant 0 : i32
    %c0_i32_1 = arith.constant 0 : i32
    %c0_i32_2 = arith.constant 0 : i32
    return %add3A, %c0_i32, %c0_i32_1 : i32, i32, i32
  }
  func.func @transform_7(%arg0: i32, %arg1: i32) -> (i32, i32, i32) {
    %mul3A = arith.constant 4 : i32
    %mul3A_0 = arith.muli %arg0, %mul3A : i32
    %add3A = arith.addi %mul3A_0, %arg1 : i32
    %c0_i32 = arith.constant 0 : i32
    %c0_i32_1 = arith.constant 0 : i32
    %c0_i32_2 = arith.constant 0 : i32
    return %add3A, %c0_i32, %c0_i32_1 : i32, i32, i32
  }
  func.func @transform_8(%arg0: i32, %arg1: i32) -> (i32, i32) {
    %c0_i32 = arith.constant 0 : i32
    %c0_i32_0 = arith.constant 0 : i32
    %c0_i32_1 = arith.constant 0 : i32
    return %c0_i32, %c0_i32_0 : i32, i32
  }
  func.func @transform_9(%arg0: i32, %arg1: i32) -> (i32, i32) {
    %c0_i32 = arith.constant 0 : i32
    %c0_i32_0 = arith.constant 0 : i32
    %c0_i32_1 = arith.constant 0 : i32
    return %c0_i32, %c0_i32_0 : i32, i32
  }
  func.func @transform_10(%arg0: i32, %arg1: i32) -> (i32, i32) {
    %c0_i32 = arith.constant 0 : i32
    %c0_i32_0 = arith.constant 0 : i32
    %c0_i32_1 = arith.constant 0 : i32
    return %c0_i32, %c0_i32_0 : i32, i32
  }
  func.func @transform_11(%arg0: i32, %arg1: i32) -> (i32, i32) {
    %c0_i32 = arith.constant 0 : i32
    %c0_i32_0 = arith.constant 0 : i32
    %c0_i32_1 = arith.constant 0 : i32
    return %c0_i32, %c0_i32_0 : i32, i32
  }
  func.func @transform_12(%arg0: i32, %arg1: i32) -> (i32, i32) {
    %c0_i32 = arith.constant 0 : i32
    %c0_i32_0 = arith.constant 0 : i32
    %c0_i32_1 = arith.constant 0 : i32
    return %c0_i32, %c0_i32_0 : i32, i32
  }
  func.func @transform_13(%arg0: i32, %arg1: i32) -> (i32, i32) {
    %c0_i32 = arith.constant 0 : i32
    %c0_i32_0 = arith.constant 0 : i32
    %c0_i32_1 = arith.constant 0 : i32
    return %c0_i32, %c0_i32_0 : i32, i32
  }
  func.func @transform_14(%arg0: i32, %arg1: i32) -> (i32, i32, i32, i32) {
    %c0_i32 = arith.constant 0 : i32
    %c0_i32_0 = arith.constant 0 : i32
    %c0_i32_1 = arith.constant 0 : i32
    return %arg0, %arg1, %c0_i32, %c0_i32_0 : i32, i32, i32, i32
  }
  func.func @transform_15(%arg0: i32, %arg1: i32) -> (i32, i32, i32, i32) {
    %c0_i32 = arith.constant 0 : i32
    %c0_i32_0 = arith.constant 0 : i32
    %c0_i32_1 = arith.constant 0 : i32
    return %arg0, %arg1, %c0_i32, %c0_i32_0 : i32, i32, i32, i32
  }
}

</mosaic_0001>

<sc_bundles>
// kernel: kernel.4.cloned.1.call-start
scs
__scs_entry_jumppad:
0x0: {  	(pc) =	sbr.rel $0x88, $3  }
0x1: {  	(tag) =	ssettag $0x0;
	lr =	simm.s32 $0x1  }
0x2: {  	[smem:$0x3F9B] =	sst lr;
	_ =	strace $0xD0000000  }
0x3: {  	_ = 	snop  }
0x4: {  	_ = 	snop  }
0x5: {  	_ = 	snop  }
0x6: {  	_ = 	snop  }
0x7: {  	_ = 	snop  }
__scs_overlays_trampoline_lowered:
0x8: {  	[smem:$0x3FAA] =	sst s0  }
0x9: {  	[smem:$0x3FAB] =	sst s1  }
0xa: {  	[smem:$0x3FAC] =	sst s2  }
0xb: {  	[smem:$0x3FAD] =	sst s3  }
0xc: {  	[smem:$0x3FAE] =	sst s4  }
0xd: {  	[smem:$0x3FAF] =	sst s5  }
0xe: {  	[smem:$0x3FB0] =	sst s6  }
0xf: {  	[smem:$0x3FB1] =	sst s7  }
0x10: {  	[smem:$0x3FB2] =	sst s8  }
0x11: {  	[smem:$0x3FB3] =	sst s9;
	s0 =	simm.s32 @!p0 $0x0  }
0x12: {  	s1 =	sld [smem:$0x3F99];
	s0 =	simm.s32 @p0 $0x1  }
0x13: {  	[smem:$0x3FB4] =	sst s0;
	s0 =	simm.s32 @!p1 $0x0  }
0x14: {  	s2 =	sld [smem:$0x3F98];
	s0 =	simm.s32 @p1 $0x1  }
0x15: {  	[smem:$0x3FB5] =	sst s0;
	s0 =	simm.s32 @!p2 $0x0  }
0x16: {  	s3 =	sld [smem:$0x3FDB];
	s0 =	simm.s32 @p2 $0x1  }
0x17: {  	s4 =	simm.s32 $0x1BF5;
	[smem:$0x3FB7] =	sst s0  }
0x18: {  	s0 =	sld [smem:$0x3F9A];
	_ =	swait.ge [sflag:s4], $0x0  }
0x19: {  	s7 =	sld [smem:$0x3F9B]  }
0x1a: {  	s8 =	sadd.s32 $0xFFFFE003, lr  }
0x1b: {  	s9 =	sadd.s32 $0xFFFFFEF7, lr;
	s5 =	simm.s32 $0xFFFFFFFF;
	p2 =	slt.u32 s8, $0xFFFFF086  }
0x1c: {  	p1 =	slt.u32 s9, $0xF7A;
	s5 =	simm.s32 @!p2 $0x0  }
0x1d: {  	s5 =	simm.s32 @p1 $0x1;
	p0 =	seq.s32 s7, s2  }
0x1e: {  	s7 =	smul.u32 @!p0 $0xF7A, s2;
	p2 =	seq.s32 @!p0 s5, $0x0  }
0x1f: {  	s9 =	smul.u32 $0xF7A, s1;
	s8 =	simm.s32 @!p0 $0x1BF5;
	p2 =	por !p2, p0  }
0x20: {  	[sflag:s8] =	ssyncset.s32 @!p0 $0xFFFFF086;
	s6 =	sadd.s32 @!p0 s3, s7;
	s7 =	simm.s32 @!p0 $0x108  }
0x21: {  	s3 =	sadd.s32 s3, s9;
	s6 =	sadd.s32 @!p0 $0x88, s6;
	s7 =	simm.s32 @p2 $0x1082  }
0x22: {  	[simem:s7], [sflag:s8] =	dma.local @!p0 [hbm:s6], $0xF7A  }
0x23: {  	s9 =	sor.u32 $0xD0000000, s2;
	s6 =	simm.s32 $0x108;
	_ =	swait.ge @!p0 [sflag:s8], $0x0  }
0x24: {  	s3 =	sadd.s32 $0x88, s3;
	s6 =	simm.s32 @!p1 $0x1082;
	[sflag:s4] =	ssyncset.s32 $0xFFFFF086  }
0x25: {  	[simem:s6], [sflag:s4] =	dma.local [hbm:s3], $0xF7A  }
0x26: {  	[smem:$0x3F9B] =	sst s1;
	(tag) =	ssettag s2;
	_ =	strace s9  }
0x27: {  	s1 =	sld [smem:$0x3FAB]  }
0x28: {  	s2 =	sld [smem:$0x3FAC]  }
0x29: {  	s4 =	sld [smem:$0x3FAE]  }
0x2a: {  	p0 =	seq.s32 s5, $0x0;
	s5 =	sld [smem:$0x3FAF]  }
0x2b: {  	s6 =	sld [smem:$0x3FB0]  }
0x2c: {  	s7 =	sld [smem:$0x3FB1]  }
0x2d: {  	s3 =	simm.s32 $0x108;
	s8 =	sld [smem:$0x3FB2]  }
0x2e: {  	s3 =	simm.s32 @!p0 $0x1082;
	s9 =	sld [smem:$0x3FB3]  }
0x2f: {  	lr =	sadd.s32 s0, s3;
	s0 =	sld [smem:$0x3FAA]  }
0x30: {  	s3 =	sld [smem:$0x3FAD]  }
0x31: {  	[smem:$0x3FB6] =	sst s10  }
0x32: {  	s10 =	sld [smem:$0x3FB4];
	_ =	sdelay $0x3  }
0x33: {  	p0 =	seq.s32 s10, $0x1;
	s10 =	sld [smem:$0x3FB6];
	_ =	sdelay $0x3  }
0x34: {  	[smem:$0x3FB6] =	sst s10  }
0x35: {  	s10 =	sld [smem:$0x3FB5];
	_ =	sdelay $0x3  }
0x36: {  	p1 =	seq.s32 s10, $0x1;
	s10 =	sld [smem:$0x3FB6];
	_ =	sdelay $0x3  }
0x37: {  	[smem:$0x3FB6] =	sst s10  }
0x38: {  	s10 =	sld [smem:$0x3FB7]  }
0x39: {  	_ = 	snop;
	(pc) =	sbr.ind lr, $3  }
0x3a: {  	_ = 	snop  }
0x3b: {  	_ = 	snop  }
0x3c: {  	p2 =	seq.s32 s10, $0x1;
	s10 =	sld [smem:$0x3FB6]  }
0x3d: {  	_ =	shalt  }
0x3e: {  	_ =	shalt  }
0x3f: {  	_ =	shalt  }
0x40: {  	_ =	shalt  }
0x41: {  	_ =	shalt  }
0x42: {  	_ =	shalt  }
0x43: {  	_ =	shalt  }
0x44: {  	_ =	shalt  }
0x45: {  	_ =	shalt  }
0x46: {  	_ =	shalt  }
0x47: {  	_ =	shalt  }
0x48: {  	_ =	shalt  }
0x49: {  	_ =	shalt  }
0x4a: {  	_ =	shalt  }
0x4b: {  	_ =	shalt  }
0x4c: {  	_ =	shalt  }
0x4d: {  	_ =	shalt  }
0x4e: {  	_ =	shalt  }
0x4f: {  	_ =	shalt  }
0x50: {  	_ =	shalt  }
0x51: {  	_ =	shalt  }
0x52: {  	_ =	shalt  }
0x53: {  	_ =	shalt  }
0x54: {  	_ =	shalt  }
0x55: {  	_ =	shalt  }
0x56: {  	_ =	shalt  }
0x57: {  	_ =	shalt  }
0x58: {  	_ =	shalt  }
0x59: {  	_ =	shalt  }
0x5a: {  	_ =	shalt  }
0x5b: {  	_ =	shalt  }
0x5c: {  	_ =	shalt  }
0x5d: {  	_ =	shalt  }
0x5e: {  	_ =	shalt  }
0x5f: {  	_ =	shalt  }
0x60: {  	_ =	shalt  }
0x61: {  	_ =	shalt  }
0x62: {  	_ =	shalt  }
0x63: {  	_ =	shalt  }
0x64: {  	_ =	shalt  }
0x65: {  	_ =	shalt  }
0x66: {  	_ =	shalt  }
0x67: {  	_ =	shalt  }
0x68: {  	_ =	shalt  }
0x69: {  	_ =	shalt  }
0x6a: {  	_ =	shalt  }
0x6b: {  	_ =	shalt  }
0x6c: {  	_ =	shalt  }
0x6d: {  	_ =	shalt  }
0x6e: {  	_ =	shalt  }
0x6f: {  	_ =	shalt  }
0x70: {  	_ =	shalt  }
0x71: {  	_ =	shalt  }
0x72: {  	_ =	shalt  }
0x73: {  	_ =	shalt  }
0x74: {  	_ =	shalt  }
0x75: {  	_ =	shalt  }
0x76: {  	_ =	shalt  }
0x77: {  	_ =	shalt  }
0x78: {  	_ =	shalt  }
0x79: {  	_ =	shalt  }
0x7a: {  	_ =	shalt  }
0x7b: {  	_ =	shalt  }
0x7c: {  	_ =	shalt  }
0x7d: {  	_ =	shalt  }
0x7e: {  	_ =	shalt  }
0x7f: {  	_ =	shalt  }
0x80: {  	_ =	shalt  }
0x81: {  	_ =	shalt  }
0x82: {  	_ =	shalt  }
0x83: {  	_ =	shalt  }
0x84: {  	_ =	shalt  }
0x85: {  	_ =	shalt  }
0x86: {  	_ =	shalt  }
0x87: {  	_ =	shalt  }
.Lfunc_end0:
.L_simem_size_0:
called_computation_lowered:
.L_overlay_start_0:
0x88: {  	s2 =	sld [smem:$0x3FD9]  }
0x89: {  	s3 =	sld [smem:$0x3FFE];
	_ =	sdelay $0x1  }
0x8a: {  	s1 =	srdreg.scid  }
0x8b: {  	s0 =	sand.u32 $0x1, s1  }
0x8c: {  	s14 =	sshll.u32 s0, $0xA;
	s2 =	sadd.s32 s3, s2  }
0x8d: {  	s2 =	sadd.s32 s2, s14  }
0x8e: {  	[smem:$0x3FC2] =	sst s2  }
0x8f: {  	_ = 	snop  }
0x90: {  	s2 =	sld [smem:$0x3FD0];
	_ =	sdelay $0x2  }
0x91: {  	s15 =	simm.s32 $0xA;
	s4 =	simm.s32 $0x10  }
0x92: {  	[smem:s4], [sflag:s15] =	dma.local [hbm:s2], $0x1  }
0x93: {  	_ =	swait.eq [sflag:s15], $0x1  }
0x94: {  	[sflag:s15] =	ssyncset.done $0x0  }
0x95: {  	s16 =	sld [smem:$0x10];
	[sflag:s15] =	ssyncadd.s32 $0xFFFFFFFF  }
0x96: {  	s17 =	sld [smem:$0x11];
	(tm) =	ssettm $0x1  }
0x97: {  	s18 =	sld [smem:$0x3FFB];
	_ =	sdelay $0x3  }
0x98: {  	_ =	strace s18  }
0x99: {  	s4 =	sld [smem:$0x3FFC];
	_ =	sdelay $0x3  }
0x9a: {  	_ =	strace s4  }
0x9b: {  	s4 =	sld [smem:$0x3FFD];
	_ =	sdelay $0x3  }
0x9c: {  	_ =	strace s4  }
0x9d: {  	_ =	strace $0x8FFFFFFF  }
0x9e: {  	s19 =	sld [smem:$0x3FDB];
	_ =	sdelay $0x1  }
0x9f: {  	s5 =	simm.s32 $_scs_section_size  }
0xa0: {  	s6 =	simm.s32 $_size__tile_overlayer_lowered;
	s7 =	simm.s32 $_tile_overlayer_lowered  }
0xa1: {  	s22 =	simm.s32 $0x1BFF;
	s21 =	sshll.u32 s7, $0x1;
	s4 =	sadd.s32 s5, s19  }
0xa2: {  	s8 =	simm.s32 $0x0;
	s20 =	sshll.u32 s6, $0x1;
	s6 =	sadd.s32 s21, s4  }
0xa3: {  	[timem:s8], [sflag:s22] =	dma.local [hbm:s6], s20  }
0xa4: {  	_ =	swait.ge [sflag:s22], s20  }
0xa5: {  	s5 =	ssub.s32 $0x0, s20;
	[sflag:s22] =	ssyncset.done $0x0  }
0xa6: {  	[sflag:s22] =	ssyncadd.s32 s5;
	_ =	sdelay $0x1  }
0xa7: {  	s23 =	simm.s32 $0x1B8B  }
0xa8: {  	_ =	swait.ge [sflag:s23], $0x1  }
0xa9: {  	[sflag:s23] =	ssyncset.done $0x0  }
0xaa: {  	s25 =	simm.s32 $0x1B8E;
	s24 =	sld [smem:$0x3FFE];
	[sflag:s23] =	ssyncadd.s32 $0xFFFFFFFF  }
0xab: {  	s26 =	simm.s32 $execute0_lowered;
	[smem:$0x3FD2] =	sst s25  }
0xac: {  	s6 =	sshll.u32 s26, $0x1;
	_ =	strace $0x80000046;
	[dreg:$0x1] =	wrdreg $0xFFFFFFFF  }
0xad: {  	s28 =	simm.s32 $_size_execute0_lowered;
	s4 =	sadd.s32 s4, s6;
	[dreg:$0x0] =	wrdreg $0x0  }
0xae: {  	s6 =	sshll.u32 s28, $0x1;
	[dreg:$0x2] =	wrdreg s4  }
0xaf: {  	[dreg:$0x3] =	wrdreg s6  }
0xb0: {  	[dreg:$0x4] =	wrdreg $0xC0  }
0xb1: {  	_ =	task [dreg:s8], $0x5FFFF  }
0xb2: {  	[dreg:$0x1] =	wrdreg $0xFFFFFFFF  }
0xb3: {  	[dreg:$0x0] =	wrdreg $0x60  }
0xb4: {  	[dreg:$0x2] =	wrdreg s16  }
0xb5: {  	[dreg:$0x3] =	wrdreg s17  }
0xb6: {  	[dreg:$0x4] =	wrdreg s24  }
0xb7: {  	[dreg:$0x5] =	wrdreg $0x9  }
0xb8: {  	_ =	task.clear_ibuf [dreg:s8], $0x6FFFF;
	_ =	strace $0x90000046  }
0xb9: {  	s29 =	simm.s32 $0x9;
	_ =	strace $0x80000048  }
0xba: {  	_ =	swait.ge [sflag:s29], $0x1  }
0xbb: {  	[sflag:s29] =	ssyncadd.s32 $0xFFFFFFFF  }
0xbc: {  	_ =	strace $0x90000048  }
0xbd: {  	_ =	sfence  }
0xbe: {  	s30 =	sld [smem:$0x0];
	_ =	sdelay $0x2  }
0xbf: {  	s31 =	sshll.u32 s1, $0xD;
	s1 =	sshrl.u32 s1, $0x2  }
0xc0: {  	s3 =	sand.u32 $0x4000, s31;
	s1 =	sadd.s32 s1, s30  }
0xc1: {  	s0 =	sor.u32 s3, s0;
	s1 =	sshll.u32 s1, $0x11  }
0xc2: {  	s0 =	sor.u32 s1, s0  }
0xc3: {  	s0 =	sadd.s32 $0x8F2B, s0  }
0xc4: {  	[sflag:s0] =	ssyncadd.remote.s32 $0x1  }
0xc5: {  	_ =	sfence.sel $0xFFFF  }
0xc6: {  	[dreg:$0x0] =	wrdreg $0xFFFFFFFF;
	(pc) =	sbr.abs _section_cstart, $3  }
0xc7: {  	[dreg:$0x1] =	wrdreg $0xFFFFFFFF  }
0xc8: {  	_ =	task.clear_ibuf [dreg:s8], $0x2FFFF;
	_ =	strace $0x9FFFFFFF  }
0xc9: {  	(tm) =	ssettm $0x7FFFFFFF  }
tec
execute0_lowered:
.L_overlay_start_1:
0x0: {  	(tag) =	ssettag $0x1  }
0x1: {  	s1 =	stileid.u32  }
0x2: {  	p0 =	sgt.u32 s1, $0x7  }
.Ltmp0:
0x3: {  	s9 =	rddreg [dreg:$0x0];
	(pc) =	sbr.rel @p0 .LBB2_5-.Ltmp0, $4  }
0x4: {  	s3 =	rddreg [dreg:$0x1]  }
0x5: {  	s4 =	rddreg [dreg:$0x2];
	s2 =	simm.s32 $0x0  }
0x6: {  	[smem:$0x7FF] =	sst s2  }
0x7: {  	s0 =	rddreg [dreg:$0x3];
	_ =	strace $0x80000047  }
0x8: {  	v0 =	vimm.s32 $0xBA98FEDC;
	v1 =	vimm.s32 $0x32107654;
	v2 =	vimm.s32 $0xFEDCBA98  }
0x9: {  	v3 =	vimm.s32 $0x76543210;
	vm0 =	vmmov $0x1;
	v12 =	vimm.s32 $0x0  }
0xa: {  	v14 =	vimm.s32 $0xDCFE98BA;
	v20 =	vimm.f32 $1.500000000e+01;
	vm12 =	vcmask $0x300  }
0xb: {  	v21 =	vimm.s32 $0x54761032;
	vm13 =	vcmask $0x704;
	vm14 =	vcmask $0xB08  }
0xc: {  	vm15 =	vcmask $0xF0C;
	vm11 =	vcmask $0x1310;
	v22 =	vimm.s32 $0xEFCDAB89  }
0xd: {  	vm10 =	vcmask $0x1714;
	vm9 =	vcmask $0x1B18;
	v4 =	vimm.s32 $0x67452301  }
0xe: {  	vm8 =	vcmask $0x1F1C;
	vm7 =	vcmask $0x2320;
	vm6 =	vcmask $0x2724  }
0xf: {  	vm5 =	vcmask $0x2B28;
	vm4 =	vcmask $0x2F2C;
	vm3 =	vcmask $0x3330  }
0x10: {  	vm1 =	vcmask $0x3734;
	vm2 =	vcmask $0x3B38;
	v33 =	vimm.f32 $3.100000000e+01  }
0x11: {  	v34 =	vimm.f32 $4.700000000e+01;
	v35 =	vimm.f32 $6.300000000e+01;
	v37 =	vimm.f32 $7.900000000e+01  }
0x12: {  	v38 =	vimm.f32 $9.500000000e+01;
	v39 =	vimm.f32 $1.110000000e+02;
	v41 =	vimm.f32 $1.270000000e+02  }
0x13: {  	v42 =	vimm.f32 $1.430000000e+02;
	v43 =	vimm.f32 $1.590000000e+02;
	v45 =	vimm.f32 $1.750000000e+02  }
0x14: {  	v46 =	vimm.f32 $1.910000000e+02;
	v47 =	vimm.f32 $2.070000000e+02;
	v49 =	vimm.f32 $2.230000000e+02  }
0x15: {  	v52 =	vimm.f32 $2.390000000e+02;
	v55 =	vimm.f32 $2.550000000e+02;
	v57 =	vimm.f32 $2.710000000e+02  }
0x16: {  	v0 =	vunpack.c.l.s4.s8 v0;
	v1 =	vunpack.c.l.s4.s8 v1;
	v2 =	vunpack.c.l.s4.s8 v2  }
0x17: {  	v61 =	vimm.f32 $2.870000000e+02;
	v3 =	vunpack.c.l.s4.s8 v3;
	v4 =	vunpack.c.l.s4.s8 v4  }
0x18: {  	v0 =	vunpack.c.0.s8.s32 v0;
	v1 =	vunpack.c.0.s8.s32 v1;
	v2 =	vunpack.c.0.s8.s32 v2  }
0x19: {  	v62 =	vimm.f32 $3.030000000e+02;
	v3 =	vunpack.c.0.s8.s32 v3;
	v4 =	vunpack.c.0.s8.s32 v4  }
0x1a: {  	v0 =	vcombine.low v1, v0;
	v1 =	vsel vm0, $0xFFFFFFFF, v12;
	v13 =	vand.u32 $0xF, v2  }
0x1b: {  	v2 =	vunpack.c.l.s4.s8 v21;
	v12 =	vimm.f32 $3.190000000e+02;
	[tilespmem:$0x1FBB0] =	vst v1;
	v1 =	vsel vm12, $0x0, v20  }
0x1c: {  	v21 =	vimm.f32 $3.670000000e+02;
	v17 =	vcombine.low v13, v3;
	v1 =	vsel vm13, $0x3F800000, v1  }
0x1d: {  	v6 =	vand.u32 $0xF, v0;
	v0 =	vunpack.c.l.s4.s8 v14;
	v1 =	vsel vm14, $0x40000000, v1  }
0x1e: {  	v3 =	vunpack.c.l.s4.s8 v22;
	v13 =	vimm.f32 $3.350000000e+02;
	v1 =	vsel vm15, $0x40400000, v1  }
0x1f: {  	v2 =	vunpack.c.0.s8.s32 v2;
	v0 =	vunpack.c.0.s8.s32 v0;
	v1 =	vsel vm11, $0x40800000, v1  }
0x20: {  	v22 =	vimm.f32 $3.830000000e+02;
	v3 =	vunpack.c.0.s8.s32 v3;
	v1 =	vsel vm10, $0x40A00000, v1  }
0x21: {  	v0 =	vcombine.low v2, v0;
	v2 =	vsel vm12, $0x42400000, v35;
	v1 =	vsel vm9, $0x40C00000, v1  }
0x22: {  	v23 =	vcombine.low v4, v3;
	v2 =	vsel vm13, $0x42440000, v2;
	v1 =	vsel vm8, $0x40E00000, v1  }
0x23: {  	v14 =	vimm.f32 $3.510000000e+02;
	v2 =	vsel vm14, $0x42480000, v2;
	v1 =	vsel vm7, $0x41000000, v1  }
0x24: {  	v9 =	vand.u32 $0xF, v23;
	v2 =	vsel vm15, $0x424C0000, v2;
	v1 =	vsel vm6, $0x41100000, v1  }
0x25: {  	v23 =	vimm.f32 $3.990000000e+02;
	v2 =	vsel vm11, $0x42500000, v2;
	v1 =	vsel vm5, $0x41200000, v1  }
0x26: {  	v7 =	vand.u32 $0xF, v0;
	v2 =	vsel vm10, $0x42540000, v2;
	v1 =	vsel vm4, $0x41300000, v1  }
0x27: {  	v2 =	vsel vm9, $0x42580000, v2;
	v32 =	vsel vm3, $0x41400000, v1;
	v1 =	vsel vm12, $0x42000000, v34  }
0x28: {  	v2 =	vsel vm8, $0x425C0000, v2;
	v34 =	vimm.f32 $4.150000000e+02;
	v0 =	vsel vm1, $0x41500000, v32  }
0x29: {  	v1 =	vsel vm13, $0x42040000, v1;
	v2 =	vsel vm7, $0x42600000, v2;
	v16 =	vsel vm2, $0x41600000, v0  }
0x2a: {  	v0 =	vsel vm12, $0x41800000, v33;
	v1 =	vsel vm14, $0x42080000, v1;
	v2 =	vsel vm6, $0x42640000, v2  }
0x2b: {  	v0 =	vsel vm13, $0x41880000, v0;
	v1 =	vsel vm15, $0x420C0000, v1;
	v2 =	vsel vm5, $0x42680000, v2  }
0x2c: {  	v0 =	vsel vm14, $0x41900000, v0;
	v1 =	vsel vm11, $0x42100000, v1;
	v2 =	vsel vm4, $0x426C0000, v2  }
0x2d: {  	v0 =	vsel vm15, $0x41980000, v0;
	v1 =	vsel vm10, $0x42140000, v1;
	v2 =	vsel vm3, $0x42700000, v2  }
0x2e: {  	v0 =	vsel vm11, $0x41A00000, v0;
	v1 =	vsel vm9, $0x42180000, v1;
	v36 =	vsel vm1, $0x42740000, v2  }
0x2f: {  	v2 =	vsel vm12, $0x42C00000, v39;
	v0 =	vsel vm10, $0x41A80000, v0;
	v1 =	vsel vm8, $0x421C0000, v1  }
0x30: {  	v53 =	vsel vm2, $0x42780000, v36;
	v2 =	vsel vm13, $0x42C20000, v2;
	v0 =	vsel vm9, $0x41B00000, v0  }
0x31: {  	v1 =	vsel vm7, $0x42200000, v1;
	v2 =	vsel vm14, $0x42C40000, v2;
	v0 =	vsel vm8, $0x41B80000, v0  }
0x32: {  	v1 =	vsel vm6, $0x42240000, v1;
	v2 =	vsel vm15, $0x42C60000, v2;
	v0 =	vsel vm7, $0x41C00000, v0  }
0x33: {  	v1 =	vsel vm5, $0x42280000, v1;
	v2 =	vsel vm11, $0x42C80000, v2;
	v0 =	vsel vm6, $0x41C80000, v0  }
0x34: {  	v1 =	vsel vm4, $0x422C0000, v1;
	v2 =	vsel vm10, $0x42CA0000, v2;
	v0 =	vsel vm5, $0x41D00000, v0  }
0x35: {  	v1 =	vsel vm3, $0x42300000, v1;
	v2 =	vsel vm9, $0x42CC0000, v2;
	v0 =	vsel vm4, $0x41D80000, v0  }
0x36: {  	v1 =	vsel vm1, $0x42340000, v1;
	v2 =	vsel vm8, $0x42CE0000, v2;
	v0 =	vsel vm3, $0x41E00000, v0  }
0x37: {  	v51 =	vsel vm2, $0x42380000, v1;
	v1 =	vsel vm12, $0x42A00000, v38;
	v2 =	vsel vm7, $0x42D00000, v2  }
0x38: {  	v38 =	vimm.f32 $4.310000000e+02;
	v0 =	vsel vm1, $0x41E80000, v0;
	v1 =	vsel vm13, $0x42A20000, v1  }
0x39: {  	v2 =	vsel vm6, $0x42D20000, v2;
	v50 =	vsel vm2, $0x41F00000, v0;
	v0 =	vsel vm12, $0x42800000, v37  }
0x3a: {  	v1 =	vsel vm14, $0x42A40000, v1;
	v2 =	vsel vm5, $0x42D40000, v2;
	v0 =	vsel vm13, $0x42820000, v0  }
0x3b: {  	v1 =	vsel vm15, $0x42A60000, v1;
	v2 =	vsel vm4, $0x42D60000, v2;
	v0 =	vsel vm14, $0x42840000, v0  }
0x3c: {  	v1 =	vsel vm11, $0x42A80000, v1;
	v2 =	vsel vm3, $0x42D80000, v2;
	v0 =	vsel vm15, $0x42860000, v0  }
0x3d: {  	v1 =	vsel vm10, $0x42AA0000, v1;
	v40 =	vsel vm1, $0x42DA0000, v2;
	v2 =	vsel vm12, $0x43100000, v43  }
0x3e: {  	v43 =	vimm.f32 $4.790000000e+02;
	v0 =	vsel vm11, $0x42880000, v0;
	v1 =	vsel vm9, $0x42AC0000, v1  }
0x3f: {  	v29 =	vsel vm2, $0x42DC0000, v40;
	v2 =	vsel vm13, $0x43110000, v2;
	v40 =	vimm.f32 $4.470000000e+02  }
0x40: {  	v0 =	vsel vm10, $0x428A0000, v0;
	v1 =	vsel vm8, $0x42AE0000, v1;
	v2 =	vsel vm14, $0x43120000, v2  }
0x41: {  	v0 =	vsel vm9, $0x428C0000, v0;
	v1 =	vsel vm7, $0x42B00000, v1;
	v2 =	vsel vm15, $0x43130000, v2  }
0x42: {  	v0 =	vsel vm8, $0x428E0000, v0;
	v1 =	vsel vm6, $0x42B20000, v1;
	v2 =	vsel vm11, $0x43140000, v2  }
0x43: {  	v0 =	vsel vm7, $0x42900000, v0;
	v1 =	vsel vm5, $0x42B40000, v1;
	v2 =	vsel vm10, $0x43150000, v2  }
0x44: {  	v0 =	vsel vm6, $0x42920000, v0;
	v1 =	vsel vm4, $0x42B60000, v1;
	v2 =	vsel vm9, $0x43160000, v2  }
0x45: {  	v0 =	vsel vm5, $0x42940000, v0;
	v1 =	vsel vm3, $0x42B80000, v1;
	v2 =	vsel vm8, $0x43170000, v2  }
0x46: {  	v0 =	vsel vm4, $0x42960000, v0;
	v1 =	vsel vm1, $0x42BA0000, v1;
	v2 =	vsel vm7, $0x43180000, v2  }
0x47: {  	v0 =	vsel vm3, $0x42980000, v0;
	v35 =	vsel vm2, $0x42BC0000, v1;
	v1 =	vsel vm12, $0x43000000, v42  }
0x48: {  	v2 =	vsel vm6, $0x43190000, v2;
	v42 =	vimm.f32 $4.630000000e+02;
	v0 =	vsel vm1, $0x429A0000, v0  }
0x49: {  	v1 =	vsel vm13, $0x43010000, v1;
	v2 =	vsel vm5, $0x431A0000, v2;
	v54 =	vsel vm2, $0x429C0000, v0  }
0x4a: {  	v0 =	vsel vm12, $0x42E00000, v41;
	v1 =	vsel vm14, $0x43020000, v1;
	v2 =	vsel vm4, $0x431B0000, v2  }
0x4b: {  	v0 =	vsel vm13, $0x42E20000, v0;
	v1 =	vsel vm15, $0x43030000, v1;
	v2 =	vsel vm3, $0x431C0000, v2  }
0x4c: {  	v0 =	vsel vm14, $0x42E40000, v0;
	v1 =	vsel vm11, $0x43040000, v1;
	v44 =	vsel vm1, $0x431D0000, v2  }
0x4d: {  	v2 =	vsel vm12, $0x43400000, v47;
	v0 =	vsel vm15, $0x42E60000, v0;
	v1 =	vsel vm10, $0x43050000, v1  }
0x4e: {  	v60 =	vsel vm2, $0x431E0000, v44;
	v2 =	vsel vm13, $0x43410000, v2;
	v0 =	vsel vm11, $0x42E80000, v0  }
0x4f: {  	v1 =	vsel vm9, $0x43060000, v1;
	v2 =	vsel vm14, $0x43420000, v2;
	v0 =	vsel vm10, $0x42EA0000, v0  }
0x50: {  	v1 =	vsel vm8, $0x43070000, v1;
	v2 =	vsel vm15, $0x43430000, v2;
	v0 =	vsel vm9, $0x42EC0000, v0  }
0x51: {  	v1 =	vsel vm7, $0x43080000, v1;
	v2 =	vsel vm11, $0x43440000, v2;
	v0 =	vsel vm8, $0x42EE0000, v0  }
0x52: {  	v1 =	vsel vm6, $0x43090000, v1;
	v2 =	vsel vm10, $0x43450000, v2;
	v0 =	vsel vm7, $0x42F00000, v0  }
0x53: {  	v1 =	vsel vm5, $0x430A0000, v1;
	v2 =	vsel vm9, $0x43460000, v2;
	v0 =	vsel vm6, $0x42F20000, v0  }
0x54: {  	v1 =	vsel vm4, $0x430B0000, v1;
	v2 =	vsel vm8, $0x43470000, v2;
	v0 =	vsel vm5, $0x42F40000, v0  }
0x55: {  	v1 =	vsel vm3, $0x430C0000, v1;
	v2 =	vsel vm7, $0x43480000, v2;
	v0 =	vsel vm4, $0x42F60000, v0  }
0x56: {  	v1 =	vsel vm1, $0x430D0000, v1;
	v2 =	vsel vm6, $0x43490000, v2;
	v0 =	vsel vm3, $0x42F80000, v0  }
0x57: {  	v33 =	vsel vm2, $0x430E0000, v1;
	v1 =	vsel vm12, $0x43300000, v46;
	v2 =	vsel vm5, $0x434A0000, v2  }
0x58: {  	v0 =	vsel vm1, $0x42FA0000, v0;
	v1 =	vsel vm13, $0x43310000, v1;
	v2 =	vsel vm4, $0x434B0000, v2  }
0x59: {  	v27 =	vsel vm2, $0x42FC0000, v0;
	v0 =	vsel vm12, $0x43200000, v45;
	v1 =	vsel vm14, $0x43320000, v1  }
0x5a: {  	v2 =	vsel vm3, $0x434C0000, v2;
	v45 =	vimm.f32 $4.950000000e+02;
	v0 =	vsel vm13, $0x43210000, v0  }
0x5b: {  	v1 =	vsel vm15, $0x43330000, v1;
	v48 =	vsel vm1, $0x434D0000, v2;
	v2 =	vsel vm12, $0x43700000, v55  }
0x5c: {  	v0 =	vsel vm14, $0x43220000, v0;
	v1 =	vsel vm11, $0x43340000, v1;
	v39 =	vsel vm2, $0x434E0000, v48  }
0x5d: {  	v2 =	vsel vm13, $0x43710000, v2;
	v0 =	vsel vm15, $0x43230000, v0;
	v1 =	vsel vm10, $0x43350000, v1  }
0x5e: {  	v2 =	vsel vm14, $0x43720000, v2;
	v0 =	vsel vm11, $0x43240000, v0;
	v1 =	vsel vm9, $0x43360000, v1  }
0x5f: {  	v2 =	vsel vm15, $0x43730000, v2;
	v0 =	vsel vm10, $0x43250000, v0;
	v1 =	vsel vm8, $0x43370000, v1  }
0x60: {  	v2 =	vsel vm11, $0x43740000, v2;
	v0 =	vsel vm9, $0x43260000, v0;
	v1 =	vsel vm7, $0x43380000, v1  }
0x61: {  	v2 =	vsel vm10, $0x43750000, v2;
	v0 =	vsel vm8, $0x43270000, v0;
	v1 =	vsel vm6, $0x43390000, v1  }
0x62: {  	v2 =	vsel vm9, $0x43760000, v2;
	v0 =	vsel vm7, $0x43280000, v0;
	v1 =	vsel vm5, $0x433A0000, v1  }
0x63: {  	v2 =	vsel vm8, $0x43770000, v2;
	v0 =	vsel vm6, $0x43290000, v0;
	v1 =	vsel vm4, $0x433B0000, v1  }
0x64: {  	v2 =	vsel vm7, $0x43780000, v2;
	v0 =	vsel vm5, $0x432A0000, v0;
	v1 =	vsel vm3, $0x433C0000, v1  }
0x65: {  	v2 =	vsel vm6, $0x43790000, v2;
	v0 =	vsel vm4, $0x432B0000, v0;
	v1 =	vsel vm1, $0x433D0000, v1  }
0x66: {  	v2 =	vsel vm5, $0x437A0000, v2;
	v0 =	vsel vm3, $0x432C0000, v0;
	v59 =	vsel vm2, $0x433E0000, v1  }
0x67: {  	v1 =	vsel vm12, $0x43600000, v52;
	v2 =	vsel vm4, $0x437B0000, v2;
	v0 =	vsel vm1, $0x432D0000, v0  }
0x68: {  	v1 =	vsel vm13, $0x43610000, v1;
	v2 =	vsel vm3, $0x437C0000, v2;
	v58 =	vsel vm2, $0x432E0000, v0  }
0x69: {  	v0 =	vsel vm12, $0x43500000, v49;
	v1 =	vsel vm14, $0x43620000, v1;
	v56 =	vsel vm1, $0x437D0000, v2  }
0x6a: {  	v2 =	vsel vm12, $0x43900000, v62;
	v0 =	vsel vm13, $0x43510000, v0;
	v1 =	vsel vm15, $0x43630000, v1  }
0x6b: {  	v28 =	vsel vm2, $0x437E0000, v56;
	v2 =	vsel vm13, $0x43908000, v2;
	v0 =	vsel vm14, $0x43520000, v0  }
0x6c: {  	v1 =	vsel vm11, $0x43640000, v1;
	v2 =	vsel vm14, $0x43910000, v2;
	v0 =	vsel vm15, $0x43530000, v0  }
0x6d: {  	v1 =	vsel vm10, $0x43650000, v1;
	v2 =	vsel vm15, $0x43918000, v2;
	v0 =	vsel vm11, $0x43540000, v0  }
0x6e: {  	v1 =	vsel vm9, $0x43660000, v1;
	v2 =	vsel vm11, $0x43920000, v2;
	v0 =	vsel vm10, $0x43550000, v0  }
0x6f: {  	v1 =	vsel vm8, $0x43670000, v1;
	v2 =	vsel vm10, $0x43928000, v2;
	v0 =	vsel vm9, $0x43560000, v0  }
0x70: {  	v1 =	vsel vm7, $0x43680000, v1;
	v2 =	vsel vm9, $0x43930000, v2;
	v0 =	vsel vm8, $0x43570000, v0  }
0x71: {  	v1 =	vsel vm6, $0x43690000, v1;
	v2 =	vsel vm8, $0x43938000, v2;
	v0 =	vsel vm7, $0x43580000, v0  }
0x72: {  	v1 =	vsel vm5, $0x436A0000, v1;
	v2 =	vsel vm7, $0x43940000, v2;
	v0 =	vsel vm6, $0x43590000, v0  }
0x73: {  	v1 =	vsel vm4, $0x436B0000, v1;
	v2 =	vsel vm6, $0x43948000, v2;
	v0 =	vsel vm5, $0x435A0000, v0  }
0x74: {  	v1 =	vsel vm3, $0x436C0000, v1;
	v2 =	vsel vm5, $0x43950000, v2;
	v0 =	vsel vm4, $0x435B0000, v0  }
0x75: {  	v1 =	vsel vm1, $0x436D0000, v1;
	v2 =	vsel vm4, $0x43958000, v2;
	v0 =	vsel vm3, $0x435C0000, v0  }
0x76: {  	v46 =	vsel vm2, $0x436E0000, v1;
	v1 =	vsel vm12, $0x43880000, v61;
	v0 =	vsel vm1, $0x435D0000, v0  }
0x77: {  	v2 =	vsel vm3, $0x43960000, v2;
	v36 =	vsel vm2, $0x435E0000, v0;
	v0 =	vsel vm12, $0x43800000, v57  }
0x78: {  	v61 =	vimm.f32 $5.110000000e+02;
	v1 =	vsel vm13, $0x43888000, v1;
	v0 =	vsel vm13, $0x43808000, v0  }
0x79: {  	v63 =	vsel vm1, $0x43968000, v2;
	v2 =	vsel vm12, $0x43A80000, v14;
	v0 =	vsel vm14, $0x43810000, v0  }
0x7a: {  	v1 =	vsel vm14, $0x43890000, v1;
	v26 =	vsel vm2, $0x43970000, v63;
	v0 =	vsel vm15, $0x43818000, v0  }
0x7b: {  	v2 =	vsel vm13, $0x43A88000, v2;
	v1 =	vsel vm15, $0x43898000, v1;
	v0 =	vsel vm11, $0x43820000, v0  }
0x7c: {  	v2 =	vsel vm14, $0x43A90000, v2;
	v1 =	vsel vm11, $0x438A0000, v1;
	v0 =	vsel vm10, $0x43828000, v0  }
0x7d: {  	v2 =	vsel vm15, $0x43A98000, v2;
	v1 =	vsel vm10, $0x438A8000, v1;
	v0 =	vsel vm9, $0x43830000, v0  }
0x7e: {  	v2 =	vsel vm11, $0x43AA0000, v2;
	v1 =	vsel vm9, $0x438B0000, v1;
	v0 =	vsel vm8, $0x43838000, v0  }
0x7f: {  	v2 =	vsel vm10, $0x43AA8000, v2;
	v1 =	vsel vm8, $0x438B8000, v1;
	v0 =	vsel vm7, $0x43840000, v0  }
0x80: {  	v2 =	vsel vm9, $0x43AB0000, v2;
	v1 =	vsel vm7, $0x438C0000, v1;
	v0 =	vsel vm6, $0x43848000, v0  }
0x81: {  	v2 =	vsel vm8, $0x43AB8000, v2;
	v1 =	vsel vm6, $0x438C8000, v1;
	v0 =	vsel vm5, $0x43850000, v0  }
0x82: {  	v2 =	vsel vm7, $0x43AC0000, v2;
	v1 =	vsel vm5, $0x438D0000, v1;
	v0 =	vsel vm4, $0x43858000, v0  }
0x83: {  	v2 =	vsel vm6, $0x43AC8000, v2;
	v1 =	vsel vm4, $0x438D8000, v1;
	v0 =	vsel vm3, $0x43860000, v0  }
0x84: {  	v2 =	vsel vm5, $0x43AD0000, v2;
	v1 =	vsel vm3, $0x438E0000, v1;
	v0 =	vsel vm1, $0x43868000, v0  }
0x85: {  	v2 =	vsel vm4, $0x43AD8000, v2;
	v25 =	vsel vm2, $0x43870000, v0;
	v0 =	vsel vm12, $0x43980000, v12  }
0x86: {  	v1 =	vsel vm1, $0x438E8000, v1;
	v2 =	vsel vm3, $0x43AE0000, v2;
	v0 =	vsel vm13, $0x43988000, v0  }
0x87: {  	v30 =	vsel vm2, $0x438F0000, v1;
	v1 =	vsel vm12, $0x43A00000, v13;
	v0 =	vsel vm14, $0x43990000, v0  }
0x88: {  	v20 =	vsel vm1, $0x43AE8000, v2;
	v2 =	vsel vm12, $0x43C00000, v23;
	v0 =	vsel vm15, $0x43998000, v0  }
0x89: {  	v13 =	vimm.f32 $5.430000000e+02;
	v23 =	vimm.f32 $5.910000000e+02;
	v0 =	vsel vm11, $0x439A0000, v0  }
0x8a: {  	v1 =	vsel vm13, $0x43A08000, v1;
	v56 =	vsel vm2, $0x43AF0000, v20;
	v0 =	vsel vm10, $0x439A8000, v0  }
0x8b: {  	v2 =	vsel vm13, $0x43C08000, v2;
	v1 =	vsel vm14, $0x43A10000, v1;
	v0 =	vsel vm9, $0x439B0000, v0  }
0x8c: {  	v2 =	vsel vm14, $0x43C10000, v2;
	v12 =	vimm.f32 $5.270000000e+02;
	v0 =	vsel vm8, $0x439B8000, v0  }
0x8d: {  	v1 =	vsel vm15, $0x43A18000, v1;
	v2 =	vsel vm15, $0x43C18000, v2;
	v0 =	vsel vm7, $0x439C0000, v0  }
0x8e: {  	v1 =	vsel vm11, $0x43A20000, v1;
	v2 =	vsel vm11, $0x43C20000, v2;
	v0 =	vsel vm6, $0x439C8000, v0  }
0x8f: {  	v1 =	vsel vm10, $0x43A28000, v1;
	v2 =	vsel vm10, $0x43C28000, v2;
	v0 =	vsel vm5, $0x439D0000, v0  }
0x90: {  	v1 =	vsel vm9, $0x43A30000, v1;
	v2 =	vsel vm9, $0x43C30000, v2;
	v0 =	vsel vm4, $0x439D8000, v0  }
0x91: {  	v1 =	vsel vm8, $0x43A38000, v1;
	v2 =	vsel vm8, $0x43C38000, v2;
	v0 =	vsel vm3, $0x439E0000, v0  }
0x92: {  	v1 =	vsel vm7, $0x43A40000, v1;
	v2 =	vsel vm7, $0x43C40000, v2;
	v0 =	vsel vm1, $0x439E8000, v0  }
0x93: {  	v1 =	vsel vm6, $0x43A48000, v1;
	v44 =	vsel vm2, $0x439F0000, v0;
	v0 =	vsel vm12, $0x43B00000, v21  }
0x94: {  	v2 =	vsel vm6, $0x43C48000, v2;
	v1 =	vsel vm5, $0x43A50000, v1;
	v0 =	vsel vm13, $0x43B08000, v0  }
0x95: {  	v2 =	vsel vm5, $0x43C50000, v2;
	v1 =	vsel vm4, $0x43A58000, v1;
	v0 =	vsel vm14, $0x43B10000, v0  }
0x96: {  	v2 =	vsel vm4, $0x43C58000, v2;
	v1 =	vsel vm3, $0x43A60000, v1;
	v0 =	vsel vm15, $0x43B18000, v0  }
0x97: {  	v2 =	vsel vm3, $0x43C60000, v2;
	v1 =	vsel vm1, $0x43A68000, v1;
	v0 =	vsel vm11, $0x43B20000, v0  }
0x98: {  	v32 =	vsel vm1, $0x43C68000, v2;
	v2 =	vsel vm12, $0x43D80000, v40;
	v0 =	vsel vm10, $0x43B28000, v0  }
0x99: {  	v40 =	vimm.f32 $6.230000000e+02;
	v37 =	vsel vm2, $0x43A70000, v1;
	v0 =	vsel vm9, $0x43B30000, v0  }
0x9a: {  	v1 =	vsel vm12, $0x43B80000, v22;
	v47 =	vsel vm2, $0x43C70000, v32;
	v0 =	vsel vm8, $0x43B38000, v0  }
0x9b: {  	v2 =	vsel vm13, $0x43D88000, v2;
	v22 =	vimm.f32 $5.750000000e+02;
	v0 =	vsel vm7, $0x43B40000, v0  }
0x9c: {  	v1 =	vsel vm13, $0x43B88000, v1;
	v2 =	vsel vm14, $0x43D90000, v2;
	v0 =	vsel vm6, $0x43B48000, v0  }
0x9d: {  	v1 =	vsel vm14, $0x43B90000, v1;
	v2 =	vsel vm15, $0x43D98000, v2;
	v0 =	vsel vm5, $0x43B50000, v0  }
0x9e: {  	v21 =	vimm.f32 $5.590000000e+02;
	v1 =	vsel vm15, $0x43B98000, v1;
	v0 =	vsel vm4, $0x43B58000, v0  }
0x9f: {  	v2 =	vsel vm11, $0x43DA0000, v2;
	v1 =	vsel vm11, $0x43BA0000, v1;
	v0 =	vsel vm3, $0x43B60000, v0  }
0xa0: {  	v2 =	vsel vm10, $0x43DA8000, v2;
	v1 =	vsel vm10, $0x43BA8000, v1;
	v0 =	vsel vm1, $0x43B68000, v0  }
0xa1: {  	v2 =	vsel vm9, $0x43DB0000, v2;
	v57 =	vsel vm2, $0x43B70000, v0;
	v0 =	vsel vm12, $0x43C80000, v34  }
0xa2: {  	v1 =	vsel vm9, $0x43BB0000, v1;
	v2 =	vsel vm8, $0x43DB8000, v2;
	v0 =	vsel vm13, $0x43C88000, v0  }
0xa3: {  	v1 =	vsel vm8, $0x43BB8000, v1;
	v2 =	vsel vm7, $0x43DC0000, v2;
	v0 =	vsel vm14, $0x43C90000, v0  }
0xa4: {  	v1 =	vsel vm7, $0x43BC0000, v1;
	v2 =	vsel vm6, $0x43DC8000, v2;
	v0 =	vsel vm15, $0x43C98000, v0  }
0xa5: {  	v1 =	vsel vm6, $0x43BC8000, v1;
	v2 =	vsel vm5, $0x43DD0000, v2;
	v0 =	vsel vm11, $0x43CA0000, v0  }
0xa6: {  	v1 =	vsel vm5, $0x43BD0000, v1;
	v2 =	vsel vm4, $0x43DD8000, v2;
	v0 =	vsel vm10, $0x43CA8000, v0  }
0xa7: {  	v1 =	vsel vm4, $0x43BD8000, v1;
	v2 =	vsel vm3, $0x43DE0000, v2;
	v0 =	vsel vm9, $0x43CB0000, v0  }
0xa8: {  	v1 =	vsel vm3, $0x43BE0000, v1;
	v41 =	vsel vm1, $0x43DE8000, v2;
	v0 =	vsel vm8, $0x43CB8000, v0  }
0xa9: {  	v2 =	vsel vm12, $0x43F00000, v45;
	v45 =	vimm.f32 $6.550000000e+02;
	v0 =	vsel vm7, $0x43CC0000, v0  }
0xaa: {  	v1 =	vsel vm1, $0x43BE8000, v1;
	v55 =	vsel vm2, $0x43DF0000, v41;
	v0 =	vsel vm6, $0x43CC8000, v0  }
0xab: {  	v2 =	vsel vm13, $0x43F08000, v2;
	v41 =	vimm.f32 $6.390000000e+02;
	v0 =	vsel vm5, $0x43CD0000, v0  }
0xac: {  	v48 =	vsel vm2, $0x43BF0000, v1;
	v1 =	vsel vm12, $0x43D00000, v38;
	v0 =	vsel vm4, $0x43CD8000, v0  }
0xad: {  	v2 =	vsel vm14, $0x43F10000, v2;
	v38 =	vimm.f32 $6.070000000e+02;
	v0 =	vsel vm3, $0x43CE0000, v0  }
0xae: {  	v1 =	vsel vm13, $0x43D08000, v1;
	v2 =	vsel vm15, $0x43F18000, v2;
	v0 =	vsel vm1, $0x43CE8000, v0  }
0xaf: {  	v1 =	vsel vm14, $0x43D10000, v1;
	v62 =	vsel vm2, $0x43CF0000, v0;
	v0 =	vsel vm12, $0x43E00000, v42  }
0xb0: {  	v2 =	vsel vm11, $0x43F20000, v2;
	v1 =	vsel vm15, $0x43D18000, v1;
	v0 =	vsel vm13, $0x43E08000, v0  }
0xb1: {  	v2 =	vsel vm10, $0x43F28000, v2;
	v1 =	vsel vm11, $0x43D20000, v1;
	v0 =	vsel vm14, $0x43E10000, v0  }
0xb2: {  	v2 =	vsel vm9, $0x43F30000, v2;
	v1 =	vsel vm10, $0x43D28000, v1;
	v0 =	vsel vm15, $0x43E18000, v0  }
0xb3: {  	v2 =	vsel vm8, $0x43F38000, v2;
	v1 =	vsel vm9, $0x43D30000, v1;
	v0 =	vsel vm11, $0x43E20000, v0  }
0xb4: {  	v2 =	vsel vm7, $0x43F40000, v2;
	v1 =	vsel vm8, $0x43D38000, v1;
	v0 =	vsel vm10, $0x43E28000, v0  }
0xb5: {  	v2 =	vsel vm6, $0x43F48000, v2;
	v1 =	vsel vm7, $0x43D40000, v1;
	v0 =	vsel vm9, $0x43E30000, v0  }
0xb6: {  	v2 =	vsel vm5, $0x43F50000, v2;
	v1 =	vsel vm6, $0x43D48000, v1;
	v0 =	vsel vm8, $0x43E38000, v0  }
0xb7: {  	v2 =	vsel vm4, $0x43F58000, v2;
	v1 =	vsel vm5, $0x43D50000, v1;
	v0 =	vsel vm7, $0x43E40000, v0  }
0xb8: {  	v2 =	vsel vm3, $0x43F60000, v2;
	v1 =	vsel vm4, $0x43D58000, v1;
	v0 =	vsel vm6, $0x43E48000, v0  }
0xb9: {  	v52 =	vsel vm1, $0x43F68000, v2;
	v2 =	vsel vm12, $0x44040000, v13;
	v0 =	vsel vm5, $0x43E50000, v0  }
0xba: {  	v13 =	vimm.f32 $7.030000000e+02;
	v1 =	vsel vm3, $0x43D60000, v1;
	v0 =	vsel vm4, $0x43E58000, v0  }
0xbb: {  	v2 =	vsel vm13, $0x44044000, v2;
	v1 =	vsel vm1, $0x43D68000, v1;
	v0 =	vsel vm3, $0x43E60000, v0  }
0xbc: {  	v2 =	vsel vm14, $0x44048000, v2;
	v63 =	vsel vm2, $0x43D70000, v1;
	v0 =	vsel vm1, $0x43E68000, v0  }
0xbd: {  	v1 =	vsel vm12, $0x43E80000, v43;
	v2 =	vsel vm15, $0x4404C000, v2;
	v0 =	vsel vm2, $0x43E70000, v0  }
0xbe: {  	v1 =	vsel vm13, $0x43E88000, v1;
	v2 =	vsel vm11, $0x44050000, v2;
	[tilespmem:$0x1FBC0] =	vst v0;
	v0 =	vsel vm2, $0x43F70000, v52  }
0xbf: {  	v1 =	vsel vm14, $0x43E90000, v1;
	v2 =	vsel vm10, $0x44054000, v2;
	[tilespmem:$0x1FBE0] =	vst v0;
	v0 =	vsel vm12, $0x43F80000, v61  }
0xc0: {  	v1 =	vsel vm15, $0x43E98000, v1;
	v2 =	vsel vm9, $0x44058000, v2;
	v0 =	vsel vm13, $0x43F88000, v0  }
0xc1: {  	v1 =	vsel vm11, $0x43EA0000, v1;
	v2 =	vsel vm8, $0x4405C000, v2;
	v0 =	vsel vm14, $0x43F90000, v0  }
0xc2: {  	v1 =	vsel vm10, $0x43EA8000, v1;
	v2 =	vsel vm7, $0x44060000, v2;
	v0 =	vsel vm15, $0x43F98000, v0  }
0xc3: {  	v1 =	vsel vm9, $0x43EB0000, v1;
	v2 =	vsel vm6, $0x44064000, v2;
	v0 =	vsel vm11, $0x43FA0000, v0  }
0xc4: {  	v1 =	vsel vm8, $0x43EB8000, v1;
	v2 =	vsel vm5, $0x44068000, v2;
	v0 =	vsel vm10, $0x43FA8000, v0  }
0xc5: {  	v1 =	vsel vm7, $0x43EC0000, v1;
	v2 =	vsel vm4, $0x4406C000, v2;
	v0 =	vsel vm9, $0x43FB0000, v0  }
0xc6: {  	v1 =	vsel vm6, $0x43EC8000, v1;
	v2 =	vsel vm3, $0x44070000, v2;
	v0 =	vsel vm8, $0x43FB8000, v0  }
0xc7: {  	v1 =	vsel vm5, $0x43ED0000, v1;
	v20 =	vsel vm1, $0x44074000, v2;
	v0 =	vsel vm7, $0x43FC0000, v0  }
0xc8: {  	v2 =	vsel vm12, $0x44100000, v23;
	v23 =	vimm.f32 $7.510000000e+02;
	v0 =	vsel vm6, $0x43FC8000, v0  }
0xc9: {  	v1 =	vsel vm4, $0x43ED8000, v1;
	v2 =	vsel vm13, $0x44104000, v2;
	v0 =	vsel vm5, $0x43FD0000, v0  }
0xca: {  	v1 =	vsel vm3, $0x43EE0000, v1;
	v2 =	vsel vm14, $0x44108000, v2;
	v0 =	vsel vm4, $0x43FD8000, v0  }
0xcb: {  	v1 =	vsel vm1, $0x43EE8000, v1;
	v2 =	vsel vm15, $0x4410C000, v2;
	v0 =	vsel vm3, $0x43FE0000, v0  }
0xcc: {  	v49 =	vsel vm2, $0x43EF0000, v1;
	v1 =	vsel vm12, $0x44000000, v12;
	v0 =	vsel vm1, $0x43FE8000, v0  }
0xcd: {  	v2 =	vsel vm11, $0x44110000, v2;
	[tilespmem:$0x1FBD0] =	vst v49;
	v1 =	vsel vm13, $0x44004000, v1;
	v0 =	vsel vm2, $0x43FF0000, v0  }
0xce: {  	v2 =	vsel vm10, $0x44114000, v2;
	v49 =	vimm.f32 $6.710000000e+02;
	[tilespmem:$0x1FBF0] =	vst v0;
	v0 =	vsel vm2, $0x44078000, v20  }
0xcf: {  	v1 =	vsel vm14, $0x44008000, v1;
	v2 =	vsel vm9, $0x44118000, v2;
	[tilespmem:$0x1FC10] =	vst v0;
	v0 =	vsel vm12, $0x44080000, v21  }
0xd0: {  	v1 =	vsel vm15, $0x4400C000, v1;
	v2 =	vsel vm8, $0x4411C000, v2;
	v0 =	vsel vm13, $0x44084000, v0  }
0xd1: {  	v52 =	vimm.f32 $6.870000000e+02;
	v1 =	vsel vm11, $0x44010000, v1;
	v0 =	vsel vm14, $0x44088000, v0  }
0xd2: {  	v2 =	vsel vm7, $0x44120000, v2;
	v1 =	vsel vm10, $0x44014000, v1;
	v0 =	vsel vm15, $0x4408C000, v0  }
0xd3: {  	v2 =	vsel vm6, $0x44124000, v2;
	v1 =	vsel vm9, $0x44018000, v1;
	v0 =	vsel vm11, $0x44090000, v0  }
0xd4: {  	v2 =	vsel vm5, $0x44128000, v2;
	v1 =	vsel vm8, $0x4401C000, v1;
	v0 =	vsel vm10, $0x44094000, v0  }
0xd5: {  	v2 =	vsel vm4, $0x4412C000, v2;
	v1 =	vsel vm7, $0x44020000, v1;
	v0 =	vsel vm9, $0x44098000, v0  }
0xd6: {  	v2 =	vsel vm3, $0x44130000, v2;
	v1 =	vsel vm6, $0x44024000, v1;
	v0 =	vsel vm8, $0x4409C000, v0  }
0xd7: {  	v34 =	vsel vm1, $0x44134000, v2;
	v2 =	vsel vm12, $0x441C0000, v41;
	v0 =	vsel vm7, $0x440A0000, v0  }
0xd8: {  	v41 =	vimm.f32 $7.990000000e+02;
	v1 =	vsel vm5, $0x44028000, v1;
	v0 =	vsel vm6, $0x440A4000, v0  }
0xd9: {  	v2 =	vsel vm13, $0x441C4000, v2;
	v1 =	vsel vm4, $0x4402C000, v1;
	v0 =	vsel vm5, $0x440A8000, v0  }
0xda: {  	v2 =	vsel vm14, $0x441C8000, v2;
	v1 =	vsel vm3, $0x44030000, v1;
	v0 =	vsel vm4, $0x440AC000, v0  }
0xdb: {  	v2 =	vsel vm15, $0x441CC000, v2;
	v1 =	vsel vm1, $0x44034000, v1;
	v0 =	vsel vm3, $0x440B0000, v0  }
0xdc: {  	v2 =	vsel vm11, $0x441D0000, v2;
	v14 =	vsel vm2, $0x44038000, v1;
	v0 =	vsel vm1, $0x440B4000, v0  }
0xdd: {  	v1 =	vsel vm12, $0x440C0000, v22;
	v2 =	vsel vm10, $0x441D4000, v2;
	[tilespmem:$0x1FC00] =	vst v14;
	v0 =	vsel vm2, $0x440B8000, v0  }
0xde: {  	v1 =	vsel vm13, $0x440C4000, v1;
	v2 =	vsel vm9, $0x441D8000, v2;
	[tilespmem:$0x1FC20] =	vst v0;
	v0 =	vsel vm2, $0x44138000, v34  }
0xdf: {  	v14 =	vimm.f32 $7.190000000e+02;
	v1 =	vsel vm14, $0x440C8000, v1;
	[tilespmem:$0x1FC40] =	vst v0;
	v0 =	vsel vm12, $0x44140000, v38  }
0xe0: {  	v2 =	vsel vm8, $0x441DC000, v2;
	v1 =	vsel vm15, $0x440CC000, v1;
	v0 =	vsel vm13, $0x44144000, v0  }
0xe1: {  	v2 =	vsel vm7, $0x441E0000, v2;
	v1 =	vsel vm11, $0x440D0000, v1;
	v0 =	vsel vm14, $0x44148000, v0  }
0xe2: {  	v2 =	vsel vm6, $0x441E4000, v2;
	v1 =	vsel vm10, $0x440D4000, v1;
	v0 =	vsel vm15, $0x4414C000, v0  }
0xe3: {  	v2 =	vsel vm5, $0x441E8000, v2;
	v20 =	vimm.f32 $7.350000000e+02;
	v0 =	vsel vm11, $0x44150000, v0  }
0xe4: {  	v1 =	vsel vm9, $0x440D8000, v1;
	v2 =	vsel vm4, $0x441EC000, v2;
	v0 =	vsel vm10, $0x44154000, v0  }
0xe5: {  	v1 =	vsel vm8, $0x440DC000, v1;
	v2 =	vsel vm3, $0x441F0000, v2;
	v0 =	vsel vm9, $0x44158000, v0  }
0xe6: {  	v1 =	vsel vm7, $0x440E0000, v1;
	v43 =	vsel vm1, $0x441F4000, v2;
	v0 =	vsel vm8, $0x4415C000, v0  }
0xe7: {  	v2 =	vsel vm12, $0x44280000, v52;
	v1 =	vsel vm6, $0x440E4000, v1;
	v0 =	vsel vm7, $0x44160000, v0  }
0xe8: {  	v52 =	vimm.f32 $8.470000000e+02;
	v1 =	vsel vm5, $0x440E8000, v1;
	v0 =	vsel vm6, $0x44164000, v0  }
0xe9: {  	v2 =	vsel vm13, $0x44284000, v2;
	v1 =	vsel vm4, $0x440EC000, v1;
	v0 =	vsel vm5, $0x44168000, v0  }
0xea: {  	v2 =	vsel vm14, $0x44288000, v2;
	v1 =	vsel vm3, $0x440F0000, v1;
	v0 =	vsel vm4, $0x4416C000, v0  }
0xeb: {  	v2 =	vsel vm15, $0x4428C000, v2;
	v1 =	vsel vm1, $0x440F4000, v1;
	v0 =	vsel vm3, $0x44170000, v0  }
0xec: {  	v2 =	vsel vm11, $0x44290000, v2;
	v32 =	vsel vm2, $0x440F8000, v1;
	v0 =	vsel vm1, $0x44174000, v0  }
0xed: {  	v2 =	vsel vm10, $0x44294000, v2;
	v1 =	vsel vm12, $0x44180000, v40;
	[tilespmem:$0x1FC30] =	vst v32;
	v0 =	vsel vm2, $0x44178000, v0  }
0xee: {  	v2 =	vsel vm9, $0x44298000, v2;
	v1 =	vsel vm13, $0x44184000, v1;
	[tilespmem:$0x1FC50] =	vst v0;
	v0 =	vsel vm2, $0x441F8000, v43  }
0xef: {  	v2 =	vsel vm8, $0x4429C000, v2;
	v32 =	vimm.f32 $7.670000000e+02;
	[tilespmem:$0x1FC70] =	vst v0;
	v0 =	vsel vm12, $0x44200000, v45  }
0xf0: {  	v1 =	vsel vm14, $0x44188000, v1;
	v2 =	vsel vm7, $0x442A0000, v2;
	v0 =	vsel vm13, $0x44204000, v0  }
0xf1: {  	v1 =	vsel vm15, $0x4418C000, v1;
	v2 =	vsel vm6, $0x442A4000, v2;
	v0 =	vsel vm14, $0x44208000, v0  }
0xf2: {  	v1 =	vsel vm11, $0x44190000, v1;
	v2 =	vsel vm5, $0x442A8000, v2;
	v0 =	vsel vm15, $0x4420C000, v0  }
0xf3: {  	v1 =	vsel vm10, $0x44194000, v1;
	v2 =	vsel vm4, $0x442AC000, v2;
	v0 =	vsel vm11, $0x44210000, v0  }
0xf4: {  	v1 =	vsel vm9, $0x44198000, v1;
	v2 =	vsel vm3, $0x442B0000, v2;
	v0 =	vsel vm10, $0x44214000, v0  }
0xf5: {  	v1 =	vsel vm8, $0x4419C000, v1;
	v12 =	vsel vm1, $0x442B4000, v2;
	v0 =	vsel vm9, $0x44218000, v0  }
0xf6: {  	v2 =	vsel vm12, $0x44340000, v20;
	v1 =	vsel vm7, $0x441A0000, v1;
	v0 =	vsel vm8, $0x4421C000, v0  }
0xf7: {  	v34 =	vimm.f32 $7.830000000e+02;
	v1 =	vsel vm6, $0x441A4000, v1;
	v0 =	vsel vm7, $0x44220000, v0  }
0xf8: {  	v20 =	vimm.f32 $8.950000000e+02;
	v1 =	vsel vm5, $0x441A8000, v1;
	v0 =	vsel vm6, $0x44224000, v0  }
0xf9: {  	v2 =	vsel vm13, $0x44344000, v2;
	v1 =	vsel vm4, $0x441AC000, v1;
	v0 =	vsel vm5, $0x44228000, v0  }
0xfa: {  	v2 =	vsel vm14, $0x44348000, v2;
	v1 =	vsel vm3, $0x441B0000, v1;
	v0 =	vsel vm4, $0x4422C000, v0  }
0xfb: {  	v2 =	vsel vm15, $0x4434C000, v2;
	v1 =	vsel vm1, $0x441B4000, v1;
	v0 =	vsel vm3, $0x44230000, v0  }
0xfc: {  	v42 =	vsel vm2, $0x441B8000, v1;
	v1 =	vsel vm12, $0x44240000, v49;
	v0 =	vsel vm1, $0x44234000, v0  }
0xfd: {  	v2 =	vsel vm11, $0x44350000, v2;
	v1 =	vsel vm13, $0x44244000, v1;
	v0 =	vsel vm2, $0x44238000, v0  }
0xfe: {  	v2 =	vsel vm10, $0x44354000, v2;
	v1 =	vsel vm14, $0x44248000, v1;
	[tilespmem:$0x1FC80] =	vst v0;
	v0 =	vsel vm2, $0x442B8000, v12  }
0xff: {  	v2 =	vsel vm9, $0x44358000, v2;
	v1 =	vsel vm15, $0x4424C000, v1;
	[tilespmem:$0x1FCA0] =	vst v0;
	v0 =	vsel vm12, $0x442C0000, v13  }
0x100: {  	v2 =	vsel vm8, $0x4435C000, v2;
	v1 =	vsel vm11, $0x44250000, v1;
	v0 =	vsel vm13, $0x442C4000, v0  }
0x101: {  	v2 =	vsel vm7, $0x44360000, v2;
	v1 =	vsel vm10, $0x44254000, v1;
	v0 =	vsel vm14, $0x442C8000, v0  }
0x102: {  	[tilespmem:$0x1FC60] =	vst v42;
	v42 =	vimm.f32 $8.150000000e+02;
	v1 =	vsel vm9, $0x44258000, v1;
	v0 =	vsel vm15, $0x442CC000, v0  }
0x103: {  	v2 =	vsel vm6, $0x44364000, v2;
	v1 =	vsel vm8, $0x4425C000, v1;
	v0 =	vsel vm11, $0x442D0000, v0  }
0x104: {  	v2 =	vsel vm5, $0x44368000, v2;
	v1 =	vsel vm7, $0x44260000, v1;
	v0 =	vsel vm10, $0x442D4000, v0  }
0x105: {  	v2 =	vsel vm4, $0x4436C000, v2;
	v1 =	vsel vm6, $0x44264000, v1;
	v0 =	vsel vm9, $0x442D8000, v0  }
0x106: {  	v2 =	vsel vm3, $0x44370000, v2;
	v1 =	vsel vm5, $0x44268000, v1;
	v0 =	vsel vm8, $0x442DC000, v0  }
0x107: {  	v22 =	vsel vm1, $0x44374000, v2;
	v1 =	vsel vm4, $0x4426C000, v1;
	v0 =	vsel vm7, $0x442E0000, v0  }
0x108: {  	v2 =	vsel vm12, $0x44400000, v34;
	v1 =	vsel vm3, $0x44270000, v1;
	v0 =	vsel vm6, $0x442E4000, v0  }
0x109: {  	v34 =	vimm.f32 $9.430000000e+02;
	v1 =	vsel vm1, $0x44274000, v1;
	v0 =	vsel vm5, $0x442E8000, v0  }
0x10a: {  	v61 =	vsel vm2, $0x44278000, v1;
	v1 =	vsel vm12, $0x44300000, v14;
	v0 =	vsel vm4, $0x442EC000, v0  }
0x10b: {  	v2 =	vsel vm13, $0x44404000, v2;
	v1 =	vsel vm13, $0x44304000, v1;
	v0 =	vsel vm3, $0x442F0000, v0  }
0x10c: {  	v2 =	vsel vm14, $0x44408000, v2;
	v1 =	vsel vm14, $0x44308000, v1;
	v0 =	vsel vm1, $0x442F4000, v0  }
0x10d: {  	v2 =	vsel vm15, $0x4440C000, v2;
	v1 =	vsel vm15, $0x4430C000, v1;
	v0 =	vsel vm2, $0x442F8000, v0  }
0x10e: {  	v43 =	vimm.f32 $8.310000000e+02;
	v1 =	vsel vm11, $0x44310000, v1;
	[tilespmem:$0x1FCB0] =	vst v0;
	v0 =	vsel vm2, $0x44378000, v22  }
0x10f: {  	v2 =	vsel vm11, $0x44410000, v2;
	v1 =	vsel vm10, $0x44314000, v1;
	[tilespmem:$0x1FCD0] =	vst v0;
	v0 =	vsel vm12, $0x44380000, v23  }
0x110: {  	v2 =	vsel vm10, $0x44414000, v2;
	v1 =	vsel vm9, $0x44318000, v1;
	v0 =	vsel vm13, $0x44384000, v0  }
0x111: {  	v2 =	vsel vm9, $0x44418000, v2;
	v1 =	vsel vm8, $0x4431C000, v1;
	v0 =	vsel vm14, $0x44388000, v0  }
0x112: {  	v2 =	vsel vm8, $0x4441C000, v2;
	v1 =	vsel vm7, $0x44320000, v1;
	v0 =	vsel vm15, $0x4438C000, v0  }
0x113: {  	v2 =	vsel vm7, $0x44420000, v2;
	v1 =	vsel vm6, $0x44324000, v1;
	v0 =	vsel vm11, $0x44390000, v0  }
0x114: {  	v2 =	vsel vm6, $0x44424000, v2;
	v1 =	vsel vm5, $0x44328000, v1;
	v0 =	vsel vm10, $0x44394000, v0  }
0x115: {  	[tilespmem:$0x1FC90] =	vst v61;
	v61 =	vimm.f32 $8.630000000e+02;
	v1 =	vsel vm4, $0x4432C000, v1;
	v0 =	vsel vm9, $0x44398000, v0  }
0x116: {  	v2 =	vsel vm5, $0x44428000, v2;
	v1 =	vsel vm3, $0x44330000, v1;
	v0 =	vsel vm8, $0x4439C000, v0  }
0x117: {  	v2 =	vsel vm4, $0x4442C000, v2;
	v1 =	vsel vm1, $0x44334000, v1;
	v0 =	vsel vm7, $0x443A0000, v0  }
0x118: {  	v21 =	vsel vm2, $0x44338000, v1;
	v1 =	vsel vm12, $0x443C0000, v32;
	v0 =	vsel vm6, $0x443A4000, v0  }
0x119: {  	v2 =	vsel vm3, $0x44430000, v2;
	v1 =	vsel vm13, $0x443C4000, v1;
	v0 =	vsel vm5, $0x443A8000, v0  }
0x11a: {  	v40 =	vsel vm1, $0x44434000, v2;
	v1 =	vsel vm14, $0x443C8000, v1;
	v0 =	vsel vm4, $0x443AC000, v0  }
0x11b: {  	v2 =	vsel vm12, $0x444C0000, v43;
	v1 =	vsel vm15, $0x443CC000, v1;
	v0 =	vsel vm3, $0x443B0000, v0  }
0x11c: {  	v43 =	vimm.f32 $9.910000000e+02;
	v1 =	vsel vm11, $0x443D0000, v1;
	v0 =	vsel vm1, $0x443B4000, v0  }
0x11d: {  	v2 =	vsel vm13, $0x444C4000, v2;
	v1 =	vsel vm10, $0x443D4000, v1;
	v0 =	vsel vm2, $0x443B8000, v0  }
0x11e: {  	v2 =	vsel vm14, $0x444C8000, v2;
	v1 =	vsel vm9, $0x443D8000, v1;
	[tilespmem:$0x1FCE0] =	vst v0;
	v0 =	vsel vm2, $0x44438000, v40  }
0x11f: {  	v2 =	vsel vm15, $0x444CC000, v2;
	v1 =	vsel vm8, $0x443DC000, v1;
	[tilespmem:$0x1FD00] =	vst v0;
	v0 =	vsel vm12, $0x44440000, v41  }
0x120: {  	v2 =	vsel vm11, $0x444D0000, v2;
	v1 =	vsel vm7, $0x443E0000, v1;
	v0 =	vsel vm13, $0x44444000, v0  }
0x121: {  	v2 =	vsel vm10, $0x444D4000, v2;
	v1 =	vsel vm6, $0x443E4000, v1;
	v0 =	vsel vm14, $0x44448000, v0  }
0x122: {  	v2 =	vsel vm9, $0x444D8000, v2;
	v1 =	vsel vm5, $0x443E8000, v1;
	v0 =	vsel vm15, $0x4444C000, v0  }
0x123: {  	v12 =	vimm.f32 $8.790000000e+02;
	v1 =	vsel vm4, $0x443EC000, v1;
	v0 =	vsel vm11, $0x44450000, v0  }
0x124: {  	v2 =	vsel vm8, $0x444DC000, v2;
	v1 =	vsel vm3, $0x443F0000, v1;
	v0 =	vsel vm10, $0x44454000, v0  }
0x125: {  	v2 =	vsel vm7, $0x444E0000, v2;
	v1 =	vsel vm1, $0x443F4000, v1;
	v0 =	vsel vm9, $0x44458000, v0  }
0x126: {  	v38 =	vsel vm2, $0x443F8000, v1;
	v1 =	vsel vm12, $0x44480000, v42;
	v0 =	vsel vm8, $0x4445C000, v0  }
0x127: {  	v2 =	vsel vm6, $0x444E4000, v2;
	v1 =	vsel vm13, $0x44484000, v1;
	v0 =	vsel vm7, $0x44460000, v0  }
0x128: {  	v2 =	vsel vm5, $0x444E8000, v2;
	v1 =	vsel vm14, $0x44488000, v1;
	v0 =	vsel vm6, $0x44464000, v0  }
0x129: {  	[tilespmem:$0x1FCC0] =	vst v21;
	v21 =	vimm.f32 $9.110000000e+02;
	v1 =	vsel vm15, $0x4448C000, v1;
	v0 =	vsel vm5, $0x44468000, v0  }
0x12a: {  	v2 =	vsel vm4, $0x444EC000, v2;
	v1 =	vsel vm11, $0x44490000, v1;
	v0 =	vsel vm4, $0x4446C000, v0  }
0x12b: {  	v2 =	vsel vm3, $0x444F0000, v2;
	v1 =	vsel vm10, $0x44494000, v1;
	v0 =	vsel vm3, $0x44470000, v0  }
0x12c: {  	v49 =	vsel vm1, $0x444F4000, v2;
	v1 =	vsel vm9, $0x44498000, v1;
	v0 =	vsel vm1, $0x44474000, v0  }
0x12d: {  	v2 =	vsel vm12, $0x44580000, v12;
	v1 =	vsel vm8, $0x4449C000, v1;
	v0 =	vsel vm2, $0x44478000, v0  }
0x12e: {  	v2 =	vsel vm13, $0x44584000, v2;
	v1 =	vsel vm7, $0x444A0000, v1;
	[tilespmem:$0x1FD10] =	vst v0;
	v0 =	vsel vm2, $0x444F8000, v49  }
0x12f: {  	v2 =	vsel vm14, $0x44588000, v2;
	v1 =	vsel vm6, $0x444A4000, v1;
	[tilespmem:$0x1FD30] =	vst v0;
	v0 =	vsel vm12, $0x44500000, v52  }
0x130: {  	v2 =	vsel vm15, $0x4458C000, v2;
	v1 =	vsel vm5, $0x444A8000, v1;
	v0 =	vsel vm13, $0x44504000, v0  }
0x131: {  	v2 =	vsel vm11, $0x44590000, v2;
	v1 =	vsel vm4, $0x444AC000, v1;
	v0 =	vsel vm14, $0x44508000, v0  }
0x132: {  	v2 =	vsel vm10, $0x44594000, v2;
	v1 =	vsel vm3, $0x444B0000, v1;
	v0 =	vsel vm15, $0x4450C000, v0  }
0x133: {  	v2 =	vsel vm9, $0x44598000, v2;
	v1 =	vsel vm1, $0x444B4000, v1;
	v0 =	vsel vm11, $0x44510000, v0  }
0x134: {  	v45 =	vsel vm2, $0x444B8000, v1;
	v1 =	vsel vm12, $0x44540000, v61;
	v0 =	vsel vm10, $0x44514000, v0  }
0x135: {  	v2 =	vsel vm8, $0x4459C000, v2;
	v1 =	vsel vm13, $0x44544000, v1;
	v0 =	vsel vm9, $0x44518000, v0  }
0x136: {  	v2 =	vsel vm7, $0x445A0000, v2;
	v1 =	vsel vm14, $0x44548000, v1;
	v0 =	vsel vm8, $0x4451C000, v0  }
0x137: {  	v2 =	vsel vm6, $0x445A4000, v2;
	v1 =	vsel vm15, $0x4454C000, v1;
	v0 =	vsel vm7, $0x44520000, v0  }
0x138: {  	v22 =	vimm.f32 $9.270000000e+02;
	v1 =	vsel vm11, $0x44550000, v1;
	v0 =	vsel vm6, $0x44524000, v0  }
0x139: {  	v2 =	vsel vm5, $0x445A8000, v2;
	v1 =	vsel vm10, $0x44554000, v1;
	v0 =	vsel vm5, $0x44528000, v0  }
0x13a: {  	v2 =	vsel vm4, $0x445AC000, v2;
	v1 =	vsel vm9, $0x44558000, v1;
	v0 =	vsel vm4, $0x4452C000, v0  }
0x13b: {  	[tilespmem:$0x1FCF0] =	vst v38;
	v38 =	vimm.f32 $9.590000000e+02;
	v1 =	vsel vm8, $0x4455C000, v1;
	v0 =	vsel vm3, $0x44530000, v0  }
0x13c: {  	v2 =	vsel vm3, $0x445B0000, v2;
	v1 =	vsel vm7, $0x44560000, v1;
	v0 =	vsel vm1, $0x44534000, v0  }
0x13d: {  	v14 =	vsel vm1, $0x445B4000, v2;
	v1 =	vsel vm6, $0x44564000, v1;
	v0 =	vsel vm2, $0x44538000, v0  }
0x13e: {  	v2 =	vsel vm12, $0x44640000, v22;
	v1 =	vsel vm5, $0x44568000, v1;
	[tilespmem:$0x1FD40] =	vst v0;
	v0 =	vsel vm2, $0x445B8000, v14  }
0x13f: {  	v2 =	vsel vm13, $0x44644000, v2;
	v1 =	vsel vm4, $0x4456C000, v1;
	[tilespmem:$0x1FD60] =	vst v0;
	v0 =	vsel vm12, $0x445C0000, v20  }
0x140: {  	v2 =	vsel vm14, $0x44648000, v2;
	v1 =	vsel vm3, $0x44570000, v1;
	v0 =	vsel vm13, $0x445C4000, v0  }
0x141: {  	v2 =	vsel vm15, $0x4464C000, v2;
	v1 =	vsel vm1, $0x44574000, v1;
	v0 =	vsel vm14, $0x445C8000, v0  }
0x142: {  	v13 =	vsel vm2, $0x44578000, v1;
	v1 =	vsel vm12, $0x44600000, v21;
	v0 =	vsel vm15, $0x445CC000, v0  }
0x143: {  	v2 =	vsel vm11, $0x44650000, v2;
	v1 =	vsel vm13, $0x44604000, v1;
	v0 =	vsel vm11, $0x445D0000, v0  }
0x144: {  	v2 =	vsel vm10, $0x44654000, v2;
	v1 =	vsel vm14, $0x44608000, v1;
	v0 =	vsel vm10, $0x445D4000, v0  }
0x145: {  	[tilespmem:$0x1FE00] =	vst v17;
	v2 =	vsel vm9, $0x44658000, v2;
	v1 =	vsel vm15, $0x4460C000, v1;
	v0 =	vsel vm9, $0x445D8000, v0  }
0x146: {  	[tilespmem:$0x1FFF0] =	vst v6;
	v2 =	vsel vm8, $0x4465C000, v2;
	v1 =	vsel vm11, $0x44610000, v1;
	v0 =	vsel vm8, $0x445DC000, v0  }
0x147: {  	[tilespmem:$0x1FFD0] =	vst v9;
	v2 =	vsel vm7, $0x44660000, v2;
	v1 =	vsel vm10, $0x44614000, v1;
	v0 =	vsel vm7, $0x445E0000, v0  }
0x148: {  	[tilespmem:$0x1FFE0] =	vst v7;
	v2 =	vsel vm6, $0x44664000, v2;
	v1 =	vsel vm9, $0x44618000, v1;
	v0 =	vsel vm6, $0x445E4000, v0  }
0x149: {  	[tilespmem:$0x1FE10] =	vst v16;
	v2 =	vsel vm5, $0x44668000, v2;
	v1 =	vsel vm8, $0x4461C000, v1;
	v0 =	vsel vm5, $0x445E8000, v0  }
0x14a: {  	[tilespmem:$0x1FE40] =	vst v53;
	v2 =	vsel vm4, $0x4466C000, v2;
	v1 =	vsel vm7, $0x44620000, v1;
	v0 =	vsel vm4, $0x445EC000, v0  }
0x14b: {  	[tilespmem:$0x1FE30] =	vst v51;
	v2 =	vsel vm3, $0x44670000, v2;
	v1 =	vsel vm6, $0x44624000, v1;
	v0 =	vsel vm3, $0x445F0000, v0  }
0x14c: {  	[tilespmem:$0x1FE20] =	vst v50;
	v40 =	vimm.f32 $9.750000000e+02;
	v1 =	vsel vm5, $0x44628000, v1;
	v0 =	vsel vm1, $0x445F4000, v0  }
0x14d: {  	[tilespmem:$0x1FD20] =	vst v45;
	v32 =	vsel vm1, $0x44674000, v2;
	v1 =	vsel vm4, $0x4462C000, v1;
	v0 =	vsel vm2, $0x445F8000, v0  }
0x14e: {  	v45 =	vimm.f32 $1.007000000e+03;
	v1 =	vsel vm3, $0x44630000, v1;
	[tilespmem:$0x1FD70] =	vst v0;
	v0 =	vsel vm2, $0x44678000, v32  }
0x14f: {  	v2 =	vsel vm12, $0x44700000, v40;
	v1 =	vsel vm1, $0x44634000, v1;
	[tilespmem:$0x1FD90] =	vst v0;
	v0 =	vsel vm12, $0x44680000, v34  }
0x150: {  	[tilespmem:$0x1FE70] =	vst v29;
	v23 =	vsel vm2, $0x44638000, v1;
	v1 =	vsel vm12, $0x446C0000, v38;
	v0 =	vsel vm13, $0x44684000, v0  }
0x151: {  	[tilespmem:$0x1FE60] =	vst v35;
	v2 =	vsel vm13, $0x44704000, v2;
	v1 =	vsel vm13, $0x446C4000, v1;
	v0 =	vsel vm14, $0x44688000, v0  }
0x152: {  	[tilespmem:$0x1FE50] =	vst v54;
	v2 =	vsel vm14, $0x44708000, v2;
	v1 =	vsel vm14, $0x446C8000, v1;
	v0 =	vsel vm15, $0x4468C000, v0  }
0x153: {  	[tilespmem:$0x1FEA0] =	vst v60;
	v2 =	vsel vm15, $0x4470C000, v2;
	v1 =	vsel vm15, $0x446CC000, v1;
	v0 =	vsel vm11, $0x44690000, v0  }
0x154: {  	[tilespmem:$0x1FE90] =	vst v33;
	v2 =	vsel vm11, $0x44710000, v2;
	v1 =	vsel vm11, $0x446D0000, v1;
	v0 =	vsel vm10, $0x44694000, v0  }
0x155: {  	[tilespmem:$0x1FE80] =	vst v27;
	v2 =	vsel vm10, $0x44714000, v2;
	v1 =	vsel vm10, $0x446D4000, v1;
	v0 =	vsel vm9, $0x44698000, v0  }
0x156: {  	[tilespmem:$0x1FED0] =	vst v39;
	v2 =	vsel vm9, $0x44718000, v2;
	v1 =	vsel vm9, $0x446D8000, v1;
	v0 =	vsel vm8, $0x4469C000, v0  }
0x157: {  	[tilespmem:$0x1FEC0] =	vst v59;
	v2 =	vsel vm8, $0x4471C000, v2;
	v1 =	vsel vm8, $0x446DC000, v1;
	v0 =	vsel vm7, $0x446A0000, v0  }
0x158: {  	[tilespmem:$0x1FEB0] =	vst v58;
	v2 =	vsel vm7, $0x44720000, v2;
	v1 =	vsel vm7, $0x446E0000, v1;
	v0 =	vsel vm6, $0x446A4000, v0  }
0x159: {  	[tilespmem:$0x1FF00] =	vst v28;
	v2 =	vsel vm6, $0x44724000, v2;
	v1 =	vsel vm6, $0x446E4000, v1;
	v0 =	vsel vm5, $0x446A8000, v0  }
0x15a: {  	[tilespmem:$0x1FEF0] =	vst v46;
	v2 =	vsel vm5, $0x44728000, v2;
	v1 =	vsel vm5, $0x446E8000, v1;
	v0 =	vsel vm4, $0x446AC000, v0  }
0x15b: {  	[tilespmem:$0x1FEE0] =	vst v36;
	v2 =	vsel vm4, $0x4472C000, v2;
	v1 =	vsel vm4, $0x446EC000, v1;
	v0 =	vsel vm3, $0x446B0000, v0  }
0x15c: {  	[tilespmem:$0x1FF30] =	vst v26;
	v2 =	vsel vm3, $0x44730000, v2;
	v1 =	vsel vm3, $0x446F0000, v1;
	v0 =	vsel vm1, $0x446B4000, v0  }
0x15d: {  	[tilespmem:$0x1FF20] =	vst v30;
	v42 =	vsel vm1, $0x44734000, v2;
	v1 =	vsel vm1, $0x446F4000, v1;
	v0 =	vsel vm2, $0x446B8000, v0  }
0x15e: {  	v41 =	vsel vm2, $0x446F8000, v1;
	v1 =	vsel vm12, $0x44780000, v45;
	[tilespmem:$0x1FDA0] =	vst v0;
	v0 =	vsel vm2, $0x44738000, v42  }
0x15f: {  	v49 =	vimm.f32 $1.023000000e+03;
	v1 =	vsel vm13, $0x44784000, v1;
	[tilespmem:$0x1FDC0] =	vst v0;
	v0 =	vsel vm12, $0x44740000, v43  }
0x160: {  	[tilespmem:$0x1FF60] =	vst v56;
	v2 =	vsel vm12, $0x447C0000, v49;
	v1 =	vsel vm14, $0x44788000, v1;
	v0 =	vsel vm13, $0x44744000, v0  }
0x161: {  	[tilespmem:$0x1FF10] =	vst v25;
	v2 =	vsel vm13, $0x447C4000, v2;
	v1 =	vsel vm15, $0x4478C000, v1;
	v0 =	vsel vm14, $0x44748000, v0  }
0x162: {  	[tilespmem:$0x1FF50] =	vst v37;
	v2 =	vsel vm14, $0x447C8000, v2;
	v1 =	vsel vm11, $0x44790000, v1;
	v0 =	vsel vm15, $0x4474C000, v0  }
0x163: {  	[tilespmem:$0x1FF90] =	vst v47;
	v2 =	vsel vm15, $0x447CC000, v2;
	v1 =	vsel vm10, $0x44794000, v1;
	v0 =	vsel vm11, $0x44750000, v0  }
0x164: {  	[tilespmem:$0x1FF40] =	vst v44;
	v2 =	vsel vm11, $0x447D0000, v2;
	v1 =	vsel vm9, $0x44798000, v1;
	v0 =	vsel vm10, $0x44754000, v0  }
0x165: {  	[tilespmem:$0x1FFC0] =	vst v55;
	v2 =	vsel vm10, $0x447D4000, v2;
	v1 =	vsel vm8, $0x4479C000, v1;
	v0 =	vsel vm9, $0x44758000, v0  }
0x166: {  	[tilespmem:$0x1FF80] =	vst v48;
	v2 =	vsel vm9, $0x447D8000, v2;
	v1 =	vsel vm7, $0x447A0000, v1;
	v0 =	vsel vm8, $0x4475C000, v0  }
0x167: {  	s5 =	srdreg.scid;
	s31 =	sshll.u32 s1, $0x1;
	s13 =	simm.s32 $0x800;
	[tilespmem:$0x1FF70] =	vst v57;
	v2 =	vsel vm8, $0x447DC000, v2;
	v1 =	vsel vm6, $0x447A4000, v1;
	v0 =	vsel vm7, $0x44760000, v0  }
0x168: {  	s14 =	simm.s32 $0x1000;
	s15 =	simm.s32 $0x1200;
	s6 =	sand.u32 $0x1, s5;
	[tilespmem:$0x1FFB0] =	vst v63;
	v2 =	vsel vm7, $0x447E0000, v2;
	v1 =	vsel vm5, $0x447A8000, v1;
	v0 =	vsel vm6, $0x44764000, v0  }
0x169: {  	s16 =	simm.s32 $0x1400;
	s17 =	simm.s32 $0x1600;
	s5 =	sor.u32 s6, s31;
	[tilespmem:$0x1FFA0] =	vst v62;
	v2 =	vsel vm6, $0x447E4000, v2;
	v1 =	vsel vm4, $0x447AC000, v1;
	v0 =	vsel vm5, $0x44768000, v0  }
0x16a: {  	s18 =	simm.s32 $0x0;
	s11 =	ssub.s32 $0x2, s6;
	s10 =	sshll.u32 s5, $0x7;
	[tilespmem:$0x1FD50] =	vst v13;
	v2 =	vsel vm5, $0x447E8000, v2;
	v1 =	vsel vm3, $0x447B0000, v1;
	v0 =	vsel vm4, $0x4476C000, v0  }
0x16b: {  	s5 =	sshll.u32 s5, $0x6;
	s12 =	sshrl.u32 s11, $0x1;
	s7 =	sadd.s32 s10, s4;
	[tilespmem:$0x1FD80] =	vst v23;
	v2 =	vsel vm4, $0x447EC000, v2;
	v1 =	vsel vm1, $0x447B4000, v1;
	v0 =	vsel vm3, $0x44770000, v0  }
0x16c: {  	s8 =	sadd.s32 s5, s4;
	s3 =	sadd.s32 s3, s10;
	s11 =	ssub.s32 s11, s12;
	v2 =	vsel vm3, $0x447F0000, v2;
	[tilespmem:$0x1FDB0] =	vst v41;
	v52 =	vsel vm2, $0x447B8000, v1;
	v0 =	vsel vm1, $0x44774000, v0  }
0x16d: {  	s9 =	sadd.s32 s9, s10;
	s12 =	simm.s32 $0x400;
	s4 =	sadd.s32 $0x1A00, s7;
	v61 =	vsel vm1, $0x447F4000, v2;
	[tilespmem:$0x1FDE0] =	vst v52;
	v0 =	vsel vm2, $0x44778000, v0  }
0x16e: {  	s5 =	sadd.s32 $0x2200, s8;
	s6 =	sadd.s32 $0x2600, s8;
	s7 =	sadd.s32 $0x2A00, s8;
	[tilespmem:$0x1FDD0] =	vst v0;
	v0 =	vsel vm2, $0x447F8000, v61  }
0x16f: {  	v11 =	vlaneseq.u32;
	s8 =	sadd.s32 $0x2E00, s8;
	s10 =	smax.u32 s11, $0x1;
	s11 =	simm.s32 $0x1;
	[tilespmem:$0x1FDF0] =	vst v0  }
.LBB2_2:
0x170: {  	s19 =	simm.s32 $0x0  }
0x171: {  	[tilespmem:s19], [sflag:$0x1] =	stream.linear.gather [hbm4b:s9+s19], $0x400, $0x38;
	[tilespmem:$0x1800] =	vst v63  }
0x172: {  	_ =	swait.ge [sflag:s11], $0x400  }
0x173: {  	[sflag:s11] =	ssyncset.done $0x0  }
0x174: {  	[sflag:s11] =	ssyncadd.s32 $0xFFFFFC00  }
0x175: {  	[tilespmem:s12], [sflag:$0x1] =	stream.linear.gather [hbm4b:s3+s19], $0x400, $0x38;
	[tilespmem:$0x1800] =	vst v63  }
0x176: {  	_ =	swait.ge [sflag:s11], $0x400  }
0x177: {  	[sflag:s11] =	ssyncset.done $0x0  }
0x178: {  	[sflag:s11] =	ssyncadd.s32 $0xFFFFFC00  }
0x179: {  	[tilespmem:s13], [sflag:$0x1] =	stream.linear.gather [hbm4b:s4+s19], $0x400, $0x38;
	[tilespmem:$0x1800] =	vst v63  }
0x17a: {  	_ =	swait.ge [sflag:s11], $0x400  }
0x17b: {  	[sflag:s11] =	ssyncset.done $0x0  }
0x17c: {  	v10 =	vimm.f32 $1.000000000e+10;
	[sflag:s11] =	ssyncadd.s32 $0xFFFFFC00  }
0x17d: {  	[tilespmem:$0xC00] =	vst v10  }
0x17e: {  	[tilespmem:$0xC10] =	vst v10  }
0x17f: {  	[tilespmem:$0xC20] =	vst v10  }
0x180: {  	[tilespmem:$0xC30] =	vst v10  }
0x181: {  	[tilespmem:$0xC40] =	vst v10  }
0x182: {  	[tilespmem:$0xC50] =	vst v10  }
0x183: {  	[tilespmem:$0xC60] =	vst v10  }
0x184: {  	[tilespmem:$0xC70] =	vst v10  }
0x185: {  	[tilespmem:$0xC80] =	vst v10  }
0x186: {  	[tilespmem:$0xC90] =	vst v10  }
0x187: {  	[tilespmem:$0xCA0] =	vst v10  }
0x188: {  	[tilespmem:$0xCB0] =	vst v10  }
0x189: {  	[tilespmem:$0xCC0] =	vst v10  }
0x18a: {  	[tilespmem:$0xCD0] =	vst v10  }
0x18b: {  	[tilespmem:$0xCE0] =	vst v10  }
0x18c: {  	[tilespmem:$0xCF0] =	vst v10  }
0x18d: {  	[tilespmem:$0xD00] =	vst v10  }
0x18e: {  	[tilespmem:$0xD10] =	vst v10  }
0x18f: {  	[tilespmem:$0xD20] =	vst v10  }
0x190: {  	[tilespmem:$0xD30] =	vst v10  }
0x191: {  	[tilespmem:$0xD40] =	vst v10  }
0x192: {  	[tilespmem:$0xD50] =	vst v10  }
0x193: {  	[tilespmem:$0xD60] =	vst v10  }
0x194: {  	[tilespmem:$0xD70] =	vst v10  }
0x195: {  	[tilespmem:$0xD80] =	vst v10  }
0x196: {  	[tilespmem:$0xD90] =	vst v10  }
0x197: {  	[tilespmem:$0xDA0] =	vst v10  }
0x198: {  	[tilespmem:$0xDB0] =	vst v10  }
0x199: {  	[tilespmem:$0xDC0] =	vst v10  }
0x19a: {  	[tilespmem:$0xDD0] =	vst v10  }
0x19b: {  	[tilespmem:$0xDE0] =	vst v10  }
0x19c: {  	[tilespmem:$0xDF0] =	vst v10  }
0x19d: {  	[tilespmem:$0xE00] =	vst v10  }
0x19e: {  	[tilespmem:$0xE10] =	vst v10  }
0x19f: {  	[tilespmem:$0xE20] =	vst v10  }
0x1a0: {  	[tilespmem:$0xE30] =	vst v10  }
0x1a1: {  	[tilespmem:$0xE40] =	vst v10  }
0x1a2: {  	[tilespmem:$0xE50] =	vst v10  }
0x1a3: {  	[tilespmem:$0xE60] =	vst v10  }
0x1a4: {  	[tilespmem:$0xE70] =	vst v10  }
0x1a5: {  	[tilespmem:$0xE80] =	vst v10  }
0x1a6: {  	[tilespmem:$0xE90] =	vst v10  }
0x1a7: {  	v3 =	vld [tilespmem:$0x1FBB0];
	[tilespmem:$0xEA0] =	vst v10  }
0x1a8: {  	[tilespmem:$0xEB0] =	vst v10;
	v0 =	vld [tilespmem:$0x0]  }
0x1a9: {  	[tilespmem:$0xEC0] =	vst v10;
	v1 =	vld [tilespmem:$0x400]  }
0x1aa: {  	[tilespmem:$0xED0] =	vst v10;
	v2 =	vld [tilespmem:$0x800]  }
0x1ab: {  	[tilespmem:$0xEE0] =	vst v10  }
0x1ac: {  	[tilespmem:$0xEF0] =	vst v10  }
0x1ad: {  	[tilespmem:$0xF00] =	vst v10;
	vm0 =	vnez.u8 v3  }
0x1ae: {  	[tilespmem:$0xF10] =	vst v10;
	v0 =	vnsel vm0, $0x7149F2CA, v0  }
0x1af: {  	[tilespmem:$0xF20] =	vst v10;
	v1 =	vnsel vm0, $0x7149F2CA, v1;
	v2 =	vnsel vm0, $0x7149F2CA, v2;
	v3 =	vperm.xlane v0, v17  }
0x1b0: {  	[tilespmem:$0xF30] =	vst v10;
	v4 =	vperm.xlane v1, v17;
	v5 =	vperm.xlane v2, v17  }
0x1b1: {  	[tilespmem:$0xF40] =	vst v10;
	v0 =	vmin.f32 v0, v3  }
0x1b2: {  	[tilespmem:$0xF50] =	vst v10;
	v1 =	vmin.f32 v1, v4;
	v2 =	vmin.f32 v2, v5;
	v3 =	vperm.xlane v0, v6  }
0x1b3: {  	[tilespmem:$0xF60] =	vst v10;
	v4 =	vperm.xlane v1, v6;
	v5 =	vperm.xlane v2, v6  }
0x1b4: {  	[tilespmem:$0xF70] =	vst v10;
	v0 =	vmin.f32 v0, v3  }
0x1b5: {  	[tilespmem:$0xF80] =	vst v10;
	v1 =	vmin.f32 v1, v4;
	v2 =	vmin.f32 v2, v5;
	v3 =	vperm.xlane v0, v7  }
0x1b6: {  	[tilespmem:$0xF90] =	vst v10;
	v4 =	vperm.xlane v1, v7;
	v5 =	vperm.xlane v2, v7  }
0x1b7: {  	[tilespmem:$0xFA0] =	vst v10;
	v0 =	vmin.f32 v0, v3  }
0x1b8: {  	[tilespmem:$0xFB0] =	vst v10;
	v1 =	vmin.f32 v1, v4;
	v2 =	vmin.f32 v2, v5;
	v3 =	vperm.xlane v0, v9  }
0x1b9: {  	[tilespmem:$0xFC0] =	vst v10;
	v4 =	vperm.xlane v1, v9;
	v5 =	vperm.xlane v2, v9  }
0x1ba: {  	[tilespmem:$0xFD0] =	vst v10;
	v7 =	vimm.f32 $0.0e+00;
	v14 =	vmin.f32 v0, v3  }
0x1bb: {  	s20 =	simm.s32 $0xFF1;
	[tilespmem:$0xFE0] =	vst v10;
	v15 =	vmin.f32 v1, v4;
	v13 =	vmin.f32 v2, v5;
	v1 =	vimm.f32 $0.0e+00  }
0x1bc: {  	s21 =	simm.s32 $0x11F1;
	s22 =	simm.s32 $0x13F1;
	s23 =	simm.s32 $0x15F1;
	[tilespmem:$0xFF0] =	vst v10;
	v2 =	vimm.f32 $0.0e+00;
	v3 =	vimm.f32 $0.0e+00;
	v4 =	vimm.f32 $0.0e+00  }
.LBB2_3:
0x1bd: {  	s24 =	sand.u32 $0xF, s19  }
0x1be: {  	v0 =	vmov s24  }
0x1bf: {  	vm0 =	veq.s32 v0, v11  }
0x1c0: {  	p0 =	sne.s32 s24, $0xF;
	v4 =	vsel vm0, v7, v4  }
0x1c1: {  	v3 =	vsel vm0, v14, v3;
	[tilespmem:s20+$0x0] =	vst @!p0 v4  }
0x1c2: {  	v2 =	vsel vm0, v15, v2;
	[tilespmem:s21+$0x0] =	vst @!p0 v3  }
0x1c3: {  	v1 =	vsel vm0, v13, v1;
	[tilespmem:s22+$0x0] =	vst @!p0 v2  }
0x1c4: {  	[tilespmem:s23+$0x0] =	vst @!p0 v1  }
0x1c5: {  	v0 =	vld [tilespmem:$0x0]  }
0x1c6: {  	[tilespmem:$0x1FB90] =	vst v1;
	v1 =	vld [tilespmem:$0x400];
	_ =	sdelay $0x1  }
0x1c7: {  	[tilespmem:$0x1FBA0] =	vst v2;
	v2 =	vld [tilespmem:$0x800];
	_ =	sdelay $0x1  }
0x1c8: {  	[tilespmem:$0x1FB70] =	vst v3;
	v3 =	vld [tilespmem:$0x10]  }
0x1c9: {  	[tilespmem:$0x1FB80] =	vst v4;
	v6 =	vld [tilespmem:$0x410];
	v4 =	vsub.f32 v0, v14;
	v5 =	vsub.f32 v1, v15  }
0x1ca: {  	v20 =	vld [tilespmem:$0x1FE10]  }
0x1cb: {  	v8 =	vld [tilespmem:$0x810];
	v7 =	vsub.f32 v2, v13;
	v4 =	vmul.f32 v4, v4;
	v5 =	vmul.f32 v5, v5  }
0x1cc: {  	v9 =	vld [tilespmem:$0xC00]  }
0x1cd: {  	v12 =	vld [tilespmem:$0x420];
	v4 =	vadd.f32 v5, v4;
	v5 =	vmul.f32 v7, v7  }
0x1ce: {  	v10 =	vsub.f32 v3, v14;
	v11 =	vsub.f32 v6, v15;
	v7 =	vld [tilespmem:$0x20]  }
0x1cf: {  	v19 =	vld [tilespmem:$0x430];
	v4 =	vadd.f32 v5, v4  }
0x1d0: {  	v16 =	vld [tilespmem:$0x820];
	v10 =	vmul.f32 v10, v10;
	v11 =	vmul.f32 v11, v11;
	v5 =	vsub.f32 v8, v13  }
0x1d1: {  	v17 =	vmin.f32 v9, v4;
	v4 =	vld [tilespmem:$0xC10]  }
0x1d2: {  	v9 =	vadd.f32 v11, v10;
	v5 =	vmul.f32 v5, v5;
	vm15 =	vgt.f32 v17, $-1.000000000e+00  }
0x1d3: {  	v18 =	vsub.f32 v12, v15;
	v10 =	vld [tilespmem:$0x30];
	[tilespmem:$0x1F5C0] =	vst v17;
	v11 =	vnsel vm15, $0xBF800000, v17;
	v17 =	vsub.f32 v7, v14  }
0x1d4: {  	v49 =	vsub.f32 v19, v15;
	v5 =	vadd.f32 v5, v9  }
0x1d5: {  	v21 =	vld [tilespmem:$0x830];
	v18 =	vmul.f32 v18, v18;
	v9 =	vsub.f32 v16, v13;
	v17 =	vmul.f32 v17, v17  }
0x1d6: {  	v20 =	vnsel vm15, $0x0, v20;
	v0 =	vnsel vm15, $0x0, v0;
	v22 =	vmin.f32 v4, v5;
	v4 =	vld [tilespmem:$0xC20]  }
0x1d7: {  	v23 =	vld [tilespmem:$0x440];
	v1 =	vnsel vm15, $0x0, v1;
	v9 =	vmul.f32 v9, v9;
	v5 =	vadd.f32 v18, v17  }
0x1d8: {  	v2 =	vnsel vm15, $0x0, v2;
	vm4 =	vgt.f32 v22, v11;
	v17 =	vld [tilespmem:$0x40];
	v18 =	vsub.f32 v10, v14  }
0x1d9: {  	v11 =	vsel vm4, v22, v11;
	v0 =	vsel vm4, v3, v0;
	v3 =	vadd.f32 v9, v5  }
0x1da: {  	v52 =	vld [tilespmem:$0x840];
	v5 =	vsub.f32 v21, v13;
	v9 =	vmul.f32 v18, v18;
	v18 =	vmul.f32 v49, v49  }
0x1db: {  	v1 =	vsel vm4, v6, v1;
	v2 =	vsel vm4, v8, v2;
	v8 =	vmin.f32 v4, v3;
	v3 =	vld [tilespmem:$0xC30]  }
0x1dc: {  	v6 =	vld [tilespmem:$0x50];
	v4 =	vadd.f32 v18, v9;
	v5 =	vmul.f32 v5, v5;
	vm5 =	vgt.f32 v8, v11  }
0x1dd: {  	v18 =	vld [tilespmem:$0x450];
	[tilespmem:$0x1F5E0] =	vst v8;
	v9 =	vsub.f32 v17, v14;
	v8 =	vsel vm5, v8, v11;
	v11 =	vsub.f32 v23, v15  }
0x1de: {  	v20 =	vsel vm4, v50, v20;
	v0 =	vsel vm5, v7, v0;
	v4 =	vadd.f32 v5, v4  }
0x1df: {  	v5 =	vsub.f32 v52, v13;
	v7 =	vmul.f32 v9, v9;
	v9 =	vmul.f32 v11, v11;
	v11 =	vld [tilespmem:$0x850]  }
0x1e0: {  	v1 =	vsel vm5, v12, v1;
	v2 =	vsel vm5, v16, v2;
	v12 =	vmin.f32 v3, v4;
	v3 =	vld [tilespmem:$0xC40]  }
0x1e1: {  	v16 =	vld [tilespmem:$0x460];
	v5 =	vmul.f32 v5, v5;
	vm6 =	vgt.f32 v12, v8;
	v4 =	vadd.f32 v9, v7  }
0x1e2: {  	[tilespmem:$0x1F5F0] =	vst v12;
	v7 =	vld [tilespmem:$0x60];
	v9 =	vsub.f32 v6, v14;
	v8 =	vsel vm6, v12, v8;
	v12 =	vsub.f32 v18, v15  }
0x1e3: {  	v20 =	vsel vm5, v51, v20;
	v0 =	vsel vm6, v10, v0;
	v4 =	vadd.f32 v5, v4  }
0x1e4: {  	v9 =	vmul.f32 v9, v9;
	v5 =	vsub.f32 v11, v13;
	v10 =	vmul.f32 v12, v12;
	v12 =	vld [tilespmem:$0x860]  }
0x1e5: {  	v20 =	vsel vm6, v53, v20;
	v1 =	vsel vm6, v19, v1;
	v19 =	vmin.f32 v3, v4;
	v3 =	vld [tilespmem:$0xC50]  }
0x1e6: {  	v53 =	vld [tilespmem:$0x470];
	vm7 =	vgt.f32 v19, v8;
	v4 =	vadd.f32 v10, v9;
	v5 =	vmul.f32 v5, v5  }
0x1e7: {  	[tilespmem:$0x1F600] =	vst v19;
	v9 =	vld [tilespmem:$0x70];
	v10 =	vsub.f32 v7, v14;
	v8 =	vsel vm7, v19, v8;
	v19 =	vsub.f32 v16, v15  }
0x1e8: {  	v2 =	vsel vm6, v21, v2;
	v0 =	vsel vm7, v17, v0;
	v4 =	vadd.f32 v5, v4  }
0x1e9: {  	v10 =	vmul.f32 v10, v10;
	v5 =	vsub.f32 v12, v13;
	v17 =	vmul.f32 v19, v19;
	v19 =	vld [tilespmem:$0x870]  }
0x1ea: {  	v20 =	vsel vm7, v54, v20;
	v1 =	vsel vm7, v23, v1;
	v54 =	vmin.f32 v3, v4;
	v3 =	vld [tilespmem:$0xC60]  }
0x1eb: {  	v61 =	vld [tilespmem:$0x480];
	v2 =	vsel vm7, v52, v2;
	v4 =	vadd.f32 v17, v10;
	v5 =	vmul.f32 v5, v5  }
0x1ec: {  	v34 =	vmovc v55;
	v55 =	vsub.f32 v53, v15;
	vm8 =	vgt.f32 v54, v8;
	v10 =	vld [tilespmem:$0x80];
	v17 =	vsub.f32 v9, v14  }
0x1ed: {  	v8 =	vsel vm8, v54, v8;
	v0 =	vsel vm8, v6, v0;
	v4 =	vadd.f32 v5, v4  }
0x1ee: {  	v31 =	vmovc v63;
	v63 =	vld [tilespmem:$0x880];
	v6 =	vmul.f32 v17, v17;
	v17 =	vmul.f32 v55, v55;
	v5 =	vsub.f32 v19, v13  }
0x1ef: {  	v1 =	vsel vm8, v18, v1;
	v2 =	vsel vm8, v11, v2;
	v11 =	vmin.f32 v3, v4;
	v3 =	vld [tilespmem:$0xC70]  }
0x1f0: {  	v18 =	vld [tilespmem:$0x490];
	v4 =	vadd.f32 v17, v6;
	vm9 =	vgt.f32 v11, v8;
	v5 =	vmul.f32 v5, v5  }
0x1f1: {  	v6 =	vld [tilespmem:$0x90];
	v17 =	vsub.f32 v61, v15;
	[tilespmem:$0x1F620] =	vst v11;
	v8 =	vsel vm9, v11, v8;
	v11 =	vsub.f32 v10, v14  }
0x1f2: {  	v32 =	vld [tilespmem:$0x4B0];
	v20 =	vsel vm8, v35, v20;
	v0 =	vsel vm9, v7, v0;
	v4 =	vadd.f32 v5, v4  }
0x1f3: {  	v5 =	vsub.f32 v63, v13;
	v7 =	vmul.f32 v11, v11;
	v11 =	vmul.f32 v17, v17;
	v17 =	vld [tilespmem:$0x890]  }
0x1f4: {  	v1 =	vsel vm9, v16, v1;
	v2 =	vsel vm9, v12, v2;
	v12 =	vmin.f32 v3, v4;
	v3 =	vld [tilespmem:$0xC80]  }
0x1f5: {  	v16 =	vld [tilespmem:$0x4A0];
	v5 =	vmul.f32 v5, v5;
	vm10 =	vgt.f32 v12, v8;
	v4 =	vadd.f32 v11, v7  }
0x1f6: {  	[tilespmem:$0x1F630] =	vst v12;
	v7 =	vld [tilespmem:$0xA0];
	v11 =	vsub.f32 v6, v14;
	v8 =	vsel vm10, v12, v8;
	v12 =	vsub.f32 v18, v15  }
0x1f7: {  	v35 =	vsub.f32 v32, v15;
	v0 =	vsel vm10, v9, v0;
	v4 =	vadd.f32 v5, v4  }
0x1f8: {  	v9 =	vmul.f32 v11, v11;
	v5 =	vsub.f32 v17, v13;
	v11 =	vmul.f32 v12, v12;
	v12 =	vld [tilespmem:$0x8A0]  }
0x1f9: {  	v20 =	vsel vm9, v29, v20;
	v2 =	vsel vm10, v19, v2;
	v19 =	vmin.f32 v3, v4;
	v3 =	vld [tilespmem:$0xC90]  }
0x1fa: {  	vm11 =	vgt.f32 v19, v8;
	v4 =	vadd.f32 v11, v9;
	v5 =	vmul.f32 v5, v5  }
0x1fb: {  	[tilespmem:$0x1F640] =	vst v19;
	v9 =	vld [tilespmem:$0xB0];
	v11 =	vsub.f32 v7, v14;
	v8 =	vsel vm11, v19, v8;
	v19 =	vsub.f32 v16, v15  }
0x1fc: {  	v20 =	vsel vm10, v27, v20;
	v0 =	vsel vm11, v10, v0;
	v4 =	vadd.f32 v5, v4  }
0x1fd: {  	v10 =	vmul.f32 v11, v11;
	v5 =	vsub.f32 v12, v13;
	v11 =	vmul.f32 v19, v19;
	v19 =	vld [tilespmem:$0x8B0]  }
0x1fe: {  	v1 =	vsel vm10, v53, v1;
	v20 =	vsel vm11, v33, v20;
	v33 =	vmin.f32 v3, v4;
	v3 =	vld [tilespmem:$0xCA0]  }
0x1ff: {  	v38 =	vld [tilespmem:$0x4C0];
	v1 =	vsel vm11, v61, v1;
	v4 =	vadd.f32 v11, v10;
	v5 =	vmul.f32 v5, v5  }
0x200: {  	v2 =	vsel vm11, v63, v2;
	vm12 =	vgt.f32 v33, v8;
	v10 =	vld [tilespmem:$0xC0];
	v11 =	vsub.f32 v9, v14  }
0x201: {  	v8 =	vsel vm12, v33, v8;
	v0 =	vsel vm12, v6, v0;
	v4 =	vadd.f32 v5, v4  }
0x202: {  	v40 =	vld [tilespmem:$0x8C0];
	v6 =	vmul.f32 v11, v11;
	v11 =	vmul.f32 v35, v35;
	v5 =	vsub.f32 v19, v13  }
0x203: {  	v1 =	vsel vm12, v18, v1;
	v2 =	vsel vm12, v17, v2;
	v17 =	vmin.f32 v3, v4;
	v3 =	vld [tilespmem:$0xCB0]  }
0x204: {  	v18 =	vld [tilespmem:$0x4D0];
	v4 =	vadd.f32 v11, v6;
	vm13 =	vgt.f32 v17, v8;
	v5 =	vmul.f32 v5, v5  }
0x205: {  	v6 =	vld [tilespmem:$0xD0];
	[tilespmem:$0x1F660] =	vst v17;
	v11 =	vsub.f32 v10, v14;
	v8 =	vsel vm13, v17, v8;
	v17 =	vsub.f32 v38, v15  }
0x206: {  	v0 =	vsel vm13, v7, v0;
	v4 =	vadd.f32 v5, v4  }
0x207: {  	v5 =	vsub.f32 v40, v13;
	v7 =	vmul.f32 v11, v11;
	v11 =	vmul.f32 v17, v17;
	v17 =	vld [tilespmem:$0x8D0]  }
0x208: {  	v2 =	vsel vm13, v12, v2;
	v12 =	vmin.f32 v3, v4;
	v3 =	vld [tilespmem:$0xCC0]  }
0x209: {  	v5 =	vmul.f32 v5, v5;
	vm14 =	vgt.f32 v12, v8;
	v4 =	vadd.f32 v11, v7  }
0x20a: {  	[tilespmem:$0x1F670] =	vst v12;
	v7 =	vld [tilespmem:$0xE0];
	v11 =	vsub.f32 v6, v14;
	v8 =	vsel vm14, v12, v8;
	v12 =	vsub.f32 v18, v15  }
0x20b: {  	v1 =	vsel vm13, v16, v1;
	v16 =	vld [tilespmem:$0x4E0];
	v0 =	vsel vm14, v9, v0;
	v4 =	vadd.f32 v5, v4  }
0x20c: {  	v9 =	vmul.f32 v11, v11;
	v5 =	vsub.f32 v17, v13;
	v11 =	vmul.f32 v12, v12;
	v12 =	vld [tilespmem:$0x8E0]  }
0x20d: {  	v2 =	vsel vm14, v19, v2;
	v19 =	vmin.f32 v3, v4;
	v3 =	vld [tilespmem:$0xCD0]  }
0x20e: {  	v41 =	vld [tilespmem:$0x4F0];
	v20 =	vsel vm12, v60, v20;
	v4 =	vadd.f32 v11, v9;
	v5 =	vmul.f32 v5, v5  }
0x20f: {  	[tilespmem:$0x1F5D0] =	vst v22;
	v20 =	vsel vm13, v58, v20;
	vm15 =	vgt.f32 v19, v8;
	v11 =	vsub.f32 v7, v14  }
0x210: {  	[tilespmem:$0x1F680] =	vst v19;
	v9 =	vld [tilespmem:$0xF0];
	v8 =	vsel vm15, v19, v8;
	v19 =	vsub.f32 v16, v15;
	v4 =	vadd.f32 v5, v4  }
0x211: {  	[tilespmem:$0x1F610] =	vst v54;
	v20 =	vsel vm14, v59, v20;
	v0 =	vsel vm15, v10, v0;
	v10 =	vmul.f32 v11, v11  }
0x212: {  	[tilespmem:$0x1F650] =	vst v33;
	v5 =	vsub.f32 v12, v13;
	v11 =	vmul.f32 v19, v19;
	v19 =	vld [tilespmem:$0x8F0];
	v42 =	vmin.f32 v3, v4  }
0x213: {  	v43 =	vsub.f32 v41, v15;
	v1 =	vsel vm14, v32, v1;
	v20 =	vsel vm15, v39, v20;
	v3 =	vld [tilespmem:$0xCE0];
	[tilespmem:$0x1F6D0] =	vst v42  }
0x214: {  	v1 =	vsel vm15, v38, v1;
	v4 =	vadd.f32 v11, v10;
	v5 =	vmul.f32 v5, v5;
	v10 =	vld [tilespmem:$0x100]  }
0x215: {  	v2 =	vsel vm15, v40, v2;
	vm4 =	vgt.f32 v42, v8;
	v11 =	vsub.f32 v9, v14;
	v45 =	vld [tilespmem:$0x500]  }
0x216: {  	v8 =	vsel vm4, v42, v8;
	v20 =	vsel vm4, v36, v20;
	v49 =	vld [tilespmem:$0x900];
	v4 =	vadd.f32 v5, v4  }
0x217: {  	v0 =	vsel vm4, v6, v0;
	v50 =	vld [tilespmem:$0x530];
	v6 =	vmul.f32 v11, v11;
	v11 =	vmul.f32 v43, v43  }
0x218: {  	v2 =	vsel vm4, v17, v2;
	v58 =	vld [tilespmem:$0x570];
	v5 =	vsub.f32 v19, v13;
	v17 =	vmin.f32 v3, v4  }
0x219: {  	v1 =	vsel vm4, v18, v1;
	v3 =	vld [tilespmem:$0xCF0];
	v4 =	vadd.f32 v11, v6;
	vm5 =	vgt.f32 v17, v8  }
0x21a: {  	v18 =	vld [tilespmem:$0x510];
	v5 =	vmul.f32 v5, v5;
	v8 =	vsel vm5, v17, v8;
	v11 =	vsub.f32 v10, v14  }
0x21b: {  	v6 =	vld [tilespmem:$0x110];
	[tilespmem:$0x1F700] =	vst v17;
	v17 =	vsub.f32 v45, v15;
	v20 =	vsel vm5, v46, v20;
	v0 =	vsel vm5, v7, v0  }
0x21c: {  	v1 =	vsel vm5, v16, v1;
	v2 =	vsel vm5, v12, v2;
	v4 =	vadd.f32 v5, v4  }
0x21d: {  	v5 =	vsub.f32 v49, v13;
	v7 =	vmul.f32 v11, v11;
	v11 =	vmul.f32 v17, v17;
	v17 =	vld [tilespmem:$0x910]  }
0x21e: {  	v52 =	vsub.f32 v50, v15;
	v60 =	vsub.f32 v58, v15;
	v12 =	vmin.f32 v3, v4;
	v3 =	vld [tilespmem:$0xD00]  }
0x21f: {  	v16 =	vld [tilespmem:$0x520];
	v5 =	vmul.f32 v5, v5;
	vm6 =	vgt.f32 v12, v8;
	v4 =	vadd.f32 v11, v7  }
0x220: {  	[tilespmem:$0x1F710] =	vst v12;
	v7 =	vld [tilespmem:$0x120];
	v11 =	vsub.f32 v6, v14;
	v8 =	vsel vm6, v12, v8;
	v12 =	vsub.f32 v18, v15  }
0x221: {  	v22 =	vmul.f32 v52, v52;
	v0 =	vsel vm6, v9, v0;
	v4 =	vadd.f32 v5, v4  }
0x222: {  	v9 =	vmul.f32 v11, v11;
	v5 =	vsub.f32 v17, v13;
	v11 =	vmul.f32 v12, v12;
	v12 =	vld [tilespmem:$0x920]  }
0x223: {  	v20 =	vsel vm6, v28, v20;
	v2 =	vsel vm6, v19, v2;
	v19 =	vmin.f32 v3, v4;
	v3 =	vld [tilespmem:$0xD10]  }
0x224: {  	vm7 =	vgt.f32 v19, v8;
	v4 =	vadd.f32 v11, v9;
	v5 =	vmul.f32 v5, v5  }
0x225: {  	[tilespmem:$0x1F730] =	vst v19;
	v9 =	vld [tilespmem:$0x130];
	v11 =	vsub.f32 v7, v14;
	v8 =	vsel vm7, v19, v8;
	v19 =	vsub.f32 v16, v15  }
0x226: {  	v24 =	vld [tilespmem:$0x930];
	v1 =	vsel vm6, v41, v1;
	v0 =	vsel vm7, v10, v0;
	v4 =	vadd.f32 v5, v4  }
0x227: {  	v53 =	vld [tilespmem:$0x540];
	v11 =	vmul.f32 v11, v11;
	v10 =	vsub.f32 v12, v13;
	v19 =	vmul.f32 v19, v19  }
0x228: {  	v20 =	vsel vm7, v25, v20;
	v1 =	vsel vm7, v45, v1;
	v5 =	vld [tilespmem:$0xD20];
	v51 =	vmin.f32 v3, v4  }
0x229: {  	v25 =	vld [tilespmem:$0x150];
	vm8 =	vgt.f32 v51, v8;
	v4 =	vadd.f32 v19, v11;
	v10 =	vmul.f32 v10, v10  }
0x22a: {  	v2 =	vsel vm7, v49, v2;
	v11 =	vld [tilespmem:$0x140];
	v19 =	vsub.f32 v9, v14;
	v8 =	vsel vm8, v51, v8  }
0x22b: {  	v20 =	vsel vm8, v30, v20;
	v0 =	vsel vm8, v6, v0;
	v6 =	vld [tilespmem:$0x940];
	v4 =	vadd.f32 v10, v4  }
0x22c: {  	v3 =	vld [tilespmem:$0xD30];
	v1 =	vsel vm8, v18, v1;
	v10 =	vsub.f32 v24, v13;
	v19 =	vmul.f32 v19, v19  }
0x22d: {  	v2 =	vsel vm8, v17, v2;
	v18 =	vsub.f32 v53, v15;
	v17 =	vmin.f32 v5, v4;
	v4 =	vld [tilespmem:$0x550]  }
0x22e: {  	v5 =	vadd.f32 v22, v19;
	v10 =	vmul.f32 v10, v10;
	vm9 =	vgt.f32 v17, v8  }
0x22f: {  	v19 =	vld [tilespmem:$0x950];
	[tilespmem:$0x1F780] =	vst v17;
	v8 =	vsel vm9, v17, v8;
	v17 =	vsub.f32 v11, v14;
	v20 =	vsel vm9, v26, v20  }
0x230: {  	v7 =	vsel vm9, v7, v0;
	v0 =	vadd.f32 v10, v5;
	v5 =	vsub.f32 v6, v13  }
0x231: {  	v1 =	vsel vm9, v16, v1;
	v10 =	vmul.f32 v17, v17;
	v17 =	vmul.f32 v18, v18  }
0x232: {  	v27 =	vmin.f32 v3, v0;
	v3 =	vld [tilespmem:$0xD40];
	v0 =	vsub.f32 v25, v14;
	v18 =	vsub.f32 v4, v15  }
0x233: {  	v26 =	vld [tilespmem:$0x560];
	v5 =	vmul.f32 v5, v5;
	vm1 =	vgt.f32 v27, v8;
	v10 =	vadd.f32 v17, v10  }
0x234: {  	v54 =	vsub.f32 v19, v13;
	v17 =	vld [tilespmem:$0x160];
	v0 =	vmul.f32 v0, v0;
	v18 =	vmul.f32 v18, v18  }
0x235: {  	v2 =	vsel vm9, v12, v2;
	v12 =	vld [tilespmem:$0xD50];
	v8 =	vsel vm1, v27, v8;
	v5 =	vadd.f32 v5, v10  }
0x236: {  	v7 =	vsel vm1, v9, v7;
	v16 =	vmul.f32 v54, v54;
	v10 =	vadd.f32 v18, v0;
	v18 =	vld [tilespmem:$0x960]  }
0x237: {  	v1 =	vsel vm1, v50, v1;
	v2 =	vsel vm1, v24, v2;
	v55 =	vmin.f32 v3, v5  }
0x238: {  	v9 =	vld [tilespmem:$0xD60];
	v0 =	vsel vm1, v44, v20;
	v3 =	vadd.f32 v16, v10;
	vm11 =	vgt.f32 v55, v8  }
0x239: {  	v5 =	vld [tilespmem:$0x170];
	v10 =	vsub.f32 v17, v14;
	v16 =	vsub.f32 v26, v15;
	v8 =	vsel vm11, v55, v8  }
0x23a: {  	v7 =	vsel vm11, v11, v7;
	v2 =	vsel vm11, v6, v2;
	v6 =	vld [tilespmem:$0x580];
	v59 =	vmin.f32 v12, v3  }
0x23b: {  	v3 =	vld [tilespmem:$0x970];
	v10 =	vmul.f32 v10, v10;
	v12 =	vmul.f32 v16, v16;
	v11 =	vsub.f32 v18, v13  }
0x23c: {  	v1 =	vsel vm11, v53, v1;
	v0 =	vsel vm11, v37, v0;
	v16 =	vld [tilespmem:$0x180];
	vm12 =	vgt.f32 v59, v8  }
0x23d: {  	v61 =	vld [tilespmem:$0x980];
	v8 =	vsel vm12, v59, v8;
	v10 =	vadd.f32 v12, v10;
	v11 =	vmul.f32 v11, v11  }
0x23e: {  	v7 =	vsel vm12, v25, v7;
	v12 =	vsub.f32 v5, v14;
	v1 =	vsel vm12, v4, v1  }
0x23f: {  	v63 =	vld [tilespmem:$0x190];
	v2 =	vsel vm12, v19, v2;
	v19 =	vmul.f32 v60, v60;
	v4 =	vadd.f32 v11, v10  }
0x240: {  	v32 =	vld [tilespmem:$0x590];
	v0 =	vsel vm12, v56, v0;
	v12 =	vmul.f32 v12, v12;
	v11 =	vsub.f32 v3, v13  }
0x241: {  	v10 =	vld [tilespmem:$0xD70];
	v25 =	vmin.f32 v9, v4;
	v4 =	vsub.f32 v16, v14;
	v9 =	vsub.f32 v6, v15  }
0x242: {  	v24 =	vld [tilespmem:$0x990];
	v12 =	vadd.f32 v19, v12;
	v19 =	vsub.f32 v61, v13;
	v11 =	vmul.f32 v11, v11  }
0x243: {  	vm13 =	vgt.f32 v25, v8;
	v4 =	vmul.f32 v4, v4;
	v9 =	vmul.f32 v9, v9  }
0x244: {  	v8 =	vsel vm13, v25, v8;
	v7 =	vsel vm13, v17, v7;
	v11 =	vadd.f32 v11, v12  }
0x245: {  	v12 =	vld [tilespmem:$0xD80];
	v1 =	vsel vm13, v26, v1;
	v2 =	vsel vm13, v18, v2;
	v4 =	vadd.f32 v9, v4  }
0x246: {  	v17 =	vld [tilespmem:$0x1A0];
	v9 =	vmul.f32 v19, v19;
	v26 =	vmin.f32 v10, v11;
	v10 =	vsub.f32 v63, v14  }
0x247: {  	v18 =	vsub.f32 v24, v13;
	v0 =	vsel vm13, v57, v0;
	v11 =	vsub.f32 v32, v15;
	v19 =	vld [tilespmem:$0x5A0]  }
0x248: {  	[tilespmem:$0x1F830] =	vst v25;
	v25 =	vld [tilespmem:$0x1B0];
	vm15 =	vgt.f32 v26, v8;
	v4 =	vadd.f32 v9, v4;
	v10 =	vmul.f32 v10, v10  }
0x249: {  	v9 =	vld [tilespmem:$0x9A0];
	v11 =	vmul.f32 v11, v11;
	v8 =	vsel vm15, v26, v8;
	v5 =	vsel vm15, v5, v7  }
0x24a: {  	[tilespmem:$0x1F850] =	vst v26;
	v1 =	vsel vm15, v58, v1;
	v7 =	vld [tilespmem:$0x5B0];
	v2 =	vsel vm15, v3, v2;
	v26 =	vmin.f32 v12, v4  }
0x24b: {  	v4 =	vadd.f32 v11, v10;
	v10 =	vmul.f32 v18, v18;
	v11 =	vld [tilespmem:$0xD90];
	v12 =	vsub.f32 v17, v14  }
0x24c: {  	v33 =	vld [tilespmem:$0x9B0];
	v0 =	vsel vm15, v48, v0;
	vm14 =	vgt.f32 v26, v8;
	v18 =	vsub.f32 v19, v15  }
0x24d: {  	v3 =	vsel vm14, v26, v8;
	v4 =	vadd.f32 v10, v4;
	v10 =	vmul.f32 v12, v12  }
0x24e: {  	v5 =	vsel vm14, v16, v5;
	v8 =	vsub.f32 v9, v13;
	v12 =	vmul.f32 v18, v18  }
0x24f: {  	[tilespmem:$0x1F880] =	vst v26;
	v16 =	vld [tilespmem:$0xDA0];
	v1 =	vsel vm14, v6, v1;
	v18 =	vsub.f32 v25, v14;
	v26 =	vsub.f32 v7, v15  }
0x250: {  	[tilespmem:$0x1F790] =	vst v27;
	v27 =	vmin.f32 v11, v4;
	v4 =	vadd.f32 v12, v10;
	v8 =	vmul.f32 v8, v8;
	v10 =	vld [tilespmem:$0x1C0]  }
0x251: {  	v11 =	vsub.f32 v33, v13;
	v12 =	vmul.f32 v18, v18;
	v18 =	vmul.f32 v26, v26;
	v26 =	vld [tilespmem:$0x5C0]  }
0x252: {  	v2 =	vsel vm14, v61, v2;
	v6 =	vld [tilespmem:$0xDB0];
	v0 =	vsel vm14, v47, v0;
	vm0 =	vgt.f32 v27, v3  }
0x253: {  	v4 =	vadd.f32 v8, v4;
	v8 =	vadd.f32 v18, v12;
	v11 =	vmul.f32 v11, v11;
	v12 =	vld [tilespmem:$0x9C0]  }
0x254: {  	v3 =	vsel vm0, v27, v3;
	v5 =	vsel vm0, v63, v5;
	v1 =	vsel vm0, v32, v1  }
0x255: {  	v36 =	vld [tilespmem:$0x5D0];
	v2 =	vsel vm0, v24, v2;
	v35 =	vmin.f32 v16, v4;
	v4 =	vadd.f32 v11, v8  }
0x256: {  	v8 =	vld [tilespmem:$0x1D0];
	vm5 =	vgt.f32 v35, v3;
	v11 =	vsub.f32 v10, v14;
	v16 =	vsub.f32 v26, v15  }
0x257: {  	v3 =	vsel vm5, v35, v3;
	v5 =	vsel vm5, v17, v5;
	v38 =	vmin.f32 v6, v4  }
0x258: {  	v4 =	vld [tilespmem:$0x9D0];
	v2 =	vsel vm5, v9, v2;
	v9 =	vimm.s32 $0x0;
	v6 =	vsub.f32 v12, v13  }
0x259: {  	v18 =	vld [tilespmem:$0xDC0];
	v11 =	vmul.f32 v11, v11;
	v16 =	vmul.f32 v16, v16;
	vm10 =	vgt.f32 v38, v3  }
0x25a: {  	v17 =	vld [tilespmem:$0x1E0];
	v1 =	vsel vm5, v19, v1;
	v19 =	vsub.f32 v36, v15;
	v9 =	vsel vm10, $0xFFFFFFFF, v9  }
0x25b: {  	[tilespmem:$0x1F590] =	vst v9;
	v9 =	vld [tilespmem:$0x5E0];
	v11 =	vadd.f32 v16, v11;
	v6 =	vmul.f32 v6, v6;
	v16 =	vsub.f32 v8, v14  }
0x25c: {  	v39 =	vld [tilespmem:$0x9E0];
	v0 =	vsel vm0, v62, v0;
	v3 =	vsel vm10, v38, v3;
	v19 =	vmul.f32 v19, v19  }
0x25d: {  	v40 =	vld [tilespmem:$0x1F0];
	v6 =	vadd.f32 v6, v11;
	v11 =	vsub.f32 v4, v13;
	v16 =	vmul.f32 v16, v16  }
0x25e: {  	v5 =	vsel vm10, v25, v5;
	v1 =	vsel vm10, v7, v1;
	v2 =	vsel vm10, v33, v2;
	v7 =	vld [tilespmem:$0xDD0]  }
0x25f: {  	v41 =	vld [tilespmem:$0x5F0];
	v25 =	vmin.f32 v18, v6;
	v16 =	vadd.f32 v19, v16;
	v11 =	vmul.f32 v11, v11  }
0x260: {  	v24 =	vld [tilespmem:$0x9F0];
	v6 =	vsub.f32 v17, v14;
	v18 =	vsub.f32 v9, v15;
	vm6 =	vgt.f32 v25, v3  }
0x261: {  	v19 =	vsub.f32 v39, v13;
	v5 =	vsel vm6, v10, v5;
	v10 =	vadd.f32 v11, v16  }
0x262: {  	v6 =	vmul.f32 v6, v6;
	v3 =	vsel vm6, v25, v3;
	v11 =	vld [tilespmem:$0xDE0];
	v18 =	vmul.f32 v18, v18  }
0x263: {  	[tilespmem:$0x1F940] =	vst v25;
	v16 =	vmul.f32 v19, v19;
	v19 =	vld [tilespmem:$0x600];
	v25 =	vmin.f32 v7, v10;
	v7 =	vsub.f32 v40, v14  }
0x264: {  	v1 =	vsel vm6, v26, v1;
	v10 =	vsub.f32 v41, v15;
	v6 =	vadd.f32 v18, v6;
	v18 =	vld [tilespmem:$0x200]  }
0x265: {  	v2 =	vsel vm6, v12, v2;
	v12 =	vsub.f32 v24, v13;
	vm2 =	vgt.f32 v25, v3  }
0x266: {  	v7 =	vmul.f32 v7, v7;
	v10 =	vmul.f32 v10, v10;
	v6 =	vadd.f32 v16, v6;
	v16 =	vld [tilespmem:$0xA00]  }
0x267: {  	v42 =	vld [tilespmem:$0x610];
	v3 =	vsel vm2, v25, v3;
	v5 =	vsel vm2, v8, v5;
	v1 =	vsel vm2, v36, v1  }
0x268: {  	[tilespmem:$0x1F990] =	vst v25;
	v8 =	vld [tilespmem:$0xDF0];
	v25 =	vmin.f32 v11, v6;
	v6 =	vadd.f32 v10, v7;
	v7 =	vmul.f32 v12, v12  }
0x269: {  	v10 =	vld [tilespmem:$0x210];
	v12 =	vsub.f32 v19, v15;
	vm3 =	vgt.f32 v25, v3;
	v11 =	vsub.f32 v18, v14  }
0x26a: {  	v2 =	vsel vm2, v4, v2;
	v3 =	vsel vm3, v25, v3;
	v4 =	vadd.f32 v7, v6;
	v6 =	vld [tilespmem:$0xA10]  }
0x26b: {  	[tilespmem:$0x1F9B0] =	vst v25;
	v12 =	vmul.f32 v12, v12;
	v25 =	vld [tilespmem:$0x220];
	v7 =	vsub.f32 v16, v13;
	v11 =	vmul.f32 v11, v11  }
0x26c: {  	v5 =	vsel vm3, v17, v5;
	v1 =	vsel vm3, v9, v1;
	v2 =	vsel vm3, v39, v2;
	v9 =	vld [tilespmem:$0x620]  }
0x26d: {  	v43 =	vmin.f32 v8, v4;
	v8 =	vld [tilespmem:$0xE00];
	v4 =	vadd.f32 v12, v11;
	v7 =	vmul.f32 v7, v7  }
0x26e: {  	v17 =	vld [tilespmem:$0xA20];
	vm4 =	vgt.f32 v43, v3;
	v11 =	vsub.f32 v10, v14;
	v12 =	vsub.f32 v42, v15  }
0x26f: {  	v3 =	vsel vm4, v43, v3;
	v5 =	vsel vm4, v40, v5;
	v4 =	vadd.f32 v7, v4  }
0x270: {  	v45 =	vld [tilespmem:$0x230];
	v44 =	vsub.f32 v6, v13;
	v11 =	vmul.f32 v11, v11;
	v12 =	vmul.f32 v12, v12  }
0x271: {  	[tilespmem:$0x1F750] =	vst v51;
	v51 =	vld [tilespmem:$0x240];
	v1 =	vsel vm4, v41, v1;
	v46 =	vsub.f32 v25, v14;
	v26 =	vsub.f32 v9, v15  }
0x272: {  	v7 =	vld [tilespmem:$0xE10];
	v28 =	vmin.f32 v8, v4;
	v4 =	vadd.f32 v12, v11;
	v8 =	vmul.f32 v44, v44  }
0x273: {  	[tilespmem:$0x1F8C0] =	vst v27;
	v27 =	vld [tilespmem:$0x630];
	v12 =	vsub.f32 v17, v13;
	v49 =	vmul.f32 v46, v46;
	v50 =	vmul.f32 v26, v26  }
0x274: {  	v2 =	vsel vm4, v24, v2;
	v26 =	vld [tilespmem:$0xA30];
	vm8 =	vgt.f32 v28, v3;
	v4 =	vadd.f32 v8, v4  }
0x275: {  	v11 =	vld [tilespmem:$0xE20];
	v3 =	vsel vm8, v28, v3;
	v20 =	vadd.f32 v50, v49;
	v12 =	vmul.f32 v12, v12  }
0x276: {  	v54 =	vld [tilespmem:$0xE60];
	v5 =	vsel vm8, v18, v5;
	v18 =	vimm.s32 $0x0;
	v1 =	vsel vm8, v19, v1  }
0x277: {  	v24 =	vld [tilespmem:$0x640];
	v2 =	vsel vm8, v16, v2;
	v29 =	vmin.f32 v7, v4;
	v4 =	vsub.f32 v45, v14  }
0x278: {  	v8 =	vld [tilespmem:$0xE30];
	v7 =	vsub.f32 v27, v15;
	v12 =	vadd.f32 v12, v20;
	vm7 =	vgt.f32 v29, v3  }
0x279: {  	v16 =	vld [tilespmem:$0x250];
	v52 =	vsub.f32 v26, v13;
	v18 =	vsel vm7, $0xFFFFFFFF, v18;
	v4 =	vmul.f32 v4, v4  }
0x27a: {  	v7 =	vmul.f32 v7, v7;
	v3 =	vsel vm7, v29, v3;
	v12 =	vmin.f32 v11, v12;
	v11 =	vld [tilespmem:$0x650]  }
0x27b: {  	v5 =	vsel vm7, v10, v5;
	v1 =	vsel vm7, v42, v1;
	v2 =	vsel vm7, v6, v2;
	[tilespmem:$0x1F5A0] =	vst v18;
	v18 =	vld [tilespmem:$0xA40]  }
0x27c: {  	[tilespmem:$0x1FA00] =	vst v28;
	v10 =	vld [tilespmem:$0xA50];
	vm9 =	vgt.f32 v12, v3;
	v4 =	vadd.f32 v7, v4;
	v7 =	vmul.f32 v52, v52  }
0x27d: {  	v28 =	vld [tilespmem:$0xE40];
	[tilespmem:$0x1FA80] =	vst v12;
	v3 =	vsel vm9, v12, v3;
	v12 =	vsub.f32 v24, v15;
	v1 =	vsel vm9, v9, v1  }
0x27e: {  	v19 =	vld [tilespmem:$0x260];
	v2 =	vsel vm9, v17, v2;
	v4 =	vadd.f32 v7, v4;
	v7 =	vsub.f32 v51, v14  }
0x27f: {  	v6 =	vld [tilespmem:$0xE50];
	v17 =	vsub.f32 v16, v14;
	v9 =	vmul.f32 v12, v12;
	v53 =	vsub.f32 v11, v15  }
0x280: {  	[tilespmem:$0x1FA40] =	vst v29;
	v29 =	vmin.f32 v8, v4;
	v4 =	vld [tilespmem:$0x660];
	v8 =	vsub.f32 v18, v13;
	v7 =	vmul.f32 v7, v7  }
0x281: {  	[tilespmem:$0x1F7D0] =	vst v55;
	v12 =	vld [tilespmem:$0xA60];
	v17 =	vmul.f32 v17, v17;
	v55 =	vsub.f32 v10, v13;
	vm10 =	vgt.f32 v29, v3  }
0x282: {  	v20 =	vmul.f32 v53, v53;
	v7 =	vadd.f32 v9, v7;
	v8 =	vmul.f32 v8, v8;
	v9 =	vld [tilespmem:$0x270]  }
0x283: {  	v5 =	vsel vm9, v25, v5;
	[tilespmem:$0x1FA90] =	vst v29;
	v58 =	vmul.f32 v55, v55;
	v3 =	vsel vm10, v29, v3;
	v29 =	vld [tilespmem:$0xA80]  }
0x284: {  	v37 =	vld [tilespmem:$0x6A0];
	v5 =	vsel vm10, v45, v5;
	v17 =	vadd.f32 v20, v17;
	v7 =	vadd.f32 v8, v7  }
0x285: {  	v25 =	vld [tilespmem:$0x670];
	v1 =	vsel vm10, v27, v1;
	v2 =	vsel vm10, v26, v2;
	v26 =	vsub.f32 v4, v15  }
0x286: {  	[tilespmem:$0x1F7E0] =	vst v59;
	v59 =	vld [tilespmem:$0xE70];
	v17 =	vadd.f32 v58, v17;
	v30 =	vmin.f32 v28, v7;
	v7 =	vsub.f32 v19, v14  }
0x287: {  	v8 =	vld [tilespmem:$0xA70];
	v28 =	vsub.f32 v12, v13;
	vm11 =	vgt.f32 v30, v3;
	v26 =	vmul.f32 v26, v26  }
0x288: {  	v60 =	vld [tilespmem:$0x680];
	v32 =	vmin.f32 v6, v17;
	v61 =	vsub.f32 v9, v14;
	v40 =	vsub.f32 v29, v13  }
0x289: {  	v27 =	vld [tilespmem:$0x280];
	v7 =	vmul.f32 v7, v7;
	v5 =	vsel vm11, v51, v5;
	v1 =	vsel vm11, v24, v1  }
0x28a: {  	v56 =	vld [tilespmem:$0xB20];
	v2 =	vsel vm11, v18, v2;
	v3 =	vsel vm11, v30, v3;
	v24 =	vsub.f32 v25, v15  }
0x28b: {  	v57 =	vld [tilespmem:$0x730];
	vm12 =	vgt.f32 v32, v3;
	v6 =	vadd.f32 v26, v7;
	v7 =	vmul.f32 v28, v28  }
0x28c: {  	v48 =	vld [tilespmem:$0x300];
	v23 =	vmul.f32 v61, v61;
	v24 =	vmul.f32 v24, v24;
	v28 =	vsub.f32 v8, v13  }
0x28d: {  	v47 =	vld [tilespmem:$0x6F0];
	v5 =	vsel vm12, v16, v5;
	v1 =	vsel vm12, v11, v1;
	v6 =	vadd.f32 v7, v6  }
0x28e: {  	v17 =	vld [tilespmem:$0x290];
	v2 =	vsel vm12, v10, v2;
	v11 =	vsub.f32 v27, v14;
	v16 =	vsub.f32 v60, v15  }
0x28f: {  	v26 =	vld [tilespmem:$0x690];
	v10 =	vmul.f32 v28, v28;
	v21 =	vmin.f32 v54, v6;
	v6 =	vadd.f32 v24, v23  }
0x290: {  	v63 =	vld [tilespmem:$0x2A0];
	v3 =	vsel vm12, v32, v3;
	v11 =	vmul.f32 v11, v11;
	v16 =	vmul.f32 v16, v16  }
0x291: {  	v7 =	vld [tilespmem:$0xA90];
	vm1 =	vgt.f32 v21, v3;
	v6 =	vadd.f32 v10, v6;
	v10 =	vimm.s32 $0x0  }
0x292: {  	v62 =	vld [tilespmem:$0xB40];
	v5 =	vsel vm1, v19, v5;
	v1 =	vsel vm1, v4, v1;
	v2 =	vsel vm1, v12, v2  }
0x293: {  	v18 =	vld [tilespmem:$0xE80];
	v39 =	vmovc v21;
	v4 =	vadd.f32 v16, v11;
	v19 =	vmin.f32 v59, v6;
	v6 =	vmul.f32 v40, v40  }
0x294: {  	[tilespmem:$0x1F920] =	vst v38;
	v38 =	vld [tilespmem:$0xAA0];
	v3 =	vsel vm1, v39, v3;
	v11 =	vsub.f32 v17, v14;
	v12 =	vsub.f32 v26, v15  }
0x295: {  	v24 =	vld [tilespmem:$0x2B0];
	v10 =	vsel vm1, $0xFFFFFFFF, v10;
	vm1 =	vgt.f32 v19, v3;
	v4 =	vadd.f32 v6, v4  }
0x296: {  	v41 =	vld [tilespmem:$0xAB0];
	v6 =	vmul.f32 v11, v11;
	v11 =	vmul.f32 v12, v12;
	v12 =	vsub.f32 v7, v13  }
0x297: {  	[tilespmem:$0x1FAD0] =	vst v30;
	v30 =	vld [tilespmem:$0xE90];
	v1 =	vsel vm1, v25, v1;
	v3 =	vsel vm1, v19, v3  }
0x298: {  	[tilespmem:$0x1F9F0] =	vst v43;
	v43 =	vld [tilespmem:$0x6C0];
	v18 =	vmin.f32 v18, v4;
	v4 =	vadd.f32 v11, v6;
	v6 =	vmul.f32 v12, v12  }
0x299: {  	v28 =	vld [tilespmem:$0x6B0];
	v2 =	vsel vm1, v8, v2;
	v11 =	vsub.f32 v38, v13;
	vm14 =	vgt.f32 v18, v3  }
0x29a: {  	v44 =	vld [tilespmem:$0x2D0];
	v12 =	vsub.f32 v24, v14;
	v8 =	vsel vm14, v60, v1;
	v1 =	vadd.f32 v6, v4  }
0x29b: {  	v45 =	vld [tilespmem:$0x6D0];
	v5 =	vsel vm1, v9, v5;
	v4 =	vsub.f32 v63, v14;
	v6 =	vsub.f32 v37, v15  }
0x29c: {  	v42 =	vld [tilespmem:$0x2C0];
	[tilespmem:$0x1FB30] =	vst v19;
	v5 =	vsel vm14, v27, v5;
	v19 =	vmin.f32 v30, v1;
	v1 =	vsel vm14, v18, v3  }
0x29d: {  	v46 =	vld [tilespmem:$0x2F0];
	[tilespmem:$0x1F5B0] =	vst v10;
	v4 =	vmul.f32 v4, v4;
	v6 =	vmul.f32 v6, v6;
	vm15 =	vgt.f32 v19, v1  }
0x29e: {  	v10 =	vld [tilespmem:$0xEA0];
	[tilespmem:$0x1FB40] =	vst v18;
	v2 =	vsel vm14, v29, v2;
	v18 =	vsub.f32 v28, v15;
	v5 =	vsel vm15, v17, v5  }
0x29f: {  	[tilespmem:$0x1F740] =	vst v24;
	v25 =	vld [tilespmem:$0xAC0];
	v4 =	vadd.f32 v6, v4;
	v6 =	vmul.f32 v12, v12;
	v12 =	vsub.f32 v41, v13  }
0x2a0: {  	v24 =	vld [tilespmem:$0x6E0];
	v8 =	vsel vm15, v26, v8;
	v2 =	vsel vm15, v7, v2;
	v7 =	vsub.f32 v45, v15;
	[tilespmem:$0x1F6A0] =	vst v5  }
0x2a1: {  	v29 =	vld [tilespmem:$0xAD0];
	v5 =	vmul.f32 v11, v11;
	v11 =	vmul.f32 v18, v18;
	[tilespmem:$0x1F6C0] =	vst v8;
	v8 =	vsub.f32 v42, v14  }
0x2a2: {  	v27 =	vld [tilespmem:$0x2E0];
	v18 =	vsub.f32 v43, v15;
	[tilespmem:$0x1F6F0] =	vst v2;
	v2 =	vsub.f32 v44, v14  }
0x2a3: {  	v16 =	vld [tilespmem:$0xEB0];
	v4 =	vadd.f32 v5, v4;
	v5 =	vadd.f32 v11, v6;
	v6 =	vmul.f32 v12, v12  }
0x2a4: {  	[tilespmem:$0x1F760] =	vst v28;
	v28 =	vld [tilespmem:$0xAE0];
	v8 =	vmul.f32 v8, v8;
	v11 =	vmul.f32 v18, v18;
	v12 =	vsub.f32 v25, v13  }
0x2a5: {  	v9 =	vld [tilespmem:$0xEC0];
	v7 =	vmul.f32 v7, v7;
	v2 =	vmul.f32 v2, v2;
	v5 =	vadd.f32 v6, v5  }
0x2a6: {  	[tilespmem:$0x1F690] =	vst v63;
	v63 =	vld [tilespmem:$0xAF0];
	v6 =	vadd.f32 v11, v8;
	v8 =	vmul.f32 v12, v12;
	v11 =	vsub.f32 v29, v13  }
0x2a7: {  	v3 =	vld [tilespmem:$0xED0];
	v61 =	vmin.f32 v10, v4;
	v4 =	vsub.f32 v27, v14;
	v10 =	vsub.f32 v24, v15  }
0x2a8: {  	[tilespmem:$0x1F7C0] =	vst v25;
	v25 =	vld [tilespmem:$0x700];
	v2 =	vadd.f32 v7, v2;
	v12 =	vsub.f32 v47, v15;
	v7 =	vmul.f32 v11, v11  }
0x2a9: {  	v26 =	vld [tilespmem:$0x310];
	v4 =	vmul.f32 v4, v4;
	v10 =	vmul.f32 v10, v10;
	v11 =	vsub.f32 v28, v13  }
0x2aa: {  	[tilespmem:$0x1F890] =	vst v24;
	v24 =	vld [tilespmem:$0xB00];
	v6 =	vadd.f32 v8, v6;
	v59 =	vmin.f32 v16, v5;
	v5 =	vsub.f32 v46, v14  }
0x2ab: {  	v16 =	vld [tilespmem:$0x710];
	v2 =	vadd.f32 v7, v2;
	v4 =	vadd.f32 v10, v4;
	v7 =	vmul.f32 v11, v11  }
0x2ac: {  	v50 =	vld [tilespmem:$0x320];
	v5 =	vmul.f32 v5, v5;
	v10 =	vmul.f32 v12, v12;
	v11 =	vsub.f32 v63, v13  }
0x2ad: {  	v17 =	vld [tilespmem:$0xEE0];
	v60 =	vmin.f32 v9, v6;
	v6 =	vsub.f32 v48, v14;
	v9 =	vsub.f32 v25, v15  }
0x2ae: {  	v49 =	vld [tilespmem:$0xB10];
	v4 =	vadd.f32 v7, v4;
	v5 =	vadd.f32 v10, v5;
	v7 =	vmul.f32 v11, v11  }
0x2af: {  	v18 =	vld [tilespmem:$0xEF0];
	v6 =	vmul.f32 v6, v6;
	v9 =	vmul.f32 v9, v9;
	v10 =	vsub.f32 v24, v13  }
0x2b0: {  	v11 =	vld [tilespmem:$0x720];
	v53 =	vmin.f32 v3, v2;
	v2 =	vsub.f32 v26, v14;
	v3 =	vsub.f32 v16, v15  }
0x2b1: {  	[tilespmem:$0x1F9D0] =	vst v16;
	v16 =	vld [tilespmem:$0x330];
	v5 =	vadd.f32 v7, v5;
	v6 =	vadd.f32 v9, v6  }
0x2b2: {  	v8 =	vld [tilespmem:$0xF00];
	v7 =	vmul.f32 v10, v10;
	v52 =	vmin.f32 v17, v4;
	v4 =	vsub.f32 v50, v14  }
0x2b3: {  	v2 =	vmul.f32 v2, v2;
	v17 =	vld [tilespmem:$0x740];
	v3 =	vmul.f32 v3, v3  }
0x2b4: {  	[tilespmem:$0x1F9E0] =	vst v49;
	v58 =	vld [tilespmem:$0xB30];
	v9 =	vsub.f32 v49, v13;
	v6 =	vadd.f32 v7, v6;
	v4 =	vmul.f32 v4, v4  }
0x2b5: {  	v49 =	vmin.f32 v18, v5;
	[tilespmem:$0x1FA20] =	vst v11;
	v10 =	vsub.f32 v11, v15;
	v11 =	vld [tilespmem:$0x340];
	v2 =	vadd.f32 v3, v2  }
0x2b6: {  	v12 =	vld [tilespmem:$0xF10];
	v3 =	vmul.f32 v9, v9;
	v9 =	vsub.f32 v56, v13;
	v5 =	vsub.f32 v16, v14  }
0x2b7: {  	[tilespmem:$0x1F810] =	vst v45;
	v18 =	vld [tilespmem:$0x750];
	v45 =	vmin.f32 v8, v6;
	v7 =	vmul.f32 v10, v10;
	v10 =	vsub.f32 v57, v15  }
0x2b8: {  	[tilespmem:$0x1FA50] =	vst v16;
	v16 =	vld [tilespmem:$0x350];
	v2 =	vadd.f32 v3, v2;
	v8 =	vsub.f32 v17, v15;
	v5 =	vmul.f32 v5, v5  }
0x2b9: {  	v3 =	vadd.f32 v7, v4;
	v4 =	vmul.f32 v9, v9;
	v7 =	vmul.f32 v10, v10  }
0x2ba: {  	[tilespmem:$0x1FAB0] =	vst v17;
	v17 =	vld [tilespmem:$0xB50];
	v10 =	vsub.f32 v58, v13;
	v6 =	vsub.f32 v11, v14  }
0x2bb: {  	v9 =	vld [tilespmem:$0xF20];
	v8 =	vmul.f32 v8, v8;
	v3 =	vadd.f32 v4, v3;
	v4 =	vadd.f32 v7, v5  }
0x2bc: {  	[tilespmem:$0x1F7B0] =	vst v43;
	v5 =	vmul.f32 v10, v10;
	v7 =	vld [tilespmem:$0xF30];
	v10 =	vsub.f32 v62, v13;
	v6 =	vmul.f32 v6, v6  }
0x2bd: {  	v43 =	vmin.f32 v12, v2;
	v12 =	vsub.f32 v18, v15;
	[tilespmem:$0x1FAA0] =	vst v11;
	v11 =	vld [tilespmem:$0xF40];
	v2 =	vsub.f32 v16, v14  }
0x2be: {  	v4 =	vadd.f32 v5, v4;
	v5 =	vadd.f32 v8, v6;
	v6 =	vmul.f32 v10, v10  }
0x2bf: {  	[tilespmem:$0x1F770] =	vst v41;
	v2 =	vmul.f32 v2, v2;
	v8 =	vmul.f32 v12, v12;
	v10 =	vsub.f32 v17, v13  }
0x2c0: {  	[tilespmem:$0x1FAE0] =	vst v16;
	v16 =	vld [tilespmem:$0xF50];
	v41 =	vmin.f32 v9, v3;
	v3 =	vadd.f32 v6, v5  }
0x2c1: {  	[tilespmem:$0x1F7A0] =	vst v42;
	v42 =	vmin.f32 v7, v4;
	v2 =	vadd.f32 v8, v2;
	v4 =	vmul.f32 v10, v10  }
0x2c2: {  	v40 =	vmin.f32 v11, v3;
	v3 =	vld [tilespmem:$0x1F590]  }
0x2c3: {  	[tilespmem:$0x1FA70] =	vst v58;
	v58 =	vld [tilespmem:$0x760];
	v2 =	vadd.f32 v4, v2  }
0x2c4: {  	[tilespmem:$0x1FAC0] =	vst v62;
	v1 =	vsel vm15, v19, v1;
	v62 =	vld [tilespmem:$0x360]  }
0x2c5: {  	v0 =	vsel vm5, v31, v0;
	[tilespmem:$0x1F6E0] =	vst v38;
	vm5 =	vgt.f32 v61, v1;
	v38 =	vmin.f32 v16, v2;
	v2 =	vld [tilespmem:$0x1FBC0]  }
0x2c6: {  	[tilespmem:$0x1FA60] =	vst v57;
	v1 =	vsel vm5, v61, v1;
	v57 =	vld [tilespmem:$0xB60]  }
0x2c7: {  	vm7 =	vgt.f32 v59, v1;
	vm13 =	vnez.u8 v3;
	v3 =	vimm.s32 $0x0  }
0x2c8: {  	v3 =	vsel vm7, $0xFFFFFFFF, v3  }
0x2c9: {  	v4 =	vsub.f32 v58, v15;
	v0 =	vsel vm13, v34, v0;
	[tilespmem:$0x1F720] =	vst v3;
	v3 =	vsub.f32 v62, v14  }
0x2ca: {  	v55 =	vld [tilespmem:$0x770];
	v0 =	vsel vm6, v2, v0  }
0x2cb: {  	[tilespmem:$0x1FA30] =	vst v56;
	v56 =	vld [tilespmem:$0x370];
	v2 =	vmul.f32 v3, v3;
	v3 =	vmul.f32 v4, v4;
	v4 =	vsub.f32 v57, v13  }
0x2cc: {  	v5 =	vld [tilespmem:$0xF60]  }
0x2cd: {  	v54 =	vld [tilespmem:$0xB70];
	v2 =	vadd.f32 v3, v2;
	v3 =	vmul.f32 v4, v4;
	_ =	sdelay $0x1  }
0x2ce: {  	v2 =	vadd.f32 v3, v2;
	v3 =	vld [tilespmem:$0x1FBD0]  }
0x2cf: {  	v6 =	vsub.f32 v56, v14;
	v7 =	vsub.f32 v55, v15  }
0x2d0: {  	[tilespmem:$0x1FB10] =	vst v32;
	v32 =	vmin.f32 v5, v2;
	v2 =	vld [tilespmem:$0x1FBE0]  }
0x2d1: {  	v4 =	vmul.f32 v6, v6;
	v6 =	vmul.f32 v7, v7;
	v7 =	vsub.f32 v54, v13  }
0x2d2: {  	v8 =	vld [tilespmem:$0xF70]  }
0x2d3: {  	v0 =	vsel vm2, v3, v0;
	v3 =	vadd.f32 v6, v4;
	v4 =	vmul.f32 v7, v7  }
0x2d4: {  	v51 =	vld [tilespmem:$0x380]  }
0x2d5: {  	[tilespmem:$0x1FA10] =	vst v50;
	v50 =	vld [tilespmem:$0x780];
	v0 =	vsel vm3, v2, v0;
	v2 =	vadd.f32 v4, v3  }
0x2d6: {  	v3 =	vld [tilespmem:$0x1FBF0]  }
0x2d7: {  	v31 =	vmin.f32 v8, v2;
	v2 =	vld [tilespmem:$0x1FC00]  }
0x2d8: {  	[tilespmem:$0x1F950] =	vst v48;
	v1 =	vsel vm7, v59, v1;
	v48 =	vld [tilespmem:$0xB80]  }
0x2d9: {  	vm6 =	vgt.f32 v60, v1  }
0x2da: {  	v1 =	vsel vm6, v60, v1  }
0x2db: {  	v4 =	vsub.f32 v50, v15;
	v0 =	vsel vm4, v3, v0;
	v3 =	vsub.f32 v51, v14  }
0x2dc: {  	[tilespmem:$0x1F900] =	vst v47;
	v47 =	vld [tilespmem:$0x390];
	vm7 =	vgt.f32 v53, v1;
	v0 =	vsel vm8, v2, v0  }
0x2dd: {  	[tilespmem:$0x1F8D0] =	vst v46;
	v46 =	vld [tilespmem:$0x790];
	v2 =	vmul.f32 v3, v3;
	v3 =	vmul.f32 v4, v4;
	v4 =	vsub.f32 v48, v13  }
0x2de: {  	v9 =	vld [tilespmem:$0x1F5A0];
	v1 =	vsel vm7, v53, v1  }
0x2df: {  	v5 =	vld [tilespmem:$0xF80];
	vm3 =	vgt.f32 v52, v1;
	v2 =	vadd.f32 v3, v2;
	v3 =	vmul.f32 v4, v4  }
0x2e0: {  	[tilespmem:$0x1F7F0] =	vst v44;
	v44 =	vld [tilespmem:$0xB90];
	v1 =	vsel vm3, v52, v1  }
0x2e1: {  	vm4 =	vgt.f32 v49, v1;
	v2 =	vadd.f32 v3, v2;
	v3 =	vld [tilespmem:$0x1FC10]  }
0x2e2: {  	v1 =	vsel vm4, v49, v1  }
0x2e3: {  	v6 =	vsub.f32 v47, v14;
	v7 =	vsub.f32 v46, v15;
	vm8 =	vgt.f32 v45, v1  }
0x2e4: {  	[tilespmem:$0x1F9A0] =	vst v24;
	vm13 =	vnez.u8 v9;
	v1 =	vsel vm8, v45, v1;
	v24 =	vmin.f32 v5, v2;
	v2 =	vld [tilespmem:$0x1FC20]  }
0x2e5: {  	v4 =	vmul.f32 v6, v6;
	v6 =	vmul.f32 v7, v7;
	v7 =	vsub.f32 v44, v13  }
0x2e6: {  	v0 =	vsel vm13, v3, v0;
	vm13 =	vgt.f32 v43, v1;
	v3 =	vimm.s32 $0x0  }
0x2e7: {  	v3 =	vsel vm13, $0xFFFFFFFF, v3  }
0x2e8: {  	v1 =	vsel vm13, v43, v1;
	[tilespmem:$0x1F800] =	vst v3;
	v3 =	vadd.f32 v6, v4;
	v4 =	vmul.f32 v7, v7  }
0x2e9: {  	v8 =	vld [tilespmem:$0xF90];
	v0 =	vsel vm9, v2, v0;
	vm0 =	vgt.f32 v41, v1;
	v2 =	vimm.s32 $0x0  }
0x2ea: {  	v2 =	vsel vm0, $0xFFFFFFFF, v2  }
0x2eb: {  	[tilespmem:$0x1F840] =	vst v2;
	v2 =	vadd.f32 v4, v3;
	v3 =	vld [tilespmem:$0x1FC30]  }
0x2ec: {  	v39 =	vld [tilespmem:$0x3A0]  }
0x2ed: {  	[tilespmem:$0x1F6B0] =	vst v37;
	v37 =	vld [tilespmem:$0x7A0]  }
0x2ee: {  	v22 =	vmin.f32 v8, v2;
	v2 =	vld [tilespmem:$0x1FC40]  }
0x2ef: {  	v36 =	vld [tilespmem:$0xBA0];
	v1 =	vsel vm0, v41, v1  }
0x2f0: {  	vm0 =	vgt.f32 v42, v1;
	v0 =	vsel vm10, v3, v0;
	v3 =	vimm.s32 $0x0  }
0x2f1: {  	v3 =	vsel vm0, $0xFFFFFFFF, v3  }
0x2f2: {  	v4 =	vsub.f32 v37, v15;
	[tilespmem:$0x1F870] =	vst v3;
	v3 =	vsub.f32 v39, v14  }
0x2f3: {  	v0 =	vsel vm11, v2, v0  }
0x2f4: {  	[tilespmem:$0x1F8F0] =	vst v35;
	v35 =	vld [tilespmem:$0x3B0];
	v2 =	vmul.f32 v3, v3;
	v3 =	vmul.f32 v4, v4;
	v4 =	vsub.f32 v36, v13  }
0x2f5: {  	v5 =	vld [tilespmem:$0xFA0]  }
0x2f6: {  	v34 =	vld [tilespmem:$0x7B0];
	v2 =	vadd.f32 v3, v2;
	v3 =	vmul.f32 v4, v4  }
0x2f7: {  	v1 =	vsel vm0, v42, v1  }
0x2f8: {  	v6 =	vimm.s32 $0x0;
	vm0 =	vgt.f32 v40, v1;
	v2 =	vadd.f32 v3, v2;
	v3 =	vld [tilespmem:$0x1FC50]  }
0x2f9: {  	v33 =	vld [tilespmem:$0xBB0];
	v6 =	vsel vm0, $0xFFFFFFFF, v6  }
0x2fa: {  	[tilespmem:$0x1F8A0] =	vst v6;
	v6 =	vsub.f32 v35, v14;
	v11 =	vmin.f32 v5, v2;
	v5 =	vld [tilespmem:$0x1F5B0]  }
0x2fb: {  	v7 =	vsub.f32 v34, v15;
	v1 =	vsel vm0, v40, v1;
	v2 =	vld [tilespmem:$0x1FC60]  }
0x2fc: {  	vm0 =	vgt.f32 v38, v1;
	v4 =	vmul.f32 v6, v6  }
0x2fd: {  	v30 =	vld [tilespmem:$0x3C0];
	v6 =	vmul.f32 v7, v7;
	v0 =	vsel vm12, v3, v0;
	v3 =	vimm.s32 $0x0  }
0x2fe: {  	[tilespmem:$0x1F820] =	vst v29;
	v29 =	vld [tilespmem:$0x7C0];
	v1 =	vsel vm0, v38, v1;
	v7 =	vsub.f32 v33, v13;
	v3 =	vsel vm0, $0xFFFFFFFF, v3  }
0x2ff: {  	v9 =	vld [tilespmem:$0xFB0];
	vm13 =	vgt.f32 v32, v1;
	[tilespmem:$0x1F8E0] =	vst v3;
	v3 =	vadd.f32 v6, v4;
	vm12 =	vnez.u8 v5  }
0x300: {  	[tilespmem:$0x1F8B0] =	vst v28;
	v28 =	vld [tilespmem:$0xBC0];
	v4 =	vmul.f32 v7, v7;
	v0 =	vsel vm12, v2, v0;
	v2 =	vimm.s32 $0x0  }
0x301: {  	v2 =	vsel vm13, $0xFFFFFFFF, v2  }
0x302: {  	v3 =	vadd.f32 v4, v3;
	v4 =	vsel vm13, v32, v1;
	[tilespmem:$0x1F910] =	vst v2;
	v2 =	vld [tilespmem:$0x1FC70]  }
0x303: {  	v5 =	vsub.f32 v30, v14;
	v6 =	vsub.f32 v29, v15;
	vm0 =	vgt.f32 v31, v4  }
0x304: {  	v1 =	vimm.s32 $0x0;
	v12 =	vmin.f32 v9, v3;
	v3 =	vsel vm0, v31, v4  }
0x305: {  	v4 =	vmul.f32 v5, v5;
	v5 =	vmul.f32 v6, v6;
	v6 =	vsub.f32 v28, v13  }
0x306: {  	v8 =	vld [tilespmem:$0xFC0];
	v1 =	vsel vm0, $0xFFFFFFFF, v1  }
0x307: {  	v4 =	vadd.f32 v5, v4;
	v5 =	vmul.f32 v6, v6;
	v0 =	vsel vm1, v2, v0;
	v2 =	vld [tilespmem:$0x1F5C0]  }
0x308: {  	[tilespmem:$0x1F930] =	vst v1;
	v1 =	vld [tilespmem:$0x1FC80]  }
0x309: {  	[tilespmem:$0x1F860] =	vst v27;
	v27 =	vld [tilespmem:$0x3D0];
	v5 =	vadd.f32 v5, v4  }
0x30a: {  	[tilespmem:$0x1F9C0] =	vst v26;
	v26 =	vld [tilespmem:$0x7D0]  }
0x30b: {  	v10 =	vmin.f32 v8, v5;
	v5 =	vld [tilespmem:$0x1F620]  }
0x30c: {  	[tilespmem:$0xC00] =	vst v2;
	v2 =	vld [tilespmem:$0x1F5D0]  }
0x30d: {  	vm0 =	vgt.f32 v24, v3;
	v7 =	vsel vm14, v1, v0;
	v0 =	vimm.s32 $0x0  }
0x30e: {  	[tilespmem:$0x1F960] =	vst v25;
	v25 =	vld [tilespmem:$0xBD0];
	v0 =	vsel vm0, $0xFFFFFFFF, v0  }
0x30f: {  	v1 =	vsub.f32 v26, v15;
	[tilespmem:$0x1F980] =	vst v0;
	v0 =	vsub.f32 v27, v14  }
0x310: {  	v4 =	vld [tilespmem:$0x1FC90];
	[tilespmem:$0xC60] =	vst v5  }
0x311: {  	v3 =	vsel vm0, v24, v3;
	v5 =	vld [tilespmem:$0x1F630];
	[tilespmem:$0xC10] =	vst v2;
	v2 =	vmul.f32 v0, v0;
	v0 =	vmul.f32 v1, v1  }
0x312: {  	vm9 =	vgt.f32 v22, v3  }
0x313: {  	v1 =	vsub.f32 v25, v13;
	v2 =	vadd.f32 v0, v2;
	v0 =	vimm.s32 $0x0  }
0x314: {  	v0 =	vsel vm9, $0xFFFFFFFF, v0  }
0x315: {  	v3 =	vsel vm9, v22, v3;
	[tilespmem:$0x1FB60] =	vst v0;
	v0 =	vmul.f32 v1, v1  }
0x316: {  	v7 =	vsel vm15, v4, v7;
	vm15 =	vgt.f32 v11, v3;
	[tilespmem:$0xC70] =	vst v5;
	v5 =	vld [tilespmem:$0x1F640]  }
0x317: {  	v0 =	vadd.f32 v0, v2;
	v2 =	vsel vm15, v11, v3;
	v3 =	vld [tilespmem:$0xFD0];
	_ =	sdelay $0x2  }
0x318: {  	v20 =	vld [tilespmem:$0xBE0]  }
0x319: {  	[tilespmem:$0xC80] =	vst v5;
	v5 =	vld [tilespmem:$0x1F650]  }
0x31a: {  	v9 =	vmin.f32 v3, v0;
	v0 =	vld [tilespmem:$0x1F670]  }
0x31b: {  	v6 =	vld [tilespmem:$0x1F5E0]  }
0x31c: {  	v23 =	vld [tilespmem:$0x3E0]  }
0x31d: {  	[tilespmem:$0x1FB20] =	vst v21;
	v21 =	vld [tilespmem:$0x7E0]  }
0x31e: {  	[tilespmem:$0xC90] =	vst v5;
	v5 =	vld [tilespmem:$0x1F660]  }
0x31f: {  	[tilespmem:$0xCB0] =	vst v0;
	v0 =	vld [tilespmem:$0x1F680]  }
0x320: {  	[tilespmem:$0xC20] =	vst v6;
	v6 =	vld [tilespmem:$0x1F610]  }
0x321: {  	v4 =	vld [tilespmem:$0x1F5F0]  }
0x322: {  	[tilespmem:$0x1FB50] =	vst v19;
	v1 =	vld [tilespmem:$0x1F600]  }
0x323: {  	[tilespmem:$0xCA0] =	vst v5;
	v5 =	vld [tilespmem:$0x1F6A0]  }
0x324: {  	[tilespmem:$0xCC0] =	vst v0;
	v0 =	vld [tilespmem:$0x1F690]  }
0x325: {  	v19 =	vld [tilespmem:$0x3F0];
	[tilespmem:$0x1FAF0] =	vst v18  }
0x326: {  	v18 =	vld [tilespmem:$0x7F0];
	[tilespmem:$0x1FB00] =	vst v17  }
0x327: {  	v17 =	vld [tilespmem:$0xBF0];
	[tilespmem:$0xC50] =	vst v6  }
0x328: {  	v6 =	vld [tilespmem:$0x1F6C0];
	[tilespmem:$0xC30] =	vst v4  }
0x329: {  	v4 =	vsub.f32 v21, v15;
	[tilespmem:$0xC40] =	vst v1;
	v1 =	vsub.f32 v23, v14;
	v0 =	vsel vm5, v0, v5;
	v5 =	vld [tilespmem:$0x1F6B0];
	_ =	sdelay $0x1  }
0x32a: {  	v8 =	vsub.f32 v20, v13;
	v4 =	vmul.f32 v4, v4;
	v1 =	vmul.f32 v1, v1  }
0x32b: {  	v15 =	vsub.f32 v18, v15;
	v14 =	vsub.f32 v19, v14  }
0x32c: {  	v13 =	vsub.f32 v17, v13;
	v1 =	vadd.f32 v4, v1;
	v4 =	vmul.f32 v8, v8;
	v8 =	vld [tilespmem:$0xFE0]  }
0x32d: {  	v15 =	vmul.f32 v15, v15;
	v14 =	vmul.f32 v14, v14;
	v5 =	vsel vm5, v5, v6;
	v6 =	vld [tilespmem:$0x1F6D0];
	_ =	sdelay $0x1  }
0x32e: {  	v13 =	vmul.f32 v13, v13;
	v1 =	vadd.f32 v4, v1;
	v4 =	vadd.f32 v15, v14  }
0x32f: {  	v3 =	vld [tilespmem:$0xFF0]  }
0x330: {  	v14 =	vmin.f32 v8, v1;
	v1 =	vadd.f32 v13, v4;
	v4 =	vld [tilespmem:$0x1F6E0]  }
0x331: {  	[tilespmem:$0xCD0] =	vst v6;
	v6 =	vld [tilespmem:$0x1F6F0];
	_ =	sdelay $0x3  }
0x332: {  	v15 =	vmin.f32 v3, v1;
	v3 =	vld [tilespmem:$0x1F720]  }
0x333: {  	v4 =	vsel vm5, v4, v6;
	v6 =	vld [tilespmem:$0x1FCA0];
	_ =	sdelay $0x4  }
0x334: {  	v7 =	vsel vm5, v6, v7;
	vm5 =	vnez.u8 v3;
	v3 =	vld [tilespmem:$0x1F730];
	_ =	sdelay $0x4  }
0x335: {  	[tilespmem:$0xD00] =	vst v3;
	v3 =	vld [tilespmem:$0x1F740];
	_ =	sdelay $0x3  }
0x336: {  	v1 =	vld [tilespmem:$0x1FCB0]  }
0x337: {  	v0 =	vsel vm5, v3, v0;
	v3 =	vld [tilespmem:$0x1FCC0];
	_ =	sdelay $0x3  }
0x338: {  	v1 =	vsel vm5, v1, v7  }
0x339: {  	v1 =	vsel vm6, v3, v1;
	v3 =	vld [tilespmem:$0x1F750]  }
0x33a: {  	v6 =	vld [tilespmem:$0x1F700];
	_ =	sdelay $0x3  }
0x33b: {  	[tilespmem:$0xD10] =	vst v3;
	v3 =	vld [tilespmem:$0x1F760]  }
0x33c: {  	[tilespmem:$0xCE0] =	vst v6;
	v6 =	vld [tilespmem:$0x1F710];
	_ =	sdelay $0x3  }
0x33d: {  	v3 =	vsel vm5, v3, v5;
	v5 =	vld [tilespmem:$0x1FCD0]  }
0x33e: {  	[tilespmem:$0xCF0] =	vst v6;
	v6 =	vld [tilespmem:$0x1F790];
	_ =	sdelay $0x3  }
0x33f: {  	v1 =	vsel vm7, v5, v1;
	v5 =	vld [tilespmem:$0x1F770]  }
0x340: {  	[tilespmem:$0xD30] =	vst v6;
	v6 =	vld [tilespmem:$0x1F7A0];
	_ =	sdelay $0x3  }
0x341: {  	v4 =	vsel vm5, v5, v4;
	v5 =	vld [tilespmem:$0x1F780]  }
0x342: {  	v0 =	vsel vm6, v6, v0;
	v6 =	vld [tilespmem:$0x1F7B0];
	_ =	sdelay $0x3  }
0x343: {  	[tilespmem:$0xD20] =	vst v5;
	v5 =	vld [tilespmem:$0x1FCE0]  }
0x344: {  	v3 =	vsel vm6, v6, v3;
	v6 =	vld [tilespmem:$0x1FCF0];
	_ =	sdelay $0x3  }
0x345: {  	v1 =	vsel vm3, v5, v1  }
0x346: {  	v1 =	vsel vm4, v6, v1;
	v6 =	vld [tilespmem:$0x1F7C0];
	_ =	sdelay $0x4  }
0x347: {  	v4 =	vsel vm6, v6, v4;
	v6 =	vld [tilespmem:$0x1F7D0];
	_ =	sdelay $0x4  }
0x348: {  	[tilespmem:$0xD40] =	vst v6;
	v6 =	vld [tilespmem:$0x1FD00]  }
0x349: {  	v8 =	vld [tilespmem:$0x1F810];
	_ =	sdelay $0x3  }
0x34a: {  	v1 =	vsel vm8, v6, v1;
	v6 =	vld [tilespmem:$0x1F7E0]  }
0x34b: {  	v3 =	vsel vm7, v8, v3;
	v8 =	vld [tilespmem:$0x1F820];
	_ =	sdelay $0x3  }
0x34c: {  	[tilespmem:$0xD50] =	vst v6;
	v6 =	vld [tilespmem:$0x1F7F0]  }
0x34d: {  	v4 =	vsel vm7, v8, v4;
	v8 =	vld [tilespmem:$0x1F830];
	_ =	sdelay $0x1  }
0x34e: {  	v13 =	vld [tilespmem:$0x1F840]  }
0x34f: {  	v7 =	vld [tilespmem:$0x1F800]  }
0x350: {  	v0 =	vsel vm7, v6, v0;
	v6 =	vld [tilespmem:$0x1FD10]  }
0x351: {  	[tilespmem:$0xD60] =	vst v8;
	v8 =	vld [tilespmem:$0x1FD20]  }
0x352: {  	vm14 =	vgt.f32 v12, v2  }
0x353: {  	vm1 =	vmmov vm4;
	v2 =	vsel vm14, v12, v2  }
0x354: {  	vm0 =	vmmov vm3;
	vm13 =	vgt.f32 v10, v2;
	vm3 =	vnez.u8 v7  }
0x355: {  	v2 =	vsel vm13, v10, v2;
	vm4 =	vnez.u8 v13;
	v1 =	vsel vm3, v6, v1  }
0x356: {  	vm12 =	vgt.f32 v9, v2;
	v1 =	vsel vm4, v8, v1;
	v8 =	vld [tilespmem:$0x1F850]  }
0x357: {  	v16 =	vld [tilespmem:$0x1FE00];
	v2 =	vsel vm12, v9, v2  }
0x358: {  	vm11 =	vgt.f32 v14, v2  }
0x359: {  	v2 =	vsel vm11, v14, v2  }
0x35a: {  	vm10 =	vgt.f32 v15, v2;
	v6 =	vld [tilespmem:$0x1FFF0]  }
0x35b: {  	v2 =	vsel vm10, v15, v2;
	[tilespmem:$0xD70] =	vst v8;
	v8 =	vld [tilespmem:$0x1F860]  }
0x35c: {  	v5 =	vperm.xlane v2, v16;
	_ =	sdelay $0x1  }
0x35d: {  	v5 =	vmax.f32 v2, v5  }
0x35e: {  	v13 =	vld [tilespmem:$0x1F8B0];
	v7 =	vperm.xlane v5, v6  }
0x35f: {  	v0 =	vsel vm0, v8, v0;
	v8 =	vld [tilespmem:$0x1F870]  }
0x360: {  	v5 =	vmax.f32 v5, v7;
	v7 =	vld [tilespmem:$0x1FD30];
	_ =	sdelay $0x2  }
0x361: {  	v4 =	vsel vm0, v13, v4;
	v13 =	vld [tilespmem:$0x1F8C0]  }
0x362: {  	vm5 =	vnez.u8 v8  }
0x363: {  	v1 =	vsel vm5, v7, v1;
	v7 =	vld [tilespmem:$0x1F880];
	_ =	sdelay $0x2  }
0x364: {  	[tilespmem:$0xD90] =	vst v13;
	v13 =	vld [tilespmem:$0x1F8D0]  }
0x365: {  	v8 =	vld [tilespmem:$0x1F8A0]  }
0x366: {  	[tilespmem:$0xD80] =	vst v7;
	v7 =	vld [tilespmem:$0x1F890];
	_ =	sdelay $0x2  }
0x367: {  	v0 =	vsel vm1, v13, v0;
	v13 =	vld [tilespmem:$0x1FD50]  }
0x368: {  	vm6 =	vnez.u8 v8;
	v8 =	vld [tilespmem:$0x1FFE0]  }
0x369: {  	v3 =	vsel vm0, v7, v3;
	v7 =	vld [tilespmem:$0x1FD40];
	[tilespmem:$0x1F970] =	vst v2  }
0x36a: {  	v2 =	vld [tilespmem:$0x1F8E0];
	_ =	sdelay $0x4  }
0x36b: {  	vm0 =	vmmov vm1;
	v1 =	vsel vm6, v7, v1;
	vm1 =	vnez.u8 v2;
	v2 =	vld [tilespmem:$0x1F970]  }
0x36c: {  	v1 =	vsel vm1, v13, v1;
	v13 =	vld [tilespmem:$0x1F8F0];
	_ =	sdelay $0x3  }
0x36d: {  	v4 =	vsel vm0, v63, v4;
	v63 =	vld [tilespmem:$0x1F940]  }
0x36e: {  	[tilespmem:$0xDA0] =	vst v13;
	v13 =	vld [tilespmem:$0x1F900];
	_ =	sdelay $0x3  }
0x36f: {  	v7 =	vperm.xlane v5, v8;
	[tilespmem:$0xDC0] =	vst v63;
	v63 =	vld [tilespmem:$0x1F950]  }
0x370: {  	v3 =	vsel vm0, v13, v3;
	v13 =	vld [tilespmem:$0x1F910]  }
0x371: {  	v5 =	vmax.f32 v5, v7;
	v7 =	vld [tilespmem:$0x1FD60];
	_ =	sdelay $0x1  }
0x372: {  	vm2 =	vmmov vm8  }
0x373: {  	v0 =	vsel vm2, v63, v0;
	v63 =	vld [tilespmem:$0x1F960]  }
0x374: {  	vm7 =	vnez.u8 v13;
	v13 =	vld [tilespmem:$0x1F930]  }
0x375: {  	v1 =	vsel vm7, v7, v1;
	v7 =	vld [tilespmem:$0x1F920];
	_ =	sdelay $0x3  }
0x376: {  	v3 =	vsel vm2, v63, v3;
	v63 =	vld [tilespmem:$0x1FD80]  }
0x377: {  	vm8 =	vnez.u8 v13;
	v13 =	vld [tilespmem:$0x1FFD0];
	[tilespmem:$0xDB0] =	vst v7  }
0x378: {  	v7 =	vld [tilespmem:$0x1FD70];
	[tilespmem:$0x1F970] =	vst v2  }
0x379: {  	v2 =	vld [tilespmem:$0x1F980];
	_ =	sdelay $0x4  }
0x37a: {  	vm0 =	vmmov vm2;
	v1 =	vsel vm8, v7, v1;
	vm2 =	vnez.u8 v2;
	v2 =	vld [tilespmem:$0x1F970]  }
0x37b: {  	v1 =	vsel vm2, v63, v1;
	v63 =	vld [tilespmem:$0x1F990];
	_ =	sdelay $0x4  }
0x37c: {  	[tilespmem:$0xDD0] =	vst v63;
	v63 =	vld [tilespmem:$0x1F9A0];
	_ =	sdelay $0x1  }
0x37d: {  	v7 =	vperm.xlane v5, v13;
	_ =	sdelay $0x1  }
0x37e: {  	v5 =	vmax.f32 v5, v7  }
0x37f: {  	v4 =	vsel vm0, v63, v4;
	vm0 =	veq.f32 v2, v5;
	v2 =	vld [tilespmem:$0x1F9B0];
	_ =	sdelay $0x4  }
0x380: {  	[tilespmem:$0xDE0] =	vst v2;
	v2 =	vld [tilespmem:$0x1F9C0];
	_ =	sdelay $0x3  }
0x381: {  	v7 =	vld [tilespmem:$0x1FD90]  }
0x382: {  	v0 =	vsel vm3, v2, v0;
	v2 =	vld [tilespmem:$0x1FDA0];
	_ =	sdelay $0x3  }
0x383: {  	v1 =	vsel vm9, v7, v1  }
0x384: {  	v1 =	vsel vm15, v2, v1;
	v2 =	vld [tilespmem:$0x1F9D0];
	_ =	sdelay $0x4  }
0x385: {  	v2 =	vsel vm3, v2, v3;
	v3 =	vld [tilespmem:$0x1F9E0];
	_ =	sdelay $0x4  }
0x386: {  	v3 =	vsel vm3, v3, v4;
	v4 =	vld [tilespmem:$0x1F9F0];
	_ =	sdelay $0x4  }
0x387: {  	[tilespmem:$0xDF0] =	vst v4;
	v4 =	vld [tilespmem:$0x1FDB0];
	_ =	sdelay $0x4  }
0x388: {  	v1 =	vsel vm14, v4, v1;
	v4 =	vld [tilespmem:$0x1FA00];
	_ =	sdelay $0x4  }
0x389: {  	[tilespmem:$0xE00] =	vst v4;
	v4 =	vld [tilespmem:$0x1FA10];
	_ =	sdelay $0x4  }
0x38a: {  	v0 =	vsel vm4, v4, v0;
	v4 =	vld [tilespmem:$0x1FA20];
	_ =	sdelay $0x4  }
0x38b: {  	v2 =	vsel vm4, v4, v2;
	v4 =	vld [tilespmem:$0x1FDC0];
	_ =	sdelay $0x4  }
0x38c: {  	v1 =	vsel vm13, v4, v1;
	v4 =	vld [tilespmem:$0x1FA30];
	_ =	sdelay $0x4  }
0x38d: {  	v3 =	vsel vm4, v4, v3;
	v4 =	vld [tilespmem:$0x1FA40];
	_ =	sdelay $0x4  }
0x38e: {  	[tilespmem:$0xE10] =	vst v4;
	v4 =	vld [tilespmem:$0x1FA50];
	_ =	sdelay $0x4  }
0x38f: {  	v0 =	vsel vm5, v4, v0;
	v4 =	vld [tilespmem:$0x1FDD0];
	_ =	sdelay $0x4  }
0x390: {  	v1 =	vsel vm12, v4, v1;
	v4 =	vld [tilespmem:$0x1FA60];
	_ =	sdelay $0x4  }
0x391: {  	v2 =	vsel vm5, v4, v2;
	v4 =	vld [tilespmem:$0x1FA70];
	_ =	sdelay $0x4  }
0x392: {  	v3 =	vsel vm5, v4, v3;
	v4 =	vld [tilespmem:$0x1FA80];
	_ =	sdelay $0x4  }
0x393: {  	[tilespmem:$0xE20] =	vst v4;
	v4 =	vld [tilespmem:$0x1FDE0];
	_ =	sdelay $0x4  }
0x394: {  	v1 =	vsel vm11, v4, v1;
	v4 =	vld [tilespmem:$0x1FA90];
	_ =	sdelay $0x4  }
0x395: {  	[tilespmem:$0xE30] =	vst v4;
	v4 =	vld [tilespmem:$0x1FAA0];
	_ =	sdelay $0x4  }
0x396: {  	v0 =	vsel vm6, v4, v0;
	v4 =	vld [tilespmem:$0x1FAB0];
	_ =	sdelay $0x4  }
0x397: {  	v2 =	vsel vm6, v4, v2;
	v4 =	vld [tilespmem:$0x1FDF0];
	_ =	sdelay $0x3  }
0x398: {  	v7 =	vld [tilespmem:$0x1FB20]  }
0x399: {  	v1 =	vsel vm10, v4, v1;
	v4 =	vld [tilespmem:$0x1FAC0]  }
0x39a: {  	v5 =	vld [tilespmem:$0x1FAF0];
	_ =	sdelay $0x2  }
0x39b: {  	[tilespmem:$0xE60] =	vst v7;
	v7 =	vld [tilespmem:$0x1FB30]  }
0x39c: {  	v3 =	vsel vm6, v4, v3;
	v4 =	vld [tilespmem:$0x1FAD0]  }
0x39d: {  	v2 =	vsel vm1, v5, v2;
	v5 =	vld [tilespmem:$0x1FB00];
	_ =	sdelay $0x2  }
0x39e: {  	[tilespmem:$0xE70] =	vst v7;
	v7 =	vld [tilespmem:$0x1FB50]  }
0x39f: {  	[tilespmem:$0xE40] =	vst v4;
	v4 =	vld [tilespmem:$0x1FAE0]  }
0x3a0: {  	v3 =	vsel vm1, v5, v3;
	v5 =	vld [tilespmem:$0x1FB10];
	_ =	sdelay $0x3  }
0x3a1: {  	[tilespmem:$0xE90] =	vst v7;
	v7 =	vld [tilespmem:$0x1FB60];
	v0 =	vsel vm1, v4, v0;
	v4 =	vnsel vm0, $0x4E6E6B28, v1  }
0x3a2: {  	[tilespmem:$0xE50] =	vst v5;
	v5 =	vperm.xlane v4, v16  }
0x3a3: {  	[tilespmem:$0xEB0] =	vst v59;
	v59 =	vld [tilespmem:$0x1FEC0]  }
0x3a4: {  	v2 =	vsel vm7, v58, v2;
	v4 =	vmin.f32 v4, v5;
	v5 =	vld [tilespmem:$0x1FB40]  }
0x3a5: {  	[tilespmem:$0xEC0] =	vst v60;
	v60 =	vld [tilespmem:$0x1FEA0];
	v2 =	vsel vm8, v55, v2  }
0x3a6: {  	[tilespmem:$0xED0] =	vst v53;
	v53 =	vld [tilespmem:$0x1FE40];
	vm9 =	vnez.u8 v7;
	v2 =	vsel vm2, v50, v2  }
0x3a7: {  	v63 =	vld [tilespmem:$0x1FFB0];
	v2 =	vsel vm9, v46, v2  }
0x3a8: {  	v58 =	vld [tilespmem:$0x1FEB0];
	v2 =	vsel vm15, v37, v2  }
0x3a9: {  	v55 =	vld [tilespmem:$0x1FFC0];
	v2 =	vsel vm14, v34, v2;
	v0 =	vsel vm7, v62, v0;
	[tilespmem:$0xE80] =	vst v5;
	v5 =	vperm.xlane v4, v6  }
0x3aa: {  	v50 =	vld [tilespmem:$0x1FE20];
	v2 =	vsel vm13, v29, v2;
	v0 =	vsel vm8, v56, v0  }
0x3ab: {  	v46 =	vld [tilespmem:$0x1FEF0];
	v3 =	vsel vm7, v57, v3;
	v0 =	vsel vm2, v51, v0;
	v4 =	vmin.f32 v4, v5  }
0x3ac: {  	v37 =	vld [tilespmem:$0x1FF50];
	v3 =	vsel vm8, v54, v3;
	v0 =	vsel vm9, v47, v0;
	v5 =	vperm.xlane v4, v8  }
0x3ad: {  	v29 =	vld [tilespmem:$0x1FE70];
	v2 =	vsel vm12, v26, v2;
	v3 =	vsel vm2, v48, v3;
	v0 =	vsel vm15, v39, v0  }
0x3ae: {  	v26 =	vld [tilespmem:$0x1FF30];
	v3 =	vsel vm9, v44, v3;
	v0 =	vsel vm14, v35, v0;
	v4 =	vmin.f32 v4, v5  }
0x3af: {  	v57 =	vld [tilespmem:$0x1FF70];
	v3 =	vsel vm15, v36, v3;
	v0 =	vsel vm13, v30, v0;
	v5 =	vperm.xlane v4, v13  }
0x3b0: {  	[tilespmem:$0xEA0] =	vst v61;
	v2 =	vsel vm11, v21, v2;
	v54 =	vld [tilespmem:$0x1FE50];
	v3 =	vsel vm14, v33, v3;
	v0 =	vsel vm12, v27, v0  }
0x3b1: {  	[tilespmem:$0xEE0] =	vst v52;
	v48 =	vld [tilespmem:$0x1FF80];
	v3 =	vsel vm13, v28, v3;
	v0 =	vsel vm11, v23, v0;
	v7 =	vmin.f32 v4, v5  }
0x3b2: {  	[tilespmem:$0xEF0] =	vst v49;
	v44 =	vld [tilespmem:$0x1FF40];
	v3 =	vsel vm12, v25, v3;
	v0 =	vsel vm10, v19, v0;
	vm15 =	veq.f32 v1, v7  }
0x3b3: {  	[tilespmem:$0xF00] =	vst v45;
	v36 =	vld [tilespmem:$0x1FEE0];
	v3 =	vsel vm11, v20, v3;
	v1 =	vsel vm10, v18, v2;
	v0 =	vnsel vm15, $0x7149F2CA, v0  }
0x3b4: {  	[tilespmem:$0xF10] =	vst v43;
	v33 =	vld [tilespmem:$0x1FE90];
	v2 =	vsel vm10, v17, v3;
	v1 =	vnsel vm15, $0x7149F2CA, v1;
	v3 =	vperm.xlane v0, v16  }
0x3b5: {  	[tilespmem:$0xF20] =	vst v41;
	v28 =	vld [tilespmem:$0x1FF00];
	v4 =	vperm.xlane v1, v16  }
0x3b6: {  	[tilespmem:$0xF30] =	vst v42;
	v25 =	vld [tilespmem:$0x1FF10];
	v2 =	vnsel vm15, $0x7149F2CA, v2;
	v0 =	vmin.f32 v0, v3  }
0x3b7: {  	[tilespmem:$0xF40] =	vst v40;
	v62 =	vld [tilespmem:$0x1FFA0];
	v5 =	vperm.xlane v2, v16;
	v1 =	vmin.f32 v1, v4;
	v3 =	vperm.xlane v0, v6  }
0x3b8: {  	[tilespmem:$0xF50] =	vst v38;
	v56 =	vld [tilespmem:$0x1FF60];
	v4 =	vperm.xlane v1, v6  }
0x3b9: {  	[tilespmem:$0xF60] =	vst v32;
	v51 =	vld [tilespmem:$0x1FE30];
	v2 =	vmin.f32 v2, v5;
	v0 =	vmin.f32 v0, v3  }
0x3ba: {  	[tilespmem:$0xF70] =	vst v31;
	v47 =	vld [tilespmem:$0x1FF90];
	v5 =	vperm.xlane v2, v6;
	v1 =	vmin.f32 v1, v4;
	v3 =	vperm.xlane v0, v8  }
0x3bb: {  	[tilespmem:$0xF80] =	vst v24;
	v39 =	vld [tilespmem:$0x1FED0];
	v4 =	vperm.xlane v1, v8  }
0x3bc: {  	s19 =	sadd.s32 $0x1, s19;
	[tilespmem:$0xF90] =	vst v22;
	v35 =	vld [tilespmem:$0x1FE60];
	v2 =	vmin.f32 v2, v5;
	v0 =	vmin.f32 v0, v3  }
0x3bd: {  	p0 =	sne.s32 s19, $0x200;
	[tilespmem:$0xFA0] =	vst v11;
	v30 =	vld [tilespmem:$0x1FF20];
	v5 =	vperm.xlane v2, v8;
	v1 =	vmin.f32 v1, v4;
	v3 =	vperm.xlane v0, v13  }
.Ltmp1:
0x3be: {  	[tilespmem:$0xFB0] =	vst v12;
	v27 =	vld [tilespmem:$0x1FE80];
	v4 =	vperm.xlane v1, v13;
	(pc) =	sbr.rel @p0 .LBB2_3-.Ltmp1, $4  }
0x3bf: {  	[tilespmem:$0xFE0] =	vst v14;
	v2 =	vmin.f32 v2, v5;
	v14 =	vmin.f32 v0, v3;
	v3 =	vld [tilespmem:$0x1FB70]  }
0x3c0: {  	[tilespmem:$0xFF0] =	vst v15;
	v5 =	vperm.xlane v2, v13;
	v15 =	vmin.f32 v1, v4;
	v4 =	vld [tilespmem:$0x1FB80]  }
0x3c1: {  	s20 =	sadd.s32 $0x1, s20;
	[tilespmem:$0xFC0] =	vst v10;
	v1 =	vld [tilespmem:$0x1FB90]  }
0x3c2: {  	s21 =	sadd.s32 $0x1, s21;
	s22 =	sadd.s32 $0x1, s22;
	s23 =	sadd.s32 $0x1, s23;
	v11 =	vlaneseq.u32;
	[tilespmem:$0xFD0] =	vst v9;
	v13 =	vmin.f32 v2, v5;
	v2 =	vld [tilespmem:$0x1FBA0]  }
0x3c3: {  	[hbm4b:s5+s2] =	stream.linear.scatter [tilespmem:s14], [sflag:$0x1], $0x200, $0x38;
	[tilespmem:$0x1800] =	vst v63  }
0x3c4: {  	_ =	swait.ge [sflag:s11], $0x200  }
0x3c5: {  	[sflag:s11] =	ssyncset.done $0x0  }
0x3c6: {  	[sflag:s11] =	ssyncadd.s32 $0xFFFFFE00  }
0x3c7: {  	[hbm4b:s6+s2] =	stream.linear.scatter [tilespmem:s15], [sflag:$0x1], $0x200, $0x38;
	[tilespmem:$0x1800] =	vst v63  }
0x3c8: {  	_ =	swait.ge [sflag:s11], $0x200  }
0x3c9: {  	[sflag:s11] =	ssyncset.done $0x0  }
0x3ca: {  	[sflag:s11] =	ssyncadd.s32 $0xFFFFFE00  }
0x3cb: {  	[hbm4b:s7+s2] =	stream.linear.scatter [tilespmem:s16], [sflag:$0x1], $0x200, $0x38;
	[tilespmem:$0x1800] =	vst v63  }
0x3cc: {  	_ =	swait.ge [sflag:s11], $0x200  }
0x3cd: {  	s18 =	sadd.s32 $0x1, s18;
	[sflag:s11] =	ssyncset.done $0x0  }
0x3ce: {  	p0 =	sne.s32 s18, s10;
	[sflag:s11] =	ssyncadd.s32 $0xFFFFFE00  }
0x3cf: {  	[hbm4b:s8+s2] =	stream.linear.scatter [tilespmem:s17], [sflag:$0x1], $0x200, $0x38;
	[tilespmem:$0x1800] =	vst v63  }
.Ltmp2:
0x3d0: {  	_ = 	snop;
	(pc) =	sbr.rel @p0 .LBB2_2-.Ltmp2, $4  }
0x3d1: {  	_ =	swait.ge [sflag:s11], $0x200  }
0x3d2: {  	v6 =	vld [tilespmem:$0x1FFF0]  }
0x3d3: {  	[sflag:s11] =	ssyncset.done $0x0;
	v7 =	vld [tilespmem:$0x1FFE0]  }
0x3d4: {  	v17 =	vmov v16;
	v9 =	vld [tilespmem:$0x1FFD0];
	[sflag:s11] =	ssyncadd.s32 $0xFFFFFE00  }
.LBB2_5:
0x3d5: {  	_ =	sfence.sel $0x180000  }
0x3d6: {  	[bflag:$0x0] =	sbarrier.arrive $0xFFFF  }
0x3d7: {  	p0 =	sne.s32 s1, $0x0;
	_ =	strace $0x90000047  }
0x3d8: {  	s0 =	sadd.s32 @!p0 $0x100000, s0;
	[bflag:$0x2] =	sbarrier.arrive $0xFFFF  }
0x3d9: {  	[sflag:s0] =	ssyncadd.tile.s32 @!p0 $0x1;
	_ =	shalt  }
.Lfunc_end2:
_tile_overlayer_lowered:
.L_overlay_start_2:
0x3da: {  	(tag) =	ssettag $0x2  }
0x3db: {  	s0 =	rddreg [dreg:$0x0];
	s2 =	stileid.u32  }
0x3dc: {  	s1 =	rddreg [dreg:$0x1];
	p0 =	sne.s32 s2, $0x0  }
0x3dd: {  	s3 =	rddreg [dreg:$0x2];
	[bflag:$0x3] =	sbarrier.arrive $0xFFFF;
	s2 =	simm.s32 @!p0 $0x1C01  }
0x3de: {  	[timem:s3], [sflag:s2] =	dma.local @!p0 [hbm:s0], s1  }
0x3df: {  	s0 =	simm.s32 @!p0 $0x1  }
0x3e0: {  	_ =	swait.ge @!p0 [sflag:s0], s1  }
0x3e1: {  	s1 =	ssub.s32 @!p0 $0x0, s1;
	[sflag:s0] =	ssyncset.done @!p0 $0x0  }
0x3e2: {  	[sflag:s0] =	ssyncadd.s32 @!p0 s1  }
0x3e3: {  	[bflag:$0x3] =	sbarrier.arrive $0xFFFF  }
0x3e4: {  	_ =	shalt  }

</sc_bundles>
